<compile_context>
chip_gen: v7x
topology: tpu7x:2x2x1
jax: 0.10.2.dev20260603
libtpu: 0.0.44.dev20260713+nightly
codegen_flags: <defaults>
</compile_context>

<pallas_src>
import functools

import jax
import jax.numpy as jnp
from jax import lax
from jax.experimental import pallas as pl
from jax.experimental.pallas import tpu as pltpu
from jax.experimental.pallas import tpu_sc as plsc

N_NODES = 10000
N_EDGES = 160000
D = 128
NPAD = 10240

NC, NS = 2, 16
NW = NC * NS
CH = 128
RPT = NPAD // NS

KSLICE = 2
NE_S = N_EDGES // KSLICE


def _worker_id():
    return lax.axis_index("s") * NC + lax.axis_index("c")


def _num_chunks(wid, nchunk):
    base = nchunk // NW
    rem = nchunk - base * NW
    return base + (wid < rem).astype(jnp.int32)


def _gather_body(h_hbm, dst_hbm, src_hbm, hd_hbm, hs_hbm,
                 idx_d, rows_d, idx_s, rows_s, sem_d, sem_s):
    wid = _worker_id()
    nk = _num_chunks(wid, dst_hbm.shape[0] // CH)

    def step(j, carry):
        off = (j * NW + wid) * CH
        pltpu.sync_copy(dst_hbm.at[pl.ds(off, CH)], idx_d)
        cp_d = pltpu.async_copy(h_hbm.at[idx_d], rows_d, sem_d)
        pltpu.sync_copy(src_hbm.at[pl.ds(off, CH)], idx_s)
        cp_s = pltpu.async_copy(h_hbm.at[idx_s], rows_s, sem_s)
        cp_d.wait()
        pltpu.sync_copy(rows_d, hd_hbm.at[pl.ds(off, CH)])
        cp_s.wait()
        pltpu.sync_copy(rows_s, hs_hbm.at[pl.ds(off, CH)])
        return carry

    lax.fori_loop(0, nk, step, 0)


@functools.lru_cache(maxsize=None)
def _build_gather(ne):
    return pl.kernel(
        _gather_body,
        out_type=[jax.ShapeDtypeStruct((ne, D), jnp.float32),
                  jax.ShapeDtypeStruct((ne, D), jnp.float32)],
        mesh=plsc.VectorSubcoreMesh(core_axis_name="c", subcore_axis_name="s"),
        scratch_types=[pltpu.VMEM((CH,), jnp.int32),
                       pltpu.VMEM((CH, D), jnp.float32),
                       pltpu.VMEM((CH,), jnp.int32),
                       pltpu.VMEM((CH, D), jnp.float32),
                       pltpu.SemaphoreType.DMA,
                       pltpu.SemaphoreType.DMA],
    )


def _gather(h, dst, src):
    return _build_gather(dst.shape[0])(h, dst, src)


def _scatter_body(msg_hbm, dst_hbm, zeros_hbm, out_hbm, idx_v, rows_v, acc_sh):
    c = lax.axis_index("c")
    s = lax.axis_index("s")
    wid = _worker_id()
    nk = _num_chunks(wid, dst_hbm.shape[0] // CH)

    pltpu.sync_copy(zeros_hbm.at[pl.ds(s * RPT, RPT)],
                    acc_sh.at[pl.ds(s * RPT, RPT)])
    plsc.subcore_barrier()

    def step(j, carry):
        off = (j * NW + wid) * CH
        pltpu.sync_copy(msg_hbm.at[pl.ds(off, CH)], rows_v)
        pltpu.sync_copy(dst_hbm.at[pl.ds(off, CH)], idx_v)
        pltpu.sync_copy(rows_v, acc_sh.at[idx_v], add=True)
        return carry

    lax.fori_loop(0, nk, step, 0)
    plsc.subcore_barrier()
    pltpu.sync_copy(acc_sh.at[pl.ds(s * RPT, RPT)],
                    out_hbm.at[c, pl.ds(s * RPT, RPT)])


@functools.lru_cache(maxsize=None)
def _build_scatter(ne):
    return pl.kernel(
        _scatter_body,
        out_type=[jax.ShapeDtypeStruct((NC, NPAD, D), jnp.float32)],
        mesh=plsc.VectorSubcoreMesh(core_axis_name="c", subcore_axis_name="s"),
        scratch_types=[pltpu.VMEM((CH,), jnp.int32),
                       pltpu.VMEM((CH, D), jnp.float32),
                       pltpu.VMEM_SHARED((NPAD, D), jnp.float32)],
    )


def _scatter(msg, dst, zeros_pad):
    return _build_scatter(dst.shape[0])(msg, dst, zeros_pad)


BE = 3200


def _mlp_body(hd_ref, hs_ref, ea_ref, ax_ref, W1_ref, b1_ref, W2_ref, b2_ref,
              out_ref):
    x = jnp.concatenate(
        [hd_ref[...].astype(jnp.bfloat16), hs_ref[...].astype(jnp.bfloat16),
         ea_ref[...].astype(jnp.bfloat16), ax_ref[...]], axis=1)
    acc = jnp.dot(x, W1_ref[...], preferred_element_type=jnp.float32)
    acc += b1_ref[...]
    hdn = jnp.maximum(acc, 0.0).astype(jnp.bfloat16)
    out_ref[...] = jnp.dot(hdn, W2_ref[...],
                           preferred_element_type=jnp.float32) + b2_ref[...]


def _edge_mlp(hd, hs, ea, ax, W1r, b1r, W2r, b2r, blk_off):
    n_in = 2 * D + ea.shape[1] + ax.shape[1]
    hid = W1r.shape[1]
    ne = hd.shape[0]
    grid = ne // BE
    shifted = lambda i, o=blk_off: (i + o, 0)
    local = lambda i: (i, 0)
    return pl.pallas_call(
        _mlp_body,
        grid=(grid,),
        in_specs=[
            pl.BlockSpec((BE, D), local),
            pl.BlockSpec((BE, D), local),
            pl.BlockSpec((BE, ea.shape[1]), shifted),
            pl.BlockSpec((BE, ax.shape[1]), shifted),
            pl.BlockSpec((n_in, hid), lambda i: (0, 0)),
            pl.BlockSpec((1, hid), lambda i: (0, 0)),
            pl.BlockSpec((hid, D), lambda i: (0, 0)),
            pl.BlockSpec((1, D), lambda i: (0, 0)),
        ],
        out_specs=pl.BlockSpec((BE, D), local),
        out_shape=jax.ShapeDtypeStruct((ne, D), jnp.float32),
    )(hd, hs, ea, ax, W1r, b1r, W2r, b2r)


BN = 2000


def _gru_body(*refs):
    ap_refs = refs[:KSLICE]
    h_ref, Wih_ref, bih_ref, Whh_ref, bhh_ref, out_ref = refs[KSLICE:]
    a = ap_refs[0][0] + ap_refs[0][1]
    for apr in ap_refs[1:]:
        a = a + apr[0] + apr[1]
    h = h_ref[...]
    gi = lax.dot_general(a, Wih_ref[...], (((1,), (1,)), ((), ())),
                         preferred_element_type=jnp.float32) + bih_ref[...]
    gh = lax.dot_general(h, Whh_ref[...], (((1,), (1,)), ((), ())),
                         preferred_element_type=jnp.float32) + bhh_ref[...]
    r = jax.nn.sigmoid(gi[:, 0:D] + gh[:, 0:D])
    z = jax.nn.sigmoid(gi[:, D:2 * D] + gh[:, D:2 * D])
    n = jnp.tanh(gi[:, 2 * D:3 * D] + r * gh[:, 2 * D:3 * D])
    out_ref[...] = (1.0 - z) * n + z * h


def _gru(aps, h, Wihr, bihr, Whhr, bhhr):
    grid = N_NODES // BN
    ap_spec = pl.BlockSpec((NC, BN, D), lambda i: (0, i, 0))
    return pl.pallas_call(
        _gru_body,
        grid=(grid,),
        in_specs=[ap_spec] * len(aps) + [
            pl.BlockSpec((BN, D), lambda i: (i, 0)),
            pl.BlockSpec((3 * D, D), lambda i: (0, 0)),
            pl.BlockSpec((1, 3 * D), lambda i: (0, 0)),
            pl.BlockSpec((3 * D, D), lambda i: (0, 0)),
            pl.BlockSpec((1, 3 * D), lambda i: (0, 0)),
        ],
        out_specs=pl.BlockSpec((BN, D), lambda i: (i, 0)),
        out_shape=jax.ShapeDtypeStruct((N_NODES, D), jnp.float32),
    )(*aps, h, Wihr, bihr, Whhr, bhhr)


def kernel(x, edge_index, edge_attr, auxiliary, W1, b1, W2, b2,
           W_ih, b_ih, W_hh, b_hh):
    ei = edge_index.astype(jnp.int32)
    src = ei[0]
    dst = ei[1]
    dst_s = [lax.slice(dst, (k * NE_S,), ((k + 1) * NE_S,))
             for k in range(KSLICE)]
    src_s = [lax.slice(src, (k * NE_S,), ((k + 1) * NE_S,))
             for k in range(KSLICE)]
    zeros_pad = jnp.zeros((NPAD, D), jnp.float32)
    ax_bf = auxiliary.astype(jnp.bfloat16)
    W1_bf = W1.astype(jnp.bfloat16)
    W2_bf = W2.astype(jnp.bfloat16)
    h = x
    for r in range(W1.shape[0]):
        aps = []
        for k in range(KSLICE):
            hd, hs = _gather(h, dst_s[k], src_s[k])
            msg = _edge_mlp(hd, hs, edge_attr, ax_bf,
                            W1_bf[r], b1[r].reshape(1, -1),
                            W2_bf[r], b2[r].reshape(1, -1),
                            k * (NE_S // BE))
            (ap,) = _scatter(msg, dst_s[k], zeros_pad)
            aps.append(ap)
        h = _gru(aps, h, W_ih[r], b_ih[r].reshape(1, -1),
                 W_hh[r], b_hh[r].reshape(1, -1))
    return h

# --- scband reference (transcript-rebuilt; emitter-appended) ---
"""Pipeline reference for scband-scaffold-gnn-89550068121600 (READ-ONLY COPY).

The authoritative reference and input builder live on the scoring server;
editing this copy changes nothing except your own understanding.
"""

import jax, jax.numpy as jnp
import numpy as np

N_NODES = 10000
N_EDGES = 160000
NODE_DIM = 128
EDGE_DIM = 128
NUM_AUX = 16
NUM_ROUNDS = 3  # 'whole'-graph ConditionalProp rounds
IN_DIM = 2 * NODE_DIM + EDGE_DIM + NUM_AUX  # 400
HID_DIM = 2 * IN_DIM  # 800 (SingleProp default hidden_dim)
ACT_DIM = NODE_DIM  # activation_dim defaults to node_emb_dim


def setup_inputs(seed: int = 0) -> dict:
    key = jax.random.key(seed)
    ks = jax.random.split(key, 16)
    x = jax.random.normal(ks[0], (N_NODES, NODE_DIM), dtype=jnp.float32)
    edge_index = jax.random.randint(ks[1], (2, N_EDGES), 0, N_NODES, dtype=jnp.int64)
    edge_attr = jax.random.normal(ks[2], (N_EDGES, EDGE_DIM), dtype=jnp.float32)
    auxiliary = jax.random.normal(ks[3], (N_EDGES, NUM_AUX), dtype=jnp.float32)
    s1 = 1.0 / np.sqrt(IN_DIM)
    s2 = 1.0 / np.sqrt(HID_DIM)
    sg = 1.0 / np.sqrt(NODE_DIM)
    W1 = jax.random.uniform(ks[4], (NUM_ROUNDS, IN_DIM, HID_DIM), minval=-s1, maxval=s1, dtype=jnp.float32)
    b1 = jax.random.uniform(ks[5], (NUM_ROUNDS, HID_DIM), minval=-s1, maxval=s1, dtype=jnp.float32)
    W2 = jax.random.uniform(ks[6], (NUM_ROUNDS, HID_DIM, ACT_DIM), minval=-s2, maxval=s2, dtype=jnp.float32)
    b2 = jax.random.uniform(ks[7], (NUM_ROUNDS, ACT_DIM), minval=-s2, maxval=s2, dtype=jnp.float32)
    W_ih = jax.random.uniform(ks[8], (NUM_ROUNDS, 3 * NODE_DIM, ACT_DIM), minval=-sg, maxval=sg, dtype=jnp.float32)
    b_ih = jax.random.uniform(ks[9], (NUM_ROUNDS, 3 * NODE_DIM), minval=-sg, maxval=sg, dtype=jnp.float32)
    W_hh = jax.random.uniform(ks[10], (NUM_ROUNDS, 3 * NODE_DIM, NODE_DIM), minval=-sg, maxval=sg, dtype=jnp.float32)
    b_hh = jax.random.uniform(ks[11], (NUM_ROUNDS, 3 * NODE_DIM), minval=-sg, maxval=sg, dtype=jnp.float32)
    return {"x": x, "edge_index": edge_index, "edge_attr": edge_attr, "auxiliary": auxiliary,
            "W1": W1, "b1": b1, "W2": W2, "b2": b2,
            "W_ih": W_ih, "b_ih": b_ih, "W_hh": W_hh, "b_hh": b_hh}


def _gru_cell(a, h, W_ih, b_ih, W_hh, b_hh):
    # torch.nn.GRUCell semantics
    gi = a @ W_ih.T + b_ih
    gh = h @ W_hh.T + b_hh
    i_r, i_z, i_n = jnp.split(gi, 3, axis=1)
    h_r, h_z, h_n = jnp.split(gh, 3, axis=1)
    r = jax.nn.sigmoid(i_r + h_r)
    z = jax.nn.sigmoid(i_z + h_z)
    n = jnp.tanh(i_n + r * h_n)
    return (1.0 - z) * n + z * h


def reference(x, edge_index, edge_attr, auxiliary, W1, b1, W2, b2, W_ih, b_ih, W_hh, b_hh):
    src = edge_index[0]
    dst = edge_index[1]
    # ConditionalProp: concat auxiliary onto edge features (per-edge expand)
    ef = jnp.concatenate([edge_attr, auxiliary], axis=1)
    h = x
    for r in range(NUM_ROUNDS):
        # SingleProp.concat_msg: m = [h_src, edge_features]; get_activation_node: [h_dst, m]
        msg_in = jnp.concatenate([jnp.take(h, dst, axis=0), jnp.take(h, src, axis=0), ef], axis=1)
        hdn = jax.nn.relu(msg_in @ W1[r] + b1[r])
        msg = hdn @ W2[r] + b2[r]
        a = jax.ops.segment_sum(msg, dst, num_segments=h.shape[0])
        h = _gru_cell(a, h, W_ih[r], b_ih[r], W_hh[r], b_hh[r])
    return h

if __name__ == "__main__":
    import jax
    _d = setup_inputs()
    print(jax.jit(kernel)(*tuple(_d.values())))

</pallas_src>

<mosaic_0001>
#map = affine_map<(d0, d1) -> (0, 0)>
#map1 = affine_map<(d0, d1) -> (0)>
#map2 = affine_map<(d0, d1) -> (0, 0, 0)>
module attributes {stable_mosaic.version = 14 : i64} {
  func.func @_scatter_body(%arg0: i32, %arg1: i32, %arg2: memref<80000x128xf32, #tpu.memory_space<hbm>>, %arg3: memref<80000xi32, #tpu.memory_space<hbm>>, %arg4: memref<10240x128xf32, #tpu.memory_space<hbm>>, %arg5: memref<2x10240x128xf32, #tpu.memory_space<hbm>>, %arg6: memref<128xi32, #tpu.memory_space<vmem>>, %arg7: memref<128x128xf32, #tpu.memory_space<vmem>>, %arg8: memref<10240x128xf32, #tpu.memory_space<vmem_shared>>) attributes {dimension_semantics = [#tpu.dimension_semantics<core_parallel>, #tpu.dimension_semantics<subcore_parallel>], iteration_bounds = array<i64: 2, 16>, scalar_prefetch = 0 : i64, scratch_operands = 3 : i64, tpu.core_type = #tpu.core_type<sc_vector_subcore>, window_params = [{transform_indices = #map}, {transform_indices = #map1}, {transform_indices = #map}, {transform_indices = #map2}]} {
    %mul3A = arith.constant 2 : i32
    %mul3A_0 = arith.muli %arg1, %mul3A : i32
    %add3A = arith.addi %mul3A_0, %arg0 : i32
    %lt3A = arith.constant 17 : i32
    %lt3A_1 = arith.cmpi slt, %add3A, %lt3A : i32
    %convert_element_type3A = arith.extui %lt3A_1 : i1 to i32
    %add3A_2 = arith.constant 19 : i32
    %add3A_3 = arith.addi %add3A_2, %convert_element_type3A : i32
    %mul3A_4 = arith.constant 640 : i32
    %mul3A_5 = arith.muli %arg1, %mul3A_4 : i32
    %mul3A_6 = arith.constant 640 : i32
    %mul3A_7 = arith.muli %arg1, %mul3A_6 : i32
    "tpu.region"() ({
      %run_scoped3A = tpu.sem_alloc : memref<!tpu.dma_semaphore, #tpu.memory_space<semaphore_mem>>
      %dma_start3A = arith.constant 0 : i32
      %dma_start3A_22 = tpu.memref_slice %arg8[%mul3A_7, %dma_start3A] : memref<10240x128xf32, #tpu.memory_space<vmem_shared>> -> memref<640x128xf32, #tpu.memory_space<vmem_shared>>
      %dma_start3A_23 = arith.constant 0 : i32
      %dma_start3A_24 = tpu.memref_slice %arg4[%mul3A_5, %dma_start3A_23] : memref<10240x128xf32, #tpu.memory_space<hbm>> -> memref<640x128xf32, #tpu.memory_space<hbm>>
      tpu.enqueue_dma source(%dma_start3A_24 : memref<640x128xf32, #tpu.memory_space<hbm>>) target(%dma_start3A_22 : memref<640x128xf32, #tpu.memory_space<vmem_shared>>) target_semaphore(%run_scoped3A : memref<!tpu.dma_semaphore, #tpu.memory_space<semaphore_mem>>)
      %dma_wait3A = arith.constant 0 : i32
      %dma_wait3A_25 = tpu.memref_slice %arg8[%mul3A_7, %dma_wait3A] : memref<10240x128xf32, #tpu.memory_space<vmem_shared>> -> memref<640x128xf32, #tpu.memory_space<vmem_shared>>
      %dma_wait3A_26 = arith.constant 0 : i32
      %dma_wait3A_27 = tpu.memref_slice %arg4[%mul3A_5, %dma_wait3A_26] : memref<10240x128xf32, #tpu.memory_space<hbm>> -> memref<640x128xf32, #tpu.memory_space<hbm>>
      tpu.wait_dma2 semaphore(%run_scoped3A : memref<!tpu.dma_semaphore, #tpu.memory_space<semaphore_mem>>) src(%dma_wait3A_27 : memref<640x128xf32, #tpu.memory_space<hbm>>) dst(%dma_wait3A_25 : memref<640x128xf32, #tpu.memory_space<vmem_shared>>)
      tpu.yield
    }) : () -> ()
    %barrier3A = arith.constant 0 : index
    tpu.barrier barrier_id(%barrier3A)
    %while3A = arith.constant 0 : i32
    %while3A_8 = arith.constant 0 : i32
    %while3A_9 = arith.subi %add3A_3, %while3A_8 : i32
    %while3A_10 = arith.addi %while3A_8, %while3A_9 : i32
    %while3A_11 = arith.constant 1 : i32
    %while3A_12 = arith.divsi %while3A_9, %while3A_11 : i32
    %while3A_13 = arith.muli %while3A_12, %while3A_11 : i32
    %while3A_14 = arith.addi %while3A_8, %while3A_13 : i32
    %while3A_15 = arith.constant 1 : i32
    scf.for %while3A_22 = %while3A_8 to %while3A_14 step %while3A_15  : i32 {
      %mul3A_23 = arith.constant 32 : i32
      %mul3A_24 = arith.muli %while3A_22, %mul3A_23 : i32
      %add3A_25 = arith.addi %mul3A_24, %add3A : i32
      %mul3A_26 = arith.constant 128 : i32
      %mul3A_27 = arith.muli %add3A_25, %mul3A_26 : i32
      "tpu.region"() ({
        %run_scoped3A = tpu.sem_alloc : memref<!tpu.dma_semaphore, #tpu.memory_space<semaphore_mem>>
        %dma_start3A = arith.constant 0 : i32
        %dma_start3A_28 = tpu.memref_slice %arg2[%mul3A_27, %dma_start3A] : memref<80000x128xf32, #tpu.memory_space<hbm>> -> memref<128x128xf32, #tpu.memory_space<hbm>>
        %dma_start3A_29 = arith.constant 0 : i32
        %dma_start3A_30 = tpu.memref_slice %arg2[%mul3A_27, %dma_start3A_29] : memref<80000x128xf32, #tpu.memory_space<hbm>> -> memref<128x128xf32, #tpu.memory_space<hbm>>
        tpu.enqueue_dma source(%dma_start3A_30 : memref<128x128xf32, #tpu.memory_space<hbm>>) target(%arg7 : memref<128x128xf32, #tpu.memory_space<vmem>>) target_semaphore(%run_scoped3A : memref<!tpu.dma_semaphore, #tpu.memory_space<semaphore_mem>>)
        %dma_wait3A = arith.constant 0 : i32
        %dma_wait3A_31 = tpu.memref_slice %arg2[%mul3A_27, %dma_wait3A] : memref<80000x128xf32, #tpu.memory_space<hbm>> -> memref<128x128xf32, #tpu.memory_space<hbm>>
        %dma_wait3A_32 = arith.constant 0 : i32
        %dma_wait3A_33 = tpu.memref_slice %arg2[%mul3A_27, %dma_wait3A_32] : memref<80000x128xf32, #tpu.memory_space<hbm>> -> memref<128x128xf32, #tpu.memory_space<hbm>>
        tpu.wait_dma2 semaphore(%run_scoped3A : memref<!tpu.dma_semaphore, #tpu.memory_space<semaphore_mem>>) src(%dma_wait3A_33 : memref<128x128xf32, #tpu.memory_space<hbm>>) dst(%arg7 : memref<128x128xf32, #tpu.memory_space<vmem>>)
        tpu.yield
      }) : () -> ()
      "tpu.region"() ({
        %run_scoped3A = tpu.sem_alloc : memref<!tpu.dma_semaphore, #tpu.memory_space<semaphore_mem>>
        %dma_start3A = tpu.memref_slice %arg3[%mul3A_27] : memref<80000xi32, #tpu.memory_space<hbm>> -> memref<128xi32, #tpu.memory_space<hbm>>
        %dma_start3A_28 = tpu.memref_slice %arg3[%mul3A_27] : memref<80000xi32, #tpu.memory_space<hbm>> -> memref<128xi32, #tpu.memory_space<hbm>>
        tpu.enqueue_dma source(%dma_start3A_28 : memref<128xi32, #tpu.memory_space<hbm>>) target(%arg6 : memref<128xi32, #tpu.memory_space<vmem>>) target_semaphore(%run_scoped3A : memref<!tpu.dma_semaphore, #tpu.memory_space<semaphore_mem>>)
        %dma_wait3A = tpu.memref_slice %arg3[%mul3A_27] : memref<80000xi32, #tpu.memory_space<hbm>> -> memref<128xi32, #tpu.memory_space<hbm>>
        %dma_wait3A_29 = tpu.memref_slice %arg3[%mul3A_27] : memref<80000xi32, #tpu.memory_space<hbm>> -> memref<128xi32, #tpu.memory_space<hbm>>
        tpu.wait_dma2 semaphore(%run_scoped3A : memref<!tpu.dma_semaphore, #tpu.memory_space<semaphore_mem>>) src(%dma_wait3A_29 : memref<128xi32, #tpu.memory_space<hbm>>) dst(%arg6 : memref<128xi32, #tpu.memory_space<vmem>>)
        tpu.yield
      }) : () -> ()
      "tpu.region"() ({
        %run_scoped3A = tpu.sem_alloc : memref<!tpu.dma_semaphore, #tpu.memory_space<semaphore_mem>>
        %dma_start3A = arith.constant 0 : i32
        %dma_start3A_28 = arith.constant 0 : i32
        %dma_start3A_29 = tpu.memref_slice %arg8[%dma_start3A, %dma_start3A_28] : memref<10240x128xf32, #tpu.memory_space<vmem_shared>> -> memref<10240x128xf32, #tpu.memory_space<vmem_shared>>
        tpu.enqueue_indirect_dma source(%arg7 : memref<128x128xf32, #tpu.memory_space<vmem>>) target(%dma_start3A_29 : memref<10240x128xf32, #tpu.memory_space<vmem_shared>>) offsets(%arg6 : memref<128xi32, #tpu.memory_space<vmem>>) semaphore(%run_scoped3A : memref<!tpu.dma_semaphore, #tpu.memory_space<semaphore_mem>>) {add = true}
        %dma_wait3A = arith.constant 0 : i32
        %dma_wait3A_30 = arith.constant 0 : i32
        %dma_wait3A_31 = tpu.memref_slice %arg8[%dma_wait3A, %dma_wait3A_30] : memref<10240x128xf32, #tpu.memory_space<vmem_shared>> -> memref<10240x128xf32, #tpu.memory_space<vmem_shared>>
        tpu.wait_indirect_dma semaphore(%run_scoped3A : memref<!tpu.dma_semaphore, #tpu.memory_space<semaphore_mem>>) src(%arg7 : memref<128x128xf32, #tpu.memory_space<vmem>>) dst(%dma_wait3A_31 : memref<10240x128xf32, #tpu.memory_space<vmem_shared>>)
        tpu.yield
      }) : () -> ()
    }
    %while3A_16 = arith.constant 1 : i32
    scf.for %while3A_22 = %while3A_14 to %while3A_10 step %while3A_16  : i32 {
      %mul3A_23 = arith.constant 32 : i32
      %mul3A_24 = arith.muli %while3A_22, %mul3A_23 : i32
      %add3A_25 = arith.addi %mul3A_24, %add3A : i32
      %mul3A_26 = arith.constant 128 : i32
      %mul3A_27 = arith.muli %add3A_25, %mul3A_26 : i32
      "tpu.region"() ({
        %run_scoped3A = tpu.sem_alloc : memref<!tpu.dma_semaphore, #tpu.memory_space<semaphore_mem>>
        %dma_start3A = arith.constant 0 : i32
        %dma_start3A_28 = tpu.memref_slice %arg2[%mul3A_27, %dma_start3A] : memref<80000x128xf32, #tpu.memory_space<hbm>> -> memref<128x128xf32, #tpu.memory_space<hbm>>
        %dma_start3A_29 = arith.constant 0 : i32
        %dma_start3A_30 = tpu.memref_slice %arg2[%mul3A_27, %dma_start3A_29] : memref<80000x128xf32, #tpu.memory_space<hbm>> -> memref<128x128xf32, #tpu.memory_space<hbm>>
        tpu.enqueue_dma source(%dma_start3A_30 : memref<128x128xf32, #tpu.memory_space<hbm>>) target(%arg7 : memref<128x128xf32, #tpu.memory_space<vmem>>) target_semaphore(%run_scoped3A : memref<!tpu.dma_semaphore, #tpu.memory_space<semaphore_mem>>)
        %dma_wait3A = arith.constant 0 : i32
        %dma_wait3A_31 = tpu.memref_slice %arg2[%mul3A_27, %dma_wait3A] : memref<80000x128xf32, #tpu.memory_space<hbm>> -> memref<128x128xf32, #tpu.memory_space<hbm>>
        %dma_wait3A_32 = arith.constant 0 : i32
        %dma_wait3A_33 = tpu.memref_slice %arg2[%mul3A_27, %dma_wait3A_32] : memref<80000x128xf32, #tpu.memory_space<hbm>> -> memref<128x128xf32, #tpu.memory_space<hbm>>
        tpu.wait_dma2 semaphore(%run_scoped3A : memref<!tpu.dma_semaphore, #tpu.memory_space<semaphore_mem>>) src(%dma_wait3A_33 : memref<128x128xf32, #tpu.memory_space<hbm>>) dst(%arg7 : memref<128x128xf32, #tpu.memory_space<vmem>>)
        tpu.yield
      }) : () -> ()
      "tpu.region"() ({
        %run_scoped3A = tpu.sem_alloc : memref<!tpu.dma_semaphore, #tpu.memory_space<semaphore_mem>>
        %dma_start3A = tpu.memref_slice %arg3[%mul3A_27] : memref<80000xi32, #tpu.memory_space<hbm>> -> memref<128xi32, #tpu.memory_space<hbm>>
        %dma_start3A_28 = tpu.memref_slice %arg3[%mul3A_27] : memref<80000xi32, #tpu.memory_space<hbm>> -> memref<128xi32, #tpu.memory_space<hbm>>
        tpu.enqueue_dma source(%dma_start3A_28 : memref<128xi32, #tpu.memory_space<hbm>>) target(%arg6 : memref<128xi32, #tpu.memory_space<vmem>>) target_semaphore(%run_scoped3A : memref<!tpu.dma_semaphore, #tpu.memory_space<semaphore_mem>>)
        %dma_wait3A = tpu.memref_slice %arg3[%mul3A_27] : memref<80000xi32, #tpu.memory_space<hbm>> -> memref<128xi32, #tpu.memory_space<hbm>>
        %dma_wait3A_29 = tpu.memref_slice %arg3[%mul3A_27] : memref<80000xi32, #tpu.memory_space<hbm>> -> memref<128xi32, #tpu.memory_space<hbm>>
        tpu.wait_dma2 semaphore(%run_scoped3A : memref<!tpu.dma_semaphore, #tpu.memory_space<semaphore_mem>>) src(%dma_wait3A_29 : memref<128xi32, #tpu.memory_space<hbm>>) dst(%arg6 : memref<128xi32, #tpu.memory_space<vmem>>)
        tpu.yield
      }) : () -> ()
      "tpu.region"() ({
        %run_scoped3A = tpu.sem_alloc : memref<!tpu.dma_semaphore, #tpu.memory_space<semaphore_mem>>
        %dma_start3A = arith.constant 0 : i32
        %dma_start3A_28 = arith.constant 0 : i32
        %dma_start3A_29 = tpu.memref_slice %arg8[%dma_start3A, %dma_start3A_28] : memref<10240x128xf32, #tpu.memory_space<vmem_shared>> -> memref<10240x128xf32, #tpu.memory_space<vmem_shared>>
        tpu.enqueue_indirect_dma source(%arg7 : memref<128x128xf32, #tpu.memory_space<vmem>>) target(%dma_start3A_29 : memref<10240x128xf32, #tpu.memory_space<vmem_shared>>) offsets(%arg6 : memref<128xi32, #tpu.memory_space<vmem>>) semaphore(%run_scoped3A : memref<!tpu.dma_semaphore, #tpu.memory_space<semaphore_mem>>) {add = true}
        %dma_wait3A = arith.constant 0 : i32
        %dma_wait3A_30 = arith.constant 0 : i32
        %dma_wait3A_31 = tpu.memref_slice %arg8[%dma_wait3A, %dma_wait3A_30] : memref<10240x128xf32, #tpu.memory_space<vmem_shared>> -> memref<10240x128xf32, #tpu.memory_space<vmem_shared>>
        tpu.wait_indirect_dma semaphore(%run_scoped3A : memref<!tpu.dma_semaphore, #tpu.memory_space<semaphore_mem>>) src(%arg7 : memref<128x128xf32, #tpu.memory_space<vmem>>) dst(%dma_wait3A_31 : memref<10240x128xf32, #tpu.memory_space<vmem_shared>>)
        tpu.yield
      }) : () -> ()
    }
    %barrier3A_17 = arith.constant 0 : index
    tpu.barrier barrier_id(%barrier3A_17)
    %mul3A_18 = arith.constant 640 : i32
    %mul3A_19 = arith.muli %arg1, %mul3A_18 : i32
    %mul3A_20 = arith.constant 640 : i32
    %mul3A_21 = arith.muli %arg1, %mul3A_20 : i32
    "tpu.region"() ({
      %run_scoped3A = tpu.sem_alloc : memref<!tpu.dma_semaphore, #tpu.memory_space<semaphore_mem>>
      %dma_start3A = arith.constant 0 : i32
      %dma_start3A_22 = tpu.memref_slice %arg5[%arg0, %mul3A_21, %dma_start3A] : memref<2x10240x128xf32, #tpu.memory_space<hbm>> -> memref<1x640x128xf32, #tpu.memory_space<hbm>>
      %dma_start3A_23 = tpu.memref_squeeze %dma_start3A_22 : memref<1x640x128xf32, #tpu.memory_space<hbm>> -> memref<640x128xf32, #tpu.memory_space<hbm>>
      %dma_start3A_24 = arith.constant 0 : i32
      %dma_start3A_25 = tpu.memref_slice %arg8[%mul3A_19, %dma_start3A_24] : memref<10240x128xf32, #tpu.memory_space<vmem_shared>> -> memref<640x128xf32, #tpu.memory_space<vmem_shared>>
      tpu.enqueue_dma source(%dma_start3A_25 : memref<640x128xf32, #tpu.memory_space<vmem_shared>>) target(%dma_start3A_23 : memref<640x128xf32, #tpu.memory_space<hbm>>) target_semaphore(%run_scoped3A : memref<!tpu.dma_semaphore, #tpu.memory_space<semaphore_mem>>)
      %dma_wait3A = arith.constant 0 : i32
      %dma_wait3A_26 = tpu.memref_slice %arg5[%arg0, %mul3A_21, %dma_wait3A] : memref<2x10240x128xf32, #tpu.memory_space<hbm>> -> memref<1x640x128xf32, #tpu.memory_space<hbm>>
      %dma_wait3A_27 = tpu.memref_squeeze %dma_wait3A_26 : memref<1x640x128xf32, #tpu.memory_space<hbm>> -> memref<640x128xf32, #tpu.memory_space<hbm>>
      %dma_wait3A_28 = arith.constant 0 : i32
      %dma_wait3A_29 = tpu.memref_slice %arg8[%mul3A_19, %dma_wait3A_28] : memref<10240x128xf32, #tpu.memory_space<vmem_shared>> -> memref<640x128xf32, #tpu.memory_space<vmem_shared>>
      tpu.wait_dma2 semaphore(%run_scoped3A : memref<!tpu.dma_semaphore, #tpu.memory_space<semaphore_mem>>) src(%dma_wait3A_29 : memref<640x128xf32, #tpu.memory_space<vmem_shared>>) dst(%dma_wait3A_27 : memref<640x128xf32, #tpu.memory_space<hbm>>)
      tpu.yield
    }) : () -> ()
    return
  }
}

#map = affine_map<(d0, d1) -> (0, 0)>
#map1 = affine_map<(d0, d1) -> (0)>
module attributes {stable_mosaic.version = 14 : i64} {
  func.func @_gather_body(%arg0: i32, %arg1: i32, %arg2: memref<10000x128xf32, #tpu.memory_space<hbm>>, %arg3: memref<80000xi32, #tpu.memory_space<hbm>>, %arg4: memref<80000xi32, #tpu.memory_space<hbm>>, %arg5: memref<80000x128xf32, #tpu.memory_space<hbm>>, %arg6: memref<80000x128xf32, #tpu.memory_space<hbm>>, %arg7: memref<128xi32, #tpu.memory_space<vmem>>, %arg8: memref<128x128xf32, #tpu.memory_space<vmem>>, %arg9: memref<128xi32, #tpu.memory_space<vmem>>, %arg10: memref<128x128xf32, #tpu.memory_space<vmem>>, %arg11: memref<!tpu.dma_semaphore, #tpu.memory_space<semaphore_mem>>, %arg12: memref<!tpu.dma_semaphore, #tpu.memory_space<semaphore_mem>>) attributes {dimension_semantics = [#tpu.dimension_semantics<core_parallel>, #tpu.dimension_semantics<subcore_parallel>], iteration_bounds = array<i64: 2, 16>, scalar_prefetch = 0 : i64, scratch_operands = 6 : i64, tpu.core_type = #tpu.core_type<sc_vector_subcore>, window_params = [{transform_indices = #map}, {transform_indices = #map1}, {transform_indices = #map1}, {transform_indices = #map}, {transform_indices = #map}]} {
    %mul3A = arith.constant 2 : i32
    %mul3A_0 = arith.muli %arg1, %mul3A : i32
    %add3A = arith.addi %mul3A_0, %arg0 : i32
    %lt3A = arith.constant 17 : i32
    %lt3A_1 = arith.cmpi slt, %add3A, %lt3A : i32
    %convert_element_type3A = arith.extui %lt3A_1 : i1 to i32
    %add3A_2 = arith.constant 19 : i32
    %add3A_3 = arith.addi %add3A_2, %convert_element_type3A : i32
    %while3A = arith.constant 0 : i32
    %while3A_4 = arith.constant 0 : i32
    %while3A_5 = arith.subi %add3A_3, %while3A_4 : i32
    %while3A_6 = arith.addi %while3A_4, %while3A_5 : i32
    %while3A_7 = arith.constant 1 : i32
    %while3A_8 = arith.divsi %while3A_5, %while3A_7 : i32
    %while3A_9 = arith.muli %while3A_8, %while3A_7 : i32
    %while3A_10 = arith.addi %while3A_4, %while3A_9 : i32
    %while3A_11 = arith.constant 1 : i32
    scf.for %while3A_13 = %while3A_4 to %while3A_10 step %while3A_11  : i32 {
      %mul3A_14 = arith.constant 32 : i32
      %mul3A_15 = arith.muli %while3A_13, %mul3A_14 : i32
      %add3A_16 = arith.addi %mul3A_15, %add3A : i32
      %mul3A_17 = arith.constant 128 : i32
      %mul3A_18 = arith.muli %add3A_16, %mul3A_17 : i32
      "tpu.region"() ({
        %run_scoped3A = tpu.sem_alloc : memref<!tpu.dma_semaphore, #tpu.memory_space<semaphore_mem>>
        %dma_start3A_29 = tpu.memref_slice %arg3[%mul3A_18] : memref<80000xi32, #tpu.memory_space<hbm>> -> memref<128xi32, #tpu.memory_space<hbm>>
        %dma_start3A_30 = tpu.memref_slice %arg3[%mul3A_18] : memref<80000xi32, #tpu.memory_space<hbm>> -> memref<128xi32, #tpu.memory_space<hbm>>
        tpu.enqueue_dma source(%dma_start3A_30 : memref<128xi32, #tpu.memory_space<hbm>>) target(%arg7 : memref<128xi32, #tpu.memory_space<vmem>>) target_semaphore(%run_scoped3A : memref<!tpu.dma_semaphore, #tpu.memory_space<semaphore_mem>>)
        %dma_wait3A_31 = tpu.memref_slice %arg3[%mul3A_18] : memref<80000xi32, #tpu.memory_space<hbm>> -> memref<128xi32, #tpu.memory_space<hbm>>
        %dma_wait3A_32 = tpu.memref_slice %arg3[%mul3A_18] : memref<80000xi32, #tpu.memory_space<hbm>> -> memref<128xi32, #tpu.memory_space<hbm>>
        tpu.wait_dma2 semaphore(%run_scoped3A : memref<!tpu.dma_semaphore, #tpu.memory_space<semaphore_mem>>) src(%dma_wait3A_32 : memref<128xi32, #tpu.memory_space<hbm>>) dst(%arg7 : memref<128xi32, #tpu.memory_space<vmem>>)
        tpu.yield
      }) : () -> ()
      %dma_start3A = arith.constant 0 : i32
      %dma_start3A_19 = arith.constant 0 : i32
      %dma_start3A_20 = tpu.memref_slice %arg2[%dma_start3A, %dma_start3A_19] : memref<10000x128xf32, #tpu.memory_space<hbm>> -> memref<10000x128xf32, #tpu.memory_space<hbm>>
      tpu.enqueue_indirect_dma source(%dma_start3A_20 : memref<10000x128xf32, #tpu.memory_space<hbm>>) target(%arg8 : memref<128x128xf32, #tpu.memory_space<vmem>>) offsets(%arg7 : memref<128xi32, #tpu.memory_space<vmem>>) semaphore(%arg11 : memref<!tpu.dma_semaphore, #tpu.memory_space<semaphore_mem>>)
      "tpu.region"() ({
        %run_scoped3A = tpu.sem_alloc : memref<!tpu.dma_semaphore, #tpu.memory_space<semaphore_mem>>
        %dma_start3A_29 = tpu.memref_slice %arg4[%mul3A_18] : memref<80000xi32, #tpu.memory_space<hbm>> -> memref<128xi32, #tpu.memory_space<hbm>>
        %dma_start3A_30 = tpu.memref_slice %arg4[%mul3A_18] : memref<80000xi32, #tpu.memory_space<hbm>> -> memref<128xi32, #tpu.memory_space<hbm>>
        tpu.enqueue_dma source(%dma_start3A_30 : memref<128xi32, #tpu.memory_space<hbm>>) target(%arg9 : memref<128xi32, #tpu.memory_space<vmem>>) target_semaphore(%run_scoped3A : memref<!tpu.dma_semaphore, #tpu.memory_space<semaphore_mem>>)
        %dma_wait3A_31 = tpu.memref_slice %arg4[%mul3A_18] : memref<80000xi32, #tpu.memory_space<hbm>> -> memref<128xi32, #tpu.memory_space<hbm>>
        %dma_wait3A_32 = tpu.memref_slice %arg4[%mul3A_18] : memref<80000xi32, #tpu.memory_space<hbm>> -> memref<128xi32, #tpu.memory_space<hbm>>
        tpu.wait_dma2 semaphore(%run_scoped3A : memref<!tpu.dma_semaphore, #tpu.memory_space<semaphore_mem>>) src(%dma_wait3A_32 : memref<128xi32, #tpu.memory_space<hbm>>) dst(%arg9 : memref<128xi32, #tpu.memory_space<vmem>>)
        tpu.yield
      }) : () -> ()
      %dma_start3A_21 = arith.constant 0 : i32
      %dma_start3A_22 = arith.constant 0 : i32
      %dma_start3A_23 = tpu.memref_slice %arg2[%dma_start3A_21, %dma_start3A_22] : memref<10000x128xf32, #tpu.memory_space<hbm>> -> memref<10000x128xf32, #tpu.memory_space<hbm>>
      tpu.enqueue_indirect_dma source(%dma_start3A_23 : memref<10000x128xf32, #tpu.memory_space<hbm>>) target(%arg10 : memref<128x128xf32, #tpu.memory_space<vmem>>) offsets(%arg9 : memref<128xi32, #tpu.memory_space<vmem>>) semaphore(%arg12 : memref<!tpu.dma_semaphore, #tpu.memory_space<semaphore_mem>>)
      %dma_wait3A = arith.constant 0 : i32
      %dma_wait3A_24 = arith.constant 0 : i32
      %dma_wait3A_25 = tpu.memref_slice %arg2[%dma_wait3A, %dma_wait3A_24] : memref<10000x128xf32, #tpu.memory_space<hbm>> -> memref<10000x128xf32, #tpu.memory_space<hbm>>
      tpu.wait_indirect_dma semaphore(%arg11 : memref<!tpu.dma_semaphore, #tpu.memory_space<semaphore_mem>>) src(%dma_wait3A_25 : memref<10000x128xf32, #tpu.memory_space<hbm>>) dst(%arg8 : memref<128x128xf32, #tpu.memory_space<vmem>>)
      "tpu.region"() ({
        %run_scoped3A = tpu.sem_alloc : memref<!tpu.dma_semaphore, #tpu.memory_space<semaphore_mem>>
        %dma_start3A_29 = arith.constant 0 : i32
        %dma_start3A_30 = tpu.memref_slice %arg5[%mul3A_18, %dma_start3A_29] : memref<80000x128xf32, #tpu.memory_space<hbm>> -> memref<128x128xf32, #tpu.memory_space<hbm>>
        %dma_start3A_31 = arith.constant 0 : i32
        %dma_start3A_32 = tpu.memref_slice %arg5[%mul3A_18, %dma_start3A_31] : memref<80000x128xf32, #tpu.memory_space<hbm>> -> memref<128x128xf32, #tpu.memory_space<hbm>>
        tpu.enqueue_dma source(%arg8 : memref<128x128xf32, #tpu.memory_space<vmem>>) target(%dma_start3A_32 : memref<128x128xf32, #tpu.memory_space<hbm>>) target_semaphore(%run_scoped3A : memref<!tpu.dma_semaphore, #tpu.memory_space<semaphore_mem>>)
        %dma_wait3A_33 = arith.constant 0 : i32
        %dma_wait3A_34 = tpu.memref_slice %arg5[%mul3A_18, %dma_wait3A_33] : memref<80000x128xf32, #tpu.memory_space<hbm>> -> memref<128x128xf32, #tpu.memory_space<hbm>>
        %dma_wait3A_35 = arith.constant 0 : i32
        %dma_wait3A_36 = tpu.memref_slice %arg5[%mul3A_18, %dma_wait3A_35] : memref<80000x128xf32, #tpu.memory_space<hbm>> -> memref<128x128xf32, #tpu.memory_space<hbm>>
        tpu.wait_dma2 semaphore(%run_scoped3A : memref<!tpu.dma_semaphore, #tpu.memory_space<semaphore_mem>>) src(%arg8 : memref<128x128xf32, #tpu.memory_space<vmem>>) dst(%dma_wait3A_36 : memref<128x128xf32, #tpu.memory_space<hbm>>)
        tpu.yield
      }) : () -> ()
      %dma_wait3A_26 = arith.constant 0 : i32
      %dma_wait3A_27 = arith.constant 0 : i32
      %dma_wait3A_28 = tpu.memref_slice %arg2[%dma_wait3A_26, %dma_wait3A_27] : memref<10000x128xf32, #tpu.memory_space<hbm>> -> memref<10000x128xf32, #tpu.memory_space<hbm>>
      tpu.wait_indirect_dma semaphore(%arg12 : memref<!tpu.dma_semaphore, #tpu.memory_space<semaphore_mem>>) src(%dma_wait3A_28 : memref<10000x128xf32, #tpu.memory_space<hbm>>) dst(%arg10 : memref<128x128xf32, #tpu.memory_space<vmem>>)
      "tpu.region"() ({
        %run_scoped3A = tpu.sem_alloc : memref<!tpu.dma_semaphore, #tpu.memory_space<semaphore_mem>>
        %dma_start3A_29 = arith.constant 0 : i32
        %dma_start3A_30 = tpu.memref_slice %arg6[%mul3A_18, %dma_start3A_29] : memref<80000x128xf32, #tpu.memory_space<hbm>> -> memref<128x128xf32, #tpu.memory_space<hbm>>
        %dma_start3A_31 = arith.constant 0 : i32
        %dma_start3A_32 = tpu.memref_slice %arg6[%mul3A_18, %dma_start3A_31] : memref<80000x128xf32, #tpu.memory_space<hbm>> -> memref<128x128xf32, #tpu.memory_space<hbm>>
        tpu.enqueue_dma source(%arg10 : memref<128x128xf32, #tpu.memory_space<vmem>>) target(%dma_start3A_32 : memref<128x128xf32, #tpu.memory_space<hbm>>) target_semaphore(%run_scoped3A : memref<!tpu.dma_semaphore, #tpu.memory_space<semaphore_mem>>)
        %dma_wait3A_33 = arith.constant 0 : i32
        %dma_wait3A_34 = tpu.memref_slice %arg6[%mul3A_18, %dma_wait3A_33] : memref<80000x128xf32, #tpu.memory_space<hbm>> -> memref<128x128xf32, #tpu.memory_space<hbm>>
        %dma_wait3A_35 = arith.constant 0 : i32
        %dma_wait3A_36 = tpu.memref_slice %arg6[%mul3A_18, %dma_wait3A_35] : memref<80000x128xf32, #tpu.memory_space<hbm>> -> memref<128x128xf32, #tpu.memory_space<hbm>>
        tpu.wait_dma2 semaphore(%run_scoped3A : memref<!tpu.dma_semaphore, #tpu.memory_space<semaphore_mem>>) src(%arg10 : memref<128x128xf32, #tpu.memory_space<vmem>>) dst(%dma_wait3A_36 : memref<128x128xf32, #tpu.memory_space<hbm>>)
        tpu.yield
      }) : () -> ()
    }
    %while3A_12 = arith.constant 1 : i32
    scf.for %while3A_13 = %while3A_10 to %while3A_6 step %while3A_12  : i32 {
      %mul3A_14 = arith.constant 32 : i32
      %mul3A_15 = arith.muli %while3A_13, %mul3A_14 : i32
      %add3A_16 = arith.addi %mul3A_15, %add3A : i32
      %mul3A_17 = arith.constant 128 : i32
      %mul3A_18 = arith.muli %add3A_16, %mul3A_17 : i32
      "tpu.region"() ({
        %run_scoped3A = tpu.sem_alloc : memref<!tpu.dma_semaphore, #tpu.memory_space<semaphore_mem>>
        %dma_start3A_29 = tpu.memref_slice %arg3[%mul3A_18] : memref<80000xi32, #tpu.memory_space<hbm>> -> memref<128xi32, #tpu.memory_space<hbm>>
        %dma_start3A_30 = tpu.memref_slice %arg3[%mul3A_18] : memref<80000xi32, #tpu.memory_space<hbm>> -> memref<128xi32, #tpu.memory_space<hbm>>
        tpu.enqueue_dma source(%dma_start3A_30 : memref<128xi32, #tpu.memory_space<hbm>>) target(%arg7 : memref<128xi32, #tpu.memory_space<vmem>>) target_semaphore(%run_scoped3A : memref<!tpu.dma_semaphore, #tpu.memory_space<semaphore_mem>>)
        %dma_wait3A_31 = tpu.memref_slice %arg3[%mul3A_18] : memref<80000xi32, #tpu.memory_space<hbm>> -> memref<128xi32, #tpu.memory_space<hbm>>
        %dma_wait3A_32 = tpu.memref_slice %arg3[%mul3A_18] : memref<80000xi32, #tpu.memory_space<hbm>> -> memref<128xi32, #tpu.memory_space<hbm>>
        tpu.wait_dma2 semaphore(%run_scoped3A : memref<!tpu.dma_semaphore, #tpu.memory_space<semaphore_mem>>) src(%dma_wait3A_32 : memref<128xi32, #tpu.memory_space<hbm>>) dst(%arg7 : memref<128xi32, #tpu.memory_space<vmem>>)
        tpu.yield
      }) : () -> ()
      %dma_start3A = arith.constant 0 : i32
      %dma_start3A_19 = arith.constant 0 : i32
      %dma_start3A_20 = tpu.memref_slice %arg2[%dma_start3A, %dma_start3A_19] : memref<10000x128xf32, #tpu.memory_space<hbm>> -> memref<10000x128xf32, #tpu.memory_space<hbm>>
      tpu.enqueue_indirect_dma source(%dma_start3A_20 : memref<10000x128xf32, #tpu.memory_space<hbm>>) target(%arg8 : memref<128x128xf32, #tpu.memory_space<vmem>>) offsets(%arg7 : memref<128xi32, #tpu.memory_space<vmem>>) semaphore(%arg11 : memref<!tpu.dma_semaphore, #tpu.memory_space<semaphore_mem>>)
      "tpu.region"() ({
        %run_scoped3A = tpu.sem_alloc : memref<!tpu.dma_semaphore, #tpu.memory_space<semaphore_mem>>
        %dma_start3A_29 = tpu.memref_slice %arg4[%mul3A_18] : memref<80000xi32, #tpu.memory_space<hbm>> -> memref<128xi32, #tpu.memory_space<hbm>>
        %dma_start3A_30 = tpu.memref_slice %arg4[%mul3A_18] : memref<80000xi32, #tpu.memory_space<hbm>> -> memref<128xi32, #tpu.memory_space<hbm>>
        tpu.enqueue_dma source(%dma_start3A_30 : memref<128xi32, #tpu.memory_space<hbm>>) target(%arg9 : memref<128xi32, #tpu.memory_space<vmem>>) target_semaphore(%run_scoped3A : memref<!tpu.dma_semaphore, #tpu.memory_space<semaphore_mem>>)
        %dma_wait3A_31 = tpu.memref_slice %arg4[%mul3A_18] : memref<80000xi32, #tpu.memory_space<hbm>> -> memref<128xi32, #tpu.memory_space<hbm>>
        %dma_wait3A_32 = tpu.memref_slice %arg4[%mul3A_18] : memref<80000xi32, #tpu.memory_space<hbm>> -> memref<128xi32, #tpu.memory_space<hbm>>
        tpu.wait_dma2 semaphore(%run_scoped3A : memref<!tpu.dma_semaphore, #tpu.memory_space<semaphore_mem>>) src(%dma_wait3A_32 : memref<128xi32, #tpu.memory_space<hbm>>) dst(%arg9 : memref<128xi32, #tpu.memory_space<vmem>>)
        tpu.yield
      }) : () -> ()
      %dma_start3A_21 = arith.constant 0 : i32
      %dma_start3A_22 = arith.constant 0 : i32
      %dma_start3A_23 = tpu.memref_slice %arg2[%dma_start3A_21, %dma_start3A_22] : memref<10000x128xf32, #tpu.memory_space<hbm>> -> memref<10000x128xf32, #tpu.memory_space<hbm>>
      tpu.enqueue_indirect_dma source(%dma_start3A_23 : memref<10000x128xf32, #tpu.memory_space<hbm>>) target(%arg10 : memref<128x128xf32, #tpu.memory_space<vmem>>) offsets(%arg9 : memref<128xi32, #tpu.memory_space<vmem>>) semaphore(%arg12 : memref<!tpu.dma_semaphore, #tpu.memory_space<semaphore_mem>>)
      %dma_wait3A = arith.constant 0 : i32
      %dma_wait3A_24 = arith.constant 0 : i32
      %dma_wait3A_25 = tpu.memref_slice %arg2[%dma_wait3A, %dma_wait3A_24] : memref<10000x128xf32, #tpu.memory_space<hbm>> -> memref<10000x128xf32, #tpu.memory_space<hbm>>
      tpu.wait_indirect_dma semaphore(%arg11 : memref<!tpu.dma_semaphore, #tpu.memory_space<semaphore_mem>>) src(%dma_wait3A_25 : memref<10000x128xf32, #tpu.memory_space<hbm>>) dst(%arg8 : memref<128x128xf32, #tpu.memory_space<vmem>>)
      "tpu.region"() ({
        %run_scoped3A = tpu.sem_alloc : memref<!tpu.dma_semaphore, #tpu.memory_space<semaphore_mem>>
        %dma_start3A_29 = arith.constant 0 : i32
        %dma_start3A_30 = tpu.memref_slice %arg5[%mul3A_18, %dma_start3A_29] : memref<80000x128xf32, #tpu.memory_space<hbm>> -> memref<128x128xf32, #tpu.memory_space<hbm>>
        %dma_start3A_31 = arith.constant 0 : i32
        %dma_start3A_32 = tpu.memref_slice %arg5[%mul3A_18, %dma_start3A_31] : memref<80000x128xf32, #tpu.memory_space<hbm>> -> memref<128x128xf32, #tpu.memory_space<hbm>>
        tpu.enqueue_dma source(%arg8 : memref<128x128xf32, #tpu.memory_space<vmem>>) target(%dma_start3A_32 : memref<128x128xf32, #tpu.memory_space<hbm>>) target_semaphore(%run_scoped3A : memref<!tpu.dma_semaphore, #tpu.memory_space<semaphore_mem>>)
        %dma_wait3A_33 = arith.constant 0 : i32
        %dma_wait3A_34 = tpu.memref_slice %arg5[%mul3A_18, %dma_wait3A_33] : memref<80000x128xf32, #tpu.memory_space<hbm>> -> memref<128x128xf32, #tpu.memory_space<hbm>>
        %dma_wait3A_35 = arith.constant 0 : i32
        %dma_wait3A_36 = tpu.memref_slice %arg5[%mul3A_18, %dma_wait3A_35] : memref<80000x128xf32, #tpu.memory_space<hbm>> -> memref<128x128xf32, #tpu.memory_space<hbm>>
        tpu.wait_dma2 semaphore(%run_scoped3A : memref<!tpu.dma_semaphore, #tpu.memory_space<semaphore_mem>>) src(%arg8 : memref<128x128xf32, #tpu.memory_space<vmem>>) dst(%dma_wait3A_36 : memref<128x128xf32, #tpu.memory_space<hbm>>)
        tpu.yield
      }) : () -> ()
      %dma_wait3A_26 = arith.constant 0 : i32
      %dma_wait3A_27 = arith.constant 0 : i32
      %dma_wait3A_28 = tpu.memref_slice %arg2[%dma_wait3A_26, %dma_wait3A_27] : memref<10000x128xf32, #tpu.memory_space<hbm>> -> memref<10000x128xf32, #tpu.memory_space<hbm>>
      tpu.wait_indirect_dma semaphore(%arg12 : memref<!tpu.dma_semaphore, #tpu.memory_space<semaphore_mem>>) src(%dma_wait3A_28 : memref<10000x128xf32, #tpu.memory_space<hbm>>) dst(%arg10 : memref<128x128xf32, #tpu.memory_space<vmem>>)
      "tpu.region"() ({
        %run_scoped3A = tpu.sem_alloc : memref<!tpu.dma_semaphore, #tpu.memory_space<semaphore_mem>>
        %dma_start3A_29 = arith.constant 0 : i32
        %dma_start3A_30 = tpu.memref_slice %arg6[%mul3A_18, %dma_start3A_29] : memref<80000x128xf32, #tpu.memory_space<hbm>> -> memref<128x128xf32, #tpu.memory_space<hbm>>
        %dma_start3A_31 = arith.constant 0 : i32
        %dma_start3A_32 = tpu.memref_slice %arg6[%mul3A_18, %dma_start3A_31] : memref<80000x128xf32, #tpu.memory_space<hbm>> -> memref<128x128xf32, #tpu.memory_space<hbm>>
        tpu.enqueue_dma source(%arg10 : memref<128x128xf32, #tpu.memory_space<vmem>>) target(%dma_start3A_32 : memref<128x128xf32, #tpu.memory_space<hbm>>) target_semaphore(%run_scoped3A : memref<!tpu.dma_semaphore, #tpu.memory_space<semaphore_mem>>)
        %dma_wait3A_33 = arith.constant 0 : i32
        %dma_wait3A_34 = tpu.memref_slice %arg6[%mul3A_18, %dma_wait3A_33] : memref<80000x128xf32, #tpu.memory_space<hbm>> -> memref<128x128xf32, #tpu.memory_space<hbm>>
        %dma_wait3A_35 = arith.constant 0 : i32
        %dma_wait3A_36 = tpu.memref_slice %arg6[%mul3A_18, %dma_wait3A_35] : memref<80000x128xf32, #tpu.memory_space<hbm>> -> memref<128x128xf32, #tpu.memory_space<hbm>>
        tpu.wait_dma2 semaphore(%run_scoped3A : memref<!tpu.dma_semaphore, #tpu.memory_space<semaphore_mem>>) src(%arg10 : memref<128x128xf32, #tpu.memory_space<vmem>>) dst(%dma_wait3A_36 : memref<128x128xf32, #tpu.memory_space<hbm>>)
        tpu.yield
      }) : () -> ()
    }
    return
  }
}

#map = affine_map<(d0, d1) -> (0, 0)>
#map1 = affine_map<(d0, d1) -> (0)>
module attributes {stable_mosaic.version = 14 : i64} {
  func.func @_gather_body(%arg0: i32, %arg1: i32, %arg2: memref<10000x128xf32, #tpu.memory_space<hbm>>, %arg3: memref<80000xi32, #tpu.memory_space<hbm>>, %arg4: memref<80000xi32, #tpu.memory_space<hbm>>, %arg5: memref<80000x128xf32, #tpu.memory_space<hbm>>, %arg6: memref<80000x128xf32, #tpu.memory_space<hbm>>, %arg7: memref<128xi32, #tpu.memory_space<vmem>>, %arg8: memref<128x128xf32, #tpu.memory_space<vmem>>, %arg9: memref<128xi32, #tpu.memory_space<vmem>>, %arg10: memref<128x128xf32, #tpu.memory_space<vmem>>, %arg11: memref<!tpu.dma_semaphore, #tpu.memory_space<semaphore_mem>>, %arg12: memref<!tpu.dma_semaphore, #tpu.memory_space<semaphore_mem>>) attributes {dimension_semantics = [#tpu.dimension_semantics<core_parallel>, #tpu.dimension_semantics<subcore_parallel>], iteration_bounds = array<i64: 2, 16>, scalar_prefetch = 0 : i64, scratch_operands = 6 : i64, tpu.core_type = #tpu.core_type<sc_vector_subcore>, window_params = [{transform_indices = #map}, {transform_indices = #map1}, {transform_indices = #map1}, {transform_indices = #map}, {transform_indices = #map}]} {
    %mul3A = arith.constant 2 : i32
    %mul3A_0 = arith.muli %arg1, %mul3A : i32
    %add3A = arith.addi %mul3A_0, %arg0 : i32
    %lt3A = arith.constant 17 : i32
    %lt3A_1 = arith.cmpi slt, %add3A, %lt3A : i32
    %convert_element_type3A = arith.extui %lt3A_1 : i1 to i32
    %add3A_2 = arith.constant 19 : i32
    %add3A_3 = arith.addi %add3A_2, %convert_element_type3A : i32
    %while3A = arith.constant 0 : i32
    %while3A_4 = arith.constant 0 : i32
    %while3A_5 = arith.subi %add3A_3, %while3A_4 : i32
    %while3A_6 = arith.addi %while3A_4, %while3A_5 : i32
    %while3A_7 = arith.constant 1 : i32
    %while3A_8 = arith.divsi %while3A_5, %while3A_7 : i32
    %while3A_9 = arith.muli %while3A_8, %while3A_7 : i32
    %while3A_10 = arith.addi %while3A_4, %while3A_9 : i32
    %while3A_11 = arith.constant 1 : i32
    scf.for %while3A_13 = %while3A_4 to %while3A_10 step %while3A_11  : i32 {
      %mul3A_14 = arith.constant 32 : i32
      %mul3A_15 = arith.muli %while3A_13, %mul3A_14 : i32
      %add3A_16 = arith.addi %mul3A_15, %add3A : i32
      %mul3A_17 = arith.constant 128 : i32
      %mul3A_18 = arith.muli %add3A_16, %mul3A_17 : i32
      "tpu.region"() ({
        %run_scoped3A = tpu.sem_alloc : memref<!tpu.dma_semaphore, #tpu.memory_space<semaphore_mem>>
        %dma_start3A_29 = tpu.memref_slice %arg3[%mul3A_18] : memref<80000xi32, #tpu.memory_space<hbm>> -> memref<128xi32, #tpu.memory_space<hbm>>
        %dma_start3A_30 = tpu.memref_slice %arg3[%mul3A_18] : memref<80000xi32, #tpu.memory_space<hbm>> -> memref<128xi32, #tpu.memory_space<hbm>>
        tpu.enqueue_dma source(%dma_start3A_30 : memref<128xi32, #tpu.memory_space<hbm>>) target(%arg7 : memref<128xi32, #tpu.memory_space<vmem>>) target_semaphore(%run_scoped3A : memref<!tpu.dma_semaphore, #tpu.memory_space<semaphore_mem>>)
        %dma_wait3A_31 = tpu.memref_slice %arg3[%mul3A_18] : memref<80000xi32, #tpu.memory_space<hbm>> -> memref<128xi32, #tpu.memory_space<hbm>>
        %dma_wait3A_32 = tpu.memref_slice %arg3[%mul3A_18] : memref<80000xi32, #tpu.memory_space<hbm>> -> memref<128xi32, #tpu.memory_space<hbm>>
        tpu.wait_dma2 semaphore(%run_scoped3A : memref<!tpu.dma_semaphore, #tpu.memory_space<semaphore_mem>>) src(%dma_wait3A_32 : memref<128xi32, #tpu.memory_space<hbm>>) dst(%arg7 : memref<128xi32, #tpu.memory_space<vmem>>)
        tpu.yield
      }) : () -> ()
      %dma_start3A = arith.constant 0 : i32
      %dma_start3A_19 = arith.constant 0 : i32
      %dma_start3A_20 = tpu.memref_slice %arg2[%dma_start3A, %dma_start3A_19] : memref<10000x128xf32, #tpu.memory_space<hbm>> -> memref<10000x128xf32, #tpu.memory_space<hbm>>
      tpu.enqueue_indirect_dma source(%dma_start3A_20 : memref<10000x128xf32, #tpu.memory_space<hbm>>) target(%arg8 : memref<128x128xf32, #tpu.memory_space<vmem>>) offsets(%arg7 : memref<128xi32, #tpu.memory_space<vmem>>) semaphore(%arg11 : memref<!tpu.dma_semaphore, #tpu.memory_space<semaphore_mem>>)
      "tpu.region"() ({
        %run_scoped3A = tpu.sem_alloc : memref<!tpu.dma_semaphore, #tpu.memory_space<semaphore_mem>>
        %dma_start3A_29 = tpu.memref_slice %arg4[%mul3A_18] : memref<80000xi32, #tpu.memory_space<hbm>> -> memref<128xi32, #tpu.memory_space<hbm>>
        %dma_start3A_30 = tpu.memref_slice %arg4[%mul3A_18] : memref<80000xi32, #tpu.memory_space<hbm>> -> memref<128xi32, #tpu.memory_space<hbm>>
        tpu.enqueue_dma source(%dma_start3A_30 : memref<128xi32, #tpu.memory_space<hbm>>) target(%arg9 : memref<128xi32, #tpu.memory_space<vmem>>) target_semaphore(%run_scoped3A : memref<!tpu.dma_semaphore, #tpu.memory_space<semaphore_mem>>)
        %dma_wait3A_31 = tpu.memref_slice %arg4[%mul3A_18] : memref<80000xi32, #tpu.memory_space<hbm>> -> memref<128xi32, #tpu.memory_space<hbm>>
        %dma_wait3A_32 = tpu.memref_slice %arg4[%mul3A_18] : memref<80000xi32, #tpu.memory_space<hbm>> -> memref<128xi32, #tpu.memory_space<hbm>>
        tpu.wait_dma2 semaphore(%run_scoped3A : memref<!tpu.dma_semaphore, #tpu.memory_space<semaphore_mem>>) src(%dma_wait3A_32 : memref<128xi32, #tpu.memory_space<hbm>>) dst(%arg9 : memref<128xi32, #tpu.memory_space<vmem>>)
        tpu.yield
      }) : () -> ()
      %dma_start3A_21 = arith.constant 0 : i32
      %dma_start3A_22 = arith.constant 0 : i32
      %dma_start3A_23 = tpu.memref_slice %arg2[%dma_start3A_21, %dma_start3A_22] : memref<10000x128xf32, #tpu.memory_space<hbm>> -> memref<10000x128xf32, #tpu.memory_space<hbm>>
      tpu.enqueue_indirect_dma source(%dma_start3A_23 : memref<10000x128xf32, #tpu.memory_space<hbm>>) target(%arg10 : memref<128x128xf32, #tpu.memory_space<vmem>>) offsets(%arg9 : memref<128xi32, #tpu.memory_space<vmem>>) semaphore(%arg12 : memref<!tpu.dma_semaphore, #tpu.memory_space<semaphore_mem>>)
      %dma_wait3A = arith.constant 0 : i32
      %dma_wait3A_24 = arith.constant 0 : i32
      %dma_wait3A_25 = tpu.memref_slice %arg2[%dma_wait3A, %dma_wait3A_24] : memref<10000x128xf32, #tpu.memory_space<hbm>> -> memref<10000x128xf32, #tpu.memory_space<hbm>>
      tpu.wait_indirect_dma semaphore(%arg11 : memref<!tpu.dma_semaphore, #tpu.memory_space<semaphore_mem>>) src(%dma_wait3A_25 : memref<10000x128xf32, #tpu.memory_space<hbm>>) dst(%arg8 : memref<128x128xf32, #tpu.memory_space<vmem>>)
      "tpu.region"() ({
        %run_scoped3A = tpu.sem_alloc : memref<!tpu.dma_semaphore, #tpu.memory_space<semaphore_mem>>
        %dma_start3A_29 = arith.constant 0 : i32
        %dma_start3A_30 = tpu.memref_slice %arg5[%mul3A_18, %dma_start3A_29] : memref<80000x128xf32, #tpu.memory_space<hbm>> -> memref<128x128xf32, #tpu.memory_space<hbm>>
        %dma_start3A_31 = arith.constant 0 : i32
        %dma_start3A_32 = tpu.memref_slice %arg5[%mul3A_18, %dma_start3A_31] : memref<80000x128xf32, #tpu.memory_space<hbm>> -> memref<128x128xf32, #tpu.memory_space<hbm>>
        tpu.enqueue_dma source(%arg8 : memref<128x128xf32, #tpu.memory_space<vmem>>) target(%dma_start3A_32 : memref<128x128xf32, #tpu.memory_space<hbm>>) target_semaphore(%run_scoped3A : memref<!tpu.dma_semaphore, #tpu.memory_space<semaphore_mem>>)
        %dma_wait3A_33 = arith.constant 0 : i32
        %dma_wait3A_34 = tpu.memref_slice %arg5[%mul3A_18, %dma_wait3A_33] : memref<80000x128xf32, #tpu.memory_space<hbm>> -> memref<128x128xf32, #tpu.memory_space<hbm>>
        %dma_wait3A_35 = arith.constant 0 : i32
        %dma_wait3A_36 = tpu.memref_slice %arg5[%mul3A_18, %dma_wait3A_35] : memref<80000x128xf32, #tpu.memory_space<hbm>> -> memref<128x128xf32, #tpu.memory_space<hbm>>
        tpu.wait_dma2 semaphore(%run_scoped3A : memref<!tpu.dma_semaphore, #tpu.memory_space<semaphore_mem>>) src(%arg8 : memref<128x128xf32, #tpu.memory_space<vmem>>) dst(%dma_wait3A_36 : memref<128x128xf32, #tpu.memory_space<hbm>>)
        tpu.yield
      }) : () -> ()
      %dma_wait3A_26 = arith.constant 0 : i32
      %dma_wait3A_27 = arith.constant 0 : i32
      %dma_wait3A_28 = tpu.memref_slice %arg2[%dma_wait3A_26, %dma_wait3A_27] : memref<10000x128xf32, #tpu.memory_space<hbm>> -> memref<10000x128xf32, #tpu.memory_space<hbm>>
      tpu.wait_indirect_dma semaphore(%arg12 : memref<!tpu.dma_semaphore, #tpu.memory_space<semaphore_mem>>) src(%dma_wait3A_28 : memref<10000x128xf32, #tpu.memory_space<hbm>>) dst(%arg10 : memref<128x128xf32, #tpu.memory_space<vmem>>)
      "tpu.region"() ({
        %run_scoped3A = tpu.sem_alloc : memref<!tpu.dma_semaphore, #tpu.memory_space<semaphore_mem>>
        %dma_start3A_29 = arith.constant 0 : i32
        %dma_start3A_30 = tpu.memref_slice %arg6[%mul3A_18, %dma_start3A_29] : memref<80000x128xf32, #tpu.memory_space<hbm>> -> memref<128x128xf32, #tpu.memory_space<hbm>>
        %dma_start3A_31 = arith.constant 0 : i32
        %dma_start3A_32 = tpu.memref_slice %arg6[%mul3A_18, %dma_start3A_31] : memref<80000x128xf32, #tpu.memory_space<hbm>> -> memref<128x128xf32, #tpu.memory_space<hbm>>
        tpu.enqueue_dma source(%arg10 : memref<128x128xf32, #tpu.memory_space<vmem>>) target(%dma_start3A_32 : memref<128x128xf32, #tpu.memory_space<hbm>>) target_semaphore(%run_scoped3A : memref<!tpu.dma_semaphore, #tpu.memory_space<semaphore_mem>>)
        %dma_wait3A_33 = arith.constant 0 : i32
        %dma_wait3A_34 = tpu.memref_slice %arg6[%mul3A_18, %dma_wait3A_33] : memref<80000x128xf32, #tpu.memory_space<hbm>> -> memref<128x128xf32, #tpu.memory_space<hbm>>
        %dma_wait3A_35 = arith.constant 0 : i32
        %dma_wait3A_36 = tpu.memref_slice %arg6[%mul3A_18, %dma_wait3A_35] : memref<80000x128xf32, #tpu.memory_space<hbm>> -> memref<128x128xf32, #tpu.memory_space<hbm>>
        tpu.wait_dma2 semaphore(%run_scoped3A : memref<!tpu.dma_semaphore, #tpu.memory_space<semaphore_mem>>) src(%arg10 : memref<128x128xf32, #tpu.memory_space<vmem>>) dst(%dma_wait3A_36 : memref<128x128xf32, #tpu.memory_space<hbm>>)
        tpu.yield
      }) : () -> ()
    }
    %while3A_12 = arith.constant 1 : i32
    scf.for %while3A_13 = %while3A_10 to %while3A_6 step %while3A_12  : i32 {
      %mul3A_14 = arith.constant 32 : i32
      %mul3A_15 = arith.muli %while3A_13, %mul3A_14 : i32
      %add3A_16 = arith.addi %mul3A_15, %add3A : i32
      %mul3A_17 = arith.constant 128 : i32
      %mul3A_18 = arith.muli %add3A_16, %mul3A_17 : i32
      "tpu.region"() ({
        %run_scoped3A = tpu.sem_alloc : memref<!tpu.dma_semaphore, #tpu.memory_space<semaphore_mem>>
        %dma_start3A_29 = tpu.memref_slice %arg3[%mul3A_18] : memref<80000xi32, #tpu.memory_space<hbm>> -> memref<128xi32, #tpu.memory_space<hbm>>
        %dma_start3A_30 = tpu.memref_slice %arg3[%mul3A_18] : memref<80000xi32, #tpu.memory_space<hbm>> -> memref<128xi32, #tpu.memory_space<hbm>>
        tpu.enqueue_dma source(%dma_start3A_30 : memref<128xi32, #tpu.memory_space<hbm>>) target(%arg7 : memref<128xi32, #tpu.memory_space<vmem>>) target_semaphore(%run_scoped3A : memref<!tpu.dma_semaphore, #tpu.memory_space<semaphore_mem>>)
        %dma_wait3A_31 = tpu.memref_slice %arg3[%mul3A_18] : memref<80000xi32, #tpu.memory_space<hbm>> -> memref<128xi32, #tpu.memory_space<hbm>>
        %dma_wait3A_32 = tpu.memref_slice %arg3[%mul3A_18] : memref<80000xi32, #tpu.memory_space<hbm>> -> memref<128xi32, #tpu.memory_space<hbm>>
        tpu.wait_dma2 semaphore(%run_scoped3A : memref<!tpu.dma_semaphore, #tpu.memory_space<semaphore_mem>>) src(%dma_wait3A_32 : memref<128xi32, #tpu.memory_space<hbm>>) dst(%arg7 : memref<128xi32, #tpu.memory_space<vmem>>)
        tpu.yield
      }) : () -> ()
      %dma_start3A = arith.constant 0 : i32
      %dma_start3A_19 = arith.constant 0 : i32
      %dma_start3A_20 = tpu.memref_slice %arg2[%dma_start3A, %dma_start3A_19] : memref<10000x128xf32, #tpu.memory_space<hbm>> -> memref<10000x128xf32, #tpu.memory_space<hbm>>
      tpu.enqueue_indirect_dma source(%dma_start3A_20 : memref<10000x128xf32, #tpu.memory_space<hbm>>) target(%arg8 : memref<128x128xf32, #tpu.memory_space<vmem>>) offsets(%arg7 : memref<128xi32, #tpu.memory_space<vmem>>) semaphore(%arg11 : memref<!tpu.dma_semaphore, #tpu.memory_space<semaphore_mem>>)
      "tpu.region"() ({
        %run_scoped3A = tpu.sem_alloc : memref<!tpu.dma_semaphore, #tpu.memory_space<semaphore_mem>>
        %dma_start3A_29 = tpu.memref_slice %arg4[%mul3A_18] : memref<80000xi32, #tpu.memory_space<hbm>> -> memref<128xi32, #tpu.memory_space<hbm>>
        %dma_start3A_30 = tpu.memref_slice %arg4[%mul3A_18] : memref<80000xi32, #tpu.memory_space<hbm>> -> memref<128xi32, #tpu.memory_space<hbm>>
        tpu.enqueue_dma source(%dma_start3A_30 : memref<128xi32, #tpu.memory_space<hbm>>) target(%arg9 : memref<128xi32, #tpu.memory_space<vmem>>) target_semaphore(%run_scoped3A : memref<!tpu.dma_semaphore, #tpu.memory_space<semaphore_mem>>)
        %dma_wait3A_31 = tpu.memref_slice %arg4[%mul3A_18] : memref<80000xi32, #tpu.memory_space<hbm>> -> memref<128xi32, #tpu.memory_space<hbm>>
        %dma_wait3A_32 = tpu.memref_slice %arg4[%mul3A_18] : memref<80000xi32, #tpu.memory_space<hbm>> -> memref<128xi32, #tpu.memory_space<hbm>>
        tpu.wait_dma2 semaphore(%run_scoped3A : memref<!tpu.dma_semaphore, #tpu.memory_space<semaphore_mem>>) src(%dma_wait3A_32 : memref<128xi32, #tpu.memory_space<hbm>>) dst(%arg9 : memref<128xi32, #tpu.memory_space<vmem>>)
        tpu.yield
      }) : () -> ()
      %dma_start3A_21 = arith.constant 0 : i32
      %dma_start3A_22 = arith.constant 0 : i32
      %dma_start3A_23 = tpu.memref_slice %arg2[%dma_start3A_21, %dma_start3A_22] : memref<10000x128xf32, #tpu.memory_space<hbm>> -> memref<10000x128xf32, #tpu.memory_space<hbm>>
      tpu.enqueue_indirect_dma source(%dma_start3A_23 : memref<10000x128xf32, #tpu.memory_space<hbm>>) target(%arg10 : memref<128x128xf32, #tpu.memory_space<vmem>>) offsets(%arg9 : memref<128xi32, #tpu.memory_space<vmem>>) semaphore(%arg12 : memref<!tpu.dma_semaphore, #tpu.memory_space<semaphore_mem>>)
      %dma_wait3A = arith.constant 0 : i32
      %dma_wait3A_24 = arith.constant 0 : i32
      %dma_wait3A_25 = tpu.memref_slice %arg2[%dma_wait3A, %dma_wait3A_24] : memref<10000x128xf32, #tpu.memory_space<hbm>> -> memref<10000x128xf32, #tpu.memory_space<hbm>>
      tpu.wait_indirect_dma semaphore(%arg11 : memref<!tpu.dma_semaphore, #tpu.memory_space<semaphore_mem>>) src(%dma_wait3A_25 : memref<10000x128xf32, #tpu.memory_space<hbm>>) dst(%arg8 : memref<128x128xf32, #tpu.memory_space<vmem>>)
      "tpu.region"() ({
        %run_scoped3A = tpu.sem_alloc : memref<!tpu.dma_semaphore, #tpu.memory_space<semaphore_mem>>
        %dma_start3A_29 = arith.constant 0 : i32
        %dma_start3A_30 = tpu.memref_slice %arg5[%mul3A_18, %dma_start3A_29] : memref<80000x128xf32, #tpu.memory_space<hbm>> -> memref<128x128xf32, #tpu.memory_space<hbm>>
        %dma_start3A_31 = arith.constant 0 : i32
        %dma_start3A_32 = tpu.memref_slice %arg5[%mul3A_18, %dma_start3A_31] : memref<80000x128xf32, #tpu.memory_space<hbm>> -> memref<128x128xf32, #tpu.memory_space<hbm>>
        tpu.enqueue_dma source(%arg8 : memref<128x128xf32, #tpu.memory_space<vmem>>) target(%dma_start3A_32 : memref<128x128xf32, #tpu.memory_space<hbm>>) target_semaphore(%run_scoped3A : memref<!tpu.dma_semaphore, #tpu.memory_space<semaphore_mem>>)
        %dma_wait3A_33 = arith.constant 0 : i32
        %dma_wait3A_34 = tpu.memref_slice %arg5[%mul3A_18, %dma_wait3A_33] : memref<80000x128xf32, #tpu.memory_space<hbm>> -> memref<128x128xf32, #tpu.memory_space<hbm>>
        %dma_wait3A_35 = arith.constant 0 : i32
        %dma_wait3A_36 = tpu.memref_slice %arg5[%mul3A_18, %dma_wait3A_35] : memref<80000x128xf32, #tpu.memory_space<hbm>> -> memref<128x128xf32, #tpu.memory_space<hbm>>
        tpu.wait_dma2 semaphore(%run_scoped3A : memref<!tpu.dma_semaphore, #tpu.memory_space<semaphore_mem>>) src(%arg8 : memref<128x128xf32, #tpu.memory_space<vmem>>) dst(%dma_wait3A_36 : memref<128x128xf32, #tpu.memory_space<hbm>>)
        tpu.yield
      }) : () -> ()
      %dma_wait3A_26 = arith.constant 0 : i32
      %dma_wait3A_27 = arith.constant 0 : i32
      %dma_wait3A_28 = tpu.memref_slice %arg2[%dma_wait3A_26, %dma_wait3A_27] : memref<10000x128xf32, #tpu.memory_space<hbm>> -> memref<10000x128xf32, #tpu.memory_space<hbm>>
      tpu.wait_indirect_dma semaphore(%arg12 : memref<!tpu.dma_semaphore, #tpu.memory_space<semaphore_mem>>) src(%dma_wait3A_28 : memref<10000x128xf32, #tpu.memory_space<hbm>>) dst(%arg10 : memref<128x128xf32, #tpu.memory_space<vmem>>)
      "tpu.region"() ({
        %run_scoped3A = tpu.sem_alloc : memref<!tpu.dma_semaphore, #tpu.memory_space<semaphore_mem>>
        %dma_start3A_29 = arith.constant 0 : i32
        %dma_start3A_30 = tpu.memref_slice %arg6[%mul3A_18, %dma_start3A_29] : memref<80000x128xf32, #tpu.memory_space<hbm>> -> memref<128x128xf32, #tpu.memory_space<hbm>>
        %dma_start3A_31 = arith.constant 0 : i32
        %dma_start3A_32 = tpu.memref_slice %arg6[%mul3A_18, %dma_start3A_31] : memref<80000x128xf32, #tpu.memory_space<hbm>> -> memref<128x128xf32, #tpu.memory_space<hbm>>
        tpu.enqueue_dma source(%arg10 : memref<128x128xf32, #tpu.memory_space<vmem>>) target(%dma_start3A_32 : memref<128x128xf32, #tpu.memory_space<hbm>>) target_semaphore(%run_scoped3A : memref<!tpu.dma_semaphore, #tpu.memory_space<semaphore_mem>>)
        %dma_wait3A_33 = arith.constant 0 : i32
        %dma_wait3A_34 = tpu.memref_slice %arg6[%mul3A_18, %dma_wait3A_33] : memref<80000x128xf32, #tpu.memory_space<hbm>> -> memref<128x128xf32, #tpu.memory_space<hbm>>
        %dma_wait3A_35 = arith.constant 0 : i32
        %dma_wait3A_36 = tpu.memref_slice %arg6[%mul3A_18, %dma_wait3A_35] : memref<80000x128xf32, #tpu.memory_space<hbm>> -> memref<128x128xf32, #tpu.memory_space<hbm>>
        tpu.wait_dma2 semaphore(%run_scoped3A : memref<!tpu.dma_semaphore, #tpu.memory_space<semaphore_mem>>) src(%arg10 : memref<128x128xf32, #tpu.memory_space<vmem>>) dst(%dma_wait3A_36 : memref<128x128xf32, #tpu.memory_space<hbm>>)
        tpu.yield
      }) : () -> ()
    }
    return
  }
}

#map = affine_map<(d0, d1) -> (0, 0)>
#map1 = affine_map<(d0, d1) -> (0)>
#map2 = affine_map<(d0, d1) -> (0, 0, 0)>
module attributes {stable_mosaic.version = 14 : i64} {
  func.func @_scatter_body(%arg0: i32, %arg1: i32, %arg2: memref<80000x128xf32, #tpu.memory_space<hbm>>, %arg3: memref<80000xi32, #tpu.memory_space<hbm>>, %arg4: memref<10240x128xf32, #tpu.memory_space<hbm>>, %arg5: memref<2x10240x128xf32, #tpu.memory_space<hbm>>, %arg6: memref<128xi32, #tpu.memory_space<vmem>>, %arg7: memref<128x128xf32, #tpu.memory_space<vmem>>, %arg8: memref<10240x128xf32, #tpu.memory_space<vmem_shared>>) attributes {dimension_semantics = [#tpu.dimension_semantics<core_parallel>, #tpu.dimension_semantics<subcore_parallel>], iteration_bounds = array<i64: 2, 16>, scalar_prefetch = 0 : i64, scratch_operands = 3 : i64, tpu.core_type = #tpu.core_type<sc_vector_subcore>, window_params = [{transform_indices = #map}, {transform_indices = #map1}, {transform_indices = #map}, {transform_indices = #map2}]} {
    %mul3A = arith.constant 2 : i32
    %mul3A_0 = arith.muli %arg1, %mul3A : i32
    %add3A = arith.addi %mul3A_0, %arg0 : i32
    %lt3A = arith.constant 17 : i32
    %lt3A_1 = arith.cmpi slt, %add3A, %lt3A : i32
    %convert_element_type3A = arith.extui %lt3A_1 : i1 to i32
    %add3A_2 = arith.constant 19 : i32
    %add3A_3 = arith.addi %add3A_2, %convert_element_type3A : i32
    %mul3A_4 = arith.constant 640 : i32
    %mul3A_5 = arith.muli %arg1, %mul3A_4 : i32
    %mul3A_6 = arith.constant 640 : i32
    %mul3A_7 = arith.muli %arg1, %mul3A_6 : i32
    "tpu.region"() ({
      %run_scoped3A = tpu.sem_alloc : memref<!tpu.dma_semaphore, #tpu.memory_space<semaphore_mem>>
      %dma_start3A = arith.constant 0 : i32
      %dma_start3A_22 = tpu.memref_slice %arg8[%mul3A_7, %dma_start3A] : memref<10240x128xf32, #tpu.memory_space<vmem_shared>> -> memref<640x128xf32, #tpu.memory_space<vmem_shared>>
      %dma_start3A_23 = arith.constant 0 : i32
      %dma_start3A_24 = tpu.memref_slice %arg4[%mul3A_5, %dma_start3A_23] : memref<10240x128xf32, #tpu.memory_space<hbm>> -> memref<640x128xf32, #tpu.memory_space<hbm>>
      tpu.enqueue_dma source(%dma_start3A_24 : memref<640x128xf32, #tpu.memory_space<hbm>>) target(%dma_start3A_22 : memref<640x128xf32, #tpu.memory_space<vmem_shared>>) target_semaphore(%run_scoped3A : memref<!tpu.dma_semaphore, #tpu.memory_space<semaphore_mem>>)
      %dma_wait3A = arith.constant 0 : i32
      %dma_wait3A_25 = tpu.memref_slice %arg8[%mul3A_7, %dma_wait3A] : memref<10240x128xf32, #tpu.memory_space<vmem_shared>> -> memref<640x128xf32, #tpu.memory_space<vmem_shared>>
      %dma_wait3A_26 = arith.constant 0 : i32
      %dma_wait3A_27 = tpu.memref_slice %arg4[%mul3A_5, %dma_wait3A_26] : memref<10240x128xf32, #tpu.memory_space<hbm>> -> memref<640x128xf32, #tpu.memory_space<hbm>>
      tpu.wait_dma2 semaphore(%run_scoped3A : memref<!tpu.dma_semaphore, #tpu.memory_space<semaphore_mem>>) src(%dma_wait3A_27 : memref<640x128xf32, #tpu.memory_space<hbm>>) dst(%dma_wait3A_25 : memref<640x128xf32, #tpu.memory_space<vmem_shared>>)
      tpu.yield
    }) : () -> ()
    %barrier3A = arith.constant 0 : index
    tpu.barrier barrier_id(%barrier3A)
    %while3A = arith.constant 0 : i32
    %while3A_8 = arith.constant 0 : i32
    %while3A_9 = arith.subi %add3A_3, %while3A_8 : i32
    %while3A_10 = arith.addi %while3A_8, %while3A_9 : i32
    %while3A_11 = arith.constant 1 : i32
    %while3A_12 = arith.divsi %while3A_9, %while3A_11 : i32
    %while3A_13 = arith.muli %while3A_12, %while3A_11 : i32
    %while3A_14 = arith.addi %while3A_8, %while3A_13 : i32
    %while3A_15 = arith.constant 1 : i32
    scf.for %while3A_22 = %while3A_8 to %while3A_14 step %while3A_15  : i32 {
      %mul3A_23 = arith.constant 32 : i32
      %mul3A_24 = arith.muli %while3A_22, %mul3A_23 : i32
      %add3A_25 = arith.addi %mul3A_24, %add3A : i32
      %mul3A_26 = arith.constant 128 : i32
      %mul3A_27 = arith.muli %add3A_25, %mul3A_26 : i32
      "tpu.region"() ({
        %run_scoped3A = tpu.sem_alloc : memref<!tpu.dma_semaphore, #tpu.memory_space<semaphore_mem>>
        %dma_start3A = arith.constant 0 : i32
        %dma_start3A_28 = tpu.memref_slice %arg2[%mul3A_27, %dma_start3A] : memref<80000x128xf32, #tpu.memory_space<hbm>> -> memref<128x128xf32, #tpu.memory_space<hbm>>
        %dma_start3A_29 = arith.constant 0 : i32
        %dma_start3A_30 = tpu.memref_slice %arg2[%mul3A_27, %dma_start3A_29] : memref<80000x128xf32, #tpu.memory_space<hbm>> -> memref<128x128xf32, #tpu.memory_space<hbm>>
        tpu.enqueue_dma source(%dma_start3A_30 : memref<128x128xf32, #tpu.memory_space<hbm>>) target(%arg7 : memref<128x128xf32, #tpu.memory_space<vmem>>) target_semaphore(%run_scoped3A : memref<!tpu.dma_semaphore, #tpu.memory_space<semaphore_mem>>)
        %dma_wait3A = arith.constant 0 : i32
        %dma_wait3A_31 = tpu.memref_slice %arg2[%mul3A_27, %dma_wait3A] : memref<80000x128xf32, #tpu.memory_space<hbm>> -> memref<128x128xf32, #tpu.memory_space<hbm>>
        %dma_wait3A_32 = arith.constant 0 : i32
        %dma_wait3A_33 = tpu.memref_slice %arg2[%mul3A_27, %dma_wait3A_32] : memref<80000x128xf32, #tpu.memory_space<hbm>> -> memref<128x128xf32, #tpu.memory_space<hbm>>
        tpu.wait_dma2 semaphore(%run_scoped3A : memref<!tpu.dma_semaphore, #tpu.memory_space<semaphore_mem>>) src(%dma_wait3A_33 : memref<128x128xf32, #tpu.memory_space<hbm>>) dst(%arg7 : memref<128x128xf32, #tpu.memory_space<vmem>>)
        tpu.yield
      }) : () -> ()
      "tpu.region"() ({
        %run_scoped3A = tpu.sem_alloc : memref<!tpu.dma_semaphore, #tpu.memory_space<semaphore_mem>>
        %dma_start3A = tpu.memref_slice %arg3[%mul3A_27] : memref<80000xi32, #tpu.memory_space<hbm>> -> memref<128xi32, #tpu.memory_space<hbm>>
        %dma_start3A_28 = tpu.memref_slice %arg3[%mul3A_27] : memref<80000xi32, #tpu.memory_space<hbm>> -> memref<128xi32, #tpu.memory_space<hbm>>
        tpu.enqueue_dma source(%dma_start3A_28 : memref<128xi32, #tpu.memory_space<hbm>>) target(%arg6 : memref<128xi32, #tpu.memory_space<vmem>>) target_semaphore(%run_scoped3A : memref<!tpu.dma_semaphore, #tpu.memory_space<semaphore_mem>>)
        %dma_wait3A = tpu.memref_slice %arg3[%mul3A_27] : memref<80000xi32, #tpu.memory_space<hbm>> -> memref<128xi32, #tpu.memory_space<hbm>>
        %dma_wait3A_29 = tpu.memref_slice %arg3[%mul3A_27] : memref<80000xi32, #tpu.memory_space<hbm>> -> memref<128xi32, #tpu.memory_space<hbm>>
        tpu.wait_dma2 semaphore(%run_scoped3A : memref<!tpu.dma_semaphore, #tpu.memory_space<semaphore_mem>>) src(%dma_wait3A_29 : memref<128xi32, #tpu.memory_space<hbm>>) dst(%arg6 : memref<128xi32, #tpu.memory_space<vmem>>)
        tpu.yield
      }) : () -> ()
      "tpu.region"() ({
        %run_scoped3A = tpu.sem_alloc : memref<!tpu.dma_semaphore, #tpu.memory_space<semaphore_mem>>
        %dma_start3A = arith.constant 0 : i32
        %dma_start3A_28 = arith.constant 0 : i32
        %dma_start3A_29 = tpu.memref_slice %arg8[%dma_start3A, %dma_start3A_28] : memref<10240x128xf32, #tpu.memory_space<vmem_shared>> -> memref<10240x128xf32, #tpu.memory_space<vmem_shared>>
        tpu.enqueue_indirect_dma source(%arg7 : memref<128x128xf32, #tpu.memory_space<vmem>>) target(%dma_start3A_29 : memref<10240x128xf32, #tpu.memory_space<vmem_shared>>) offsets(%arg6 : memref<128xi32, #tpu.memory_space<vmem>>) semaphore(%run_scoped3A : memref<!tpu.dma_semaphore, #tpu.memory_space<semaphore_mem>>) {add = true}
        %dma_wait3A = arith.constant 0 : i32
        %dma_wait3A_30 = arith.constant 0 : i32
        %dma_wait3A_31 = tpu.memref_slice %arg8[%dma_wait3A, %dma_wait3A_30] : memref<10240x128xf32, #tpu.memory_space<vmem_shared>> -> memref<10240x128xf32, #tpu.memory_space<vmem_shared>>
        tpu.wait_indirect_dma semaphore(%run_scoped3A : memref<!tpu.dma_semaphore, #tpu.memory_space<semaphore_mem>>) src(%arg7 : memref<128x128xf32, #tpu.memory_space<vmem>>) dst(%dma_wait3A_31 : memref<10240x128xf32, #tpu.memory_space<vmem_shared>>)
        tpu.yield
      }) : () -> ()
    }
    %while3A_16 = arith.constant 1 : i32
    scf.for %while3A_22 = %while3A_14 to %while3A_10 step %while3A_16  : i32 {
      %mul3A_23 = arith.constant 32 : i32
      %mul3A_24 = arith.muli %while3A_22, %mul3A_23 : i32
      %add3A_25 = arith.addi %mul3A_24, %add3A : i32
      %mul3A_26 = arith.constant 128 : i32
      %mul3A_27 = arith.muli %add3A_25, %mul3A_26 : i32
      "tpu.region"() ({
        %run_scoped3A = tpu.sem_alloc : memref<!tpu.dma_semaphore, #tpu.memory_space<semaphore_mem>>
        %dma_start3A = arith.constant 0 : i32
        %dma_start3A_28 = tpu.memref_slice %arg2[%mul3A_27, %dma_start3A] : memref<80000x128xf32, #tpu.memory_space<hbm>> -> memref<128x128xf32, #tpu.memory_space<hbm>>
        %dma_start3A_29 = arith.constant 0 : i32
        %dma_start3A_30 = tpu.memref_slice %arg2[%mul3A_27, %dma_start3A_29] : memref<80000x128xf32, #tpu.memory_space<hbm>> -> memref<128x128xf32, #tpu.memory_space<hbm>>
        tpu.enqueue_dma source(%dma_start3A_30 : memref<128x128xf32, #tpu.memory_space<hbm>>) target(%arg7 : memref<128x128xf32, #tpu.memory_space<vmem>>) target_semaphore(%run_scoped3A : memref<!tpu.dma_semaphore, #tpu.memory_space<semaphore_mem>>)
        %dma_wait3A = arith.constant 0 : i32
        %dma_wait3A_31 = tpu.memref_slice %arg2[%mul3A_27, %dma_wait3A] : memref<80000x128xf32, #tpu.memory_space<hbm>> -> memref<128x128xf32, #tpu.memory_space<hbm>>
        %dma_wait3A_32 = arith.constant 0 : i32
        %dma_wait3A_33 = tpu.memref_slice %arg2[%mul3A_27, %dma_wait3A_32] : memref<80000x128xf32, #tpu.memory_space<hbm>> -> memref<128x128xf32, #tpu.memory_space<hbm>>
        tpu.wait_dma2 semaphore(%run_scoped3A : memref<!tpu.dma_semaphore, #tpu.memory_space<semaphore_mem>>) src(%dma_wait3A_33 : memref<128x128xf32, #tpu.memory_space<hbm>>) dst(%arg7 : memref<128x128xf32, #tpu.memory_space<vmem>>)
        tpu.yield
      }) : () -> ()
      "tpu.region"() ({
        %run_scoped3A = tpu.sem_alloc : memref<!tpu.dma_semaphore, #tpu.memory_space<semaphore_mem>>
        %dma_start3A = tpu.memref_slice %arg3[%mul3A_27] : memref<80000xi32, #tpu.memory_space<hbm>> -> memref<128xi32, #tpu.memory_space<hbm>>
        %dma_start3A_28 = tpu.memref_slice %arg3[%mul3A_27] : memref<80000xi32, #tpu.memory_space<hbm>> -> memref<128xi32, #tpu.memory_space<hbm>>
        tpu.enqueue_dma source(%dma_start3A_28 : memref<128xi32, #tpu.memory_space<hbm>>) target(%arg6 : memref<128xi32, #tpu.memory_space<vmem>>) target_semaphore(%run_scoped3A : memref<!tpu.dma_semaphore, #tpu.memory_space<semaphore_mem>>)
        %dma_wait3A = tpu.memref_slice %arg3[%mul3A_27] : memref<80000xi32, #tpu.memory_space<hbm>> -> memref<128xi32, #tpu.memory_space<hbm>>
        %dma_wait3A_29 = tpu.memref_slice %arg3[%mul3A_27] : memref<80000xi32, #tpu.memory_space<hbm>> -> memref<128xi32, #tpu.memory_space<hbm>>
        tpu.wait_dma2 semaphore(%run_scoped3A : memref<!tpu.dma_semaphore, #tpu.memory_space<semaphore_mem>>) src(%dma_wait3A_29 : memref<128xi32, #tpu.memory_space<hbm>>) dst(%arg6 : memref<128xi32, #tpu.memory_space<vmem>>)
        tpu.yield
      }) : () -> ()
      "tpu.region"() ({
        %run_scoped3A = tpu.sem_alloc : memref<!tpu.dma_semaphore, #tpu.memory_space<semaphore_mem>>
        %dma_start3A = arith.constant 0 : i32
        %dma_start3A_28 = arith.constant 0 : i32
        %dma_start3A_29 = tpu.memref_slice %arg8[%dma_start3A, %dma_start3A_28] : memref<10240x128xf32, #tpu.memory_space<vmem_shared>> -> memref<10240x128xf32, #tpu.memory_space<vmem_shared>>
        tpu.enqueue_indirect_dma source(%arg7 : memref<128x128xf32, #tpu.memory_space<vmem>>) target(%dma_start3A_29 : memref<10240x128xf32, #tpu.memory_space<vmem_shared>>) offsets(%arg6 : memref<128xi32, #tpu.memory_space<vmem>>) semaphore(%run_scoped3A : memref<!tpu.dma_semaphore, #tpu.memory_space<semaphore_mem>>) {add = true}
        %dma_wait3A = arith.constant 0 : i32
        %dma_wait3A_30 = arith.constant 0 : i32
        %dma_wait3A_31 = tpu.memref_slice %arg8[%dma_wait3A, %dma_wait3A_30] : memref<10240x128xf32, #tpu.memory_space<vmem_shared>> -> memref<10240x128xf32, #tpu.memory_space<vmem_shared>>
        tpu.wait_indirect_dma semaphore(%run_scoped3A : memref<!tpu.dma_semaphore, #tpu.memory_space<semaphore_mem>>) src(%arg7 : memref<128x128xf32, #tpu.memory_space<vmem>>) dst(%dma_wait3A_31 : memref<10240x128xf32, #tpu.memory_space<vmem_shared>>)
        tpu.yield
      }) : () -> ()
    }
    %barrier3A_17 = arith.constant 0 : index
    tpu.barrier barrier_id(%barrier3A_17)
    %mul3A_18 = arith.constant 640 : i32
    %mul3A_19 = arith.muli %arg1, %mul3A_18 : i32
    %mul3A_20 = arith.constant 640 : i32
    %mul3A_21 = arith.muli %arg1, %mul3A_20 : i32
    "tpu.region"() ({
      %run_scoped3A = tpu.sem_alloc : memref<!tpu.dma_semaphore, #tpu.memory_space<semaphore_mem>>
      %dma_start3A = arith.constant 0 : i32
      %dma_start3A_22 = tpu.memref_slice %arg5[%arg0, %mul3A_21, %dma_start3A] : memref<2x10240x128xf32, #tpu.memory_space<hbm>> -> memref<1x640x128xf32, #tpu.memory_space<hbm>>
      %dma_start3A_23 = tpu.memref_squeeze %dma_start3A_22 : memref<1x640x128xf32, #tpu.memory_space<hbm>> -> memref<640x128xf32, #tpu.memory_space<hbm>>
      %dma_start3A_24 = arith.constant 0 : i32
      %dma_start3A_25 = tpu.memref_slice %arg8[%mul3A_19, %dma_start3A_24] : memref<10240x128xf32, #tpu.memory_space<vmem_shared>> -> memref<640x128xf32, #tpu.memory_space<vmem_shared>>
      tpu.enqueue_dma source(%dma_start3A_25 : memref<640x128xf32, #tpu.memory_space<vmem_shared>>) target(%dma_start3A_23 : memref<640x128xf32, #tpu.memory_space<hbm>>) target_semaphore(%run_scoped3A : memref<!tpu.dma_semaphore, #tpu.memory_space<semaphore_mem>>)
      %dma_wait3A = arith.constant 0 : i32
      %dma_wait3A_26 = tpu.memref_slice %arg5[%arg0, %mul3A_21, %dma_wait3A] : memref<2x10240x128xf32, #tpu.memory_space<hbm>> -> memref<1x640x128xf32, #tpu.memory_space<hbm>>
      %dma_wait3A_27 = tpu.memref_squeeze %dma_wait3A_26 : memref<1x640x128xf32, #tpu.memory_space<hbm>> -> memref<640x128xf32, #tpu.memory_space<hbm>>
      %dma_wait3A_28 = arith.constant 0 : i32
      %dma_wait3A_29 = tpu.memref_slice %arg8[%mul3A_19, %dma_wait3A_28] : memref<10240x128xf32, #tpu.memory_space<vmem_shared>> -> memref<640x128xf32, #tpu.memory_space<vmem_shared>>
      tpu.wait_dma2 semaphore(%run_scoped3A : memref<!tpu.dma_semaphore, #tpu.memory_space<semaphore_mem>>) src(%dma_wait3A_29 : memref<640x128xf32, #tpu.memory_space<vmem_shared>>) dst(%dma_wait3A_27 : memref<640x128xf32, #tpu.memory_space<hbm>>)
      tpu.yield
    }) : () -> ()
    return
  }
}

#map = affine_map<(d0, d1) -> (0, 0)>
#map1 = affine_map<(d0, d1) -> (0)>
module attributes {stable_mosaic.version = 14 : i64} {
  func.func @_gather_body(%arg0: i32, %arg1: i32, %arg2: memref<10000x128xf32, #tpu.memory_space<hbm>>, %arg3: memref<80000xi32, #tpu.memory_space<hbm>>, %arg4: memref<80000xi32, #tpu.memory_space<hbm>>, %arg5: memref<80000x128xf32, #tpu.memory_space<hbm>>, %arg6: memref<80000x128xf32, #tpu.memory_space<hbm>>, %arg7: memref<128xi32, #tpu.memory_space<vmem>>, %arg8: memref<128x128xf32, #tpu.memory_space<vmem>>, %arg9: memref<128xi32, #tpu.memory_space<vmem>>, %arg10: memref<128x128xf32, #tpu.memory_space<vmem>>, %arg11: memref<!tpu.dma_semaphore, #tpu.memory_space<semaphore_mem>>, %arg12: memref<!tpu.dma_semaphore, #tpu.memory_space<semaphore_mem>>) attributes {dimension_semantics = [#tpu.dimension_semantics<core_parallel>, #tpu.dimension_semantics<subcore_parallel>], iteration_bounds = array<i64: 2, 16>, scalar_prefetch = 0 : i64, scratch_operands = 6 : i64, tpu.core_type = #tpu.core_type<sc_vector_subcore>, window_params = [{transform_indices = #map}, {transform_indices = #map1}, {transform_indices = #map1}, {transform_indices = #map}, {transform_indices = #map}]} {
    %mul3A = arith.constant 2 : i32
    %mul3A_0 = arith.muli %arg1, %mul3A : i32
    %add3A = arith.addi %mul3A_0, %arg0 : i32
    %lt3A = arith.constant 17 : i32
    %lt3A_1 = arith.cmpi slt, %add3A, %lt3A : i32
    %convert_element_type3A = arith.extui %lt3A_1 : i1 to i32
    %add3A_2 = arith.constant 19 : i32
    %add3A_3 = arith.addi %add3A_2, %convert_element_type3A : i32
    %while3A = arith.constant 0 : i32
    %while3A_4 = arith.constant 0 : i32
    %while3A_5 = arith.subi %add3A_3, %while3A_4 : i32
    %while3A_6 = arith.addi %while3A_4, %while3A_5 : i32
    %while3A_7 = arith.constant 1 : i32
    %while3A_8 = arith.divsi %while3A_5, %while3A_7 : i32
    %while3A_9 = arith.muli %while3A_8, %while3A_7 : i32
    %while3A_10 = arith.addi %while3A_4, %while3A_9 : i32
    %while3A_11 = arith.constant 1 : i32
    scf.for %while3A_13 = %while3A_4 to %while3A_10 step %while3A_11  : i32 {
      %mul3A_14 = arith.constant 32 : i32
      %mul3A_15 = arith.muli %while3A_13, %mul3A_14 : i32
      %add3A_16 = arith.addi %mul3A_15, %add3A : i32
      %mul3A_17 = arith.constant 128 : i32
      %mul3A_18 = arith.muli %add3A_16, %mul3A_17 : i32
      "tpu.region"() ({
        %run_scoped3A = tpu.sem_alloc : memref<!tpu.dma_semaphore, #tpu.memory_space<semaphore_mem>>
        %dma_start3A_29 = tpu.memref_slice %arg3[%mul3A_18] : memref<80000xi32, #tpu.memory_space<hbm>> -> memref<128xi32, #tpu.memory_space<hbm>>
        %dma_start3A_30 = tpu.memref_slice %arg3[%mul3A_18] : memref<80000xi32, #tpu.memory_space<hbm>> -> memref<128xi32, #tpu.memory_space<hbm>>
        tpu.enqueue_dma source(%dma_start3A_30 : memref<128xi32, #tpu.memory_space<hbm>>) target(%arg7 : memref<128xi32, #tpu.memory_space<vmem>>) target_semaphore(%run_scoped3A : memref<!tpu.dma_semaphore, #tpu.memory_space<semaphore_mem>>)
        %dma_wait3A_31 = tpu.memref_slice %arg3[%mul3A_18] : memref<80000xi32, #tpu.memory_space<hbm>> -> memref<128xi32, #tpu.memory_space<hbm>>
        %dma_wait3A_32 = tpu.memref_slice %arg3[%mul3A_18] : memref<80000xi32, #tpu.memory_space<hbm>> -> memref<128xi32, #tpu.memory_space<hbm>>
        tpu.wait_dma2 semaphore(%run_scoped3A : memref<!tpu.dma_semaphore, #tpu.memory_space<semaphore_mem>>) src(%dma_wait3A_32 : memref<128xi32, #tpu.memory_space<hbm>>) dst(%arg7 : memref<128xi32, #tpu.memory_space<vmem>>)
        tpu.yield
      }) : () -> ()
      %dma_start3A = arith.constant 0 : i32
      %dma_start3A_19 = arith.constant 0 : i32
      %dma_start3A_20 = tpu.memref_slice %arg2[%dma_start3A, %dma_start3A_19] : memref<10000x128xf32, #tpu.memory_space<hbm>> -> memref<10000x128xf32, #tpu.memory_space<hbm>>
      tpu.enqueue_indirect_dma source(%dma_start3A_20 : memref<10000x128xf32, #tpu.memory_space<hbm>>) target(%arg8 : memref<128x128xf32, #tpu.memory_space<vmem>>) offsets(%arg7 : memref<128xi32, #tpu.memory_space<vmem>>) semaphore(%arg11 : memref<!tpu.dma_semaphore, #tpu.memory_space<semaphore_mem>>)
      "tpu.region"() ({
        %run_scoped3A = tpu.sem_alloc : memref<!tpu.dma_semaphore, #tpu.memory_space<semaphore_mem>>
        %dma_start3A_29 = tpu.memref_slice %arg4[%mul3A_18] : memref<80000xi32, #tpu.memory_space<hbm>> -> memref<128xi32, #tpu.memory_space<hbm>>
        %dma_start3A_30 = tpu.memref_slice %arg4[%mul3A_18] : memref<80000xi32, #tpu.memory_space<hbm>> -> memref<128xi32, #tpu.memory_space<hbm>>
        tpu.enqueue_dma source(%dma_start3A_30 : memref<128xi32, #tpu.memory_space<hbm>>) target(%arg9 : memref<128xi32, #tpu.memory_space<vmem>>) target_semaphore(%run_scoped3A : memref<!tpu.dma_semaphore, #tpu.memory_space<semaphore_mem>>)
        %dma_wait3A_31 = tpu.memref_slice %arg4[%mul3A_18] : memref<80000xi32, #tpu.memory_space<hbm>> -> memref<128xi32, #tpu.memory_space<hbm>>
        %dma_wait3A_32 = tpu.memref_slice %arg4[%mul3A_18] : memref<80000xi32, #tpu.memory_space<hbm>> -> memref<128xi32, #tpu.memory_space<hbm>>
        tpu.wait_dma2 semaphore(%run_scoped3A : memref<!tpu.dma_semaphore, #tpu.memory_space<semaphore_mem>>) src(%dma_wait3A_32 : memref<128xi32, #tpu.memory_space<hbm>>) dst(%arg9 : memref<128xi32, #tpu.memory_space<vmem>>)
        tpu.yield
      }) : () -> ()
      %dma_start3A_21 = arith.constant 0 : i32
      %dma_start3A_22 = arith.constant 0 : i32
      %dma_start3A_23 = tpu.memref_slice %arg2[%dma_start3A_21, %dma_start3A_22] : memref<10000x128xf32, #tpu.memory_space<hbm>> -> memref<10000x128xf32, #tpu.memory_space<hbm>>
      tpu.enqueue_indirect_dma source(%dma_start3A_23 : memref<10000x128xf32, #tpu.memory_space<hbm>>) target(%arg10 : memref<128x128xf32, #tpu.memory_space<vmem>>) offsets(%arg9 : memref<128xi32, #tpu.memory_space<vmem>>) semaphore(%arg12 : memref<!tpu.dma_semaphore, #tpu.memory_space<semaphore_mem>>)
      %dma_wait3A = arith.constant 0 : i32
      %dma_wait3A_24 = arith.constant 0 : i32
      %dma_wait3A_25 = tpu.memref_slice %arg2[%dma_wait3A, %dma_wait3A_24] : memref<10000x128xf32, #tpu.memory_space<hbm>> -> memref<10000x128xf32, #tpu.memory_space<hbm>>
      tpu.wait_indirect_dma semaphore(%arg11 : memref<!tpu.dma_semaphore, #tpu.memory_space<semaphore_mem>>) src(%dma_wait3A_25 : memref<10000x128xf32, #tpu.memory_space<hbm>>) dst(%arg8 : memref<128x128xf32, #tpu.memory_space<vmem>>)
      "tpu.region"() ({
        %run_scoped3A = tpu.sem_alloc : memref<!tpu.dma_semaphore, #tpu.memory_space<semaphore_mem>>
        %dma_start3A_29 = arith.constant 0 : i32
        %dma_start3A_30 = tpu.memref_slice %arg5[%mul3A_18, %dma_start3A_29] : memref<80000x128xf32, #tpu.memory_space<hbm>> -> memref<128x128xf32, #tpu.memory_space<hbm>>
        %dma_start3A_31 = arith.constant 0 : i32
        %dma_start3A_32 = tpu.memref_slice %arg5[%mul3A_18, %dma_start3A_31] : memref<80000x128xf32, #tpu.memory_space<hbm>> -> memref<128x128xf32, #tpu.memory_space<hbm>>
        tpu.enqueue_dma source(%arg8 : memref<128x128xf32, #tpu.memory_space<vmem>>) target(%dma_start3A_32 : memref<128x128xf32, #tpu.memory_space<hbm>>) target_semaphore(%run_scoped3A : memref<!tpu.dma_semaphore, #tpu.memory_space<semaphore_mem>>)
        %dma_wait3A_33 = arith.constant 0 : i32
        %dma_wait3A_34 = tpu.memref_slice %arg5[%mul3A_18, %dma_wait3A_33] : memref<80000x128xf32, #tpu.memory_space<hbm>> -> memref<128x128xf32, #tpu.memory_space<hbm>>
        %dma_wait3A_35 = arith.constant 0 : i32
        %dma_wait3A_36 = tpu.memref_slice %arg5[%mul3A_18, %dma_wait3A_35] : memref<80000x128xf32, #tpu.memory_space<hbm>> -> memref<128x128xf32, #tpu.memory_space<hbm>>
        tpu.wait_dma2 semaphore(%run_scoped3A : memref<!tpu.dma_semaphore, #tpu.memory_space<semaphore_mem>>) src(%arg8 : memref<128x128xf32, #tpu.memory_space<vmem>>) dst(%dma_wait3A_36 : memref<128x128xf32, #tpu.memory_space<hbm>>)
        tpu.yield
      }) : () -> ()
      %dma_wait3A_26 = arith.constant 0 : i32
      %dma_wait3A_27 = arith.constant 0 : i32
      %dma_wait3A_28 = tpu.memref_slice %arg2[%dma_wait3A_26, %dma_wait3A_27] : memref<10000x128xf32, #tpu.memory_space<hbm>> -> memref<10000x128xf32, #tpu.memory_space<hbm>>
      tpu.wait_indirect_dma semaphore(%arg12 : memref<!tpu.dma_semaphore, #tpu.memory_space<semaphore_mem>>) src(%dma_wait3A_28 : memref<10000x128xf32, #tpu.memory_space<hbm>>) dst(%arg10 : memref<128x128xf32, #tpu.memory_space<vmem>>)
      "tpu.region"() ({
        %run_scoped3A = tpu.sem_alloc : memref<!tpu.dma_semaphore, #tpu.memory_space<semaphore_mem>>
        %dma_start3A_29 = arith.constant 0 : i32
        %dma_start3A_30 = tpu.memref_slice %arg6[%mul3A_18, %dma_start3A_29] : memref<80000x128xf32, #tpu.memory_space<hbm>> -> memref<128x128xf32, #tpu.memory_space<hbm>>
        %dma_start3A_31 = arith.constant 0 : i32
        %dma_start3A_32 = tpu.memref_slice %arg6[%mul3A_18, %dma_start3A_31] : memref<80000x128xf32, #tpu.memory_space<hbm>> -> memref<128x128xf32, #tpu.memory_space<hbm>>
        tpu.enqueue_dma source(%arg10 : memref<128x128xf32, #tpu.memory_space<vmem>>) target(%dma_start3A_32 : memref<128x128xf32, #tpu.memory_space<hbm>>) target_semaphore(%run_scoped3A : memref<!tpu.dma_semaphore, #tpu.memory_space<semaphore_mem>>)
        %dma_wait3A_33 = arith.constant 0 : i32
        %dma_wait3A_34 = tpu.memref_slice %arg6[%mul3A_18, %dma_wait3A_33] : memref<80000x128xf32, #tpu.memory_space<hbm>> -> memref<128x128xf32, #tpu.memory_space<hbm>>
        %dma_wait3A_35 = arith.constant 0 : i32
        %dma_wait3A_36 = tpu.memref_slice %arg6[%mul3A_18, %dma_wait3A_35] : memref<80000x128xf32, #tpu.memory_space<hbm>> -> memref<128x128xf32, #tpu.memory_space<hbm>>
        tpu.wait_dma2 semaphore(%run_scoped3A : memref<!tpu.dma_semaphore, #tpu.memory_space<semaphore_mem>>) src(%arg10 : memref<128x128xf32, #tpu.memory_space<vmem>>) dst(%dma_wait3A_36 : memref<128x128xf32, #tpu.memory_space<hbm>>)
        tpu.yield
      }) : () -> ()
    }
    %while3A_12 = arith.constant 1 : i32
    scf.for %while3A_13 = %while3A_10 to %while3A_6 step %while3A_12  : i32 {
      %mul3A_14 = arith.constant 32 : i32
      %mul3A_15 = arith.muli %while3A_13, %mul3A_14 : i32
      %add3A_16 = arith.addi %mul3A_15, %add3A : i32
      %mul3A_17 = arith.constant 128 : i32
      %mul3A_18 = arith.muli %add3A_16, %mul3A_17 : i32
      "tpu.region"() ({
        %run_scoped3A = tpu.sem_alloc : memref<!tpu.dma_semaphore, #tpu.memory_space<semaphore_mem>>
        %dma_start3A_29 = tpu.memref_slice %arg3[%mul3A_18] : memref<80000xi32, #tpu.memory_space<hbm>> -> memref<128xi32, #tpu.memory_space<hbm>>
        %dma_start3A_30 = tpu.memref_slice %arg3[%mul3A_18] : memref<80000xi32, #tpu.memory_space<hbm>> -> memref<128xi32, #tpu.memory_space<hbm>>
        tpu.enqueue_dma source(%dma_start3A_30 : memref<128xi32, #tpu.memory_space<hbm>>) target(%arg7 : memref<128xi32, #tpu.memory_space<vmem>>) target_semaphore(%run_scoped3A : memref<!tpu.dma_semaphore, #tpu.memory_space<semaphore_mem>>)
        %dma_wait3A_31 = tpu.memref_slice %arg3[%mul3A_18] : memref<80000xi32, #tpu.memory_space<hbm>> -> memref<128xi32, #tpu.memory_space<hbm>>
        %dma_wait3A_32 = tpu.memref_slice %arg3[%mul3A_18] : memref<80000xi32, #tpu.memory_space<hbm>> -> memref<128xi32, #tpu.memory_space<hbm>>
        tpu.wait_dma2 semaphore(%run_scoped3A : memref<!tpu.dma_semaphore, #tpu.memory_space<semaphore_mem>>) src(%dma_wait3A_32 : memref<128xi32, #tpu.memory_space<hbm>>) dst(%arg7 : memref<128xi32, #tpu.memory_space<vmem>>)
        tpu.yield
      }) : () -> ()
      %dma_start3A = arith.constant 0 : i32
      %dma_start3A_19 = arith.constant 0 : i32
      %dma_start3A_20 = tpu.memref_slice %arg2[%dma_start3A, %dma_start3A_19] : memref<10000x128xf32, #tpu.memory_space<hbm>> -> memref<10000x128xf32, #tpu.memory_space<hbm>>
      tpu.enqueue_indirect_dma source(%dma_start3A_20 : memref<10000x128xf32, #tpu.memory_space<hbm>>) target(%arg8 : memref<128x128xf32, #tpu.memory_space<vmem>>) offsets(%arg7 : memref<128xi32, #tpu.memory_space<vmem>>) semaphore(%arg11 : memref<!tpu.dma_semaphore, #tpu.memory_space<semaphore_mem>>)
      "tpu.region"() ({
        %run_scoped3A = tpu.sem_alloc : memref<!tpu.dma_semaphore, #tpu.memory_space<semaphore_mem>>
        %dma_start3A_29 = tpu.memref_slice %arg4[%mul3A_18] : memref<80000xi32, #tpu.memory_space<hbm>> -> memref<128xi32, #tpu.memory_space<hbm>>
        %dma_start3A_30 = tpu.memref_slice %arg4[%mul3A_18] : memref<80000xi32, #tpu.memory_space<hbm>> -> memref<128xi32, #tpu.memory_space<hbm>>
        tpu.enqueue_dma source(%dma_start3A_30 : memref<128xi32, #tpu.memory_space<hbm>>) target(%arg9 : memref<128xi32, #tpu.memory_space<vmem>>) target_semaphore(%run_scoped3A : memref<!tpu.dma_semaphore, #tpu.memory_space<semaphore_mem>>)
        %dma_wait3A_31 = tpu.memref_slice %arg4[%mul3A_18] : memref<80000xi32, #tpu.memory_space<hbm>> -> memref<128xi32, #tpu.memory_space<hbm>>
        %dma_wait3A_32 = tpu.memref_slice %arg4[%mul3A_18] : memref<80000xi32, #tpu.memory_space<hbm>> -> memref<128xi32, #tpu.memory_space<hbm>>
        tpu.wait_dma2 semaphore(%run_scoped3A : memref<!tpu.dma_semaphore, #tpu.memory_space<semaphore_mem>>) src(%dma_wait3A_32 : memref<128xi32, #tpu.memory_space<hbm>>) dst(%arg9 : memref<128xi32, #tpu.memory_space<vmem>>)
        tpu.yield
      }) : () -> ()
      %dma_start3A_21 = arith.constant 0 : i32
      %dma_start3A_22 = arith.constant 0 : i32
      %dma_start3A_23 = tpu.memref_slice %arg2[%dma_start3A_21, %dma_start3A_22] : memref<10000x128xf32, #tpu.memory_space<hbm>> -> memref<10000x128xf32, #tpu.memory_space<hbm>>
      tpu.enqueue_indirect_dma source(%dma_start3A_23 : memref<10000x128xf32, #tpu.memory_space<hbm>>) target(%arg10 : memref<128x128xf32, #tpu.memory_space<vmem>>) offsets(%arg9 : memref<128xi32, #tpu.memory_space<vmem>>) semaphore(%arg12 : memref<!tpu.dma_semaphore, #tpu.memory_space<semaphore_mem>>)
      %dma_wait3A = arith.constant 0 : i32
      %dma_wait3A_24 = arith.constant 0 : i32
      %dma_wait3A_25 = tpu.memref_slice %arg2[%dma_wait3A, %dma_wait3A_24] : memref<10000x128xf32, #tpu.memory_space<hbm>> -> memref<10000x128xf32, #tpu.memory_space<hbm>>
      tpu.wait_indirect_dma semaphore(%arg11 : memref<!tpu.dma_semaphore, #tpu.memory_space<semaphore_mem>>) src(%dma_wait3A_25 : memref<10000x128xf32, #tpu.memory_space<hbm>>) dst(%arg8 : memref<128x128xf32, #tpu.memory_space<vmem>>)
      "tpu.region"() ({
        %run_scoped3A = tpu.sem_alloc : memref<!tpu.dma_semaphore, #tpu.memory_space<semaphore_mem>>
        %dma_start3A_29 = arith.constant 0 : i32
        %dma_start3A_30 = tpu.memref_slice %arg5[%mul3A_18, %dma_start3A_29] : memref<80000x128xf32, #tpu.memory_space<hbm>> -> memref<128x128xf32, #tpu.memory_space<hbm>>
        %dma_start3A_31 = arith.constant 0 : i32
        %dma_start3A_32 = tpu.memref_slice %arg5[%mul3A_18, %dma_start3A_31] : memref<80000x128xf32, #tpu.memory_space<hbm>> -> memref<128x128xf32, #tpu.memory_space<hbm>>
        tpu.enqueue_dma source(%arg8 : memref<128x128xf32, #tpu.memory_space<vmem>>) target(%dma_start3A_32 : memref<128x128xf32, #tpu.memory_space<hbm>>) target_semaphore(%run_scoped3A : memref<!tpu.dma_semaphore, #tpu.memory_space<semaphore_mem>>)
        %dma_wait3A_33 = arith.constant 0 : i32
        %dma_wait3A_34 = tpu.memref_slice %arg5[%mul3A_18, %dma_wait3A_33] : memref<80000x128xf32, #tpu.memory_space<hbm>> -> memref<128x128xf32, #tpu.memory_space<hbm>>
        %dma_wait3A_35 = arith.constant 0 : i32
        %dma_wait3A_36 = tpu.memref_slice %arg5[%mul3A_18, %dma_wait3A_35] : memref<80000x128xf32, #tpu.memory_space<hbm>> -> memref<128x128xf32, #tpu.memory_space<hbm>>
        tpu.wait_dma2 semaphore(%run_scoped3A : memref<!tpu.dma_semaphore, #tpu.memory_space<semaphore_mem>>) src(%arg8 : memref<128x128xf32, #tpu.memory_space<vmem>>) dst(%dma_wait3A_36 : memref<128x128xf32, #tpu.memory_space<hbm>>)
        tpu.yield
      }) : () -> ()
      %dma_wait3A_26 = arith.constant 0 : i32
      %dma_wait3A_27 = arith.constant 0 : i32
      %dma_wait3A_28 = tpu.memref_slice %arg2[%dma_wait3A_26, %dma_wait3A_27] : memref<10000x128xf32, #tpu.memory_space<hbm>> -> memref<10000x128xf32, #tpu.memory_space<hbm>>
      tpu.wait_indirect_dma semaphore(%arg12 : memref<!tpu.dma_semaphore, #tpu.memory_space<semaphore_mem>>) src(%dma_wait3A_28 : memref<10000x128xf32, #tpu.memory_space<hbm>>) dst(%arg10 : memref<128x128xf32, #tpu.memory_space<vmem>>)
      "tpu.region"() ({
        %run_scoped3A = tpu.sem_alloc : memref<!tpu.dma_semaphore, #tpu.memory_space<semaphore_mem>>
        %dma_start3A_29 = arith.constant 0 : i32
        %dma_start3A_30 = tpu.memref_slice %arg6[%mul3A_18, %dma_start3A_29] : memref<80000x128xf32, #tpu.memory_space<hbm>> -> memref<128x128xf32, #tpu.memory_space<hbm>>
        %dma_start3A_31 = arith.constant 0 : i32
        %dma_start3A_32 = tpu.memref_slice %arg6[%mul3A_18, %dma_start3A_31] : memref<80000x128xf32, #tpu.memory_space<hbm>> -> memref<128x128xf32, #tpu.memory_space<hbm>>
        tpu.enqueue_dma source(%arg10 : memref<128x128xf32, #tpu.memory_space<vmem>>) target(%dma_start3A_32 : memref<128x128xf32, #tpu.memory_space<hbm>>) target_semaphore(%run_scoped3A : memref<!tpu.dma_semaphore, #tpu.memory_space<semaphore_mem>>)
        %dma_wait3A_33 = arith.constant 0 : i32
        %dma_wait3A_34 = tpu.memref_slice %arg6[%mul3A_18, %dma_wait3A_33] : memref<80000x128xf32, #tpu.memory_space<hbm>> -> memref<128x128xf32, #tpu.memory_space<hbm>>
        %dma_wait3A_35 = arith.constant 0 : i32
        %dma_wait3A_36 = tpu.memref_slice %arg6[%mul3A_18, %dma_wait3A_35] : memref<80000x128xf32, #tpu.memory_space<hbm>> -> memref<128x128xf32, #tpu.memory_space<hbm>>
        tpu.wait_dma2 semaphore(%run_scoped3A : memref<!tpu.dma_semaphore, #tpu.memory_space<semaphore_mem>>) src(%arg10 : memref<128x128xf32, #tpu.memory_space<vmem>>) dst(%dma_wait3A_36 : memref<128x128xf32, #tpu.memory_space<hbm>>)
        tpu.yield
      }) : () -> ()
    }
    return
  }
}

#map = affine_map<(d0, d1) -> (0, 0)>
#map1 = affine_map<(d0, d1) -> (0)>
module attributes {stable_mosaic.version = 14 : i64} {
  func.func @_gather_body(%arg0: i32, %arg1: i32, %arg2: memref<10000x128xf32, #tpu.memory_space<hbm>>, %arg3: memref<80000xi32, #tpu.memory_space<hbm>>, %arg4: memref<80000xi32, #tpu.memory_space<hbm>>, %arg5: memref<80000x128xf32, #tpu.memory_space<hbm>>, %arg6: memref<80000x128xf32, #tpu.memory_space<hbm>>, %arg7: memref<128xi32, #tpu.memory_space<vmem>>, %arg8: memref<128x128xf32, #tpu.memory_space<vmem>>, %arg9: memref<128xi32, #tpu.memory_space<vmem>>, %arg10: memref<128x128xf32, #tpu.memory_space<vmem>>, %arg11: memref<!tpu.dma_semaphore, #tpu.memory_space<semaphore_mem>>, %arg12: memref<!tpu.dma_semaphore, #tpu.memory_space<semaphore_mem>>) attributes {dimension_semantics = [#tpu.dimension_semantics<core_parallel>, #tpu.dimension_semantics<subcore_parallel>], iteration_bounds = array<i64: 2, 16>, scalar_prefetch = 0 : i64, scratch_operands = 6 : i64, tpu.core_type = #tpu.core_type<sc_vector_subcore>, window_params = [{transform_indices = #map}, {transform_indices = #map1}, {transform_indices = #map1}, {transform_indices = #map}, {transform_indices = #map}]} {
    %mul3A = arith.constant 2 : i32
    %mul3A_0 = arith.muli %arg1, %mul3A : i32
    %add3A = arith.addi %mul3A_0, %arg0 : i32
    %lt3A = arith.constant 17 : i32
    %lt3A_1 = arith.cmpi slt, %add3A, %lt3A : i32
    %convert_element_type3A = arith.extui %lt3A_1 : i1 to i32
    %add3A_2 = arith.constant 19 : i32
    %add3A_3 = arith.addi %add3A_2, %convert_element_type3A : i32
    %while3A = arith.constant 0 : i32
    %while3A_4 = arith.constant 0 : i32
    %while3A_5 = arith.subi %add3A_3, %while3A_4 : i32
    %while3A_6 = arith.addi %while3A_4, %while3A_5 : i32
    %while3A_7 = arith.constant 1 : i32
    %while3A_8 = arith.divsi %while3A_5, %while3A_7 : i32
    %while3A_9 = arith.muli %while3A_8, %while3A_7 : i32
    %while3A_10 = arith.addi %while3A_4, %while3A_9 : i32
    %while3A_11 = arith.constant 1 : i32
    scf.for %while3A_13 = %while3A_4 to %while3A_10 step %while3A_11  : i32 {
      %mul3A_14 = arith.constant 32 : i32
      %mul3A_15 = arith.muli %while3A_13, %mul3A_14 : i32
      %add3A_16 = arith.addi %mul3A_15, %add3A : i32
      %mul3A_17 = arith.constant 128 : i32
      %mul3A_18 = arith.muli %add3A_16, %mul3A_17 : i32
      "tpu.region"() ({
        %run_scoped3A = tpu.sem_alloc : memref<!tpu.dma_semaphore, #tpu.memory_space<semaphore_mem>>
        %dma_start3A_29 = tpu.memref_slice %arg3[%mul3A_18] : memref<80000xi32, #tpu.memory_space<hbm>> -> memref<128xi32, #tpu.memory_space<hbm>>
        %dma_start3A_30 = tpu.memref_slice %arg3[%mul3A_18] : memref<80000xi32, #tpu.memory_space<hbm>> -> memref<128xi32, #tpu.memory_space<hbm>>
        tpu.enqueue_dma source(%dma_start3A_30 : memref<128xi32, #tpu.memory_space<hbm>>) target(%arg7 : memref<128xi32, #tpu.memory_space<vmem>>) target_semaphore(%run_scoped3A : memref<!tpu.dma_semaphore, #tpu.memory_space<semaphore_mem>>)
        %dma_wait3A_31 = tpu.memref_slice %arg3[%mul3A_18] : memref<80000xi32, #tpu.memory_space<hbm>> -> memref<128xi32, #tpu.memory_space<hbm>>
        %dma_wait3A_32 = tpu.memref_slice %arg3[%mul3A_18] : memref<80000xi32, #tpu.memory_space<hbm>> -> memref<128xi32, #tpu.memory_space<hbm>>
        tpu.wait_dma2 semaphore(%run_scoped3A : memref<!tpu.dma_semaphore, #tpu.memory_space<semaphore_mem>>) src(%dma_wait3A_32 : memref<128xi32, #tpu.memory_space<hbm>>) dst(%arg7 : memref<128xi32, #tpu.memory_space<vmem>>)
        tpu.yield
      }) : () -> ()
      %dma_start3A = arith.constant 0 : i32
      %dma_start3A_19 = arith.constant 0 : i32
      %dma_start3A_20 = tpu.memref_slice %arg2[%dma_start3A, %dma_start3A_19] : memref<10000x128xf32, #tpu.memory_space<hbm>> -> memref<10000x128xf32, #tpu.memory_space<hbm>>
      tpu.enqueue_indirect_dma source(%dma_start3A_20 : memref<10000x128xf32, #tpu.memory_space<hbm>>) target(%arg8 : memref<128x128xf32, #tpu.memory_space<vmem>>) offsets(%arg7 : memref<128xi32, #tpu.memory_space<vmem>>) semaphore(%arg11 : memref<!tpu.dma_semaphore, #tpu.memory_space<semaphore_mem>>)
      "tpu.region"() ({
        %run_scoped3A = tpu.sem_alloc : memref<!tpu.dma_semaphore, #tpu.memory_space<semaphore_mem>>
        %dma_start3A_29 = tpu.memref_slice %arg4[%mul3A_18] : memref<80000xi32, #tpu.memory_space<hbm>> -> memref<128xi32, #tpu.memory_space<hbm>>
        %dma_start3A_30 = tpu.memref_slice %arg4[%mul3A_18] : memref<80000xi32, #tpu.memory_space<hbm>> -> memref<128xi32, #tpu.memory_space<hbm>>
        tpu.enqueue_dma source(%dma_start3A_30 : memref<128xi32, #tpu.memory_space<hbm>>) target(%arg9 : memref<128xi32, #tpu.memory_space<vmem>>) target_semaphore(%run_scoped3A : memref<!tpu.dma_semaphore, #tpu.memory_space<semaphore_mem>>)
        %dma_wait3A_31 = tpu.memref_slice %arg4[%mul3A_18] : memref<80000xi32, #tpu.memory_space<hbm>> -> memref<128xi32, #tpu.memory_space<hbm>>
        %dma_wait3A_32 = tpu.memref_slice %arg4[%mul3A_18] : memref<80000xi32, #tpu.memory_space<hbm>> -> memref<128xi32, #tpu.memory_space<hbm>>
        tpu.wait_dma2 semaphore(%run_scoped3A : memref<!tpu.dma_semaphore, #tpu.memory_space<semaphore_mem>>) src(%dma_wait3A_32 : memref<128xi32, #tpu.memory_space<hbm>>) dst(%arg9 : memref<128xi32, #tpu.memory_space<vmem>>)
        tpu.yield
      }) : () -> ()
      %dma_start3A_21 = arith.constant 0 : i32
      %dma_start3A_22 = arith.constant 0 : i32
      %dma_start3A_23 = tpu.memref_slice %arg2[%dma_start3A_21, %dma_start3A_22] : memref<10000x128xf32, #tpu.memory_space<hbm>> -> memref<10000x128xf32, #tpu.memory_space<hbm>>
      tpu.enqueue_indirect_dma source(%dma_start3A_23 : memref<10000x128xf32, #tpu.memory_space<hbm>>) target(%arg10 : memref<128x128xf32, #tpu.memory_space<vmem>>) offsets(%arg9 : memref<128xi32, #tpu.memory_space<vmem>>) semaphore(%arg12 : memref<!tpu.dma_semaphore, #tpu.memory_space<semaphore_mem>>)
      %dma_wait3A = arith.constant 0 : i32
      %dma_wait3A_24 = arith.constant 0 : i32
      %dma_wait3A_25 = tpu.memref_slice %arg2[%dma_wait3A, %dma_wait3A_24] : memref<10000x128xf32, #tpu.memory_space<hbm>> -> memref<10000x128xf32, #tpu.memory_space<hbm>>
      tpu.wait_indirect_dma semaphore(%arg11 : memref<!tpu.dma_semaphore, #tpu.memory_space<semaphore_mem>>) src(%dma_wait3A_25 : memref<10000x128xf32, #tpu.memory_space<hbm>>) dst(%arg8 : memref<128x128xf32, #tpu.memory_space<vmem>>)
      "tpu.region"() ({
        %run_scoped3A = tpu.sem_alloc : memref<!tpu.dma_semaphore, #tpu.memory_space<semaphore_mem>>
        %dma_start3A_29 = arith.constant 0 : i32
        %dma_start3A_30 = tpu.memref_slice %arg5[%mul3A_18, %dma_start3A_29] : memref<80000x128xf32, #tpu.memory_space<hbm>> -> memref<128x128xf32, #tpu.memory_space<hbm>>
        %dma_start3A_31 = arith.constant 0 : i32
        %dma_start3A_32 = tpu.memref_slice %arg5[%mul3A_18, %dma_start3A_31] : memref<80000x128xf32, #tpu.memory_space<hbm>> -> memref<128x128xf32, #tpu.memory_space<hbm>>
        tpu.enqueue_dma source(%arg8 : memref<128x128xf32, #tpu.memory_space<vmem>>) target(%dma_start3A_32 : memref<128x128xf32, #tpu.memory_space<hbm>>) target_semaphore(%run_scoped3A : memref<!tpu.dma_semaphore, #tpu.memory_space<semaphore_mem>>)
        %dma_wait3A_33 = arith.constant 0 : i32
        %dma_wait3A_34 = tpu.memref_slice %arg5[%mul3A_18, %dma_wait3A_33] : memref<80000x128xf32, #tpu.memory_space<hbm>> -> memref<128x128xf32, #tpu.memory_space<hbm>>
        %dma_wait3A_35 = arith.constant 0 : i32
        %dma_wait3A_36 = tpu.memref_slice %arg5[%mul3A_18, %dma_wait3A_35] : memref<80000x128xf32, #tpu.memory_space<hbm>> -> memref<128x128xf32, #tpu.memory_space<hbm>>
        tpu.wait_dma2 semaphore(%run_scoped3A : memref<!tpu.dma_semaphore, #tpu.memory_space<semaphore_mem>>) src(%arg8 : memref<128x128xf32, #tpu.memory_space<vmem>>) dst(%dma_wait3A_36 : memref<128x128xf32, #tpu.memory_space<hbm>>)
        tpu.yield
      }) : () -> ()
      %dma_wait3A_26 = arith.constant 0 : i32
      %dma_wait3A_27 = arith.constant 0 : i32
      %dma_wait3A_28 = tpu.memref_slice %arg2[%dma_wait3A_26, %dma_wait3A_27] : memref<10000x128xf32, #tpu.memory_space<hbm>> -> memref<10000x128xf32, #tpu.memory_space<hbm>>
      tpu.wait_indirect_dma semaphore(%arg12 : memref<!tpu.dma_semaphore, #tpu.memory_space<semaphore_mem>>) src(%dma_wait3A_28 : memref<10000x128xf32, #tpu.memory_space<hbm>>) dst(%arg10 : memref<128x128xf32, #tpu.memory_space<vmem>>)
      "tpu.region"() ({
        %run_scoped3A = tpu.sem_alloc : memref<!tpu.dma_semaphore, #tpu.memory_space<semaphore_mem>>
        %dma_start3A_29 = arith.constant 0 : i32
        %dma_start3A_30 = tpu.memref_slice %arg6[%mul3A_18, %dma_start3A_29] : memref<80000x128xf32, #tpu.memory_space<hbm>> -> memref<128x128xf32, #tpu.memory_space<hbm>>
        %dma_start3A_31 = arith.constant 0 : i32
        %dma_start3A_32 = tpu.memref_slice %arg6[%mul3A_18, %dma_start3A_31] : memref<80000x128xf32, #tpu.memory_space<hbm>> -> memref<128x128xf32, #tpu.memory_space<hbm>>
        tpu.enqueue_dma source(%arg10 : memref<128x128xf32, #tpu.memory_space<vmem>>) target(%dma_start3A_32 : memref<128x128xf32, #tpu.memory_space<hbm>>) target_semaphore(%run_scoped3A : memref<!tpu.dma_semaphore, #tpu.memory_space<semaphore_mem>>)
        %dma_wait3A_33 = arith.constant 0 : i32
        %dma_wait3A_34 = tpu.memref_slice %arg6[%mul3A_18, %dma_wait3A_33] : memref<80000x128xf32, #tpu.memory_space<hbm>> -> memref<128x128xf32, #tpu.memory_space<hbm>>
        %dma_wait3A_35 = arith.constant 0 : i32
        %dma_wait3A_36 = tpu.memref_slice %arg6[%mul3A_18, %dma_wait3A_35] : memref<80000x128xf32, #tpu.memory_space<hbm>> -> memref<128x128xf32, #tpu.memory_space<hbm>>
        tpu.wait_dma2 semaphore(%run_scoped3A : memref<!tpu.dma_semaphore, #tpu.memory_space<semaphore_mem>>) src(%arg10 : memref<128x128xf32, #tpu.memory_space<vmem>>) dst(%dma_wait3A_36 : memref<128x128xf32, #tpu.memory_space<hbm>>)
        tpu.yield
      }) : () -> ()
    }
    %while3A_12 = arith.constant 1 : i32
    scf.for %while3A_13 = %while3A_10 to %while3A_6 step %while3A_12  : i32 {
      %mul3A_14 = arith.constant 32 : i32
      %mul3A_15 = arith.muli %while3A_13, %mul3A_14 : i32
      %add3A_16 = arith.addi %mul3A_15, %add3A : i32
      %mul3A_17 = arith.constant 128 : i32
      %mul3A_18 = arith.muli %add3A_16, %mul3A_17 : i32
      "tpu.region"() ({
        %run_scoped3A = tpu.sem_alloc : memref<!tpu.dma_semaphore, #tpu.memory_space<semaphore_mem>>
        %dma_start3A_29 = tpu.memref_slice %arg3[%mul3A_18] : memref<80000xi32, #tpu.memory_space<hbm>> -> memref<128xi32, #tpu.memory_space<hbm>>
        %dma_start3A_30 = tpu.memref_slice %arg3[%mul3A_18] : memref<80000xi32, #tpu.memory_space<hbm>> -> memref<128xi32, #tpu.memory_space<hbm>>
        tpu.enqueue_dma source(%dma_start3A_30 : memref<128xi32, #tpu.memory_space<hbm>>) target(%arg7 : memref<128xi32, #tpu.memory_space<vmem>>) target_semaphore(%run_scoped3A : memref<!tpu.dma_semaphore, #tpu.memory_space<semaphore_mem>>)
        %dma_wait3A_31 = tpu.memref_slice %arg3[%mul3A_18] : memref<80000xi32, #tpu.memory_space<hbm>> -> memref<128xi32, #tpu.memory_space<hbm>>
        %dma_wait3A_32 = tpu.memref_slice %arg3[%mul3A_18] : memref<80000xi32, #tpu.memory_space<hbm>> -> memref<128xi32, #tpu.memory_space<hbm>>
        tpu.wait_dma2 semaphore(%run_scoped3A : memref<!tpu.dma_semaphore, #tpu.memory_space<semaphore_mem>>) src(%dma_wait3A_32 : memref<128xi32, #tpu.memory_space<hbm>>) dst(%arg7 : memref<128xi32, #tpu.memory_space<vmem>>)
        tpu.yield
      }) : () -> ()
      %dma_start3A = arith.constant 0 : i32
      %dma_start3A_19 = arith.constant 0 : i32
      %dma_start3A_20 = tpu.memref_slice %arg2[%dma_start3A, %dma_start3A_19] : memref<10000x128xf32, #tpu.memory_space<hbm>> -> memref<10000x128xf32, #tpu.memory_space<hbm>>
      tpu.enqueue_indirect_dma source(%dma_start3A_20 : memref<10000x128xf32, #tpu.memory_space<hbm>>) target(%arg8 : memref<128x128xf32, #tpu.memory_space<vmem>>) offsets(%arg7 : memref<128xi32, #tpu.memory_space<vmem>>) semaphore(%arg11 : memref<!tpu.dma_semaphore, #tpu.memory_space<semaphore_mem>>)
      "tpu.region"() ({
        %run_scoped3A = tpu.sem_alloc : memref<!tpu.dma_semaphore, #tpu.memory_space<semaphore_mem>>
        %dma_start3A_29 = tpu.memref_slice %arg4[%mul3A_18] : memref<80000xi32, #tpu.memory_space<hbm>> -> memref<128xi32, #tpu.memory_space<hbm>>
        %dma_start3A_30 = tpu.memref_slice %arg4[%mul3A_18] : memref<80000xi32, #tpu.memory_space<hbm>> -> memref<128xi32, #tpu.memory_space<hbm>>
        tpu.enqueue_dma source(%dma_start3A_30 : memref<128xi32, #tpu.memory_space<hbm>>) target(%arg9 : memref<128xi32, #tpu.memory_space<vmem>>) target_semaphore(%run_scoped3A : memref<!tpu.dma_semaphore, #tpu.memory_space<semaphore_mem>>)
        %dma_wait3A_31 = tpu.memref_slice %arg4[%mul3A_18] : memref<80000xi32, #tpu.memory_space<hbm>> -> memref<128xi32, #tpu.memory_space<hbm>>
        %dma_wait3A_32 = tpu.memref_slice %arg4[%mul3A_18] : memref<80000xi32, #tpu.memory_space<hbm>> -> memref<128xi32, #tpu.memory_space<hbm>>
        tpu.wait_dma2 semaphore(%run_scoped3A : memref<!tpu.dma_semaphore, #tpu.memory_space<semaphore_mem>>) src(%dma_wait3A_32 : memref<128xi32, #tpu.memory_space<hbm>>) dst(%arg9 : memref<128xi32, #tpu.memory_space<vmem>>)
        tpu.yield
      }) : () -> ()
      %dma_start3A_21 = arith.constant 0 : i32
      %dma_start3A_22 = arith.constant 0 : i32
      %dma_start3A_23 = tpu.memref_slice %arg2[%dma_start3A_21, %dma_start3A_22] : memref<10000x128xf32, #tpu.memory_space<hbm>> -> memref<10000x128xf32, #tpu.memory_space<hbm>>
      tpu.enqueue_indirect_dma source(%dma_start3A_23 : memref<10000x128xf32, #tpu.memory_space<hbm>>) target(%arg10 : memref<128x128xf32, #tpu.memory_space<vmem>>) offsets(%arg9 : memref<128xi32, #tpu.memory_space<vmem>>) semaphore(%arg12 : memref<!tpu.dma_semaphore, #tpu.memory_space<semaphore_mem>>)
      %dma_wait3A = arith.constant 0 : i32
      %dma_wait3A_24 = arith.constant 0 : i32
      %dma_wait3A_25 = tpu.memref_slice %arg2[%dma_wait3A, %dma_wait3A_24] : memref<10000x128xf32, #tpu.memory_space<hbm>> -> memref<10000x128xf32, #tpu.memory_space<hbm>>
      tpu.wait_indirect_dma semaphore(%arg11 : memref<!tpu.dma_semaphore, #tpu.memory_space<semaphore_mem>>) src(%dma_wait3A_25 : memref<10000x128xf32, #tpu.memory_space<hbm>>) dst(%arg8 : memref<128x128xf32, #tpu.memory_space<vmem>>)
      "tpu.region"() ({
        %run_scoped3A = tpu.sem_alloc : memref<!tpu.dma_semaphore, #tpu.memory_space<semaphore_mem>>
        %dma_start3A_29 = arith.constant 0 : i32
        %dma_start3A_30 = tpu.memref_slice %arg5[%mul3A_18, %dma_start3A_29] : memref<80000x128xf32, #tpu.memory_space<hbm>> -> memref<128x128xf32, #tpu.memory_space<hbm>>
        %dma_start3A_31 = arith.constant 0 : i32
        %dma_start3A_32 = tpu.memref_slice %arg5[%mul3A_18, %dma_start3A_31] : memref<80000x128xf32, #tpu.memory_space<hbm>> -> memref<128x128xf32, #tpu.memory_space<hbm>>
        tpu.enqueue_dma source(%arg8 : memref<128x128xf32, #tpu.memory_space<vmem>>) target(%dma_start3A_32 : memref<128x128xf32, #tpu.memory_space<hbm>>) target_semaphore(%run_scoped3A : memref<!tpu.dma_semaphore, #tpu.memory_space<semaphore_mem>>)
        %dma_wait3A_33 = arith.constant 0 : i32
        %dma_wait3A_34 = tpu.memref_slice %arg5[%mul3A_18, %dma_wait3A_33] : memref<80000x128xf32, #tpu.memory_space<hbm>> -> memref<128x128xf32, #tpu.memory_space<hbm>>
        %dma_wait3A_35 = arith.constant 0 : i32
        %dma_wait3A_36 = tpu.memref_slice %arg5[%mul3A_18, %dma_wait3A_35] : memref<80000x128xf32, #tpu.memory_space<hbm>> -> memref<128x128xf32, #tpu.memory_space<hbm>>
        tpu.wait_dma2 semaphore(%run_scoped3A : memref<!tpu.dma_semaphore, #tpu.memory_space<semaphore_mem>>) src(%arg8 : memref<128x128xf32, #tpu.memory_space<vmem>>) dst(%dma_wait3A_36 : memref<128x128xf32, #tpu.memory_space<hbm>>)
        tpu.yield
      }) : () -> ()
      %dma_wait3A_26 = arith.constant 0 : i32
      %dma_wait3A_27 = arith.constant 0 : i32
      %dma_wait3A_28 = tpu.memref_slice %arg2[%dma_wait3A_26, %dma_wait3A_27] : memref<10000x128xf32, #tpu.memory_space<hbm>> -> memref<10000x128xf32, #tpu.memory_space<hbm>>
      tpu.wait_indirect_dma semaphore(%arg12 : memref<!tpu.dma_semaphore, #tpu.memory_space<semaphore_mem>>) src(%dma_wait3A_28 : memref<10000x128xf32, #tpu.memory_space<hbm>>) dst(%arg10 : memref<128x128xf32, #tpu.memory_space<vmem>>)
      "tpu.region"() ({
        %run_scoped3A = tpu.sem_alloc : memref<!tpu.dma_semaphore, #tpu.memory_space<semaphore_mem>>
        %dma_start3A_29 = arith.constant 0 : i32
        %dma_start3A_30 = tpu.memref_slice %arg6[%mul3A_18, %dma_start3A_29] : memref<80000x128xf32, #tpu.memory_space<hbm>> -> memref<128x128xf32, #tpu.memory_space<hbm>>
        %dma_start3A_31 = arith.constant 0 : i32
        %dma_start3A_32 = tpu.memref_slice %arg6[%mul3A_18, %dma_start3A_31] : memref<80000x128xf32, #tpu.memory_space<hbm>> -> memref<128x128xf32, #tpu.memory_space<hbm>>
        tpu.enqueue_dma source(%arg10 : memref<128x128xf32, #tpu.memory_space<vmem>>) target(%dma_start3A_32 : memref<128x128xf32, #tpu.memory_space<hbm>>) target_semaphore(%run_scoped3A : memref<!tpu.dma_semaphore, #tpu.memory_space<semaphore_mem>>)
        %dma_wait3A_33 = arith.constant 0 : i32
        %dma_wait3A_34 = tpu.memref_slice %arg6[%mul3A_18, %dma_wait3A_33] : memref<80000x128xf32, #tpu.memory_space<hbm>> -> memref<128x128xf32, #tpu.memory_space<hbm>>
        %dma_wait3A_35 = arith.constant 0 : i32
        %dma_wait3A_36 = tpu.memref_slice %arg6[%mul3A_18, %dma_wait3A_35] : memref<80000x128xf32, #tpu.memory_space<hbm>> -> memref<128x128xf32, #tpu.memory_space<hbm>>
        tpu.wait_dma2 semaphore(%run_scoped3A : memref<!tpu.dma_semaphore, #tpu.memory_space<semaphore_mem>>) src(%arg10 : memref<128x128xf32, #tpu.memory_space<vmem>>) dst(%dma_wait3A_36 : memref<128x128xf32, #tpu.memory_space<hbm>>)
        tpu.yield
      }) : () -> ()
    }
    return
  }
}

#map = affine_map<(d0, d1) -> (0, 0)>
#map1 = affine_map<(d0, d1) -> (0)>
#map2 = affine_map<(d0, d1) -> (0, 0, 0)>
module attributes {stable_mosaic.version = 14 : i64} {
  func.func @_scatter_body(%arg0: i32, %arg1: i32, %arg2: memref<80000x128xf32, #tpu.memory_space<hbm>>, %arg3: memref<80000xi32, #tpu.memory_space<hbm>>, %arg4: memref<10240x128xf32, #tpu.memory_space<hbm>>, %arg5: memref<2x10240x128xf32, #tpu.memory_space<hbm>>, %arg6: memref<128xi32, #tpu.memory_space<vmem>>, %arg7: memref<128x128xf32, #tpu.memory_space<vmem>>, %arg8: memref<10240x128xf32, #tpu.memory_space<vmem_shared>>) attributes {dimension_semantics = [#tpu.dimension_semantics<core_parallel>, #tpu.dimension_semantics<subcore_parallel>], iteration_bounds = array<i64: 2, 16>, scalar_prefetch = 0 : i64, scratch_operands = 3 : i64, tpu.core_type = #tpu.core_type<sc_vector_subcore>, window_params = [{transform_indices = #map}, {transform_indices = #map1}, {transform_indices = #map}, {transform_indices = #map2}]} {
    %mul3A = arith.constant 2 : i32
    %mul3A_0 = arith.muli %arg1, %mul3A : i32
    %add3A = arith.addi %mul3A_0, %arg0 : i32
    %lt3A = arith.constant 17 : i32
    %lt3A_1 = arith.cmpi slt, %add3A, %lt3A : i32
    %convert_element_type3A = arith.extui %lt3A_1 : i1 to i32
    %add3A_2 = arith.constant 19 : i32
    %add3A_3 = arith.addi %add3A_2, %convert_element_type3A : i32
    %mul3A_4 = arith.constant 640 : i32
    %mul3A_5 = arith.muli %arg1, %mul3A_4 : i32
    %mul3A_6 = arith.constant 640 : i32
    %mul3A_7 = arith.muli %arg1, %mul3A_6 : i32
    "tpu.region"() ({
      %run_scoped3A = tpu.sem_alloc : memref<!tpu.dma_semaphore, #tpu.memory_space<semaphore_mem>>
      %dma_start3A = arith.constant 0 : i32
      %dma_start3A_22 = tpu.memref_slice %arg8[%mul3A_7, %dma_start3A] : memref<10240x128xf32, #tpu.memory_space<vmem_shared>> -> memref<640x128xf32, #tpu.memory_space<vmem_shared>>
      %dma_start3A_23 = arith.constant 0 : i32
      %dma_start3A_24 = tpu.memref_slice %arg4[%mul3A_5, %dma_start3A_23] : memref<10240x128xf32, #tpu.memory_space<hbm>> -> memref<640x128xf32, #tpu.memory_space<hbm>>
      tpu.enqueue_dma source(%dma_start3A_24 : memref<640x128xf32, #tpu.memory_space<hbm>>) target(%dma_start3A_22 : memref<640x128xf32, #tpu.memory_space<vmem_shared>>) target_semaphore(%run_scoped3A : memref<!tpu.dma_semaphore, #tpu.memory_space<semaphore_mem>>)
      %dma_wait3A = arith.constant 0 : i32
      %dma_wait3A_25 = tpu.memref_slice %arg8[%mul3A_7, %dma_wait3A] : memref<10240x128xf32, #tpu.memory_space<vmem_shared>> -> memref<640x128xf32, #tpu.memory_space<vmem_shared>>
      %dma_wait3A_26 = arith.constant 0 : i32
      %dma_wait3A_27 = tpu.memref_slice %arg4[%mul3A_5, %dma_wait3A_26] : memref<10240x128xf32, #tpu.memory_space<hbm>> -> memref<640x128xf32, #tpu.memory_space<hbm>>
      tpu.wait_dma2 semaphore(%run_scoped3A : memref<!tpu.dma_semaphore, #tpu.memory_space<semaphore_mem>>) src(%dma_wait3A_27 : memref<640x128xf32, #tpu.memory_space<hbm>>) dst(%dma_wait3A_25 : memref<640x128xf32, #tpu.memory_space<vmem_shared>>)
      tpu.yield
    }) : () -> ()
    %barrier3A = arith.constant 0 : index
    tpu.barrier barrier_id(%barrier3A)
    %while3A = arith.constant 0 : i32
    %while3A_8 = arith.constant 0 : i32
    %while3A_9 = arith.subi %add3A_3, %while3A_8 : i32
    %while3A_10 = arith.addi %while3A_8, %while3A_9 : i32
    %while3A_11 = arith.constant 1 : i32
    %while3A_12 = arith.divsi %while3A_9, %while3A_11 : i32
    %while3A_13 = arith.muli %while3A_12, %while3A_11 : i32
    %while3A_14 = arith.addi %while3A_8, %while3A_13 : i32
    %while3A_15 = arith.constant 1 : i32
    scf.for %while3A_22 = %while3A_8 to %while3A_14 step %while3A_15  : i32 {
      %mul3A_23 = arith.constant 32 : i32
      %mul3A_24 = arith.muli %while3A_22, %mul3A_23 : i32
      %add3A_25 = arith.addi %mul3A_24, %add3A : i32
      %mul3A_26 = arith.constant 128 : i32
      %mul3A_27 = arith.muli %add3A_25, %mul3A_26 : i32
      "tpu.region"() ({
        %run_scoped3A = tpu.sem_alloc : memref<!tpu.dma_semaphore, #tpu.memory_space<semaphore_mem>>
        %dma_start3A = arith.constant 0 : i32
        %dma_start3A_28 = tpu.memref_slice %arg2[%mul3A_27, %dma_start3A] : memref<80000x128xf32, #tpu.memory_space<hbm>> -> memref<128x128xf32, #tpu.memory_space<hbm>>
        %dma_start3A_29 = arith.constant 0 : i32
        %dma_start3A_30 = tpu.memref_slice %arg2[%mul3A_27, %dma_start3A_29] : memref<80000x128xf32, #tpu.memory_space<hbm>> -> memref<128x128xf32, #tpu.memory_space<hbm>>
        tpu.enqueue_dma source(%dma_start3A_30 : memref<128x128xf32, #tpu.memory_space<hbm>>) target(%arg7 : memref<128x128xf32, #tpu.memory_space<vmem>>) target_semaphore(%run_scoped3A : memref<!tpu.dma_semaphore, #tpu.memory_space<semaphore_mem>>)
        %dma_wait3A = arith.constant 0 : i32
        %dma_wait3A_31 = tpu.memref_slice %arg2[%mul3A_27, %dma_wait3A] : memref<80000x128xf32, #tpu.memory_space<hbm>> -> memref<128x128xf32, #tpu.memory_space<hbm>>
        %dma_wait3A_32 = arith.constant 0 : i32
        %dma_wait3A_33 = tpu.memref_slice %arg2[%mul3A_27, %dma_wait3A_32] : memref<80000x128xf32, #tpu.memory_space<hbm>> -> memref<128x128xf32, #tpu.memory_space<hbm>>
        tpu.wait_dma2 semaphore(%run_scoped3A : memref<!tpu.dma_semaphore, #tpu.memory_space<semaphore_mem>>) src(%dma_wait3A_33 : memref<128x128xf32, #tpu.memory_space<hbm>>) dst(%arg7 : memref<128x128xf32, #tpu.memory_space<vmem>>)
        tpu.yield
      }) : () -> ()
      "tpu.region"() ({
        %run_scoped3A = tpu.sem_alloc : memref<!tpu.dma_semaphore, #tpu.memory_space<semaphore_mem>>
        %dma_start3A = tpu.memref_slice %arg3[%mul3A_27] : memref<80000xi32, #tpu.memory_space<hbm>> -> memref<128xi32, #tpu.memory_space<hbm>>
        %dma_start3A_28 = tpu.memref_slice %arg3[%mul3A_27] : memref<80000xi32, #tpu.memory_space<hbm>> -> memref<128xi32, #tpu.memory_space<hbm>>
        tpu.enqueue_dma source(%dma_start3A_28 : memref<128xi32, #tpu.memory_space<hbm>>) target(%arg6 : memref<128xi32, #tpu.memory_space<vmem>>) target_semaphore(%run_scoped3A : memref<!tpu.dma_semaphore, #tpu.memory_space<semaphore_mem>>)
        %dma_wait3A = tpu.memref_slice %arg3[%mul3A_27] : memref<80000xi32, #tpu.memory_space<hbm>> -> memref<128xi32, #tpu.memory_space<hbm>>
        %dma_wait3A_29 = tpu.memref_slice %arg3[%mul3A_27] : memref<80000xi32, #tpu.memory_space<hbm>> -> memref<128xi32, #tpu.memory_space<hbm>>
        tpu.wait_dma2 semaphore(%run_scoped3A : memref<!tpu.dma_semaphore, #tpu.memory_space<semaphore_mem>>) src(%dma_wait3A_29 : memref<128xi32, #tpu.memory_space<hbm>>) dst(%arg6 : memref<128xi32, #tpu.memory_space<vmem>>)
        tpu.yield
      }) : () -> ()
      "tpu.region"() ({
        %run_scoped3A = tpu.sem_alloc : memref<!tpu.dma_semaphore, #tpu.memory_space<semaphore_mem>>
        %dma_start3A = arith.constant 0 : i32
        %dma_start3A_28 = arith.constant 0 : i32
        %dma_start3A_29 = tpu.memref_slice %arg8[%dma_start3A, %dma_start3A_28] : memref<10240x128xf32, #tpu.memory_space<vmem_shared>> -> memref<10240x128xf32, #tpu.memory_space<vmem_shared>>
        tpu.enqueue_indirect_dma source(%arg7 : memref<128x128xf32, #tpu.memory_space<vmem>>) target(%dma_start3A_29 : memref<10240x128xf32, #tpu.memory_space<vmem_shared>>) offsets(%arg6 : memref<128xi32, #tpu.memory_space<vmem>>) semaphore(%run_scoped3A : memref<!tpu.dma_semaphore, #tpu.memory_space<semaphore_mem>>) {add = true}
        %dma_wait3A = arith.constant 0 : i32
        %dma_wait3A_30 = arith.constant 0 : i32
        %dma_wait3A_31 = tpu.memref_slice %arg8[%dma_wait3A, %dma_wait3A_30] : memref<10240x128xf32, #tpu.memory_space<vmem_shared>> -> memref<10240x128xf32, #tpu.memory_space<vmem_shared>>
        tpu.wait_indirect_dma semaphore(%run_scoped3A : memref<!tpu.dma_semaphore, #tpu.memory_space<semaphore_mem>>) src(%arg7 : memref<128x128xf32, #tpu.memory_space<vmem>>) dst(%dma_wait3A_31 : memref<10240x128xf32, #tpu.memory_space<vmem_shared>>)
        tpu.yield
      }) : () -> ()
    }
    %while3A_16 = arith.constant 1 : i32
    scf.for %while3A_22 = %while3A_14 to %while3A_10 step %while3A_16  : i32 {
      %mul3A_23 = arith.constant 32 : i32
      %mul3A_24 = arith.muli %while3A_22, %mul3A_23 : i32
      %add3A_25 = arith.addi %mul3A_24, %add3A : i32
      %mul3A_26 = arith.constant 128 : i32
      %mul3A_27 = arith.muli %add3A_25, %mul3A_26 : i32
      "tpu.region"() ({
        %run_scoped3A = tpu.sem_alloc : memref<!tpu.dma_semaphore, #tpu.memory_space<semaphore_mem>>
        %dma_start3A = arith.constant 0 : i32
        %dma_start3A_28 = tpu.memref_slice %arg2[%mul3A_27, %dma_start3A] : memref<80000x128xf32, #tpu.memory_space<hbm>> -> memref<128x128xf32, #tpu.memory_space<hbm>>
        %dma_start3A_29 = arith.constant 0 : i32
        %dma_start3A_30 = tpu.memref_slice %arg2[%mul3A_27, %dma_start3A_29] : memref<80000x128xf32, #tpu.memory_space<hbm>> -> memref<128x128xf32, #tpu.memory_space<hbm>>
        tpu.enqueue_dma source(%dma_start3A_30 : memref<128x128xf32, #tpu.memory_space<hbm>>) target(%arg7 : memref<128x128xf32, #tpu.memory_space<vmem>>) target_semaphore(%run_scoped3A : memref<!tpu.dma_semaphore, #tpu.memory_space<semaphore_mem>>)
        %dma_wait3A = arith.constant 0 : i32
        %dma_wait3A_31 = tpu.memref_slice %arg2[%mul3A_27, %dma_wait3A] : memref<80000x128xf32, #tpu.memory_space<hbm>> -> memref<128x128xf32, #tpu.memory_space<hbm>>
        %dma_wait3A_32 = arith.constant 0 : i32
        %dma_wait3A_33 = tpu.memref_slice %arg2[%mul3A_27, %dma_wait3A_32] : memref<80000x128xf32, #tpu.memory_space<hbm>> -> memref<128x128xf32, #tpu.memory_space<hbm>>
        tpu.wait_dma2 semaphore(%run_scoped3A : memref<!tpu.dma_semaphore, #tpu.memory_space<semaphore_mem>>) src(%dma_wait3A_33 : memref<128x128xf32, #tpu.memory_space<hbm>>) dst(%arg7 : memref<128x128xf32, #tpu.memory_space<vmem>>)
        tpu.yield
      }) : () -> ()
      "tpu.region"() ({
        %run_scoped3A = tpu.sem_alloc : memref<!tpu.dma_semaphore, #tpu.memory_space<semaphore_mem>>
        %dma_start3A = tpu.memref_slice %arg3[%mul3A_27] : memref<80000xi32, #tpu.memory_space<hbm>> -> memref<128xi32, #tpu.memory_space<hbm>>
        %dma_start3A_28 = tpu.memref_slice %arg3[%mul3A_27] : memref<80000xi32, #tpu.memory_space<hbm>> -> memref<128xi32, #tpu.memory_space<hbm>>
        tpu.enqueue_dma source(%dma_start3A_28 : memref<128xi32, #tpu.memory_space<hbm>>) target(%arg6 : memref<128xi32, #tpu.memory_space<vmem>>) target_semaphore(%run_scoped3A : memref<!tpu.dma_semaphore, #tpu.memory_space<semaphore_mem>>)
        %dma_wait3A = tpu.memref_slice %arg3[%mul3A_27] : memref<80000xi32, #tpu.memory_space<hbm>> -> memref<128xi32, #tpu.memory_space<hbm>>
        %dma_wait3A_29 = tpu.memref_slice %arg3[%mul3A_27] : memref<80000xi32, #tpu.memory_space<hbm>> -> memref<128xi32, #tpu.memory_space<hbm>>
        tpu.wait_dma2 semaphore(%run_scoped3A : memref<!tpu.dma_semaphore, #tpu.memory_space<semaphore_mem>>) src(%dma_wait3A_29 : memref<128xi32, #tpu.memory_space<hbm>>) dst(%arg6 : memref<128xi32, #tpu.memory_space<vmem>>)
        tpu.yield
      }) : () -> ()
      "tpu.region"() ({
        %run_scoped3A = tpu.sem_alloc : memref<!tpu.dma_semaphore, #tpu.memory_space<semaphore_mem>>
        %dma_start3A = arith.constant 0 : i32
        %dma_start3A_28 = arith.constant 0 : i32
        %dma_start3A_29 = tpu.memref_slice %arg8[%dma_start3A, %dma_start3A_28] : memref<10240x128xf32, #tpu.memory_space<vmem_shared>> -> memref<10240x128xf32, #tpu.memory_space<vmem_shared>>
        tpu.enqueue_indirect_dma source(%arg7 : memref<128x128xf32, #tpu.memory_space<vmem>>) target(%dma_start3A_29 : memref<10240x128xf32, #tpu.memory_space<vmem_shared>>) offsets(%arg6 : memref<128xi32, #tpu.memory_space<vmem>>) semaphore(%run_scoped3A : memref<!tpu.dma_semaphore, #tpu.memory_space<semaphore_mem>>) {add = true}
        %dma_wait3A = arith.constant 0 : i32
        %dma_wait3A_30 = arith.constant 0 : i32
        %dma_wait3A_31 = tpu.memref_slice %arg8[%dma_wait3A, %dma_wait3A_30] : memref<10240x128xf32, #tpu.memory_space<vmem_shared>> -> memref<10240x128xf32, #tpu.memory_space<vmem_shared>>
        tpu.wait_indirect_dma semaphore(%run_scoped3A : memref<!tpu.dma_semaphore, #tpu.memory_space<semaphore_mem>>) src(%arg7 : memref<128x128xf32, #tpu.memory_space<vmem>>) dst(%dma_wait3A_31 : memref<10240x128xf32, #tpu.memory_space<vmem_shared>>)
        tpu.yield
      }) : () -> ()
    }
    %barrier3A_17 = arith.constant 0 : index
    tpu.barrier barrier_id(%barrier3A_17)
    %mul3A_18 = arith.constant 640 : i32
    %mul3A_19 = arith.muli %arg1, %mul3A_18 : i32
    %mul3A_20 = arith.constant 640 : i32
    %mul3A_21 = arith.muli %arg1, %mul3A_20 : i32
    "tpu.region"() ({
      %run_scoped3A = tpu.sem_alloc : memref<!tpu.dma_semaphore, #tpu.memory_space<semaphore_mem>>
      %dma_start3A = arith.constant 0 : i32
      %dma_start3A_22 = tpu.memref_slice %arg5[%arg0, %mul3A_21, %dma_start3A] : memref<2x10240x128xf32, #tpu.memory_space<hbm>> -> memref<1x640x128xf32, #tpu.memory_space<hbm>>
      %dma_start3A_23 = tpu.memref_squeeze %dma_start3A_22 : memref<1x640x128xf32, #tpu.memory_space<hbm>> -> memref<640x128xf32, #tpu.memory_space<hbm>>
      %dma_start3A_24 = arith.constant 0 : i32
      %dma_start3A_25 = tpu.memref_slice %arg8[%mul3A_19, %dma_start3A_24] : memref<10240x128xf32, #tpu.memory_space<vmem_shared>> -> memref<640x128xf32, #tpu.memory_space<vmem_shared>>
      tpu.enqueue_dma source(%dma_start3A_25 : memref<640x128xf32, #tpu.memory_space<vmem_shared>>) target(%dma_start3A_23 : memref<640x128xf32, #tpu.memory_space<hbm>>) target_semaphore(%run_scoped3A : memref<!tpu.dma_semaphore, #tpu.memory_space<semaphore_mem>>)
      %dma_wait3A = arith.constant 0 : i32
      %dma_wait3A_26 = tpu.memref_slice %arg5[%arg0, %mul3A_21, %dma_wait3A] : memref<2x10240x128xf32, #tpu.memory_space<hbm>> -> memref<1x640x128xf32, #tpu.memory_space<hbm>>
      %dma_wait3A_27 = tpu.memref_squeeze %dma_wait3A_26 : memref<1x640x128xf32, #tpu.memory_space<hbm>> -> memref<640x128xf32, #tpu.memory_space<hbm>>
      %dma_wait3A_28 = arith.constant 0 : i32
      %dma_wait3A_29 = tpu.memref_slice %arg8[%mul3A_19, %dma_wait3A_28] : memref<10240x128xf32, #tpu.memory_space<vmem_shared>> -> memref<640x128xf32, #tpu.memory_space<vmem_shared>>
      tpu.wait_dma2 semaphore(%run_scoped3A : memref<!tpu.dma_semaphore, #tpu.memory_space<semaphore_mem>>) src(%dma_wait3A_29 : memref<640x128xf32, #tpu.memory_space<vmem_shared>>) dst(%dma_wait3A_27 : memref<640x128xf32, #tpu.memory_space<hbm>>)
      tpu.yield
    }) : () -> ()
    return
  }
}

#map = affine_map<(d0, d1) -> (0, 0)>
#map1 = affine_map<(d0, d1) -> (0)>
#map2 = affine_map<(d0, d1) -> (0, 0, 0)>
module attributes {stable_mosaic.version = 14 : i64} {
  func.func @_scatter_body(%arg0: i32, %arg1: i32, %arg2: memref<80000x128xf32, #tpu.memory_space<hbm>>, %arg3: memref<80000xi32, #tpu.memory_space<hbm>>, %arg4: memref<10240x128xf32, #tpu.memory_space<hbm>>, %arg5: memref<2x10240x128xf32, #tpu.memory_space<hbm>>, %arg6: memref<128xi32, #tpu.memory_space<vmem>>, %arg7: memref<128x128xf32, #tpu.memory_space<vmem>>, %arg8: memref<10240x128xf32, #tpu.memory_space<vmem_shared>>) attributes {dimension_semantics = [#tpu.dimension_semantics<core_parallel>, #tpu.dimension_semantics<subcore_parallel>], iteration_bounds = array<i64: 2, 16>, scalar_prefetch = 0 : i64, scratch_operands = 3 : i64, tpu.core_type = #tpu.core_type<sc_vector_subcore>, window_params = [{transform_indices = #map}, {transform_indices = #map1}, {transform_indices = #map}, {transform_indices = #map2}]} {
    %mul3A = arith.constant 2 : i32
    %mul3A_0 = arith.muli %arg1, %mul3A : i32
    %add3A = arith.addi %mul3A_0, %arg0 : i32
    %lt3A = arith.constant 17 : i32
    %lt3A_1 = arith.cmpi slt, %add3A, %lt3A : i32
    %convert_element_type3A = arith.extui %lt3A_1 : i1 to i32
    %add3A_2 = arith.constant 19 : i32
    %add3A_3 = arith.addi %add3A_2, %convert_element_type3A : i32
    %mul3A_4 = arith.constant 640 : i32
    %mul3A_5 = arith.muli %arg1, %mul3A_4 : i32
    %mul3A_6 = arith.constant 640 : i32
    %mul3A_7 = arith.muli %arg1, %mul3A_6 : i32
    "tpu.region"() ({
      %run_scoped3A = tpu.sem_alloc : memref<!tpu.dma_semaphore, #tpu.memory_space<semaphore_mem>>
      %dma_start3A = arith.constant 0 : i32
      %dma_start3A_22 = tpu.memref_slice %arg8[%mul3A_7, %dma_start3A] : memref<10240x128xf32, #tpu.memory_space<vmem_shared>> -> memref<640x128xf32, #tpu.memory_space<vmem_shared>>
      %dma_start3A_23 = arith.constant 0 : i32
      %dma_start3A_24 = tpu.memref_slice %arg4[%mul3A_5, %dma_start3A_23] : memref<10240x128xf32, #tpu.memory_space<hbm>> -> memref<640x128xf32, #tpu.memory_space<hbm>>
      tpu.enqueue_dma source(%dma_start3A_24 : memref<640x128xf32, #tpu.memory_space<hbm>>) target(%dma_start3A_22 : memref<640x128xf32, #tpu.memory_space<vmem_shared>>) target_semaphore(%run_scoped3A : memref<!tpu.dma_semaphore, #tpu.memory_space<semaphore_mem>>)
      %dma_wait3A = arith.constant 0 : i32
      %dma_wait3A_25 = tpu.memref_slice %arg8[%mul3A_7, %dma_wait3A] : memref<10240x128xf32, #tpu.memory_space<vmem_shared>> -> memref<640x128xf32, #tpu.memory_space<vmem_shared>>
      %dma_wait3A_26 = arith.constant 0 : i32
      %dma_wait3A_27 = tpu.memref_slice %arg4[%mul3A_5, %dma_wait3A_26] : memref<10240x128xf32, #tpu.memory_space<hbm>> -> memref<640x128xf32, #tpu.memory_space<hbm>>
      tpu.wait_dma2 semaphore(%run_scoped3A : memref<!tpu.dma_semaphore, #tpu.memory_space<semaphore_mem>>) src(%dma_wait3A_27 : memref<640x128xf32, #tpu.memory_space<hbm>>) dst(%dma_wait3A_25 : memref<640x128xf32, #tpu.memory_space<vmem_shared>>)
      tpu.yield
    }) : () -> ()
    %barrier3A = arith.constant 0 : index
    tpu.barrier barrier_id(%barrier3A)
    %while3A = arith.constant 0 : i32
    %while3A_8 = arith.constant 0 : i32
    %while3A_9 = arith.subi %add3A_3, %while3A_8 : i32
    %while3A_10 = arith.addi %while3A_8, %while3A_9 : i32
    %while3A_11 = arith.constant 1 : i32
    %while3A_12 = arith.divsi %while3A_9, %while3A_11 : i32
    %while3A_13 = arith.muli %while3A_12, %while3A_11 : i32
    %while3A_14 = arith.addi %while3A_8, %while3A_13 : i32
    %while3A_15 = arith.constant 1 : i32
    scf.for %while3A_22 = %while3A_8 to %while3A_14 step %while3A_15  : i32 {
      %mul3A_23 = arith.constant 32 : i32
      %mul3A_24 = arith.muli %while3A_22, %mul3A_23 : i32
      %add3A_25 = arith.addi %mul3A_24, %add3A : i32
      %mul3A_26 = arith.constant 128 : i32
      %mul3A_27 = arith.muli %add3A_25, %mul3A_26 : i32
      "tpu.region"() ({
        %run_scoped3A = tpu.sem_alloc : memref<!tpu.dma_semaphore, #tpu.memory_space<semaphore_mem>>
        %dma_start3A = arith.constant 0 : i32
        %dma_start3A_28 = tpu.memref_slice %arg2[%mul3A_27, %dma_start3A] : memref<80000x128xf32, #tpu.memory_space<hbm>> -> memref<128x128xf32, #tpu.memory_space<hbm>>
        %dma_start3A_29 = arith.constant 0 : i32
        %dma_start3A_30 = tpu.memref_slice %arg2[%mul3A_27, %dma_start3A_29] : memref<80000x128xf32, #tpu.memory_space<hbm>> -> memref<128x128xf32, #tpu.memory_space<hbm>>
        tpu.enqueue_dma source(%dma_start3A_30 : memref<128x128xf32, #tpu.memory_space<hbm>>) target(%arg7 : memref<128x128xf32, #tpu.memory_space<vmem>>) target_semaphore(%run_scoped3A : memref<!tpu.dma_semaphore, #tpu.memory_space<semaphore_mem>>)
        %dma_wait3A = arith.constant 0 : i32
        %dma_wait3A_31 = tpu.memref_slice %arg2[%mul3A_27, %dma_wait3A] : memref<80000x128xf32, #tpu.memory_space<hbm>> -> memref<128x128xf32, #tpu.memory_space<hbm>>
        %dma_wait3A_32 = arith.constant 0 : i32
        %dma_wait3A_33 = tpu.memref_slice %arg2[%mul3A_27, %dma_wait3A_32] : memref<80000x128xf32, #tpu.memory_space<hbm>> -> memref<128x128xf32, #tpu.memory_space<hbm>>
        tpu.wait_dma2 semaphore(%run_scoped3A : memref<!tpu.dma_semaphore, #tpu.memory_space<semaphore_mem>>) src(%dma_wait3A_33 : memref<128x128xf32, #tpu.memory_space<hbm>>) dst(%arg7 : memref<128x128xf32, #tpu.memory_space<vmem>>)
        tpu.yield
      }) : () -> ()
      "tpu.region"() ({
        %run_scoped3A = tpu.sem_alloc : memref<!tpu.dma_semaphore, #tpu.memory_space<semaphore_mem>>
        %dma_start3A = tpu.memref_slice %arg3[%mul3A_27] : memref<80000xi32, #tpu.memory_space<hbm>> -> memref<128xi32, #tpu.memory_space<hbm>>
        %dma_start3A_28 = tpu.memref_slice %arg3[%mul3A_27] : memref<80000xi32, #tpu.memory_space<hbm>> -> memref<128xi32, #tpu.memory_space<hbm>>
        tpu.enqueue_dma source(%dma_start3A_28 : memref<128xi32, #tpu.memory_space<hbm>>) target(%arg6 : memref<128xi32, #tpu.memory_space<vmem>>) target_semaphore(%run_scoped3A : memref<!tpu.dma_semaphore, #tpu.memory_space<semaphore_mem>>)
        %dma_wait3A = tpu.memref_slice %arg3[%mul3A_27] : memref<80000xi32, #tpu.memory_space<hbm>> -> memref<128xi32, #tpu.memory_space<hbm>>
        %dma_wait3A_29 = tpu.memref_slice %arg3[%mul3A_27] : memref<80000xi32, #tpu.memory_space<hbm>> -> memref<128xi32, #tpu.memory_space<hbm>>
        tpu.wait_dma2 semaphore(%run_scoped3A : memref<!tpu.dma_semaphore, #tpu.memory_space<semaphore_mem>>) src(%dma_wait3A_29 : memref<128xi32, #tpu.memory_space<hbm>>) dst(%arg6 : memref<128xi32, #tpu.memory_space<vmem>>)
        tpu.yield
      }) : () -> ()
      "tpu.region"() ({
        %run_scoped3A = tpu.sem_alloc : memref<!tpu.dma_semaphore, #tpu.memory_space<semaphore_mem>>
        %dma_start3A = arith.constant 0 : i32
        %dma_start3A_28 = arith.constant 0 : i32
        %dma_start3A_29 = tpu.memref_slice %arg8[%dma_start3A, %dma_start3A_28] : memref<10240x128xf32, #tpu.memory_space<vmem_shared>> -> memref<10240x128xf32, #tpu.memory_space<vmem_shared>>
        tpu.enqueue_indirect_dma source(%arg7 : memref<128x128xf32, #tpu.memory_space<vmem>>) target(%dma_start3A_29 : memref<10240x128xf32, #tpu.memory_space<vmem_shared>>) offsets(%arg6 : memref<128xi32, #tpu.memory_space<vmem>>) semaphore(%run_scoped3A : memref<!tpu.dma_semaphore, #tpu.memory_space<semaphore_mem>>) {add = true}
        %dma_wait3A = arith.constant 0 : i32
        %dma_wait3A_30 = arith.constant 0 : i32
        %dma_wait3A_31 = tpu.memref_slice %arg8[%dma_wait3A, %dma_wait3A_30] : memref<10240x128xf32, #tpu.memory_space<vmem_shared>> -> memref<10240x128xf32, #tpu.memory_space<vmem_shared>>
        tpu.wait_indirect_dma semaphore(%run_scoped3A : memref<!tpu.dma_semaphore, #tpu.memory_space<semaphore_mem>>) src(%arg7 : memref<128x128xf32, #tpu.memory_space<vmem>>) dst(%dma_wait3A_31 : memref<10240x128xf32, #tpu.memory_space<vmem_shared>>)
        tpu.yield
      }) : () -> ()
    }
    %while3A_16 = arith.constant 1 : i32
    scf.for %while3A_22 = %while3A_14 to %while3A_10 step %while3A_16  : i32 {
      %mul3A_23 = arith.constant 32 : i32
      %mul3A_24 = arith.muli %while3A_22, %mul3A_23 : i32
      %add3A_25 = arith.addi %mul3A_24, %add3A : i32
      %mul3A_26 = arith.constant 128 : i32
      %mul3A_27 = arith.muli %add3A_25, %mul3A_26 : i32
      "tpu.region"() ({
        %run_scoped3A = tpu.sem_alloc : memref<!tpu.dma_semaphore, #tpu.memory_space<semaphore_mem>>
        %dma_start3A = arith.constant 0 : i32
        %dma_start3A_28 = tpu.memref_slice %arg2[%mul3A_27, %dma_start3A] : memref<80000x128xf32, #tpu.memory_space<hbm>> -> memref<128x128xf32, #tpu.memory_space<hbm>>
        %dma_start3A_29 = arith.constant 0 : i32
        %dma_start3A_30 = tpu.memref_slice %arg2[%mul3A_27, %dma_start3A_29] : memref<80000x128xf32, #tpu.memory_space<hbm>> -> memref<128x128xf32, #tpu.memory_space<hbm>>
        tpu.enqueue_dma source(%dma_start3A_30 : memref<128x128xf32, #tpu.memory_space<hbm>>) target(%arg7 : memref<128x128xf32, #tpu.memory_space<vmem>>) target_semaphore(%run_scoped3A : memref<!tpu.dma_semaphore, #tpu.memory_space<semaphore_mem>>)
        %dma_wait3A = arith.constant 0 : i32
        %dma_wait3A_31 = tpu.memref_slice %arg2[%mul3A_27, %dma_wait3A] : memref<80000x128xf32, #tpu.memory_space<hbm>> -> memref<128x128xf32, #tpu.memory_space<hbm>>
        %dma_wait3A_32 = arith.constant 0 : i32
        %dma_wait3A_33 = tpu.memref_slice %arg2[%mul3A_27, %dma_wait3A_32] : memref<80000x128xf32, #tpu.memory_space<hbm>> -> memref<128x128xf32, #tpu.memory_space<hbm>>
        tpu.wait_dma2 semaphore(%run_scoped3A : memref<!tpu.dma_semaphore, #tpu.memory_space<semaphore_mem>>) src(%dma_wait3A_33 : memref<128x128xf32, #tpu.memory_space<hbm>>) dst(%arg7 : memref<128x128xf32, #tpu.memory_space<vmem>>)
        tpu.yield
      }) : () -> ()
      "tpu.region"() ({
        %run_scoped3A = tpu.sem_alloc : memref<!tpu.dma_semaphore, #tpu.memory_space<semaphore_mem>>
        %dma_start3A = tpu.memref_slice %arg3[%mul3A_27] : memref<80000xi32, #tpu.memory_space<hbm>> -> memref<128xi32, #tpu.memory_space<hbm>>
        %dma_start3A_28 = tpu.memref_slice %arg3[%mul3A_27] : memref<80000xi32, #tpu.memory_space<hbm>> -> memref<128xi32, #tpu.memory_space<hbm>>
        tpu.enqueue_dma source(%dma_start3A_28 : memref<128xi32, #tpu.memory_space<hbm>>) target(%arg6 : memref<128xi32, #tpu.memory_space<vmem>>) target_semaphore(%run_scoped3A : memref<!tpu.dma_semaphore, #tpu.memory_space<semaphore_mem>>)
        %dma_wait3A = tpu.memref_slice %arg3[%mul3A_27] : memref<80000xi32, #tpu.memory_space<hbm>> -> memref<128xi32, #tpu.memory_space<hbm>>
        %dma_wait3A_29 = tpu.memref_slice %arg3[%mul3A_27] : memref<80000xi32, #tpu.memory_space<hbm>> -> memref<128xi32, #tpu.memory_space<hbm>>
        tpu.wait_dma2 semaphore(%run_scoped3A : memref<!tpu.dma_semaphore, #tpu.memory_space<semaphore_mem>>) src(%dma_wait3A_29 : memref<128xi32, #tpu.memory_space<hbm>>) dst(%arg6 : memref<128xi32, #tpu.memory_space<vmem>>)
        tpu.yield
      }) : () -> ()
      "tpu.region"() ({
        %run_scoped3A = tpu.sem_alloc : memref<!tpu.dma_semaphore, #tpu.memory_space<semaphore_mem>>
        %dma_start3A = arith.constant 0 : i32
        %dma_start3A_28 = arith.constant 0 : i32
        %dma_start3A_29 = tpu.memref_slice %arg8[%dma_start3A, %dma_start3A_28] : memref<10240x128xf32, #tpu.memory_space<vmem_shared>> -> memref<10240x128xf32, #tpu.memory_space<vmem_shared>>
        tpu.enqueue_indirect_dma source(%arg7 : memref<128x128xf32, #tpu.memory_space<vmem>>) target(%dma_start3A_29 : memref<10240x128xf32, #tpu.memory_space<vmem_shared>>) offsets(%arg6 : memref<128xi32, #tpu.memory_space<vmem>>) semaphore(%run_scoped3A : memref<!tpu.dma_semaphore, #tpu.memory_space<semaphore_mem>>) {add = true}
        %dma_wait3A = arith.constant 0 : i32
        %dma_wait3A_30 = arith.constant 0 : i32
        %dma_wait3A_31 = tpu.memref_slice %arg8[%dma_wait3A, %dma_wait3A_30] : memref<10240x128xf32, #tpu.memory_space<vmem_shared>> -> memref<10240x128xf32, #tpu.memory_space<vmem_shared>>
        tpu.wait_indirect_dma semaphore(%run_scoped3A : memref<!tpu.dma_semaphore, #tpu.memory_space<semaphore_mem>>) src(%arg7 : memref<128x128xf32, #tpu.memory_space<vmem>>) dst(%dma_wait3A_31 : memref<10240x128xf32, #tpu.memory_space<vmem_shared>>)
        tpu.yield
      }) : () -> ()
    }
    %barrier3A_17 = arith.constant 0 : index
    tpu.barrier barrier_id(%barrier3A_17)
    %mul3A_18 = arith.constant 640 : i32
    %mul3A_19 = arith.muli %arg1, %mul3A_18 : i32
    %mul3A_20 = arith.constant 640 : i32
    %mul3A_21 = arith.muli %arg1, %mul3A_20 : i32
    "tpu.region"() ({
      %run_scoped3A = tpu.sem_alloc : memref<!tpu.dma_semaphore, #tpu.memory_space<semaphore_mem>>
      %dma_start3A = arith.constant 0 : i32
      %dma_start3A_22 = tpu.memref_slice %arg5[%arg0, %mul3A_21, %dma_start3A] : memref<2x10240x128xf32, #tpu.memory_space<hbm>> -> memref<1x640x128xf32, #tpu.memory_space<hbm>>
      %dma_start3A_23 = tpu.memref_squeeze %dma_start3A_22 : memref<1x640x128xf32, #tpu.memory_space<hbm>> -> memref<640x128xf32, #tpu.memory_space<hbm>>
      %dma_start3A_24 = arith.constant 0 : i32
      %dma_start3A_25 = tpu.memref_slice %arg8[%mul3A_19, %dma_start3A_24] : memref<10240x128xf32, #tpu.memory_space<vmem_shared>> -> memref<640x128xf32, #tpu.memory_space<vmem_shared>>
      tpu.enqueue_dma source(%dma_start3A_25 : memref<640x128xf32, #tpu.memory_space<vmem_shared>>) target(%dma_start3A_23 : memref<640x128xf32, #tpu.memory_space<hbm>>) target_semaphore(%run_scoped3A : memref<!tpu.dma_semaphore, #tpu.memory_space<semaphore_mem>>)
      %dma_wait3A = arith.constant 0 : i32
      %dma_wait3A_26 = tpu.memref_slice %arg5[%arg0, %mul3A_21, %dma_wait3A] : memref<2x10240x128xf32, #tpu.memory_space<hbm>> -> memref<1x640x128xf32, #tpu.memory_space<hbm>>
      %dma_wait3A_27 = tpu.memref_squeeze %dma_wait3A_26 : memref<1x640x128xf32, #tpu.memory_space<hbm>> -> memref<640x128xf32, #tpu.memory_space<hbm>>
      %dma_wait3A_28 = arith.constant 0 : i32
      %dma_wait3A_29 = tpu.memref_slice %arg8[%mul3A_19, %dma_wait3A_28] : memref<10240x128xf32, #tpu.memory_space<vmem_shared>> -> memref<640x128xf32, #tpu.memory_space<vmem_shared>>
      tpu.wait_dma2 semaphore(%run_scoped3A : memref<!tpu.dma_semaphore, #tpu.memory_space<semaphore_mem>>) src(%dma_wait3A_29 : memref<640x128xf32, #tpu.memory_space<vmem_shared>>) dst(%dma_wait3A_27 : memref<640x128xf32, #tpu.memory_space<hbm>>)
      tpu.yield
    }) : () -> ()
    return
  }
}

#map = affine_map<(d0, d1) -> (0, 0)>
#map1 = affine_map<(d0, d1) -> (0)>
module attributes {stable_mosaic.version = 14 : i64} {
  func.func @_gather_body(%arg0: i32, %arg1: i32, %arg2: memref<10000x128xf32, #tpu.memory_space<hbm>>, %arg3: memref<80000xi32, #tpu.memory_space<hbm>>, %arg4: memref<80000xi32, #tpu.memory_space<hbm>>, %arg5: memref<80000x128xf32, #tpu.memory_space<hbm>>, %arg6: memref<80000x128xf32, #tpu.memory_space<hbm>>, %arg7: memref<128xi32, #tpu.memory_space<vmem>>, %arg8: memref<128x128xf32, #tpu.memory_space<vmem>>, %arg9: memref<128xi32, #tpu.memory_space<vmem>>, %arg10: memref<128x128xf32, #tpu.memory_space<vmem>>, %arg11: memref<!tpu.dma_semaphore, #tpu.memory_space<semaphore_mem>>, %arg12: memref<!tpu.dma_semaphore, #tpu.memory_space<semaphore_mem>>) attributes {dimension_semantics = [#tpu.dimension_semantics<core_parallel>, #tpu.dimension_semantics<subcore_parallel>], iteration_bounds = array<i64: 2, 16>, scalar_prefetch = 0 : i64, scratch_operands = 6 : i64, tpu.core_type = #tpu.core_type<sc_vector_subcore>, window_params = [{transform_indices = #map}, {transform_indices = #map1}, {transform_indices = #map1}, {transform_indices = #map}, {transform_indices = #map}]} {
    %mul3A = arith.constant 2 : i32
    %mul3A_0 = arith.muli %arg1, %mul3A : i32
    %add3A = arith.addi %mul3A_0, %arg0 : i32
    %lt3A = arith.constant 17 : i32
    %lt3A_1 = arith.cmpi slt, %add3A, %lt3A : i32
    %convert_element_type3A = arith.extui %lt3A_1 : i1 to i32
    %add3A_2 = arith.constant 19 : i32
    %add3A_3 = arith.addi %add3A_2, %convert_element_type3A : i32
    %while3A = arith.constant 0 : i32
    %while3A_4 = arith.constant 0 : i32
    %while3A_5 = arith.subi %add3A_3, %while3A_4 : i32
    %while3A_6 = arith.addi %while3A_4, %while3A_5 : i32
    %while3A_7 = arith.constant 1 : i32
    %while3A_8 = arith.divsi %while3A_5, %while3A_7 : i32
    %while3A_9 = arith.muli %while3A_8, %while3A_7 : i32
    %while3A_10 = arith.addi %while3A_4, %while3A_9 : i32
    %while3A_11 = arith.constant 1 : i32
    scf.for %while3A_13 = %while3A_4 to %while3A_10 step %while3A_11  : i32 {
      %mul3A_14 = arith.constant 32 : i32
      %mul3A_15 = arith.muli %while3A_13, %mul3A_14 : i32
      %add3A_16 = arith.addi %mul3A_15, %add3A : i32
      %mul3A_17 = arith.constant 128 : i32
      %mul3A_18 = arith.muli %add3A_16, %mul3A_17 : i32
      "tpu.region"() ({
        %run_scoped3A = tpu.sem_alloc : memref<!tpu.dma_semaphore, #tpu.memory_space<semaphore_mem>>
        %dma_start3A_29 = tpu.memref_slice %arg3[%mul3A_18] : memref<80000xi32, #tpu.memory_space<hbm>> -> memref<128xi32, #tpu.memory_space<hbm>>
        %dma_start3A_30 = tpu.memref_slice %arg3[%mul3A_18] : memref<80000xi32, #tpu.memory_space<hbm>> -> memref<128xi32, #tpu.memory_space<hbm>>
        tpu.enqueue_dma source(%dma_start3A_30 : memref<128xi32, #tpu.memory_space<hbm>>) target(%arg7 : memref<128xi32, #tpu.memory_space<vmem>>) target_semaphore(%run_scoped3A : memref<!tpu.dma_semaphore, #tpu.memory_space<semaphore_mem>>)
        %dma_wait3A_31 = tpu.memref_slice %arg3[%mul3A_18] : memref<80000xi32, #tpu.memory_space<hbm>> -> memref<128xi32, #tpu.memory_space<hbm>>
        %dma_wait3A_32 = tpu.memref_slice %arg3[%mul3A_18] : memref<80000xi32, #tpu.memory_space<hbm>> -> memref<128xi32, #tpu.memory_space<hbm>>
        tpu.wait_dma2 semaphore(%run_scoped3A : memref<!tpu.dma_semaphore, #tpu.memory_space<semaphore_mem>>) src(%dma_wait3A_32 : memref<128xi32, #tpu.memory_space<hbm>>) dst(%arg7 : memref<128xi32, #tpu.memory_space<vmem>>)
        tpu.yield
      }) : () -> ()
      %dma_start3A = arith.constant 0 : i32
      %dma_start3A_19 = arith.constant 0 : i32
      %dma_start3A_20 = tpu.memref_slice %arg2[%dma_start3A, %dma_start3A_19] : memref<10000x128xf32, #tpu.memory_space<hbm>> -> memref<10000x128xf32, #tpu.memory_space<hbm>>
      tpu.enqueue_indirect_dma source(%dma_start3A_20 : memref<10000x128xf32, #tpu.memory_space<hbm>>) target(%arg8 : memref<128x128xf32, #tpu.memory_space<vmem>>) offsets(%arg7 : memref<128xi32, #tpu.memory_space<vmem>>) semaphore(%arg11 : memref<!tpu.dma_semaphore, #tpu.memory_space<semaphore_mem>>)
      "tpu.region"() ({
        %run_scoped3A = tpu.sem_alloc : memref<!tpu.dma_semaphore, #tpu.memory_space<semaphore_mem>>
        %dma_start3A_29 = tpu.memref_slice %arg4[%mul3A_18] : memref<80000xi32, #tpu.memory_space<hbm>> -> memref<128xi32, #tpu.memory_space<hbm>>
        %dma_start3A_30 = tpu.memref_slice %arg4[%mul3A_18] : memref<80000xi32, #tpu.memory_space<hbm>> -> memref<128xi32, #tpu.memory_space<hbm>>
        tpu.enqueue_dma source(%dma_start3A_30 : memref<128xi32, #tpu.memory_space<hbm>>) target(%arg9 : memref<128xi32, #tpu.memory_space<vmem>>) target_semaphore(%run_scoped3A : memref<!tpu.dma_semaphore, #tpu.memory_space<semaphore_mem>>)
        %dma_wait3A_31 = tpu.memref_slice %arg4[%mul3A_18] : memref<80000xi32, #tpu.memory_space<hbm>> -> memref<128xi32, #tpu.memory_space<hbm>>
        %dma_wait3A_32 = tpu.memref_slice %arg4[%mul3A_18] : memref<80000xi32, #tpu.memory_space<hbm>> -> memref<128xi32, #tpu.memory_space<hbm>>
        tpu.wait_dma2 semaphore(%run_scoped3A : memref<!tpu.dma_semaphore, #tpu.memory_space<semaphore_mem>>) src(%dma_wait3A_32 : memref<128xi32, #tpu.memory_space<hbm>>) dst(%arg9 : memref<128xi32, #tpu.memory_space<vmem>>)
        tpu.yield
      }) : () -> ()
      %dma_start3A_21 = arith.constant 0 : i32
      %dma_start3A_22 = arith.constant 0 : i32
      %dma_start3A_23 = tpu.memref_slice %arg2[%dma_start3A_21, %dma_start3A_22] : memref<10000x128xf32, #tpu.memory_space<hbm>> -> memref<10000x128xf32, #tpu.memory_space<hbm>>
      tpu.enqueue_indirect_dma source(%dma_start3A_23 : memref<10000x128xf32, #tpu.memory_space<hbm>>) target(%arg10 : memref<128x128xf32, #tpu.memory_space<vmem>>) offsets(%arg9 : memref<128xi32, #tpu.memory_space<vmem>>) semaphore(%arg12 : memref<!tpu.dma_semaphore, #tpu.memory_space<semaphore_mem>>)
      %dma_wait3A = arith.constant 0 : i32
      %dma_wait3A_24 = arith.constant 0 : i32
      %dma_wait3A_25 = tpu.memref_slice %arg2[%dma_wait3A, %dma_wait3A_24] : memref<10000x128xf32, #tpu.memory_space<hbm>> -> memref<10000x128xf32, #tpu.memory_space<hbm>>
      tpu.wait_indirect_dma semaphore(%arg11 : memref<!tpu.dma_semaphore, #tpu.memory_space<semaphore_mem>>) src(%dma_wait3A_25 : memref<10000x128xf32, #tpu.memory_space<hbm>>) dst(%arg8 : memref<128x128xf32, #tpu.memory_space<vmem>>)
      "tpu.region"() ({
        %run_scoped3A = tpu.sem_alloc : memref<!tpu.dma_semaphore, #tpu.memory_space<semaphore_mem>>
        %dma_start3A_29 = arith.constant 0 : i32
        %dma_start3A_30 = tpu.memref_slice %arg5[%mul3A_18, %dma_start3A_29] : memref<80000x128xf32, #tpu.memory_space<hbm>> -> memref<128x128xf32, #tpu.memory_space<hbm>>
        %dma_start3A_31 = arith.constant 0 : i32
        %dma_start3A_32 = tpu.memref_slice %arg5[%mul3A_18, %dma_start3A_31] : memref<80000x128xf32, #tpu.memory_space<hbm>> -> memref<128x128xf32, #tpu.memory_space<hbm>>
        tpu.enqueue_dma source(%arg8 : memref<128x128xf32, #tpu.memory_space<vmem>>) target(%dma_start3A_32 : memref<128x128xf32, #tpu.memory_space<hbm>>) target_semaphore(%run_scoped3A : memref<!tpu.dma_semaphore, #tpu.memory_space<semaphore_mem>>)
        %dma_wait3A_33 = arith.constant 0 : i32
        %dma_wait3A_34 = tpu.memref_slice %arg5[%mul3A_18, %dma_wait3A_33] : memref<80000x128xf32, #tpu.memory_space<hbm>> -> memref<128x128xf32, #tpu.memory_space<hbm>>
        %dma_wait3A_35 = arith.constant 0 : i32
        %dma_wait3A_36 = tpu.memref_slice %arg5[%mul3A_18, %dma_wait3A_35] : memref<80000x128xf32, #tpu.memory_space<hbm>> -> memref<128x128xf32, #tpu.memory_space<hbm>>
        tpu.wait_dma2 semaphore(%run_scoped3A : memref<!tpu.dma_semaphore, #tpu.memory_space<semaphore_mem>>) src(%arg8 : memref<128x128xf32, #tpu.memory_space<vmem>>) dst(%dma_wait3A_36 : memref<128x128xf32, #tpu.memory_space<hbm>>)
        tpu.yield
      }) : () -> ()
      %dma_wait3A_26 = arith.constant 0 : i32
      %dma_wait3A_27 = arith.constant 0 : i32
      %dma_wait3A_28 = tpu.memref_slice %arg2[%dma_wait3A_26, %dma_wait3A_27] : memref<10000x128xf32, #tpu.memory_space<hbm>> -> memref<10000x128xf32, #tpu.memory_space<hbm>>
      tpu.wait_indirect_dma semaphore(%arg12 : memref<!tpu.dma_semaphore, #tpu.memory_space<semaphore_mem>>) src(%dma_wait3A_28 : memref<10000x128xf32, #tpu.memory_space<hbm>>) dst(%arg10 : memref<128x128xf32, #tpu.memory_space<vmem>>)
      "tpu.region"() ({
        %run_scoped3A = tpu.sem_alloc : memref<!tpu.dma_semaphore, #tpu.memory_space<semaphore_mem>>
        %dma_start3A_29 = arith.constant 0 : i32
        %dma_start3A_30 = tpu.memref_slice %arg6[%mul3A_18, %dma_start3A_29] : memref<80000x128xf32, #tpu.memory_space<hbm>> -> memref<128x128xf32, #tpu.memory_space<hbm>>
        %dma_start3A_31 = arith.constant 0 : i32
        %dma_start3A_32 = tpu.memref_slice %arg6[%mul3A_18, %dma_start3A_31] : memref<80000x128xf32, #tpu.memory_space<hbm>> -> memref<128x128xf32, #tpu.memory_space<hbm>>
        tpu.enqueue_dma source(%arg10 : memref<128x128xf32, #tpu.memory_space<vmem>>) target(%dma_start3A_32 : memref<128x128xf32, #tpu.memory_space<hbm>>) target_semaphore(%run_scoped3A : memref<!tpu.dma_semaphore, #tpu.memory_space<semaphore_mem>>)
        %dma_wait3A_33 = arith.constant 0 : i32
        %dma_wait3A_34 = tpu.memref_slice %arg6[%mul3A_18, %dma_wait3A_33] : memref<80000x128xf32, #tpu.memory_space<hbm>> -> memref<128x128xf32, #tpu.memory_space<hbm>>
        %dma_wait3A_35 = arith.constant 0 : i32
        %dma_wait3A_36 = tpu.memref_slice %arg6[%mul3A_18, %dma_wait3A_35] : memref<80000x128xf32, #tpu.memory_space<hbm>> -> memref<128x128xf32, #tpu.memory_space<hbm>>
        tpu.wait_dma2 semaphore(%run_scoped3A : memref<!tpu.dma_semaphore, #tpu.memory_space<semaphore_mem>>) src(%arg10 : memref<128x128xf32, #tpu.memory_space<vmem>>) dst(%dma_wait3A_36 : memref<128x128xf32, #tpu.memory_space<hbm>>)
        tpu.yield
      }) : () -> ()
    }
    %while3A_12 = arith.constant 1 : i32
    scf.for %while3A_13 = %while3A_10 to %while3A_6 step %while3A_12  : i32 {
      %mul3A_14 = arith.constant 32 : i32
      %mul3A_15 = arith.muli %while3A_13, %mul3A_14 : i32
      %add3A_16 = arith.addi %mul3A_15, %add3A : i32
      %mul3A_17 = arith.constant 128 : i32
      %mul3A_18 = arith.muli %add3A_16, %mul3A_17 : i32
      "tpu.region"() ({
        %run_scoped3A = tpu.sem_alloc : memref<!tpu.dma_semaphore, #tpu.memory_space<semaphore_mem>>
        %dma_start3A_29 = tpu.memref_slice %arg3[%mul3A_18] : memref<80000xi32, #tpu.memory_space<hbm>> -> memref<128xi32, #tpu.memory_space<hbm>>
        %dma_start3A_30 = tpu.memref_slice %arg3[%mul3A_18] : memref<80000xi32, #tpu.memory_space<hbm>> -> memref<128xi32, #tpu.memory_space<hbm>>
        tpu.enqueue_dma source(%dma_start3A_30 : memref<128xi32, #tpu.memory_space<hbm>>) target(%arg7 : memref<128xi32, #tpu.memory_space<vmem>>) target_semaphore(%run_scoped3A : memref<!tpu.dma_semaphore, #tpu.memory_space<semaphore_mem>>)
        %dma_wait3A_31 = tpu.memref_slice %arg3[%mul3A_18] : memref<80000xi32, #tpu.memory_space<hbm>> -> memref<128xi32, #tpu.memory_space<hbm>>
        %dma_wait3A_32 = tpu.memref_slice %arg3[%mul3A_18] : memref<80000xi32, #tpu.memory_space<hbm>> -> memref<128xi32, #tpu.memory_space<hbm>>
        tpu.wait_dma2 semaphore(%run_scoped3A : memref<!tpu.dma_semaphore, #tpu.memory_space<semaphore_mem>>) src(%dma_wait3A_32 : memref<128xi32, #tpu.memory_space<hbm>>) dst(%arg7 : memref<128xi32, #tpu.memory_space<vmem>>)
        tpu.yield
      }) : () -> ()
      %dma_start3A = arith.constant 0 : i32
      %dma_start3A_19 = arith.constant 0 : i32
      %dma_start3A_20 = tpu.memref_slice %arg2[%dma_start3A, %dma_start3A_19] : memref<10000x128xf32, #tpu.memory_space<hbm>> -> memref<10000x128xf32, #tpu.memory_space<hbm>>
      tpu.enqueue_indirect_dma source(%dma_start3A_20 : memref<10000x128xf32, #tpu.memory_space<hbm>>) target(%arg8 : memref<128x128xf32, #tpu.memory_space<vmem>>) offsets(%arg7 : memref<128xi32, #tpu.memory_space<vmem>>) semaphore(%arg11 : memref<!tpu.dma_semaphore, #tpu.memory_space<semaphore_mem>>)
      "tpu.region"() ({
        %run_scoped3A = tpu.sem_alloc : memref<!tpu.dma_semaphore, #tpu.memory_space<semaphore_mem>>
        %dma_start3A_29 = tpu.memref_slice %arg4[%mul3A_18] : memref<80000xi32, #tpu.memory_space<hbm>> -> memref<128xi32, #tpu.memory_space<hbm>>
        %dma_start3A_30 = tpu.memref_slice %arg4[%mul3A_18] : memref<80000xi32, #tpu.memory_space<hbm>> -> memref<128xi32, #tpu.memory_space<hbm>>
        tpu.enqueue_dma source(%dma_start3A_30 : memref<128xi32, #tpu.memory_space<hbm>>) target(%arg9 : memref<128xi32, #tpu.memory_space<vmem>>) target_semaphore(%run_scoped3A : memref<!tpu.dma_semaphore, #tpu.memory_space<semaphore_mem>>)
        %dma_wait3A_31 = tpu.memref_slice %arg4[%mul3A_18] : memref<80000xi32, #tpu.memory_space<hbm>> -> memref<128xi32, #tpu.memory_space<hbm>>
        %dma_wait3A_32 = tpu.memref_slice %arg4[%mul3A_18] : memref<80000xi32, #tpu.memory_space<hbm>> -> memref<128xi32, #tpu.memory_space<hbm>>
        tpu.wait_dma2 semaphore(%run_scoped3A : memref<!tpu.dma_semaphore, #tpu.memory_space<semaphore_mem>>) src(%dma_wait3A_32 : memref<128xi32, #tpu.memory_space<hbm>>) dst(%arg9 : memref<128xi32, #tpu.memory_space<vmem>>)
        tpu.yield
      }) : () -> ()
      %dma_start3A_21 = arith.constant 0 : i32
      %dma_start3A_22 = arith.constant 0 : i32
      %dma_start3A_23 = tpu.memref_slice %arg2[%dma_start3A_21, %dma_start3A_22] : memref<10000x128xf32, #tpu.memory_space<hbm>> -> memref<10000x128xf32, #tpu.memory_space<hbm>>
      tpu.enqueue_indirect_dma source(%dma_start3A_23 : memref<10000x128xf32, #tpu.memory_space<hbm>>) target(%arg10 : memref<128x128xf32, #tpu.memory_space<vmem>>) offsets(%arg9 : memref<128xi32, #tpu.memory_space<vmem>>) semaphore(%arg12 : memref<!tpu.dma_semaphore, #tpu.memory_space<semaphore_mem>>)
      %dma_wait3A = arith.constant 0 : i32
      %dma_wait3A_24 = arith.constant 0 : i32
      %dma_wait3A_25 = tpu.memref_slice %arg2[%dma_wait3A, %dma_wait3A_24] : memref<10000x128xf32, #tpu.memory_space<hbm>> -> memref<10000x128xf32, #tpu.memory_space<hbm>>
      tpu.wait_indirect_dma semaphore(%arg11 : memref<!tpu.dma_semaphore, #tpu.memory_space<semaphore_mem>>) src(%dma_wait3A_25 : memref<10000x128xf32, #tpu.memory_space<hbm>>) dst(%arg8 : memref<128x128xf32, #tpu.memory_space<vmem>>)
      "tpu.region"() ({
        %run_scoped3A = tpu.sem_alloc : memref<!tpu.dma_semaphore, #tpu.memory_space<semaphore_mem>>
        %dma_start3A_29 = arith.constant 0 : i32
        %dma_start3A_30 = tpu.memref_slice %arg5[%mul3A_18, %dma_start3A_29] : memref<80000x128xf32, #tpu.memory_space<hbm>> -> memref<128x128xf32, #tpu.memory_space<hbm>>
        %dma_start3A_31 = arith.constant 0 : i32
        %dma_start3A_32 = tpu.memref_slice %arg5[%mul3A_18, %dma_start3A_31] : memref<80000x128xf32, #tpu.memory_space<hbm>> -> memref<128x128xf32, #tpu.memory_space<hbm>>
        tpu.enqueue_dma source(%arg8 : memref<128x128xf32, #tpu.memory_space<vmem>>) target(%dma_start3A_32 : memref<128x128xf32, #tpu.memory_space<hbm>>) target_semaphore(%run_scoped3A : memref<!tpu.dma_semaphore, #tpu.memory_space<semaphore_mem>>)
        %dma_wait3A_33 = arith.constant 0 : i32
        %dma_wait3A_34 = tpu.memref_slice %arg5[%mul3A_18, %dma_wait3A_33] : memref<80000x128xf32, #tpu.memory_space<hbm>> -> memref<128x128xf32, #tpu.memory_space<hbm>>
        %dma_wait3A_35 = arith.constant 0 : i32
        %dma_wait3A_36 = tpu.memref_slice %arg5[%mul3A_18, %dma_wait3A_35] : memref<80000x128xf32, #tpu.memory_space<hbm>> -> memref<128x128xf32, #tpu.memory_space<hbm>>
        tpu.wait_dma2 semaphore(%run_scoped3A : memref<!tpu.dma_semaphore, #tpu.memory_space<semaphore_mem>>) src(%arg8 : memref<128x128xf32, #tpu.memory_space<vmem>>) dst(%dma_wait3A_36 : memref<128x128xf32, #tpu.memory_space<hbm>>)
        tpu.yield
      }) : () -> ()
      %dma_wait3A_26 = arith.constant 0 : i32
      %dma_wait3A_27 = arith.constant 0 : i32
      %dma_wait3A_28 = tpu.memref_slice %arg2[%dma_wait3A_26, %dma_wait3A_27] : memref<10000x128xf32, #tpu.memory_space<hbm>> -> memref<10000x128xf32, #tpu.memory_space<hbm>>
      tpu.wait_indirect_dma semaphore(%arg12 : memref<!tpu.dma_semaphore, #tpu.memory_space<semaphore_mem>>) src(%dma_wait3A_28 : memref<10000x128xf32, #tpu.memory_space<hbm>>) dst(%arg10 : memref<128x128xf32, #tpu.memory_space<vmem>>)
      "tpu.region"() ({
        %run_scoped3A = tpu.sem_alloc : memref<!tpu.dma_semaphore, #tpu.memory_space<semaphore_mem>>
        %dma_start3A_29 = arith.constant 0 : i32
        %dma_start3A_30 = tpu.memref_slice %arg6[%mul3A_18, %dma_start3A_29] : memref<80000x128xf32, #tpu.memory_space<hbm>> -> memref<128x128xf32, #tpu.memory_space<hbm>>
        %dma_start3A_31 = arith.constant 0 : i32
        %dma_start3A_32 = tpu.memref_slice %arg6[%mul3A_18, %dma_start3A_31] : memref<80000x128xf32, #tpu.memory_space<hbm>> -> memref<128x128xf32, #tpu.memory_space<hbm>>
        tpu.enqueue_dma source(%arg10 : memref<128x128xf32, #tpu.memory_space<vmem>>) target(%dma_start3A_32 : memref<128x128xf32, #tpu.memory_space<hbm>>) target_semaphore(%run_scoped3A : memref<!tpu.dma_semaphore, #tpu.memory_space<semaphore_mem>>)
        %dma_wait3A_33 = arith.constant 0 : i32
        %dma_wait3A_34 = tpu.memref_slice %arg6[%mul3A_18, %dma_wait3A_33] : memref<80000x128xf32, #tpu.memory_space<hbm>> -> memref<128x128xf32, #tpu.memory_space<hbm>>
        %dma_wait3A_35 = arith.constant 0 : i32
        %dma_wait3A_36 = tpu.memref_slice %arg6[%mul3A_18, %dma_wait3A_35] : memref<80000x128xf32, #tpu.memory_space<hbm>> -> memref<128x128xf32, #tpu.memory_space<hbm>>
        tpu.wait_dma2 semaphore(%run_scoped3A : memref<!tpu.dma_semaphore, #tpu.memory_space<semaphore_mem>>) src(%arg10 : memref<128x128xf32, #tpu.memory_space<vmem>>) dst(%dma_wait3A_36 : memref<128x128xf32, #tpu.memory_space<hbm>>)
        tpu.yield
      }) : () -> ()
    }
    return
  }
}

#map = affine_map<(d0, d1) -> (0, 0)>
#map1 = affine_map<(d0, d1) -> (0)>
module attributes {stable_mosaic.version = 14 : i64} {
  func.func @_gather_body(%arg0: i32, %arg1: i32, %arg2: memref<10000x128xf32, #tpu.memory_space<hbm>>, %arg3: memref<80000xi32, #tpu.memory_space<hbm>>, %arg4: memref<80000xi32, #tpu.memory_space<hbm>>, %arg5: memref<80000x128xf32, #tpu.memory_space<hbm>>, %arg6: memref<80000x128xf32, #tpu.memory_space<hbm>>, %arg7: memref<128xi32, #tpu.memory_space<vmem>>, %arg8: memref<128x128xf32, #tpu.memory_space<vmem>>, %arg9: memref<128xi32, #tpu.memory_space<vmem>>, %arg10: memref<128x128xf32, #tpu.memory_space<vmem>>, %arg11: memref<!tpu.dma_semaphore, #tpu.memory_space<semaphore_mem>>, %arg12: memref<!tpu.dma_semaphore, #tpu.memory_space<semaphore_mem>>) attributes {dimension_semantics = [#tpu.dimension_semantics<core_parallel>, #tpu.dimension_semantics<subcore_parallel>], iteration_bounds = array<i64: 2, 16>, scalar_prefetch = 0 : i64, scratch_operands = 6 : i64, tpu.core_type = #tpu.core_type<sc_vector_subcore>, window_params = [{transform_indices = #map}, {transform_indices = #map1}, {transform_indices = #map1}, {transform_indices = #map}, {transform_indices = #map}]} {
    %mul3A = arith.constant 2 : i32
    %mul3A_0 = arith.muli %arg1, %mul3A : i32
    %add3A = arith.addi %mul3A_0, %arg0 : i32
    %lt3A = arith.constant 17 : i32
    %lt3A_1 = arith.cmpi slt, %add3A, %lt3A : i32
    %convert_element_type3A = arith.extui %lt3A_1 : i1 to i32
    %add3A_2 = arith.constant 19 : i32
    %add3A_3 = arith.addi %add3A_2, %convert_element_type3A : i32
    %while3A = arith.constant 0 : i32
    %while3A_4 = arith.constant 0 : i32
    %while3A_5 = arith.subi %add3A_3, %while3A_4 : i32
    %while3A_6 = arith.addi %while3A_4, %while3A_5 : i32
    %while3A_7 = arith.constant 1 : i32
    %while3A_8 = arith.divsi %while3A_5, %while3A_7 : i32
    %while3A_9 = arith.muli %while3A_8, %while3A_7 : i32
    %while3A_10 = arith.addi %while3A_4, %while3A_9 : i32
    %while3A_11 = arith.constant 1 : i32
    scf.for %while3A_13 = %while3A_4 to %while3A_10 step %while3A_11  : i32 {
      %mul3A_14 = arith.constant 32 : i32
      %mul3A_15 = arith.muli %while3A_13, %mul3A_14 : i32
      %add3A_16 = arith.addi %mul3A_15, %add3A : i32
      %mul3A_17 = arith.constant 128 : i32
      %mul3A_18 = arith.muli %add3A_16, %mul3A_17 : i32
      "tpu.region"() ({
        %run_scoped3A = tpu.sem_alloc : memref<!tpu.dma_semaphore, #tpu.memory_space<semaphore_mem>>
        %dma_start3A_29 = tpu.memref_slice %arg3[%mul3A_18] : memref<80000xi32, #tpu.memory_space<hbm>> -> memref<128xi32, #tpu.memory_space<hbm>>
        %dma_start3A_30 = tpu.memref_slice %arg3[%mul3A_18] : memref<80000xi32, #tpu.memory_space<hbm>> -> memref<128xi32, #tpu.memory_space<hbm>>
        tpu.enqueue_dma source(%dma_start3A_30 : memref<128xi32, #tpu.memory_space<hbm>>) target(%arg7 : memref<128xi32, #tpu.memory_space<vmem>>) target_semaphore(%run_scoped3A : memref<!tpu.dma_semaphore, #tpu.memory_space<semaphore_mem>>)
        %dma_wait3A_31 = tpu.memref_slice %arg3[%mul3A_18] : memref<80000xi32, #tpu.memory_space<hbm>> -> memref<128xi32, #tpu.memory_space<hbm>>
        %dma_wait3A_32 = tpu.memref_slice %arg3[%mul3A_18] : memref<80000xi32, #tpu.memory_space<hbm>> -> memref<128xi32, #tpu.memory_space<hbm>>
        tpu.wait_dma2 semaphore(%run_scoped3A : memref<!tpu.dma_semaphore, #tpu.memory_space<semaphore_mem>>) src(%dma_wait3A_32 : memref<128xi32, #tpu.memory_space<hbm>>) dst(%arg7 : memref<128xi32, #tpu.memory_space<vmem>>)
        tpu.yield
      }) : () -> ()
      %dma_start3A = arith.constant 0 : i32
      %dma_start3A_19 = arith.constant 0 : i32
      %dma_start3A_20 = tpu.memref_slice %arg2[%dma_start3A, %dma_start3A_19] : memref<10000x128xf32, #tpu.memory_space<hbm>> -> memref<10000x128xf32, #tpu.memory_space<hbm>>
      tpu.enqueue_indirect_dma source(%dma_start3A_20 : memref<10000x128xf32, #tpu.memory_space<hbm>>) target(%arg8 : memref<128x128xf32, #tpu.memory_space<vmem>>) offsets(%arg7 : memref<128xi32, #tpu.memory_space<vmem>>) semaphore(%arg11 : memref<!tpu.dma_semaphore, #tpu.memory_space<semaphore_mem>>)
      "tpu.region"() ({
        %run_scoped3A = tpu.sem_alloc : memref<!tpu.dma_semaphore, #tpu.memory_space<semaphore_mem>>
        %dma_start3A_29 = tpu.memref_slice %arg4[%mul3A_18] : memref<80000xi32, #tpu.memory_space<hbm>> -> memref<128xi32, #tpu.memory_space<hbm>>
        %dma_start3A_30 = tpu.memref_slice %arg4[%mul3A_18] : memref<80000xi32, #tpu.memory_space<hbm>> -> memref<128xi32, #tpu.memory_space<hbm>>
        tpu.enqueue_dma source(%dma_start3A_30 : memref<128xi32, #tpu.memory_space<hbm>>) target(%arg9 : memref<128xi32, #tpu.memory_space<vmem>>) target_semaphore(%run_scoped3A : memref<!tpu.dma_semaphore, #tpu.memory_space<semaphore_mem>>)
        %dma_wait3A_31 = tpu.memref_slice %arg4[%mul3A_18] : memref<80000xi32, #tpu.memory_space<hbm>> -> memref<128xi32, #tpu.memory_space<hbm>>
        %dma_wait3A_32 = tpu.memref_slice %arg4[%mul3A_18] : memref<80000xi32, #tpu.memory_space<hbm>> -> memref<128xi32, #tpu.memory_space<hbm>>
        tpu.wait_dma2 semaphore(%run_scoped3A : memref<!tpu.dma_semaphore, #tpu.memory_space<semaphore_mem>>) src(%dma_wait3A_32 : memref<128xi32, #tpu.memory_space<hbm>>) dst(%arg9 : memref<128xi32, #tpu.memory_space<vmem>>)
        tpu.yield
      }) : () -> ()
      %dma_start3A_21 = arith.constant 0 : i32
      %dma_start3A_22 = arith.constant 0 : i32
      %dma_start3A_23 = tpu.memref_slice %arg2[%dma_start3A_21, %dma_start3A_22] : memref<10000x128xf32, #tpu.memory_space<hbm>> -> memref<10000x128xf32, #tpu.memory_space<hbm>>
      tpu.enqueue_indirect_dma source(%dma_start3A_23 : memref<10000x128xf32, #tpu.memory_space<hbm>>) target(%arg10 : memref<128x128xf32, #tpu.memory_space<vmem>>) offsets(%arg9 : memref<128xi32, #tpu.memory_space<vmem>>) semaphore(%arg12 : memref<!tpu.dma_semaphore, #tpu.memory_space<semaphore_mem>>)
      %dma_wait3A = arith.constant 0 : i32
      %dma_wait3A_24 = arith.constant 0 : i32
      %dma_wait3A_25 = tpu.memref_slice %arg2[%dma_wait3A, %dma_wait3A_24] : memref<10000x128xf32, #tpu.memory_space<hbm>> -> memref<10000x128xf32, #tpu.memory_space<hbm>>
      tpu.wait_indirect_dma semaphore(%arg11 : memref<!tpu.dma_semaphore, #tpu.memory_space<semaphore_mem>>) src(%dma_wait3A_25 : memref<10000x128xf32, #tpu.memory_space<hbm>>) dst(%arg8 : memref<128x128xf32, #tpu.memory_space<vmem>>)
      "tpu.region"() ({
        %run_scoped3A = tpu.sem_alloc : memref<!tpu.dma_semaphore, #tpu.memory_space<semaphore_mem>>
        %dma_start3A_29 = arith.constant 0 : i32
        %dma_start3A_30 = tpu.memref_slice %arg5[%mul3A_18, %dma_start3A_29] : memref<80000x128xf32, #tpu.memory_space<hbm>> -> memref<128x128xf32, #tpu.memory_space<hbm>>
        %dma_start3A_31 = arith.constant 0 : i32
        %dma_start3A_32 = tpu.memref_slice %arg5[%mul3A_18, %dma_start3A_31] : memref<80000x128xf32, #tpu.memory_space<hbm>> -> memref<128x128xf32, #tpu.memory_space<hbm>>
        tpu.enqueue_dma source(%arg8 : memref<128x128xf32, #tpu.memory_space<vmem>>) target(%dma_start3A_32 : memref<128x128xf32, #tpu.memory_space<hbm>>) target_semaphore(%run_scoped3A : memref<!tpu.dma_semaphore, #tpu.memory_space<semaphore_mem>>)
        %dma_wait3A_33 = arith.constant 0 : i32
        %dma_wait3A_34 = tpu.memref_slice %arg5[%mul3A_18, %dma_wait3A_33] : memref<80000x128xf32, #tpu.memory_space<hbm>> -> memref<128x128xf32, #tpu.memory_space<hbm>>
        %dma_wait3A_35 = arith.constant 0 : i32
        %dma_wait3A_36 = tpu.memref_slice %arg5[%mul3A_18, %dma_wait3A_35] : memref<80000x128xf32, #tpu.memory_space<hbm>> -> memref<128x128xf32, #tpu.memory_space<hbm>>
        tpu.wait_dma2 semaphore(%run_scoped3A : memref<!tpu.dma_semaphore, #tpu.memory_space<semaphore_mem>>) src(%arg8 : memref<128x128xf32, #tpu.memory_space<vmem>>) dst(%dma_wait3A_36 : memref<128x128xf32, #tpu.memory_space<hbm>>)
        tpu.yield
      }) : () -> ()
      %dma_wait3A_26 = arith.constant 0 : i32
      %dma_wait3A_27 = arith.constant 0 : i32
      %dma_wait3A_28 = tpu.memref_slice %arg2[%dma_wait3A_26, %dma_wait3A_27] : memref<10000x128xf32, #tpu.memory_space<hbm>> -> memref<10000x128xf32, #tpu.memory_space<hbm>>
      tpu.wait_indirect_dma semaphore(%arg12 : memref<!tpu.dma_semaphore, #tpu.memory_space<semaphore_mem>>) src(%dma_wait3A_28 : memref<10000x128xf32, #tpu.memory_space<hbm>>) dst(%arg10 : memref<128x128xf32, #tpu.memory_space<vmem>>)
      "tpu.region"() ({
        %run_scoped3A = tpu.sem_alloc : memref<!tpu.dma_semaphore, #tpu.memory_space<semaphore_mem>>
        %dma_start3A_29 = arith.constant 0 : i32
        %dma_start3A_30 = tpu.memref_slice %arg6[%mul3A_18, %dma_start3A_29] : memref<80000x128xf32, #tpu.memory_space<hbm>> -> memref<128x128xf32, #tpu.memory_space<hbm>>
        %dma_start3A_31 = arith.constant 0 : i32
        %dma_start3A_32 = tpu.memref_slice %arg6[%mul3A_18, %dma_start3A_31] : memref<80000x128xf32, #tpu.memory_space<hbm>> -> memref<128x128xf32, #tpu.memory_space<hbm>>
        tpu.enqueue_dma source(%arg10 : memref<128x128xf32, #tpu.memory_space<vmem>>) target(%dma_start3A_32 : memref<128x128xf32, #tpu.memory_space<hbm>>) target_semaphore(%run_scoped3A : memref<!tpu.dma_semaphore, #tpu.memory_space<semaphore_mem>>)
        %dma_wait3A_33 = arith.constant 0 : i32
        %dma_wait3A_34 = tpu.memref_slice %arg6[%mul3A_18, %dma_wait3A_33] : memref<80000x128xf32, #tpu.memory_space<hbm>> -> memref<128x128xf32, #tpu.memory_space<hbm>>
        %dma_wait3A_35 = arith.constant 0 : i32
        %dma_wait3A_36 = tpu.memref_slice %arg6[%mul3A_18, %dma_wait3A_35] : memref<80000x128xf32, #tpu.memory_space<hbm>> -> memref<128x128xf32, #tpu.memory_space<hbm>>
        tpu.wait_dma2 semaphore(%run_scoped3A : memref<!tpu.dma_semaphore, #tpu.memory_space<semaphore_mem>>) src(%arg10 : memref<128x128xf32, #tpu.memory_space<vmem>>) dst(%dma_wait3A_36 : memref<128x128xf32, #tpu.memory_space<hbm>>)
        tpu.yield
      }) : () -> ()
    }
    %while3A_12 = arith.constant 1 : i32
    scf.for %while3A_13 = %while3A_10 to %while3A_6 step %while3A_12  : i32 {
      %mul3A_14 = arith.constant 32 : i32
      %mul3A_15 = arith.muli %while3A_13, %mul3A_14 : i32
      %add3A_16 = arith.addi %mul3A_15, %add3A : i32
      %mul3A_17 = arith.constant 128 : i32
      %mul3A_18 = arith.muli %add3A_16, %mul3A_17 : i32
      "tpu.region"() ({
        %run_scoped3A = tpu.sem_alloc : memref<!tpu.dma_semaphore, #tpu.memory_space<semaphore_mem>>
        %dma_start3A_29 = tpu.memref_slice %arg3[%mul3A_18] : memref<80000xi32, #tpu.memory_space<hbm>> -> memref<128xi32, #tpu.memory_space<hbm>>
        %dma_start3A_30 = tpu.memref_slice %arg3[%mul3A_18] : memref<80000xi32, #tpu.memory_space<hbm>> -> memref<128xi32, #tpu.memory_space<hbm>>
        tpu.enqueue_dma source(%dma_start3A_30 : memref<128xi32, #tpu.memory_space<hbm>>) target(%arg7 : memref<128xi32, #tpu.memory_space<vmem>>) target_semaphore(%run_scoped3A : memref<!tpu.dma_semaphore, #tpu.memory_space<semaphore_mem>>)
        %dma_wait3A_31 = tpu.memref_slice %arg3[%mul3A_18] : memref<80000xi32, #tpu.memory_space<hbm>> -> memref<128xi32, #tpu.memory_space<hbm>>
        %dma_wait3A_32 = tpu.memref_slice %arg3[%mul3A_18] : memref<80000xi32, #tpu.memory_space<hbm>> -> memref<128xi32, #tpu.memory_space<hbm>>
        tpu.wait_dma2 semaphore(%run_scoped3A : memref<!tpu.dma_semaphore, #tpu.memory_space<semaphore_mem>>) src(%dma_wait3A_32 : memref<128xi32, #tpu.memory_space<hbm>>) dst(%arg7 : memref<128xi32, #tpu.memory_space<vmem>>)
        tpu.yield
      }) : () -> ()
      %dma_start3A = arith.constant 0 : i32
      %dma_start3A_19 = arith.constant 0 : i32
      %dma_start3A_20 = tpu.memref_slice %arg2[%dma_start3A, %dma_start3A_19] : memref<10000x128xf32, #tpu.memory_space<hbm>> -> memref<10000x128xf32, #tpu.memory_space<hbm>>
      tpu.enqueue_indirect_dma source(%dma_start3A_20 : memref<10000x128xf32, #tpu.memory_space<hbm>>) target(%arg8 : memref<128x128xf32, #tpu.memory_space<vmem>>) offsets(%arg7 : memref<128xi32, #tpu.memory_space<vmem>>) semaphore(%arg11 : memref<!tpu.dma_semaphore, #tpu.memory_space<semaphore_mem>>)
      "tpu.region"() ({
        %run_scoped3A = tpu.sem_alloc : memref<!tpu.dma_semaphore, #tpu.memory_space<semaphore_mem>>
        %dma_start3A_29 = tpu.memref_slice %arg4[%mul3A_18] : memref<80000xi32, #tpu.memory_space<hbm>> -> memref<128xi32, #tpu.memory_space<hbm>>
        %dma_start3A_30 = tpu.memref_slice %arg4[%mul3A_18] : memref<80000xi32, #tpu.memory_space<hbm>> -> memref<128xi32, #tpu.memory_space<hbm>>
        tpu.enqueue_dma source(%dma_start3A_30 : memref<128xi32, #tpu.memory_space<hbm>>) target(%arg9 : memref<128xi32, #tpu.memory_space<vmem>>) target_semaphore(%run_scoped3A : memref<!tpu.dma_semaphore, #tpu.memory_space<semaphore_mem>>)
        %dma_wait3A_31 = tpu.memref_slice %arg4[%mul3A_18] : memref<80000xi32, #tpu.memory_space<hbm>> -> memref<128xi32, #tpu.memory_space<hbm>>
        %dma_wait3A_32 = tpu.memref_slice %arg4[%mul3A_18] : memref<80000xi32, #tpu.memory_space<hbm>> -> memref<128xi32, #tpu.memory_space<hbm>>
        tpu.wait_dma2 semaphore(%run_scoped3A : memref<!tpu.dma_semaphore, #tpu.memory_space<semaphore_mem>>) src(%dma_wait3A_32 : memref<128xi32, #tpu.memory_space<hbm>>) dst(%arg9 : memref<128xi32, #tpu.memory_space<vmem>>)
        tpu.yield
      }) : () -> ()
      %dma_start3A_21 = arith.constant 0 : i32
      %dma_start3A_22 = arith.constant 0 : i32
      %dma_start3A_23 = tpu.memref_slice %arg2[%dma_start3A_21, %dma_start3A_22] : memref<10000x128xf32, #tpu.memory_space<hbm>> -> memref<10000x128xf32, #tpu.memory_space<hbm>>
      tpu.enqueue_indirect_dma source(%dma_start3A_23 : memref<10000x128xf32, #tpu.memory_space<hbm>>) target(%arg10 : memref<128x128xf32, #tpu.memory_space<vmem>>) offsets(%arg9 : memref<128xi32, #tpu.memory_space<vmem>>) semaphore(%arg12 : memref<!tpu.dma_semaphore, #tpu.memory_space<semaphore_mem>>)
      %dma_wait3A = arith.constant 0 : i32
      %dma_wait3A_24 = arith.constant 0 : i32
      %dma_wait3A_25 = tpu.memref_slice %arg2[%dma_wait3A, %dma_wait3A_24] : memref<10000x128xf32, #tpu.memory_space<hbm>> -> memref<10000x128xf32, #tpu.memory_space<hbm>>
      tpu.wait_indirect_dma semaphore(%arg11 : memref<!tpu.dma_semaphore, #tpu.memory_space<semaphore_mem>>) src(%dma_wait3A_25 : memref<10000x128xf32, #tpu.memory_space<hbm>>) dst(%arg8 : memref<128x128xf32, #tpu.memory_space<vmem>>)
      "tpu.region"() ({
        %run_scoped3A = tpu.sem_alloc : memref<!tpu.dma_semaphore, #tpu.memory_space<semaphore_mem>>
        %dma_start3A_29 = arith.constant 0 : i32
        %dma_start3A_30 = tpu.memref_slice %arg5[%mul3A_18, %dma_start3A_29] : memref<80000x128xf32, #tpu.memory_space<hbm>> -> memref<128x128xf32, #tpu.memory_space<hbm>>
        %dma_start3A_31 = arith.constant 0 : i32
        %dma_start3A_32 = tpu.memref_slice %arg5[%mul3A_18, %dma_start3A_31] : memref<80000x128xf32, #tpu.memory_space<hbm>> -> memref<128x128xf32, #tpu.memory_space<hbm>>
        tpu.enqueue_dma source(%arg8 : memref<128x128xf32, #tpu.memory_space<vmem>>) target(%dma_start3A_32 : memref<128x128xf32, #tpu.memory_space<hbm>>) target_semaphore(%run_scoped3A : memref<!tpu.dma_semaphore, #tpu.memory_space<semaphore_mem>>)
        %dma_wait3A_33 = arith.constant 0 : i32
        %dma_wait3A_34 = tpu.memref_slice %arg5[%mul3A_18, %dma_wait3A_33] : memref<80000x128xf32, #tpu.memory_space<hbm>> -> memref<128x128xf32, #tpu.memory_space<hbm>>
        %dma_wait3A_35 = arith.constant 0 : i32
        %dma_wait3A_36 = tpu.memref_slice %arg5[%mul3A_18, %dma_wait3A_35] : memref<80000x128xf32, #tpu.memory_space<hbm>> -> memref<128x128xf32, #tpu.memory_space<hbm>>
        tpu.wait_dma2 semaphore(%run_scoped3A : memref<!tpu.dma_semaphore, #tpu.memory_space<semaphore_mem>>) src(%arg8 : memref<128x128xf32, #tpu.memory_space<vmem>>) dst(%dma_wait3A_36 : memref<128x128xf32, #tpu.memory_space<hbm>>)
        tpu.yield
      }) : () -> ()
      %dma_wait3A_26 = arith.constant 0 : i32
      %dma_wait3A_27 = arith.constant 0 : i32
      %dma_wait3A_28 = tpu.memref_slice %arg2[%dma_wait3A_26, %dma_wait3A_27] : memref<10000x128xf32, #tpu.memory_space<hbm>> -> memref<10000x128xf32, #tpu.memory_space<hbm>>
      tpu.wait_indirect_dma semaphore(%arg12 : memref<!tpu.dma_semaphore, #tpu.memory_space<semaphore_mem>>) src(%dma_wait3A_28 : memref<10000x128xf32, #tpu.memory_space<hbm>>) dst(%arg10 : memref<128x128xf32, #tpu.memory_space<vmem>>)
      "tpu.region"() ({
        %run_scoped3A = tpu.sem_alloc : memref<!tpu.dma_semaphore, #tpu.memory_space<semaphore_mem>>
        %dma_start3A_29 = arith.constant 0 : i32
        %dma_start3A_30 = tpu.memref_slice %arg6[%mul3A_18, %dma_start3A_29] : memref<80000x128xf32, #tpu.memory_space<hbm>> -> memref<128x128xf32, #tpu.memory_space<hbm>>
        %dma_start3A_31 = arith.constant 0 : i32
        %dma_start3A_32 = tpu.memref_slice %arg6[%mul3A_18, %dma_start3A_31] : memref<80000x128xf32, #tpu.memory_space<hbm>> -> memref<128x128xf32, #tpu.memory_space<hbm>>
        tpu.enqueue_dma source(%arg10 : memref<128x128xf32, #tpu.memory_space<vmem>>) target(%dma_start3A_32 : memref<128x128xf32, #tpu.memory_space<hbm>>) target_semaphore(%run_scoped3A : memref<!tpu.dma_semaphore, #tpu.memory_space<semaphore_mem>>)
        %dma_wait3A_33 = arith.constant 0 : i32
        %dma_wait3A_34 = tpu.memref_slice %arg6[%mul3A_18, %dma_wait3A_33] : memref<80000x128xf32, #tpu.memory_space<hbm>> -> memref<128x128xf32, #tpu.memory_space<hbm>>
        %dma_wait3A_35 = arith.constant 0 : i32
        %dma_wait3A_36 = tpu.memref_slice %arg6[%mul3A_18, %dma_wait3A_35] : memref<80000x128xf32, #tpu.memory_space<hbm>> -> memref<128x128xf32, #tpu.memory_space<hbm>>
        tpu.wait_dma2 semaphore(%run_scoped3A : memref<!tpu.dma_semaphore, #tpu.memory_space<semaphore_mem>>) src(%arg10 : memref<128x128xf32, #tpu.memory_space<vmem>>) dst(%dma_wait3A_36 : memref<128x128xf32, #tpu.memory_space<hbm>>)
        tpu.yield
      }) : () -> ()
    }
    return
  }
}

#map = affine_map<(d0, d1) -> (0, 0)>
#map1 = affine_map<(d0, d1) -> (0)>
#map2 = affine_map<(d0, d1) -> (0, 0, 0)>
module attributes {stable_mosaic.version = 14 : i64} {
  func.func @_scatter_body(%arg0: i32, %arg1: i32, %arg2: memref<80000x128xf32, #tpu.memory_space<hbm>>, %arg3: memref<80000xi32, #tpu.memory_space<hbm>>, %arg4: memref<10240x128xf32, #tpu.memory_space<hbm>>, %arg5: memref<2x10240x128xf32, #tpu.memory_space<hbm>>, %arg6: memref<128xi32, #tpu.memory_space<vmem>>, %arg7: memref<128x128xf32, #tpu.memory_space<vmem>>, %arg8: memref<10240x128xf32, #tpu.memory_space<vmem_shared>>) attributes {dimension_semantics = [#tpu.dimension_semantics<core_parallel>, #tpu.dimension_semantics<subcore_parallel>], iteration_bounds = array<i64: 2, 16>, scalar_prefetch = 0 : i64, scratch_operands = 3 : i64, tpu.core_type = #tpu.core_type<sc_vector_subcore>, window_params = [{transform_indices = #map}, {transform_indices = #map1}, {transform_indices = #map}, {transform_indices = #map2}]} {
    %mul3A = arith.constant 2 : i32
    %mul3A_0 = arith.muli %arg1, %mul3A : i32
    %add3A = arith.addi %mul3A_0, %arg0 : i32
    %lt3A = arith.constant 17 : i32
    %lt3A_1 = arith.cmpi slt, %add3A, %lt3A : i32
    %convert_element_type3A = arith.extui %lt3A_1 : i1 to i32
    %add3A_2 = arith.constant 19 : i32
    %add3A_3 = arith.addi %add3A_2, %convert_element_type3A : i32
    %mul3A_4 = arith.constant 640 : i32
    %mul3A_5 = arith.muli %arg1, %mul3A_4 : i32
    %mul3A_6 = arith.constant 640 : i32
    %mul3A_7 = arith.muli %arg1, %mul3A_6 : i32
    "tpu.region"() ({
      %run_scoped3A = tpu.sem_alloc : memref<!tpu.dma_semaphore, #tpu.memory_space<semaphore_mem>>
      %dma_start3A = arith.constant 0 : i32
      %dma_start3A_22 = tpu.memref_slice %arg8[%mul3A_7, %dma_start3A] : memref<10240x128xf32, #tpu.memory_space<vmem_shared>> -> memref<640x128xf32, #tpu.memory_space<vmem_shared>>
      %dma_start3A_23 = arith.constant 0 : i32
      %dma_start3A_24 = tpu.memref_slice %arg4[%mul3A_5, %dma_start3A_23] : memref<10240x128xf32, #tpu.memory_space<hbm>> -> memref<640x128xf32, #tpu.memory_space<hbm>>
      tpu.enqueue_dma source(%dma_start3A_24 : memref<640x128xf32, #tpu.memory_space<hbm>>) target(%dma_start3A_22 : memref<640x128xf32, #tpu.memory_space<vmem_shared>>) target_semaphore(%run_scoped3A : memref<!tpu.dma_semaphore, #tpu.memory_space<semaphore_mem>>)
      %dma_wait3A = arith.constant 0 : i32
      %dma_wait3A_25 = tpu.memref_slice %arg8[%mul3A_7, %dma_wait3A] : memref<10240x128xf32, #tpu.memory_space<vmem_shared>> -> memref<640x128xf32, #tpu.memory_space<vmem_shared>>
      %dma_wait3A_26 = arith.constant 0 : i32
      %dma_wait3A_27 = tpu.memref_slice %arg4[%mul3A_5, %dma_wait3A_26] : memref<10240x128xf32, #tpu.memory_space<hbm>> -> memref<640x128xf32, #tpu.memory_space<hbm>>
      tpu.wait_dma2 semaphore(%run_scoped3A : memref<!tpu.dma_semaphore, #tpu.memory_space<semaphore_mem>>) src(%dma_wait3A_27 : memref<640x128xf32, #tpu.memory_space<hbm>>) dst(%dma_wait3A_25 : memref<640x128xf32, #tpu.memory_space<vmem_shared>>)
      tpu.yield
    }) : () -> ()
    %barrier3A = arith.constant 0 : index
    tpu.barrier barrier_id(%barrier3A)
    %while3A = arith.constant 0 : i32
    %while3A_8 = arith.constant 0 : i32
    %while3A_9 = arith.subi %add3A_3, %while3A_8 : i32
    %while3A_10 = arith.addi %while3A_8, %while3A_9 : i32
    %while3A_11 = arith.constant 1 : i32
    %while3A_12 = arith.divsi %while3A_9, %while3A_11 : i32
    %while3A_13 = arith.muli %while3A_12, %while3A_11 : i32
    %while3A_14 = arith.addi %while3A_8, %while3A_13 : i32
    %while3A_15 = arith.constant 1 : i32
    scf.for %while3A_22 = %while3A_8 to %while3A_14 step %while3A_15  : i32 {
      %mul3A_23 = arith.constant 32 : i32
      %mul3A_24 = arith.muli %while3A_22, %mul3A_23 : i32
      %add3A_25 = arith.addi %mul3A_24, %add3A : i32
      %mul3A_26 = arith.constant 128 : i32
      %mul3A_27 = arith.muli %add3A_25, %mul3A_26 : i32
      "tpu.region"() ({
        %run_scoped3A = tpu.sem_alloc : memref<!tpu.dma_semaphore, #tpu.memory_space<semaphore_mem>>
        %dma_start3A = arith.constant 0 : i32
        %dma_start3A_28 = tpu.memref_slice %arg2[%mul3A_27, %dma_start3A] : memref<80000x128xf32, #tpu.memory_space<hbm>> -> memref<128x128xf32, #tpu.memory_space<hbm>>
        %dma_start3A_29 = arith.constant 0 : i32
        %dma_start3A_30 = tpu.memref_slice %arg2[%mul3A_27, %dma_start3A_29] : memref<80000x128xf32, #tpu.memory_space<hbm>> -> memref<128x128xf32, #tpu.memory_space<hbm>>
        tpu.enqueue_dma source(%dma_start3A_30 : memref<128x128xf32, #tpu.memory_space<hbm>>) target(%arg7 : memref<128x128xf32, #tpu.memory_space<vmem>>) target_semaphore(%run_scoped3A : memref<!tpu.dma_semaphore, #tpu.memory_space<semaphore_mem>>)
        %dma_wait3A = arith.constant 0 : i32
        %dma_wait3A_31 = tpu.memref_slice %arg2[%mul3A_27, %dma_wait3A] : memref<80000x128xf32, #tpu.memory_space<hbm>> -> memref<128x128xf32, #tpu.memory_space<hbm>>
        %dma_wait3A_32 = arith.constant 0 : i32
        %dma_wait3A_33 = tpu.memref_slice %arg2[%mul3A_27, %dma_wait3A_32] : memref<80000x128xf32, #tpu.memory_space<hbm>> -> memref<128x128xf32, #tpu.memory_space<hbm>>
        tpu.wait_dma2 semaphore(%run_scoped3A : memref<!tpu.dma_semaphore, #tpu.memory_space<semaphore_mem>>) src(%dma_wait3A_33 : memref<128x128xf32, #tpu.memory_space<hbm>>) dst(%arg7 : memref<128x128xf32, #tpu.memory_space<vmem>>)
        tpu.yield
      }) : () -> ()
      "tpu.region"() ({
        %run_scoped3A = tpu.sem_alloc : memref<!tpu.dma_semaphore, #tpu.memory_space<semaphore_mem>>
        %dma_start3A = tpu.memref_slice %arg3[%mul3A_27] : memref<80000xi32, #tpu.memory_space<hbm>> -> memref<128xi32, #tpu.memory_space<hbm>>
        %dma_start3A_28 = tpu.memref_slice %arg3[%mul3A_27] : memref<80000xi32, #tpu.memory_space<hbm>> -> memref<128xi32, #tpu.memory_space<hbm>>
        tpu.enqueue_dma source(%dma_start3A_28 : memref<128xi32, #tpu.memory_space<hbm>>) target(%arg6 : memref<128xi32, #tpu.memory_space<vmem>>) target_semaphore(%run_scoped3A : memref<!tpu.dma_semaphore, #tpu.memory_space<semaphore_mem>>)
        %dma_wait3A = tpu.memref_slice %arg3[%mul3A_27] : memref<80000xi32, #tpu.memory_space<hbm>> -> memref<128xi32, #tpu.memory_space<hbm>>
        %dma_wait3A_29 = tpu.memref_slice %arg3[%mul3A_27] : memref<80000xi32, #tpu.memory_space<hbm>> -> memref<128xi32, #tpu.memory_space<hbm>>
        tpu.wait_dma2 semaphore(%run_scoped3A : memref<!tpu.dma_semaphore, #tpu.memory_space<semaphore_mem>>) src(%dma_wait3A_29 : memref<128xi32, #tpu.memory_space<hbm>>) dst(%arg6 : memref<128xi32, #tpu.memory_space<vmem>>)
        tpu.yield
      }) : () -> ()
      "tpu.region"() ({
        %run_scoped3A = tpu.sem_alloc : memref<!tpu.dma_semaphore, #tpu.memory_space<semaphore_mem>>
        %dma_start3A = arith.constant 0 : i32
        %dma_start3A_28 = arith.constant 0 : i32
        %dma_start3A_29 = tpu.memref_slice %arg8[%dma_start3A, %dma_start3A_28] : memref<10240x128xf32, #tpu.memory_space<vmem_shared>> -> memref<10240x128xf32, #tpu.memory_space<vmem_shared>>
        tpu.enqueue_indirect_dma source(%arg7 : memref<128x128xf32, #tpu.memory_space<vmem>>) target(%dma_start3A_29 : memref<10240x128xf32, #tpu.memory_space<vmem_shared>>) offsets(%arg6 : memref<128xi32, #tpu.memory_space<vmem>>) semaphore(%run_scoped3A : memref<!tpu.dma_semaphore, #tpu.memory_space<semaphore_mem>>) {add = true}
        %dma_wait3A = arith.constant 0 : i32
        %dma_wait3A_30 = arith.constant 0 : i32
        %dma_wait3A_31 = tpu.memref_slice %arg8[%dma_wait3A, %dma_wait3A_30] : memref<10240x128xf32, #tpu.memory_space<vmem_shared>> -> memref<10240x128xf32, #tpu.memory_space<vmem_shared>>
        tpu.wait_indirect_dma semaphore(%run_scoped3A : memref<!tpu.dma_semaphore, #tpu.memory_space<semaphore_mem>>) src(%arg7 : memref<128x128xf32, #tpu.memory_space<vmem>>) dst(%dma_wait3A_31 : memref<10240x128xf32, #tpu.memory_space<vmem_shared>>)
        tpu.yield
      }) : () -> ()
    }
    %while3A_16 = arith.constant 1 : i32
    scf.for %while3A_22 = %while3A_14 to %while3A_10 step %while3A_16  : i32 {
      %mul3A_23 = arith.constant 32 : i32
      %mul3A_24 = arith.muli %while3A_22, %mul3A_23 : i32
      %add3A_25 = arith.addi %mul3A_24, %add3A : i32
      %mul3A_26 = arith.constant 128 : i32
      %mul3A_27 = arith.muli %add3A_25, %mul3A_26 : i32
      "tpu.region"() ({
        %run_scoped3A = tpu.sem_alloc : memref<!tpu.dma_semaphore, #tpu.memory_space<semaphore_mem>>
        %dma_start3A = arith.constant 0 : i32
        %dma_start3A_28 = tpu.memref_slice %arg2[%mul3A_27, %dma_start3A] : memref<80000x128xf32, #tpu.memory_space<hbm>> -> memref<128x128xf32, #tpu.memory_space<hbm>>
        %dma_start3A_29 = arith.constant 0 : i32
        %dma_start3A_30 = tpu.memref_slice %arg2[%mul3A_27, %dma_start3A_29] : memref<80000x128xf32, #tpu.memory_space<hbm>> -> memref<128x128xf32, #tpu.memory_space<hbm>>
        tpu.enqueue_dma source(%dma_start3A_30 : memref<128x128xf32, #tpu.memory_space<hbm>>) target(%arg7 : memref<128x128xf32, #tpu.memory_space<vmem>>) target_semaphore(%run_scoped3A : memref<!tpu.dma_semaphore, #tpu.memory_space<semaphore_mem>>)
        %dma_wait3A = arith.constant 0 : i32
        %dma_wait3A_31 = tpu.memref_slice %arg2[%mul3A_27, %dma_wait3A] : memref<80000x128xf32, #tpu.memory_space<hbm>> -> memref<128x128xf32, #tpu.memory_space<hbm>>
        %dma_wait3A_32 = arith.constant 0 : i32
        %dma_wait3A_33 = tpu.memref_slice %arg2[%mul3A_27, %dma_wait3A_32] : memref<80000x128xf32, #tpu.memory_space<hbm>> -> memref<128x128xf32, #tpu.memory_space<hbm>>
        tpu.wait_dma2 semaphore(%run_scoped3A : memref<!tpu.dma_semaphore, #tpu.memory_space<semaphore_mem>>) src(%dma_wait3A_33 : memref<128x128xf32, #tpu.memory_space<hbm>>) dst(%arg7 : memref<128x128xf32, #tpu.memory_space<vmem>>)
        tpu.yield
      }) : () -> ()
      "tpu.region"() ({
        %run_scoped3A = tpu.sem_alloc : memref<!tpu.dma_semaphore, #tpu.memory_space<semaphore_mem>>
        %dma_start3A = tpu.memref_slice %arg3[%mul3A_27] : memref<80000xi32, #tpu.memory_space<hbm>> -> memref<128xi32, #tpu.memory_space<hbm>>
        %dma_start3A_28 = tpu.memref_slice %arg3[%mul3A_27] : memref<80000xi32, #tpu.memory_space<hbm>> -> memref<128xi32, #tpu.memory_space<hbm>>
        tpu.enqueue_dma source(%dma_start3A_28 : memref<128xi32, #tpu.memory_space<hbm>>) target(%arg6 : memref<128xi32, #tpu.memory_space<vmem>>) target_semaphore(%run_scoped3A : memref<!tpu.dma_semaphore, #tpu.memory_space<semaphore_mem>>)
        %dma_wait3A = tpu.memref_slice %arg3[%mul3A_27] : memref<80000xi32, #tpu.memory_space<hbm>> -> memref<128xi32, #tpu.memory_space<hbm>>
        %dma_wait3A_29 = tpu.memref_slice %arg3[%mul3A_27] : memref<80000xi32, #tpu.memory_space<hbm>> -> memref<128xi32, #tpu.memory_space<hbm>>
        tpu.wait_dma2 semaphore(%run_scoped3A : memref<!tpu.dma_semaphore, #tpu.memory_space<semaphore_mem>>) src(%dma_wait3A_29 : memref<128xi32, #tpu.memory_space<hbm>>) dst(%arg6 : memref<128xi32, #tpu.memory_space<vmem>>)
        tpu.yield
      }) : () -> ()
      "tpu.region"() ({
        %run_scoped3A = tpu.sem_alloc : memref<!tpu.dma_semaphore, #tpu.memory_space<semaphore_mem>>
        %dma_start3A = arith.constant 0 : i32
        %dma_start3A_28 = arith.constant 0 : i32
        %dma_start3A_29 = tpu.memref_slice %arg8[%dma_start3A, %dma_start3A_28] : memref<10240x128xf32, #tpu.memory_space<vmem_shared>> -> memref<10240x128xf32, #tpu.memory_space<vmem_shared>>
        tpu.enqueue_indirect_dma source(%arg7 : memref<128x128xf32, #tpu.memory_space<vmem>>) target(%dma_start3A_29 : memref<10240x128xf32, #tpu.memory_space<vmem_shared>>) offsets(%arg6 : memref<128xi32, #tpu.memory_space<vmem>>) semaphore(%run_scoped3A : memref<!tpu.dma_semaphore, #tpu.memory_space<semaphore_mem>>) {add = true}
        %dma_wait3A = arith.constant 0 : i32
        %dma_wait3A_30 = arith.constant 0 : i32
        %dma_wait3A_31 = tpu.memref_slice %arg8[%dma_wait3A, %dma_wait3A_30] : memref<10240x128xf32, #tpu.memory_space<vmem_shared>> -> memref<10240x128xf32, #tpu.memory_space<vmem_shared>>
        tpu.wait_indirect_dma semaphore(%run_scoped3A : memref<!tpu.dma_semaphore, #tpu.memory_space<semaphore_mem>>) src(%arg7 : memref<128x128xf32, #tpu.memory_space<vmem>>) dst(%dma_wait3A_31 : memref<10240x128xf32, #tpu.memory_space<vmem_shared>>)
        tpu.yield
      }) : () -> ()
    }
    %barrier3A_17 = arith.constant 0 : index
    tpu.barrier barrier_id(%barrier3A_17)
    %mul3A_18 = arith.constant 640 : i32
    %mul3A_19 = arith.muli %arg1, %mul3A_18 : i32
    %mul3A_20 = arith.constant 640 : i32
    %mul3A_21 = arith.muli %arg1, %mul3A_20 : i32
    "tpu.region"() ({
      %run_scoped3A = tpu.sem_alloc : memref<!tpu.dma_semaphore, #tpu.memory_space<semaphore_mem>>
      %dma_start3A = arith.constant 0 : i32
      %dma_start3A_22 = tpu.memref_slice %arg5[%arg0, %mul3A_21, %dma_start3A] : memref<2x10240x128xf32, #tpu.memory_space<hbm>> -> memref<1x640x128xf32, #tpu.memory_space<hbm>>
      %dma_start3A_23 = tpu.memref_squeeze %dma_start3A_22 : memref<1x640x128xf32, #tpu.memory_space<hbm>> -> memref<640x128xf32, #tpu.memory_space<hbm>>
      %dma_start3A_24 = arith.constant 0 : i32
      %dma_start3A_25 = tpu.memref_slice %arg8[%mul3A_19, %dma_start3A_24] : memref<10240x128xf32, #tpu.memory_space<vmem_shared>> -> memref<640x128xf32, #tpu.memory_space<vmem_shared>>
      tpu.enqueue_dma source(%dma_start3A_25 : memref<640x128xf32, #tpu.memory_space<vmem_shared>>) target(%dma_start3A_23 : memref<640x128xf32, #tpu.memory_space<hbm>>) target_semaphore(%run_scoped3A : memref<!tpu.dma_semaphore, #tpu.memory_space<semaphore_mem>>)
      %dma_wait3A = arith.constant 0 : i32
      %dma_wait3A_26 = tpu.memref_slice %arg5[%arg0, %mul3A_21, %dma_wait3A] : memref<2x10240x128xf32, #tpu.memory_space<hbm>> -> memref<1x640x128xf32, #tpu.memory_space<hbm>>
      %dma_wait3A_27 = tpu.memref_squeeze %dma_wait3A_26 : memref<1x640x128xf32, #tpu.memory_space<hbm>> -> memref<640x128xf32, #tpu.memory_space<hbm>>
      %dma_wait3A_28 = arith.constant 0 : i32
      %dma_wait3A_29 = tpu.memref_slice %arg8[%mul3A_19, %dma_wait3A_28] : memref<10240x128xf32, #tpu.memory_space<vmem_shared>> -> memref<640x128xf32, #tpu.memory_space<vmem_shared>>
      tpu.wait_dma2 semaphore(%run_scoped3A : memref<!tpu.dma_semaphore, #tpu.memory_space<semaphore_mem>>) src(%dma_wait3A_29 : memref<640x128xf32, #tpu.memory_space<vmem_shared>>) dst(%dma_wait3A_27 : memref<640x128xf32, #tpu.memory_space<hbm>>)
      tpu.yield
    }) : () -> ()
    return
  }
}

#map = affine_map<(d0, d1) -> (0, 0)>
#map1 = affine_map<(d0, d1) -> (0)>
#map2 = affine_map<(d0, d1) -> (0, 0, 0)>
module attributes {stable_mosaic.version = 14 : i64} {
  func.func @_scatter_body(%arg0: i32, %arg1: i32, %arg2: memref<80000x128xf32, #tpu.memory_space<hbm>>, %arg3: memref<80000xi32, #tpu.memory_space<hbm>>, %arg4: memref<10240x128xf32, #tpu.memory_space<hbm>>, %arg5: memref<2x10240x128xf32, #tpu.memory_space<hbm>>, %arg6: memref<128xi32, #tpu.memory_space<vmem>>, %arg7: memref<128x128xf32, #tpu.memory_space<vmem>>, %arg8: memref<10240x128xf32, #tpu.memory_space<vmem_shared>>) attributes {dimension_semantics = [#tpu.dimension_semantics<core_parallel>, #tpu.dimension_semantics<subcore_parallel>], iteration_bounds = array<i64: 2, 16>, scalar_prefetch = 0 : i64, scratch_operands = 3 : i64, tpu.core_type = #tpu.core_type<sc_vector_subcore>, window_params = [{transform_indices = #map}, {transform_indices = #map1}, {transform_indices = #map}, {transform_indices = #map2}]} {
    %mul3A = arith.constant 2 : i32
    %mul3A_0 = arith.muli %arg1, %mul3A : i32
    %add3A = arith.addi %mul3A_0, %arg0 : i32
    %lt3A = arith.constant 17 : i32
    %lt3A_1 = arith.cmpi slt, %add3A, %lt3A : i32
    %convert_element_type3A = arith.extui %lt3A_1 : i1 to i32
    %add3A_2 = arith.constant 19 : i32
    %add3A_3 = arith.addi %add3A_2, %convert_element_type3A : i32
    %mul3A_4 = arith.constant 640 : i32
    %mul3A_5 = arith.muli %arg1, %mul3A_4 : i32
    %mul3A_6 = arith.constant 640 : i32
    %mul3A_7 = arith.muli %arg1, %mul3A_6 : i32
    "tpu.region"() ({
      %run_scoped3A = tpu.sem_alloc : memref<!tpu.dma_semaphore, #tpu.memory_space<semaphore_mem>>
      %dma_start3A = arith.constant 0 : i32
      %dma_start3A_22 = tpu.memref_slice %arg8[%mul3A_7, %dma_start3A] : memref<10240x128xf32, #tpu.memory_space<vmem_shared>> -> memref<640x128xf32, #tpu.memory_space<vmem_shared>>
      %dma_start3A_23 = arith.constant 0 : i32
      %dma_start3A_24 = tpu.memref_slice %arg4[%mul3A_5, %dma_start3A_23] : memref<10240x128xf32, #tpu.memory_space<hbm>> -> memref<640x128xf32, #tpu.memory_space<hbm>>
      tpu.enqueue_dma source(%dma_start3A_24 : memref<640x128xf32, #tpu.memory_space<hbm>>) target(%dma_start3A_22 : memref<640x128xf32, #tpu.memory_space<vmem_shared>>) target_semaphore(%run_scoped3A : memref<!tpu.dma_semaphore, #tpu.memory_space<semaphore_mem>>)
      %dma_wait3A = arith.constant 0 : i32
      %dma_wait3A_25 = tpu.memref_slice %arg8[%mul3A_7, %dma_wait3A] : memref<10240x128xf32, #tpu.memory_space<vmem_shared>> -> memref<640x128xf32, #tpu.memory_space<vmem_shared>>
      %dma_wait3A_26 = arith.constant 0 : i32
      %dma_wait3A_27 = tpu.memref_slice %arg4[%mul3A_5, %dma_wait3A_26] : memref<10240x128xf32, #tpu.memory_space<hbm>> -> memref<640x128xf32, #tpu.memory_space<hbm>>
      tpu.wait_dma2 semaphore(%run_scoped3A : memref<!tpu.dma_semaphore, #tpu.memory_space<semaphore_mem>>) src(%dma_wait3A_27 : memref<640x128xf32, #tpu.memory_space<hbm>>) dst(%dma_wait3A_25 : memref<640x128xf32, #tpu.memory_space<vmem_shared>>)
      tpu.yield
    }) : () -> ()
    %barrier3A = arith.constant 0 : index
    tpu.barrier barrier_id(%barrier3A)
    %while3A = arith.constant 0 : i32
    %while3A_8 = arith.constant 0 : i32
    %while3A_9 = arith.subi %add3A_3, %while3A_8 : i32
    %while3A_10 = arith.addi %while3A_8, %while3A_9 : i32
    %while3A_11 = arith.constant 1 : i32
    %while3A_12 = arith.divsi %while3A_9, %while3A_11 : i32
    %while3A_13 = arith.muli %while3A_12, %while3A_11 : i32
    %while3A_14 = arith.addi %while3A_8, %while3A_13 : i32
    %while3A_15 = arith.constant 1 : i32
    scf.for %while3A_22 = %while3A_8 to %while3A_14 step %while3A_15  : i32 {
      %mul3A_23 = arith.constant 32 : i32
      %mul3A_24 = arith.muli %while3A_22, %mul3A_23 : i32
      %add3A_25 = arith.addi %mul3A_24, %add3A : i32
      %mul3A_26 = arith.constant 128 : i32
      %mul3A_27 = arith.muli %add3A_25, %mul3A_26 : i32
      "tpu.region"() ({
        %run_scoped3A = tpu.sem_alloc : memref<!tpu.dma_semaphore, #tpu.memory_space<semaphore_mem>>
        %dma_start3A = arith.constant 0 : i32
        %dma_start3A_28 = tpu.memref_slice %arg2[%mul3A_27, %dma_start3A] : memref<80000x128xf32, #tpu.memory_space<hbm>> -> memref<128x128xf32, #tpu.memory_space<hbm>>
        %dma_start3A_29 = arith.constant 0 : i32
        %dma_start3A_30 = tpu.memref_slice %arg2[%mul3A_27, %dma_start3A_29] : memref<80000x128xf32, #tpu.memory_space<hbm>> -> memref<128x128xf32, #tpu.memory_space<hbm>>
        tpu.enqueue_dma source(%dma_start3A_30 : memref<128x128xf32, #tpu.memory_space<hbm>>) target(%arg7 : memref<128x128xf32, #tpu.memory_space<vmem>>) target_semaphore(%run_scoped3A : memref<!tpu.dma_semaphore, #tpu.memory_space<semaphore_mem>>)
        %dma_wait3A = arith.constant 0 : i32
        %dma_wait3A_31 = tpu.memref_slice %arg2[%mul3A_27, %dma_wait3A] : memref<80000x128xf32, #tpu.memory_space<hbm>> -> memref<128x128xf32, #tpu.memory_space<hbm>>
        %dma_wait3A_32 = arith.constant 0 : i32
        %dma_wait3A_33 = tpu.memref_slice %arg2[%mul3A_27, %dma_wait3A_32] : memref<80000x128xf32, #tpu.memory_space<hbm>> -> memref<128x128xf32, #tpu.memory_space<hbm>>
        tpu.wait_dma2 semaphore(%run_scoped3A : memref<!tpu.dma_semaphore, #tpu.memory_space<semaphore_mem>>) src(%dma_wait3A_33 : memref<128x128xf32, #tpu.memory_space<hbm>>) dst(%arg7 : memref<128x128xf32, #tpu.memory_space<vmem>>)
        tpu.yield
      }) : () -> ()
      "tpu.region"() ({
        %run_scoped3A = tpu.sem_alloc : memref<!tpu.dma_semaphore, #tpu.memory_space<semaphore_mem>>
        %dma_start3A = tpu.memref_slice %arg3[%mul3A_27] : memref<80000xi32, #tpu.memory_space<hbm>> -> memref<128xi32, #tpu.memory_space<hbm>>
        %dma_start3A_28 = tpu.memref_slice %arg3[%mul3A_27] : memref<80000xi32, #tpu.memory_space<hbm>> -> memref<128xi32, #tpu.memory_space<hbm>>
        tpu.enqueue_dma source(%dma_start3A_28 : memref<128xi32, #tpu.memory_space<hbm>>) target(%arg6 : memref<128xi32, #tpu.memory_space<vmem>>) target_semaphore(%run_scoped3A : memref<!tpu.dma_semaphore, #tpu.memory_space<semaphore_mem>>)
        %dma_wait3A = tpu.memref_slice %arg3[%mul3A_27] : memref<80000xi32, #tpu.memory_space<hbm>> -> memref<128xi32, #tpu.memory_space<hbm>>
        %dma_wait3A_29 = tpu.memref_slice %arg3[%mul3A_27] : memref<80000xi32, #tpu.memory_space<hbm>> -> memref<128xi32, #tpu.memory_space<hbm>>
        tpu.wait_dma2 semaphore(%run_scoped3A : memref<!tpu.dma_semaphore, #tpu.memory_space<semaphore_mem>>) src(%dma_wait3A_29 : memref<128xi32, #tpu.memory_space<hbm>>) dst(%arg6 : memref<128xi32, #tpu.memory_space<vmem>>)
        tpu.yield
      }) : () -> ()
      "tpu.region"() ({
        %run_scoped3A = tpu.sem_alloc : memref<!tpu.dma_semaphore, #tpu.memory_space<semaphore_mem>>
        %dma_start3A = arith.constant 0 : i32
        %dma_start3A_28 = arith.constant 0 : i32
        %dma_start3A_29 = tpu.memref_slice %arg8[%dma_start3A, %dma_start3A_28] : memref<10240x128xf32, #tpu.memory_space<vmem_shared>> -> memref<10240x128xf32, #tpu.memory_space<vmem_shared>>
        tpu.enqueue_indirect_dma source(%arg7 : memref<128x128xf32, #tpu.memory_space<vmem>>) target(%dma_start3A_29 : memref<10240x128xf32, #tpu.memory_space<vmem_shared>>) offsets(%arg6 : memref<128xi32, #tpu.memory_space<vmem>>) semaphore(%run_scoped3A : memref<!tpu.dma_semaphore, #tpu.memory_space<semaphore_mem>>) {add = true}
        %dma_wait3A = arith.constant 0 : i32
        %dma_wait3A_30 = arith.constant 0 : i32
        %dma_wait3A_31 = tpu.memref_slice %arg8[%dma_wait3A, %dma_wait3A_30] : memref<10240x128xf32, #tpu.memory_space<vmem_shared>> -> memref<10240x128xf32, #tpu.memory_space<vmem_shared>>
        tpu.wait_indirect_dma semaphore(%run_scoped3A : memref<!tpu.dma_semaphore, #tpu.memory_space<semaphore_mem>>) src(%arg7 : memref<128x128xf32, #tpu.memory_space<vmem>>) dst(%dma_wait3A_31 : memref<10240x128xf32, #tpu.memory_space<vmem_shared>>)
        tpu.yield
      }) : () -> ()
    }
    %while3A_16 = arith.constant 1 : i32
    scf.for %while3A_22 = %while3A_14 to %while3A_10 step %while3A_16  : i32 {
      %mul3A_23 = arith.constant 32 : i32
      %mul3A_24 = arith.muli %while3A_22, %mul3A_23 : i32
      %add3A_25 = arith.addi %mul3A_24, %add3A : i32
      %mul3A_26 = arith.constant 128 : i32
      %mul3A_27 = arith.muli %add3A_25, %mul3A_26 : i32
      "tpu.region"() ({
        %run_scoped3A = tpu.sem_alloc : memref<!tpu.dma_semaphore, #tpu.memory_space<semaphore_mem>>
        %dma_start3A = arith.constant 0 : i32
        %dma_start3A_28 = tpu.memref_slice %arg2[%mul3A_27, %dma_start3A] : memref<80000x128xf32, #tpu.memory_space<hbm>> -> memref<128x128xf32, #tpu.memory_space<hbm>>
        %dma_start3A_29 = arith.constant 0 : i32
        %dma_start3A_30 = tpu.memref_slice %arg2[%mul3A_27, %dma_start3A_29] : memref<80000x128xf32, #tpu.memory_space<hbm>> -> memref<128x128xf32, #tpu.memory_space<hbm>>
        tpu.enqueue_dma source(%dma_start3A_30 : memref<128x128xf32, #tpu.memory_space<hbm>>) target(%arg7 : memref<128x128xf32, #tpu.memory_space<vmem>>) target_semaphore(%run_scoped3A : memref<!tpu.dma_semaphore, #tpu.memory_space<semaphore_mem>>)
        %dma_wait3A = arith.constant 0 : i32
        %dma_wait3A_31 = tpu.memref_slice %arg2[%mul3A_27, %dma_wait3A] : memref<80000x128xf32, #tpu.memory_space<hbm>> -> memref<128x128xf32, #tpu.memory_space<hbm>>
        %dma_wait3A_32 = arith.constant 0 : i32
        %dma_wait3A_33 = tpu.memref_slice %arg2[%mul3A_27, %dma_wait3A_32] : memref<80000x128xf32, #tpu.memory_space<hbm>> -> memref<128x128xf32, #tpu.memory_space<hbm>>
        tpu.wait_dma2 semaphore(%run_scoped3A : memref<!tpu.dma_semaphore, #tpu.memory_space<semaphore_mem>>) src(%dma_wait3A_33 : memref<128x128xf32, #tpu.memory_space<hbm>>) dst(%arg7 : memref<128x128xf32, #tpu.memory_space<vmem>>)
        tpu.yield
      }) : () -> ()
      "tpu.region"() ({
        %run_scoped3A = tpu.sem_alloc : memref<!tpu.dma_semaphore, #tpu.memory_space<semaphore_mem>>
        %dma_start3A = tpu.memref_slice %arg3[%mul3A_27] : memref<80000xi32, #tpu.memory_space<hbm>> -> memref<128xi32, #tpu.memory_space<hbm>>
        %dma_start3A_28 = tpu.memref_slice %arg3[%mul3A_27] : memref<80000xi32, #tpu.memory_space<hbm>> -> memref<128xi32, #tpu.memory_space<hbm>>
        tpu.enqueue_dma source(%dma_start3A_28 : memref<128xi32, #tpu.memory_space<hbm>>) target(%arg6 : memref<128xi32, #tpu.memory_space<vmem>>) target_semaphore(%run_scoped3A : memref<!tpu.dma_semaphore, #tpu.memory_space<semaphore_mem>>)
        %dma_wait3A = tpu.memref_slice %arg3[%mul3A_27] : memref<80000xi32, #tpu.memory_space<hbm>> -> memref<128xi32, #tpu.memory_space<hbm>>
        %dma_wait3A_29 = tpu.memref_slice %arg3[%mul3A_27] : memref<80000xi32, #tpu.memory_space<hbm>> -> memref<128xi32, #tpu.memory_space<hbm>>
        tpu.wait_dma2 semaphore(%run_scoped3A : memref<!tpu.dma_semaphore, #tpu.memory_space<semaphore_mem>>) src(%dma_wait3A_29 : memref<128xi32, #tpu.memory_space<hbm>>) dst(%arg6 : memref<128xi32, #tpu.memory_space<vmem>>)
        tpu.yield
      }) : () -> ()
      "tpu.region"() ({
        %run_scoped3A = tpu.sem_alloc : memref<!tpu.dma_semaphore, #tpu.memory_space<semaphore_mem>>
        %dma_start3A = arith.constant 0 : i32
        %dma_start3A_28 = arith.constant 0 : i32
        %dma_start3A_29 = tpu.memref_slice %arg8[%dma_start3A, %dma_start3A_28] : memref<10240x128xf32, #tpu.memory_space<vmem_shared>> -> memref<10240x128xf32, #tpu.memory_space<vmem_shared>>
        tpu.enqueue_indirect_dma source(%arg7 : memref<128x128xf32, #tpu.memory_space<vmem>>) target(%dma_start3A_29 : memref<10240x128xf32, #tpu.memory_space<vmem_shared>>) offsets(%arg6 : memref<128xi32, #tpu.memory_space<vmem>>) semaphore(%run_scoped3A : memref<!tpu.dma_semaphore, #tpu.memory_space<semaphore_mem>>) {add = true}
        %dma_wait3A = arith.constant 0 : i32
        %dma_wait3A_30 = arith.constant 0 : i32
        %dma_wait3A_31 = tpu.memref_slice %arg8[%dma_wait3A, %dma_wait3A_30] : memref<10240x128xf32, #tpu.memory_space<vmem_shared>> -> memref<10240x128xf32, #tpu.memory_space<vmem_shared>>
        tpu.wait_indirect_dma semaphore(%run_scoped3A : memref<!tpu.dma_semaphore, #tpu.memory_space<semaphore_mem>>) src(%arg7 : memref<128x128xf32, #tpu.memory_space<vmem>>) dst(%dma_wait3A_31 : memref<10240x128xf32, #tpu.memory_space<vmem_shared>>)
        tpu.yield
      }) : () -> ()
    }
    %barrier3A_17 = arith.constant 0 : index
    tpu.barrier barrier_id(%barrier3A_17)
    %mul3A_18 = arith.constant 640 : i32
    %mul3A_19 = arith.muli %arg1, %mul3A_18 : i32
    %mul3A_20 = arith.constant 640 : i32
    %mul3A_21 = arith.muli %arg1, %mul3A_20 : i32
    "tpu.region"() ({
      %run_scoped3A = tpu.sem_alloc : memref<!tpu.dma_semaphore, #tpu.memory_space<semaphore_mem>>
      %dma_start3A = arith.constant 0 : i32
      %dma_start3A_22 = tpu.memref_slice %arg5[%arg0, %mul3A_21, %dma_start3A] : memref<2x10240x128xf32, #tpu.memory_space<hbm>> -> memref<1x640x128xf32, #tpu.memory_space<hbm>>
      %dma_start3A_23 = tpu.memref_squeeze %dma_start3A_22 : memref<1x640x128xf32, #tpu.memory_space<hbm>> -> memref<640x128xf32, #tpu.memory_space<hbm>>
      %dma_start3A_24 = arith.constant 0 : i32
      %dma_start3A_25 = tpu.memref_slice %arg8[%mul3A_19, %dma_start3A_24] : memref<10240x128xf32, #tpu.memory_space<vmem_shared>> -> memref<640x128xf32, #tpu.memory_space<vmem_shared>>
      tpu.enqueue_dma source(%dma_start3A_25 : memref<640x128xf32, #tpu.memory_space<vmem_shared>>) target(%dma_start3A_23 : memref<640x128xf32, #tpu.memory_space<hbm>>) target_semaphore(%run_scoped3A : memref<!tpu.dma_semaphore, #tpu.memory_space<semaphore_mem>>)
      %dma_wait3A = arith.constant 0 : i32
      %dma_wait3A_26 = tpu.memref_slice %arg5[%arg0, %mul3A_21, %dma_wait3A] : memref<2x10240x128xf32, #tpu.memory_space<hbm>> -> memref<1x640x128xf32, #tpu.memory_space<hbm>>
      %dma_wait3A_27 = tpu.memref_squeeze %dma_wait3A_26 : memref<1x640x128xf32, #tpu.memory_space<hbm>> -> memref<640x128xf32, #tpu.memory_space<hbm>>
      %dma_wait3A_28 = arith.constant 0 : i32
      %dma_wait3A_29 = tpu.memref_slice %arg8[%mul3A_19, %dma_wait3A_28] : memref<10240x128xf32, #tpu.memory_space<vmem_shared>> -> memref<640x128xf32, #tpu.memory_space<vmem_shared>>
      tpu.wait_dma2 semaphore(%run_scoped3A : memref<!tpu.dma_semaphore, #tpu.memory_space<semaphore_mem>>) src(%dma_wait3A_29 : memref<640x128xf32, #tpu.memory_space<vmem_shared>>) dst(%dma_wait3A_27 : memref<640x128xf32, #tpu.memory_space<hbm>>)
      tpu.yield
    }) : () -> ()
    return
  }
}

module attributes {stable_mosaic.version = 14 : i64} {
  func.func @_mlp_body(%arg0: i32, %arg1: memref<3200x128xf32, #tpu.memory_space<vmem>>, %arg2: memref<3200x128xf32, #tpu.memory_space<vmem>>, %arg3: memref<3200x128xf32, #tpu.memory_space<vmem>>, %arg4: memref<3200x16xbf16, #tpu.memory_space<vmem>>, %arg5: memref<400x800xbf16, #tpu.memory_space<vmem>>, %arg6: memref<1x800xf32, #tpu.memory_space<vmem>>, %arg7: memref<800x128xbf16, #tpu.memory_space<vmem>>, %arg8: memref<1x128xf32, #tpu.memory_space<vmem>>, %arg9: memref<3200x128xf32, #tpu.memory_space<vmem>>) attributes {dimension_semantics = [#tpu.dimension_semantics<arbitrary>], iteration_bounds = array<i64: 25>, scalar_prefetch = 0 : i64, scratch_operands = 0 : i64, tpu.core_type = #tpu.core_type<tc>, window_params = [{transform_indices = @transform_0, window_bounds = array<i64: 3200, 128>}, {transform_indices = @transform_1, window_bounds = array<i64: 3200, 128>}, {transform_indices = @transform_2, window_bounds = array<i64: 3200, 128>}, {transform_indices = @transform_3, window_bounds = array<i64: 3200, 16>}, {pipeline_mode = #tpu.pipeline_mode<synchronous>, transform_indices = @transform_4, window_bounds = array<i64: 400, 800>}, {pipeline_mode = #tpu.pipeline_mode<synchronous>, transform_indices = @transform_5, window_bounds = array<i64: 1, 800>}, {pipeline_mode = #tpu.pipeline_mode<synchronous>, transform_indices = @transform_6, window_bounds = array<i64: 800, 128>}, {pipeline_mode = #tpu.pipeline_mode<synchronous>, transform_indices = @transform_7, window_bounds = array<i64: 1, 128>}, {transform_indices = @transform_8, window_bounds = array<i64: 3200, 128>}]} {
    %get3A = arith.constant 0 : index
    %get3A_0 = arith.constant 0 : index
    %get3A_1 = vector.load %arg1[%get3A, %get3A_0] : memref<3200x128xf32, #tpu.memory_space<vmem>>, vector<3200x128xf32>
    %convert_element_type3A = arith.truncf %get3A_1 : vector<3200x128xf32> to vector<3200x128xbf16>
    %get3A_2 = arith.constant 0 : index
    %get3A_3 = arith.constant 0 : index
    %get3A_4 = vector.load %arg2[%get3A_2, %get3A_3] : memref<3200x128xf32, #tpu.memory_space<vmem>>, vector<3200x128xf32>
    %convert_element_type3A_5 = arith.truncf %get3A_4 : vector<3200x128xf32> to vector<3200x128xbf16>
    %get3A_6 = arith.constant 0 : index
    %get3A_7 = arith.constant 0 : index
    %get3A_8 = vector.load %arg3[%get3A_6, %get3A_7] : memref<3200x128xf32, #tpu.memory_space<vmem>>, vector<3200x128xf32>
    %convert_element_type3A_9 = arith.truncf %get3A_8 : vector<3200x128xf32> to vector<3200x128xbf16>
    %get3A_10 = arith.constant 0 : index
    %get3A_11 = arith.constant 0 : index
    %get3A_12 = vector.load %arg4[%get3A_10, %get3A_11] : memref<3200x16xbf16, #tpu.memory_space<vmem>>, vector<3200x16xbf16>
    %concatenate3A = tpu.concatenate %convert_element_type3A, %convert_element_type3A_5, %convert_element_type3A_9, %get3A_12 in 1 : vector<3200x128xbf16>, vector<3200x128xbf16>, vector<3200x128xbf16>, vector<3200x16xbf16> -> vector<3200x400xbf16>
    %get3A_13 = arith.constant 0 : index
    %get3A_14 = arith.constant 0 : index
    %get3A_15 = vector.load %arg5[%get3A_13, %get3A_14] : memref<400x800xbf16, #tpu.memory_space<vmem>>, vector<400x800xbf16>
    %dot_general3A = arith.constant dense<0.000000e+00> : vector<3200x800xf32>
    %dot_general3A_16 = tpu.matmul %concatenate3A, %get3A_15, %dot_general3A {dimension_numbers = #tpu.dot_dimension_numbers<[1], [0], [0], [1], [0, 0, 1, 1], [], []>, transpose_lhs_hint = false} : vector<3200x400xbf16>, vector<400x800xbf16>, vector<3200x800xf32> -> vector<3200x800xf32>
    %get3A_17 = arith.constant 0 : index
    %get3A_18 = arith.constant 0 : index
    %get3A_19 = vector.load %arg6[%get3A_17, %get3A_18] : memref<1x800xf32, #tpu.memory_space<vmem>>, vector<1x800xf32>
    %add3A = vector.broadcast %get3A_19 : vector<1x800xf32> to vector<3200x800xf32>
    %add3A_20 = arith.addf %dot_general3A_16, %add3A : vector<3200x800xf32>
    %max3A = arith.constant 0.000000e+00 : f32
    %max3A_21 = vector.broadcast %max3A : f32 to vector<3200x800xf32>
    %max3A_22 = arith.maximumf %add3A_20, %max3A_21 : vector<3200x800xf32>
    %convert_element_type3A_23 = arith.truncf %max3A_22 : vector<3200x800xf32> to vector<3200x800xbf16>
    %get3A_24 = arith.constant 0 : index
    %get3A_25 = arith.constant 0 : index
    %get3A_26 = vector.load %arg7[%get3A_24, %get3A_25] : memref<800x128xbf16, #tpu.memory_space<vmem>>, vector<800x128xbf16>
    %dot_general3A_27 = arith.constant dense<0.000000e+00> : vector<3200x128xf32>
    %dot_general3A_28 = tpu.matmul %convert_element_type3A_23, %get3A_26, %dot_general3A_27 {dimension_numbers = #tpu.dot_dimension_numbers<[1], [0], [0], [1], [0, 0, 1, 1], [], []>, transpose_lhs_hint = false} : vector<3200x800xbf16>, vector<800x128xbf16>, vector<3200x128xf32> -> vector<3200x128xf32>
    %get3A_29 = arith.constant 0 : index
    %get3A_30 = arith.constant 0 : index
    %get3A_31 = vector.load %arg8[%get3A_29, %get3A_30] : memref<1x128xf32, #tpu.memory_space<vmem>>, vector<1x128xf32>
    %add3A_32 = vector.broadcast %get3A_31 : vector<1x128xf32> to vector<3200x128xf32>
    %add3A_33 = arith.addf %dot_general3A_28, %add3A_32 : vector<3200x128xf32>
    %swap3A = arith.constant 0 : index
    %swap3A_34 = arith.constant 0 : index
    %swap3A_35 = vector.load %arg9[%swap3A, %swap3A_34] : memref<3200x128xf32, #tpu.memory_space<vmem>>, vector<3200x128xf32>
    tpu.vector_store %arg9[%swap3A, %swap3A_34], %add3A_33 {strides = array<i32>} : memref<3200x128xf32, #tpu.memory_space<vmem>>, vector<3200x128xf32>,
    return
  }
  func.func @transform_0(%arg0: i32) -> (i32, i32) {
    %c0_i32 = arith.constant 0 : i32
    %c0_i32_0 = arith.constant 0 : i32
    return %arg0, %c0_i32 : i32, i32
  }
  func.func @transform_1(%arg0: i32) -> (i32, i32) {
    %c0_i32 = arith.constant 0 : i32
    %c0_i32_0 = arith.constant 0 : i32
    return %arg0, %c0_i32 : i32, i32
  }
  func.func @transform_2(%arg0: i32) -> (i32, i32) {
    %add3A = arith.constant 25 : i32
    %add3A_0 = arith.addi %arg0, %add3A : i32
    %c0_i32 = arith.constant 0 : i32
    %c0_i32_1 = arith.constant 0 : i32
    return %add3A_0, %c0_i32 : i32, i32
  }
  func.func @transform_3(%arg0: i32) -> (i32, i32) {
    %add3A = arith.constant 25 : i32
    %add3A_0 = arith.addi %arg0, %add3A : i32
    %c0_i32 = arith.constant 0 : i32
    %c0_i32_1 = arith.constant 0 : i32
    return %add3A_0, %c0_i32 : i32, i32
  }
  func.func @transform_4(%arg0: i32) -> (i32, i32) {
    %c0_i32 = arith.constant 0 : i32
    %c0_i32_0 = arith.constant 0 : i32
    %c0_i32_1 = arith.constant 0 : i32
    return %c0_i32, %c0_i32_0 : i32, i32
  }
  func.func @transform_5(%arg0: i32) -> (i32, i32) {
    %c0_i32 = arith.constant 0 : i32
    %c0_i32_0 = arith.constant 0 : i32
    %c0_i32_1 = arith.constant 0 : i32
    return %c0_i32, %c0_i32_0 : i32, i32
  }
  func.func @transform_6(%arg0: i32) -> (i32, i32) {
    %c0_i32 = arith.constant 0 : i32
    %c0_i32_0 = arith.constant 0 : i32
    %c0_i32_1 = arith.constant 0 : i32
    return %c0_i32, %c0_i32_0 : i32, i32
  }
  func.func @transform_7(%arg0: i32) -> (i32, i32) {
    %c0_i32 = arith.constant 0 : i32
    %c0_i32_0 = arith.constant 0 : i32
    %c0_i32_1 = arith.constant 0 : i32
    return %c0_i32, %c0_i32_0 : i32, i32
  }
  func.func @transform_8(%arg0: i32) -> (i32, i32) {
    %c0_i32 = arith.constant 0 : i32
    %c0_i32_0 = arith.constant 0 : i32
    return %arg0, %c0_i32 : i32, i32
  }
}

module attributes {stable_mosaic.version = 14 : i64} {
  func.func @_mlp_body(%arg0: i32, %arg1: memref<3200x128xf32, #tpu.memory_space<vmem>>, %arg2: memref<3200x128xf32, #tpu.memory_space<vmem>>, %arg3: memref<3200x128xf32, #tpu.memory_space<vmem>>, %arg4: memref<3200x16xbf16, #tpu.memory_space<vmem>>, %arg5: memref<400x800xbf16, #tpu.memory_space<vmem>>, %arg6: memref<1x800xf32, #tpu.memory_space<vmem>>, %arg7: memref<800x128xbf16, #tpu.memory_space<vmem>>, %arg8: memref<1x128xf32, #tpu.memory_space<vmem>>, %arg9: memref<3200x128xf32, #tpu.memory_space<vmem>>) attributes {dimension_semantics = [#tpu.dimension_semantics<arbitrary>], iteration_bounds = array<i64: 25>, scalar_prefetch = 0 : i64, scratch_operands = 0 : i64, tpu.core_type = #tpu.core_type<tc>, window_params = [{transform_indices = @transform_0, window_bounds = array<i64: 3200, 128>}, {transform_indices = @transform_1, window_bounds = array<i64: 3200, 128>}, {transform_indices = @transform_2, window_bounds = array<i64: 3200, 128>}, {transform_indices = @transform_3, window_bounds = array<i64: 3200, 16>}, {pipeline_mode = #tpu.pipeline_mode<synchronous>, transform_indices = @transform_4, window_bounds = array<i64: 400, 800>}, {pipeline_mode = #tpu.pipeline_mode<synchronous>, transform_indices = @transform_5, window_bounds = array<i64: 1, 800>}, {pipeline_mode = #tpu.pipeline_mode<synchronous>, transform_indices = @transform_6, window_bounds = array<i64: 800, 128>}, {pipeline_mode = #tpu.pipeline_mode<synchronous>, transform_indices = @transform_7, window_bounds = array<i64: 1, 128>}, {transform_indices = @transform_8, window_bounds = array<i64: 3200, 128>}]} {
    %get3A = arith.constant 0 : index
    %get3A_0 = arith.constant 0 : index
    %get3A_1 = vector.load %arg1[%get3A, %get3A_0] : memref<3200x128xf32, #tpu.memory_space<vmem>>, vector<3200x128xf32>
    %convert_element_type3A = arith.truncf %get3A_1 : vector<3200x128xf32> to vector<3200x128xbf16>
    %get3A_2 = arith.constant 0 : index
    %get3A_3 = arith.constant 0 : index
    %get3A_4 = vector.load %arg2[%get3A_2, %get3A_3] : memref<3200x128xf32, #tpu.memory_space<vmem>>, vector<3200x128xf32>
    %convert_element_type3A_5 = arith.truncf %get3A_4 : vector<3200x128xf32> to vector<3200x128xbf16>
    %get3A_6 = arith.constant 0 : index
    %get3A_7 = arith.constant 0 : index
    %get3A_8 = vector.load %arg3[%get3A_6, %get3A_7] : memref<3200x128xf32, #tpu.memory_space<vmem>>, vector<3200x128xf32>
    %convert_element_type3A_9 = arith.truncf %get3A_8 : vector<3200x128xf32> to vector<3200x128xbf16>
    %get3A_10 = arith.constant 0 : index
    %get3A_11 = arith.constant 0 : index
    %get3A_12 = vector.load %arg4[%get3A_10, %get3A_11] : memref<3200x16xbf16, #tpu.memory_space<vmem>>, vector<3200x16xbf16>
    %concatenate3A = tpu.concatenate %convert_element_type3A, %convert_element_type3A_5, %convert_element_type3A_9, %get3A_12 in 1 : vector<3200x128xbf16>, vector<3200x128xbf16>, vector<3200x128xbf16>, vector<3200x16xbf16> -> vector<3200x400xbf16>
    %get3A_13 = arith.constant 0 : index
    %get3A_14 = arith.constant 0 : index
    %get3A_15 = vector.load %arg5[%get3A_13, %get3A_14] : memref<400x800xbf16, #tpu.memory_space<vmem>>, vector<400x800xbf16>
    %dot_general3A = arith.constant dense<0.000000e+00> : vector<3200x800xf32>
    %dot_general3A_16 = tpu.matmul %concatenate3A, %get3A_15, %dot_general3A {dimension_numbers = #tpu.dot_dimension_numbers<[1], [0], [0], [1], [0, 0, 1, 1], [], []>, transpose_lhs_hint = false} : vector<3200x400xbf16>, vector<400x800xbf16>, vector<3200x800xf32> -> vector<3200x800xf32>
    %get3A_17 = arith.constant 0 : index
    %get3A_18 = arith.constant 0 : index
    %get3A_19 = vector.load %arg6[%get3A_17, %get3A_18] : memref<1x800xf32, #tpu.memory_space<vmem>>, vector<1x800xf32>
    %add3A = vector.broadcast %get3A_19 : vector<1x800xf32> to vector<3200x800xf32>
    %add3A_20 = arith.addf %dot_general3A_16, %add3A : vector<3200x800xf32>
    %max3A = arith.constant 0.000000e+00 : f32
    %max3A_21 = vector.broadcast %max3A : f32 to vector<3200x800xf32>
    %max3A_22 = arith.maximumf %add3A_20, %max3A_21 : vector<3200x800xf32>
    %convert_element_type3A_23 = arith.truncf %max3A_22 : vector<3200x800xf32> to vector<3200x800xbf16>
    %get3A_24 = arith.constant 0 : index
    %get3A_25 = arith.constant 0 : index
    %get3A_26 = vector.load %arg7[%get3A_24, %get3A_25] : memref<800x128xbf16, #tpu.memory_space<vmem>>, vector<800x128xbf16>
    %dot_general3A_27 = arith.constant dense<0.000000e+00> : vector<3200x128xf32>
    %dot_general3A_28 = tpu.matmul %convert_element_type3A_23, %get3A_26, %dot_general3A_27 {dimension_numbers = #tpu.dot_dimension_numbers<[1], [0], [0], [1], [0, 0, 1, 1], [], []>, transpose_lhs_hint = false} : vector<3200x800xbf16>, vector<800x128xbf16>, vector<3200x128xf32> -> vector<3200x128xf32>
    %get3A_29 = arith.constant 0 : index
    %get3A_30 = arith.constant 0 : index
    %get3A_31 = vector.load %arg8[%get3A_29, %get3A_30] : memref<1x128xf32, #tpu.memory_space<vmem>>, vector<1x128xf32>
    %add3A_32 = vector.broadcast %get3A_31 : vector<1x128xf32> to vector<3200x128xf32>
    %add3A_33 = arith.addf %dot_general3A_28, %add3A_32 : vector<3200x128xf32>
    %swap3A = arith.constant 0 : index
    %swap3A_34 = arith.constant 0 : index
    %swap3A_35 = vector.load %arg9[%swap3A, %swap3A_34] : memref<3200x128xf32, #tpu.memory_space<vmem>>, vector<3200x128xf32>
    tpu.vector_store %arg9[%swap3A, %swap3A_34], %add3A_33 {strides = array<i32>} : memref<3200x128xf32, #tpu.memory_space<vmem>>, vector<3200x128xf32>,
    return
  }
  func.func @transform_0(%arg0: i32) -> (i32, i32) {
    %c0_i32 = arith.constant 0 : i32
    %c0_i32_0 = arith.constant 0 : i32
    return %arg0, %c0_i32 : i32, i32
  }
  func.func @transform_1(%arg0: i32) -> (i32, i32) {
    %c0_i32 = arith.constant 0 : i32
    %c0_i32_0 = arith.constant 0 : i32
    return %arg0, %c0_i32 : i32, i32
  }
  func.func @transform_2(%arg0: i32) -> (i32, i32) {
    %add3A = arith.constant 0 : i32
    %add3A_0 = arith.addi %arg0, %add3A : i32
    %c0_i32 = arith.constant 0 : i32
    %c0_i32_1 = arith.constant 0 : i32
    return %add3A_0, %c0_i32 : i32, i32
  }
  func.func @transform_3(%arg0: i32) -> (i32, i32) {
    %add3A = arith.constant 0 : i32
    %add3A_0 = arith.addi %arg0, %add3A : i32
    %c0_i32 = arith.constant 0 : i32
    %c0_i32_1 = arith.constant 0 : i32
    return %add3A_0, %c0_i32 : i32, i32
  }
  func.func @transform_4(%arg0: i32) -> (i32, i32) {
    %c0_i32 = arith.constant 0 : i32
    %c0_i32_0 = arith.constant 0 : i32
    %c0_i32_1 = arith.constant 0 : i32
    return %c0_i32, %c0_i32_0 : i32, i32
  }
  func.func @transform_5(%arg0: i32) -> (i32, i32) {
    %c0_i32 = arith.constant 0 : i32
    %c0_i32_0 = arith.constant 0 : i32
    %c0_i32_1 = arith.constant 0 : i32
    return %c0_i32, %c0_i32_0 : i32, i32
  }
  func.func @transform_6(%arg0: i32) -> (i32, i32) {
    %c0_i32 = arith.constant 0 : i32
    %c0_i32_0 = arith.constant 0 : i32
    %c0_i32_1 = arith.constant 0 : i32
    return %c0_i32, %c0_i32_0 : i32, i32
  }
  func.func @transform_7(%arg0: i32) -> (i32, i32) {
    %c0_i32 = arith.constant 0 : i32
    %c0_i32_0 = arith.constant 0 : i32
    %c0_i32_1 = arith.constant 0 : i32
    return %c0_i32, %c0_i32_0 : i32, i32
  }
  func.func @transform_8(%arg0: i32) -> (i32, i32) {
    %c0_i32 = arith.constant 0 : i32
    %c0_i32_0 = arith.constant 0 : i32
    return %arg0, %c0_i32 : i32, i32
  }
}

module attributes {stable_mosaic.version = 14 : i64} {
  func.func @_gru_body(%arg0: i32, %arg1: memref<2x2000x128xf32, #tpu.memory_space<vmem>>, %arg2: memref<2x2000x128xf32, #tpu.memory_space<vmem>>, %arg3: memref<2000x128xf32, #tpu.memory_space<vmem>>, %arg4: memref<384x128xf32, #tpu.memory_space<vmem>>, %arg5: memref<1x384xf32, #tpu.memory_space<vmem>>, %arg6: memref<384x128xf32, #tpu.memory_space<vmem>>, %arg7: memref<1x384xf32, #tpu.memory_space<vmem>>, %arg8: memref<2000x128xf32, #tpu.memory_space<vmem>>) attributes {dimension_semantics = [#tpu.dimension_semantics<arbitrary>], iteration_bounds = array<i64: 5>, scalar_prefetch = 0 : i64, scratch_operands = 0 : i64, tpu.core_type = #tpu.core_type<tc>, window_params = [{transform_indices = @transform_0, window_bounds = array<i64: 2, 2000, 128>}, {transform_indices = @transform_1, window_bounds = array<i64: 2, 2000, 128>}, {transform_indices = @transform_2, window_bounds = array<i64: 2000, 128>}, {pipeline_mode = #tpu.pipeline_mode<synchronous>, transform_indices = @transform_3, window_bounds = array<i64: 384, 128>}, {pipeline_mode = #tpu.pipeline_mode<synchronous>, transform_indices = @transform_4, window_bounds = array<i64: 1, 384>}, {pipeline_mode = #tpu.pipeline_mode<synchronous>, transform_indices = @transform_5, window_bounds = array<i64: 384, 128>}, {pipeline_mode = #tpu.pipeline_mode<synchronous>, transform_indices = @transform_6, window_bounds = array<i64: 1, 384>}, {transform_indices = @transform_7, window_bounds = array<i64: 2000, 128>}]} {
    %get3A = arith.constant 0 : index
    %get3A_0 = arith.constant 0 : index
    %get3A_1 = arith.constant 0 : index
    %get3A_2 = vector.load %arg1[%get3A, %get3A_0, %get3A_1] : memref<2x2000x128xf32, #tpu.memory_space<vmem>>, vector<1x2000x128xf32>
    %get3A_3 = vector.shape_cast %get3A_2 : vector<1x2000x128xf32> to vector<2000x128xf32>
    %get3A_4 = arith.constant 1 : index
    %get3A_5 = arith.constant 0 : index
    %get3A_6 = arith.constant 0 : index
    %get3A_7 = vector.load %arg1[%get3A_4, %get3A_5, %get3A_6] : memref<2x2000x128xf32, #tpu.memory_space<vmem>>, vector<1x2000x128xf32>
    %get3A_8 = vector.shape_cast %get3A_7 : vector<1x2000x128xf32> to vector<2000x128xf32>
    %add3A = arith.addf %get3A_3, %get3A_8 : vector<2000x128xf32>
    %get3A_9 = arith.constant 0 : index
    %get3A_10 = arith.constant 0 : index
    %get3A_11 = arith.constant 0 : index
    %get3A_12 = vector.load %arg2[%get3A_9, %get3A_10, %get3A_11] : memref<2x2000x128xf32, #tpu.memory_space<vmem>>, vector<1x2000x128xf32>
    %get3A_13 = vector.shape_cast %get3A_12 : vector<1x2000x128xf32> to vector<2000x128xf32>
    %add3A_14 = arith.addf %add3A, %get3A_13 : vector<2000x128xf32>
    %get3A_15 = arith.constant 1 : index
    %get3A_16 = arith.constant 0 : index
    %get3A_17 = arith.constant 0 : index
    %get3A_18 = vector.load %arg2[%get3A_15, %get3A_16, %get3A_17] : memref<2x2000x128xf32, #tpu.memory_space<vmem>>, vector<1x2000x128xf32>
    %get3A_19 = vector.shape_cast %get3A_18 : vector<1x2000x128xf32> to vector<2000x128xf32>
    %add3A_20 = arith.addf %add3A_14, %get3A_19 : vector<2000x128xf32>
    %get3A_21 = arith.constant 0 : index
    %get3A_22 = arith.constant 0 : index
    %get3A_23 = vector.load %arg3[%get3A_21, %get3A_22] : memref<2000x128xf32, #tpu.memory_space<vmem>>, vector<2000x128xf32>
    %get3A_24 = arith.constant 0 : index
    %get3A_25 = arith.constant 0 : index
    %get3A_26 = vector.load %arg4[%get3A_24, %get3A_25] : memref<384x128xf32, #tpu.memory_space<vmem>>, vector<384x128xf32>
    %dot_general3A = arith.constant dense<0.000000e+00> : vector<2000x384xf32>
    %dot_general3A_27 = tpu.matmul %add3A_20, %get3A_26, %dot_general3A {dimension_numbers = #tpu.dot_dimension_numbers<[1], [1], [0], [0], [0, 0, 1, 0], [], []>, transpose_lhs_hint = false} : vector<2000x128xf32>, vector<384x128xf32>, vector<2000x384xf32> -> vector<2000x384xf32>
    %get3A_28 = arith.constant 0 : index
    %get3A_29 = arith.constant 0 : index
    %get3A_30 = vector.load %arg5[%get3A_28, %get3A_29] : memref<1x384xf32, #tpu.memory_space<vmem>>, vector<1x384xf32>
    %add3A_31 = vector.broadcast %get3A_30 : vector<1x384xf32> to vector<2000x384xf32>
    %add3A_32 = arith.addf %dot_general3A_27, %add3A_31 : vector<2000x384xf32>
    %get3A_33 = arith.constant 0 : index
    %get3A_34 = arith.constant 0 : index
    %get3A_35 = vector.load %arg6[%get3A_33, %get3A_34] : memref<384x128xf32, #tpu.memory_space<vmem>>, vector<384x128xf32>
    %dot_general3A_36 = arith.constant dense<0.000000e+00> : vector<2000x384xf32>
    %dot_general3A_37 = tpu.matmul %get3A_23, %get3A_35, %dot_general3A_36 {dimension_numbers = #tpu.dot_dimension_numbers<[1], [1], [0], [0], [0, 0, 1, 0], [], []>, transpose_lhs_hint = false} : vector<2000x128xf32>, vector<384x128xf32>, vector<2000x384xf32> -> vector<2000x384xf32>
    %get3A_38 = arith.constant 0 : index
    %get3A_39 = arith.constant 0 : index
    %get3A_40 = vector.load %arg7[%get3A_38, %get3A_39] : memref<1x384xf32, #tpu.memory_space<vmem>>, vector<1x384xf32>
    %add3A_41 = vector.broadcast %get3A_40 : vector<1x384xf32> to vector<2000x384xf32>
    %add3A_42 = arith.addf %dot_general3A_37, %add3A_41 : vector<2000x384xf32>
    %slice3A = vector.extract_strided_slice %add3A_32 {offsets = [0, 0], sizes = [2000, 128], strides = [1, 1]} : vector<2000x384xf32> to vector<2000x128xf32>
    %slice3A_43 = vector.extract_strided_slice %add3A_42 {offsets = [0, 0], sizes = [2000, 128], strides = [1, 1]} : vector<2000x384xf32> to vector<2000x128xf32>
    %add3A_44 = arith.addf %slice3A, %slice3A_43 : vector<2000x128xf32>
    %logistic3A = arith.negf %add3A_44 : vector<2000x128xf32>
    %logistic3A_45 = math.exp %logistic3A : vector<2000x128xf32>
    %logistic3A_46 = arith.constant 1.000000e+00 : f32
    %logistic3A_47 = vector.broadcast %logistic3A_46 : f32 to vector<2000x128xf32>
    %logistic3A_48 = arith.addf %logistic3A_47, %logistic3A_45 : vector<2000x128xf32>
    %logistic3A_49 = arith.divf %logistic3A_47, %logistic3A_48 : vector<2000x128xf32>
    %slice3A_50 = vector.extract_strided_slice %add3A_32 {offsets = [0, 128], sizes = [2000, 128], strides = [1, 1]} : vector<2000x384xf32> to vector<2000x128xf32>
    %slice3A_51 = vector.extract_strided_slice %add3A_42 {offsets = [0, 128], sizes = [2000, 128], strides = [1, 1]} : vector<2000x384xf32> to vector<2000x128xf32>
    %add3A_52 = arith.addf %slice3A_50, %slice3A_51 : vector<2000x128xf32>
    %logistic3A_53 = arith.negf %add3A_52 : vector<2000x128xf32>
    %logistic3A_54 = math.exp %logistic3A_53 : vector<2000x128xf32>
    %logistic3A_55 = arith.constant 1.000000e+00 : f32
    %logistic3A_56 = vector.broadcast %logistic3A_55 : f32 to vector<2000x128xf32>
    %logistic3A_57 = arith.addf %logistic3A_56, %logistic3A_54 : vector<2000x128xf32>
    %logistic3A_58 = arith.divf %logistic3A_56, %logistic3A_57 : vector<2000x128xf32>
    %slice3A_59 = vector.extract_strided_slice %add3A_32 {offsets = [0, 256], sizes = [2000, 128], strides = [1, 1]} : vector<2000x384xf32> to vector<2000x128xf32>
    %slice3A_60 = vector.extract_strided_slice %add3A_42 {offsets = [0, 256], sizes = [2000, 128], strides = [1, 1]} : vector<2000x384xf32> to vector<2000x128xf32>
    %mul3A = arith.mulf %logistic3A_49, %slice3A_60 : vector<2000x128xf32>
    %add3A_61 = arith.addf %slice3A_59, %mul3A : vector<2000x128xf32>
    %tanh3A = math.tanh %add3A_61 : vector<2000x128xf32>
    %sub3A = arith.constant 1.000000e+00 : f32
    %sub3A_62 = vector.broadcast %sub3A : f32 to vector<2000x128xf32>
    %sub3A_63 = arith.subf %sub3A_62, %logistic3A_58 : vector<2000x128xf32>
    %mul3A_64 = arith.mulf %sub3A_63, %tanh3A : vector<2000x128xf32>
    %mul3A_65 = arith.mulf %logistic3A_58, %get3A_23 : vector<2000x128xf32>
    %add3A_66 = arith.addf %mul3A_64, %mul3A_65 : vector<2000x128xf32>
    %swap3A = arith.constant 0 : index
    %swap3A_67 = arith.constant 0 : index
    %swap3A_68 = vector.load %arg8[%swap3A, %swap3A_67] : memref<2000x128xf32, #tpu.memory_space<vmem>>, vector<2000x128xf32>
    tpu.vector_store %arg8[%swap3A, %swap3A_67], %add3A_66 {strides = array<i32>} : memref<2000x128xf32, #tpu.memory_space<vmem>>, vector<2000x128xf32>,
    return
  }
  func.func @transform_0(%arg0: i32) -> (i32, i32, i32) {
    %c0_i32 = arith.constant 0 : i32
    %c0_i32_0 = arith.constant 0 : i32
    %c0_i32_1 = arith.constant 0 : i32
    return %c0_i32, %arg0, %c0_i32_0 : i32, i32, i32
  }
  func.func @transform_1(%arg0: i32) -> (i32, i32, i32) {
    %c0_i32 = arith.constant 0 : i32
    %c0_i32_0 = arith.constant 0 : i32
    %c0_i32_1 = arith.constant 0 : i32
    return %c0_i32, %arg0, %c0_i32_0 : i32, i32, i32
  }
  func.func @transform_2(%arg0: i32) -> (i32, i32) {
    %c0_i32 = arith.constant 0 : i32
    %c0_i32_0 = arith.constant 0 : i32
    return %arg0, %c0_i32 : i32, i32
  }
  func.func @transform_3(%arg0: i32) -> (i32, i32) {
    %c0_i32 = arith.constant 0 : i32
    %c0_i32_0 = arith.constant 0 : i32
    %c0_i32_1 = arith.constant 0 : i32
    return %c0_i32, %c0_i32_0 : i32, i32
  }
  func.func @transform_4(%arg0: i32) -> (i32, i32) {
    %c0_i32 = arith.constant 0 : i32
    %c0_i32_0 = arith.constant 0 : i32
    %c0_i32_1 = arith.constant 0 : i32
    return %c0_i32, %c0_i32_0 : i32, i32
  }
  func.func @transform_5(%arg0: i32) -> (i32, i32) {
    %c0_i32 = arith.constant 0 : i32
    %c0_i32_0 = arith.constant 0 : i32
    %c0_i32_1 = arith.constant 0 : i32
    return %c0_i32, %c0_i32_0 : i32, i32
  }
  func.func @transform_6(%arg0: i32) -> (i32, i32) {
    %c0_i32 = arith.constant 0 : i32
    %c0_i32_0 = arith.constant 0 : i32
    %c0_i32_1 = arith.constant 0 : i32
    return %c0_i32, %c0_i32_0 : i32, i32
  }
  func.func @transform_7(%arg0: i32) -> (i32, i32) {
    %c0_i32 = arith.constant 0 : i32
    %c0_i32_0 = arith.constant 0 : i32
    return %arg0, %c0_i32 : i32, i32
  }
}

module attributes {stable_mosaic.version = 14 : i64} {
  func.func @_gru_body(%arg0: i32, %arg1: memref<2x2000x128xf32, #tpu.memory_space<vmem>>, %arg2: memref<2x2000x128xf32, #tpu.memory_space<vmem>>, %arg3: memref<2000x128xf32, #tpu.memory_space<vmem>>, %arg4: memref<384x128xf32, #tpu.memory_space<vmem>>, %arg5: memref<1x384xf32, #tpu.memory_space<vmem>>, %arg6: memref<384x128xf32, #tpu.memory_space<vmem>>, %arg7: memref<1x384xf32, #tpu.memory_space<vmem>>, %arg8: memref<2000x128xf32, #tpu.memory_space<vmem>>) attributes {dimension_semantics = [#tpu.dimension_semantics<arbitrary>], iteration_bounds = array<i64: 5>, scalar_prefetch = 0 : i64, scratch_operands = 0 : i64, tpu.core_type = #tpu.core_type<tc>, window_params = [{transform_indices = @transform_0, window_bounds = array<i64: 2, 2000, 128>}, {transform_indices = @transform_1, window_bounds = array<i64: 2, 2000, 128>}, {transform_indices = @transform_2, window_bounds = array<i64: 2000, 128>}, {pipeline_mode = #tpu.pipeline_mode<synchronous>, transform_indices = @transform_3, window_bounds = array<i64: 384, 128>}, {pipeline_mode = #tpu.pipeline_mode<synchronous>, transform_indices = @transform_4, window_bounds = array<i64: 1, 384>}, {pipeline_mode = #tpu.pipeline_mode<synchronous>, transform_indices = @transform_5, window_bounds = array<i64: 384, 128>}, {pipeline_mode = #tpu.pipeline_mode<synchronous>, transform_indices = @transform_6, window_bounds = array<i64: 1, 384>}, {transform_indices = @transform_7, window_bounds = array<i64: 2000, 128>}]} {
    %get3A = arith.constant 0 : index
    %get3A_0 = arith.constant 0 : index
    %get3A_1 = arith.constant 0 : index
    %get3A_2 = vector.load %arg1[%get3A, %get3A_0, %get3A_1] : memref<2x2000x128xf32, #tpu.memory_space<vmem>>, vector<1x2000x128xf32>
    %get3A_3 = vector.shape_cast %get3A_2 : vector<1x2000x128xf32> to vector<2000x128xf32>
    %get3A_4 = arith.constant 1 : index
    %get3A_5 = arith.constant 0 : index
    %get3A_6 = arith.constant 0 : index
    %get3A_7 = vector.load %arg1[%get3A_4, %get3A_5, %get3A_6] : memref<2x2000x128xf32, #tpu.memory_space<vmem>>, vector<1x2000x128xf32>
    %get3A_8 = vector.shape_cast %get3A_7 : vector<1x2000x128xf32> to vector<2000x128xf32>
    %add3A = arith.addf %get3A_3, %get3A_8 : vector<2000x128xf32>
    %get3A_9 = arith.constant 0 : index
    %get3A_10 = arith.constant 0 : index
    %get3A_11 = arith.constant 0 : index
    %get3A_12 = vector.load %arg2[%get3A_9, %get3A_10, %get3A_11] : memref<2x2000x128xf32, #tpu.memory_space<vmem>>, vector<1x2000x128xf32>
    %get3A_13 = vector.shape_cast %get3A_12 : vector<1x2000x128xf32> to vector<2000x128xf32>
    %add3A_14 = arith.addf %add3A, %get3A_13 : vector<2000x128xf32>
    %get3A_15 = arith.constant 1 : index
    %get3A_16 = arith.constant 0 : index
    %get3A_17 = arith.constant 0 : index
    %get3A_18 = vector.load %arg2[%get3A_15, %get3A_16, %get3A_17] : memref<2x2000x128xf32, #tpu.memory_space<vmem>>, vector<1x2000x128xf32>
    %get3A_19 = vector.shape_cast %get3A_18 : vector<1x2000x128xf32> to vector<2000x128xf32>
    %add3A_20 = arith.addf %add3A_14, %get3A_19 : vector<2000x128xf32>
    %get3A_21 = arith.constant 0 : index
    %get3A_22 = arith.constant 0 : index
    %get3A_23 = vector.load %arg3[%get3A_21, %get3A_22] : memref<2000x128xf32, #tpu.memory_space<vmem>>, vector<2000x128xf32>
    %get3A_24 = arith.constant 0 : index
    %get3A_25 = arith.constant 0 : index
    %get3A_26 = vector.load %arg4[%get3A_24, %get3A_25] : memref<384x128xf32, #tpu.memory_space<vmem>>, vector<384x128xf32>
    %dot_general3A = arith.constant dense<0.000000e+00> : vector<2000x384xf32>
    %dot_general3A_27 = tpu.matmul %add3A_20, %get3A_26, %dot_general3A {dimension_numbers = #tpu.dot_dimension_numbers<[1], [1], [0], [0], [0, 0, 1, 0], [], []>, transpose_lhs_hint = false} : vector<2000x128xf32>, vector<384x128xf32>, vector<2000x384xf32> -> vector<2000x384xf32>
    %get3A_28 = arith.constant 0 : index
    %get3A_29 = arith.constant 0 : index
    %get3A_30 = vector.load %arg5[%get3A_28, %get3A_29] : memref<1x384xf32, #tpu.memory_space<vmem>>, vector<1x384xf32>
    %add3A_31 = vector.broadcast %get3A_30 : vector<1x384xf32> to vector<2000x384xf32>
    %add3A_32 = arith.addf %dot_general3A_27, %add3A_31 : vector<2000x384xf32>
    %get3A_33 = arith.constant 0 : index
    %get3A_34 = arith.constant 0 : index
    %get3A_35 = vector.load %arg6[%get3A_33, %get3A_34] : memref<384x128xf32, #tpu.memory_space<vmem>>, vector<384x128xf32>
    %dot_general3A_36 = arith.constant dense<0.000000e+00> : vector<2000x384xf32>
    %dot_general3A_37 = tpu.matmul %get3A_23, %get3A_35, %dot_general3A_36 {dimension_numbers = #tpu.dot_dimension_numbers<[1], [1], [0], [0], [0, 0, 1, 0], [], []>, transpose_lhs_hint = false} : vector<2000x128xf32>, vector<384x128xf32>, vector<2000x384xf32> -> vector<2000x384xf32>
    %get3A_38 = arith.constant 0 : index
    %get3A_39 = arith.constant 0 : index
    %get3A_40 = vector.load %arg7[%get3A_38, %get3A_39] : memref<1x384xf32, #tpu.memory_space<vmem>>, vector<1x384xf32>
    %add3A_41 = vector.broadcast %get3A_40 : vector<1x384xf32> to vector<2000x384xf32>
    %add3A_42 = arith.addf %dot_general3A_37, %add3A_41 : vector<2000x384xf32>
    %slice3A = vector.extract_strided_slice %add3A_32 {offsets = [0, 0], sizes = [2000, 128], strides = [1, 1]} : vector<2000x384xf32> to vector<2000x128xf32>
    %slice3A_43 = vector.extract_strided_slice %add3A_42 {offsets = [0, 0], sizes = [2000, 128], strides = [1, 1]} : vector<2000x384xf32> to vector<2000x128xf32>
    %add3A_44 = arith.addf %slice3A, %slice3A_43 : vector<2000x128xf32>
    %logistic3A = arith.negf %add3A_44 : vector<2000x128xf32>
    %logistic3A_45 = math.exp %logistic3A : vector<2000x128xf32>
    %logistic3A_46 = arith.constant 1.000000e+00 : f32
    %logistic3A_47 = vector.broadcast %logistic3A_46 : f32 to vector<2000x128xf32>
    %logistic3A_48 = arith.addf %logistic3A_47, %logistic3A_45 : vector<2000x128xf32>
    %logistic3A_49 = arith.divf %logistic3A_47, %logistic3A_48 : vector<2000x128xf32>
    %slice3A_50 = vector.extract_strided_slice %add3A_32 {offsets = [0, 128], sizes = [2000, 128], strides = [1, 1]} : vector<2000x384xf32> to vector<2000x128xf32>
    %slice3A_51 = vector.extract_strided_slice %add3A_42 {offsets = [0, 128], sizes = [2000, 128], strides = [1, 1]} : vector<2000x384xf32> to vector<2000x128xf32>
    %add3A_52 = arith.addf %slice3A_50, %slice3A_51 : vector<2000x128xf32>
    %logistic3A_53 = arith.negf %add3A_52 : vector<2000x128xf32>
    %logistic3A_54 = math.exp %logistic3A_53 : vector<2000x128xf32>
    %logistic3A_55 = arith.constant 1.000000e+00 : f32
    %logistic3A_56 = vector.broadcast %logistic3A_55 : f32 to vector<2000x128xf32>
    %logistic3A_57 = arith.addf %logistic3A_56, %logistic3A_54 : vector<2000x128xf32>
    %logistic3A_58 = arith.divf %logistic3A_56, %logistic3A_57 : vector<2000x128xf32>
    %slice3A_59 = vector.extract_strided_slice %add3A_32 {offsets = [0, 256], sizes = [2000, 128], strides = [1, 1]} : vector<2000x384xf32> to vector<2000x128xf32>
    %slice3A_60 = vector.extract_strided_slice %add3A_42 {offsets = [0, 256], sizes = [2000, 128], strides = [1, 1]} : vector<2000x384xf32> to vector<2000x128xf32>
    %mul3A = arith.mulf %logistic3A_49, %slice3A_60 : vector<2000x128xf32>
    %add3A_61 = arith.addf %slice3A_59, %mul3A : vector<2000x128xf32>
    %tanh3A = math.tanh %add3A_61 : vector<2000x128xf32>
    %sub3A = arith.constant 1.000000e+00 : f32
    %sub3A_62 = vector.broadcast %sub3A : f32 to vector<2000x128xf32>
    %sub3A_63 = arith.subf %sub3A_62, %logistic3A_58 : vector<2000x128xf32>
    %mul3A_64 = arith.mulf %sub3A_63, %tanh3A : vector<2000x128xf32>
    %mul3A_65 = arith.mulf %logistic3A_58, %get3A_23 : vector<2000x128xf32>
    %add3A_66 = arith.addf %mul3A_64, %mul3A_65 : vector<2000x128xf32>
    %swap3A = arith.constant 0 : index
    %swap3A_67 = arith.constant 0 : index
    %swap3A_68 = vector.load %arg8[%swap3A, %swap3A_67] : memref<2000x128xf32, #tpu.memory_space<vmem>>, vector<2000x128xf32>
    tpu.vector_store %arg8[%swap3A, %swap3A_67], %add3A_66 {strides = array<i32>} : memref<2000x128xf32, #tpu.memory_space<vmem>>, vector<2000x128xf32>,
    return
  }
  func.func @transform_0(%arg0: i32) -> (i32, i32, i32) {
    %c0_i32 = arith.constant 0 : i32
    %c0_i32_0 = arith.constant 0 : i32
    %c0_i32_1 = arith.constant 0 : i32
    return %c0_i32, %arg0, %c0_i32_0 : i32, i32, i32
  }
  func.func @transform_1(%arg0: i32) -> (i32, i32, i32) {
    %c0_i32 = arith.constant 0 : i32
    %c0_i32_0 = arith.constant 0 : i32
    %c0_i32_1 = arith.constant 0 : i32
    return %c0_i32, %arg0, %c0_i32_0 : i32, i32, i32
  }
  func.func @transform_2(%arg0: i32) -> (i32, i32) {
    %c0_i32 = arith.constant 0 : i32
    %c0_i32_0 = arith.constant 0 : i32
    return %arg0, %c0_i32 : i32, i32
  }
  func.func @transform_3(%arg0: i32) -> (i32, i32) {
    %c0_i32 = arith.constant 0 : i32
    %c0_i32_0 = arith.constant 0 : i32
    %c0_i32_1 = arith.constant 0 : i32
    return %c0_i32, %c0_i32_0 : i32, i32
  }
  func.func @transform_4(%arg0: i32) -> (i32, i32) {
    %c0_i32 = arith.constant 0 : i32
    %c0_i32_0 = arith.constant 0 : i32
    %c0_i32_1 = arith.constant 0 : i32
    return %c0_i32, %c0_i32_0 : i32, i32
  }
  func.func @transform_5(%arg0: i32) -> (i32, i32) {
    %c0_i32 = arith.constant 0 : i32
    %c0_i32_0 = arith.constant 0 : i32
    %c0_i32_1 = arith.constant 0 : i32
    return %c0_i32, %c0_i32_0 : i32, i32
  }
  func.func @transform_6(%arg0: i32) -> (i32, i32) {
    %c0_i32 = arith.constant 0 : i32
    %c0_i32_0 = arith.constant 0 : i32
    %c0_i32_1 = arith.constant 0 : i32
    return %c0_i32, %c0_i32_0 : i32, i32
  }
  func.func @transform_7(%arg0: i32) -> (i32, i32) {
    %c0_i32 = arith.constant 0 : i32
    %c0_i32_0 = arith.constant 0 : i32
    return %arg0, %c0_i32 : i32, i32
  }
}

</mosaic_0001>

<sc_bundles>
// kernel: kernel.23.cloned.1.call-start
scs
__scs_entry_jumppad:
0x0: {  	(pc) =	sbr.rel $0x88, $3  }
0x1: {  	(tag) =	ssettag $0x0;
	lr =	simm.s32 $0x1  }
0x2: {  	[smem:$0x3F95] =	sst lr;
	_ =	strace $0xD0000000  }
0x3: {  	_ = 	snop  }
0x4: {  	_ = 	snop  }
0x5: {  	_ = 	snop  }
0x6: {  	_ = 	snop  }
0x7: {  	_ = 	snop  }
__scs_overlays_trampoline_lowered:
0x8: {  	[smem:$0x3FA4] =	sst s0  }
0x9: {  	[smem:$0x3FA5] =	sst s1  }
0xa: {  	[smem:$0x3FA6] =	sst s2  }
0xb: {  	[smem:$0x3FA7] =	sst s3  }
0xc: {  	[smem:$0x3FA8] =	sst s4  }
0xd: {  	[smem:$0x3FA9] =	sst s5  }
0xe: {  	[smem:$0x3FAA] =	sst s6  }
0xf: {  	[smem:$0x3FAB] =	sst s7  }
0x10: {  	[smem:$0x3FAC] =	sst s8  }
0x11: {  	[smem:$0x3FAD] =	sst s9;
	s0 =	simm.s32 @!p0 $0x0  }
0x12: {  	s1 =	sld [smem:$0x3F93];
	s0 =	simm.s32 @p0 $0x1  }
0x13: {  	[smem:$0x3FAE] =	sst s0;
	s0 =	simm.s32 @!p1 $0x0  }
0x14: {  	s2 =	sld [smem:$0x3F92];
	s0 =	simm.s32 @p1 $0x1  }
0x15: {  	[smem:$0x3FAF] =	sst s0;
	s0 =	simm.s32 @!p2 $0x0  }
0x16: {  	s3 =	sld [smem:$0x3FDB];
	s0 =	simm.s32 @p2 $0x1  }
0x17: {  	s4 =	simm.s32 $0x1BF5;
	[smem:$0x3FB1] =	sst s0  }
0x18: {  	s0 =	sld [smem:$0x3F94];
	_ =	swait.ge [sflag:s4], $0x0  }
0x19: {  	s7 =	sld [smem:$0x3F95]  }
0x1a: {  	s8 =	sadd.s32 $0xFFFFE003, lr  }
0x1b: {  	s9 =	sadd.s32 $0xFFFFFEF7, lr;
	s5 =	simm.s32 $0xFFFFFFFF;
	p2 =	slt.u32 s8, $0xFFFFF086  }
0x1c: {  	p1 =	slt.u32 s9, $0xF7A;
	s5 =	simm.s32 @!p2 $0x0  }
0x1d: {  	s5 =	simm.s32 @p1 $0x1;
	p0 =	seq.s32 s7, s2  }
0x1e: {  	s7 =	smul.u32 @!p0 $0xF7A, s2;
	p2 =	seq.s32 @!p0 s5, $0x0  }
0x1f: {  	s9 =	smul.u32 $0xF7A, s1;
	s8 =	simm.s32 @!p0 $0x1BF5;
	p2 =	por !p2, p0  }
0x20: {  	[sflag:s8] =	ssyncset.s32 @!p0 $0xFFFFF086;
	s6 =	sadd.s32 @!p0 s3, s7;
	s7 =	simm.s32 @!p0 $0x108  }
0x21: {  	s3 =	sadd.s32 s3, s9;
	s6 =	sadd.s32 @!p0 $0x88, s6;
	s7 =	simm.s32 @p2 $0x1082  }
0x22: {  	[simem:s7], [sflag:s8] =	dma.local @!p0 [hbm:s6], $0xF7A  }
0x23: {  	s9 =	sor.u32 $0xD0000000, s2;
	s6 =	simm.s32 $0x108;
	_ =	swait.ge @!p0 [sflag:s8], $0x0  }
0x24: {  	s3 =	sadd.s32 $0x88, s3;
	s6 =	simm.s32 @!p1 $0x1082;
	[sflag:s4] =	ssyncset.s32 $0xFFFFF086  }
0x25: {  	[simem:s6], [sflag:s4] =	dma.local [hbm:s3], $0xF7A  }
0x26: {  	[smem:$0x3F95] =	sst s1;
	(tag) =	ssettag s2;
	_ =	strace s9  }
0x27: {  	s1 =	sld [smem:$0x3FA5]  }
0x28: {  	s2 =	sld [smem:$0x3FA6]  }
0x29: {  	s4 =	sld [smem:$0x3FA8]  }
0x2a: {  	p0 =	seq.s32 s5, $0x0;
	s5 =	sld [smem:$0x3FA9]  }
0x2b: {  	s6 =	sld [smem:$0x3FAA]  }
0x2c: {  	s7 =	sld [smem:$0x3FAB]  }
0x2d: {  	s3 =	simm.s32 $0x108;
	s8 =	sld [smem:$0x3FAC]  }
0x2e: {  	s3 =	simm.s32 @!p0 $0x1082;
	s9 =	sld [smem:$0x3FAD]  }
0x2f: {  	lr =	sadd.s32 s0, s3;
	s0 =	sld [smem:$0x3FA4]  }
0x30: {  	s3 =	sld [smem:$0x3FA7]  }
0x31: {  	[smem:$0x3FB0] =	sst s10  }
0x32: {  	s10 =	sld [smem:$0x3FAE];
	_ =	sdelay $0x3  }
0x33: {  	p0 =	seq.s32 s10, $0x1;
	s10 =	sld [smem:$0x3FB0];
	_ =	sdelay $0x3  }
0x34: {  	[smem:$0x3FB0] =	sst s10  }
0x35: {  	s10 =	sld [smem:$0x3FAF];
	_ =	sdelay $0x3  }
0x36: {  	p1 =	seq.s32 s10, $0x1;
	s10 =	sld [smem:$0x3FB0];
	_ =	sdelay $0x3  }
0x37: {  	[smem:$0x3FB0] =	sst s10  }
0x38: {  	s10 =	sld [smem:$0x3FB1]  }
0x39: {  	_ = 	snop;
	(pc) =	sbr.ind lr, $3  }
0x3a: {  	_ = 	snop  }
0x3b: {  	_ = 	snop  }
0x3c: {  	p2 =	seq.s32 s10, $0x1;
	s10 =	sld [smem:$0x3FB0]  }
0x3d: {  	_ =	shalt  }
0x3e: {  	_ =	shalt  }
0x3f: {  	_ =	shalt  }
0x40: {  	_ =	shalt  }
0x41: {  	_ =	shalt  }
0x42: {  	_ =	shalt  }
0x43: {  	_ =	shalt  }
0x44: {  	_ =	shalt  }
0x45: {  	_ =	shalt  }
0x46: {  	_ =	shalt  }
0x47: {  	_ =	shalt  }
0x48: {  	_ =	shalt  }
0x49: {  	_ =	shalt  }
0x4a: {  	_ =	shalt  }
0x4b: {  	_ =	shalt  }
0x4c: {  	_ =	shalt  }
0x4d: {  	_ =	shalt  }
0x4e: {  	_ =	shalt  }
0x4f: {  	_ =	shalt  }
0x50: {  	_ =	shalt  }
0x51: {  	_ =	shalt  }
0x52: {  	_ =	shalt  }
0x53: {  	_ =	shalt  }
0x54: {  	_ =	shalt  }
0x55: {  	_ =	shalt  }
0x56: {  	_ =	shalt  }
0x57: {  	_ =	shalt  }
0x58: {  	_ =	shalt  }
0x59: {  	_ =	shalt  }
0x5a: {  	_ =	shalt  }
0x5b: {  	_ =	shalt  }
0x5c: {  	_ =	shalt  }
0x5d: {  	_ =	shalt  }
0x5e: {  	_ =	shalt  }
0x5f: {  	_ =	shalt  }
0x60: {  	_ =	shalt  }
0x61: {  	_ =	shalt  }
0x62: {  	_ =	shalt  }
0x63: {  	_ =	shalt  }
0x64: {  	_ =	shalt  }
0x65: {  	_ =	shalt  }
0x66: {  	_ =	shalt  }
0x67: {  	_ =	shalt  }
0x68: {  	_ =	shalt  }
0x69: {  	_ =	shalt  }
0x6a: {  	_ =	shalt  }
0x6b: {  	_ =	shalt  }
0x6c: {  	_ =	shalt  }
0x6d: {  	_ =	shalt  }
0x6e: {  	_ =	shalt  }
0x6f: {  	_ =	shalt  }
0x70: {  	_ =	shalt  }
0x71: {  	_ =	shalt  }
0x72: {  	_ =	shalt  }
0x73: {  	_ =	shalt  }
0x74: {  	_ =	shalt  }
0x75: {  	_ =	shalt  }
0x76: {  	_ =	shalt  }
0x77: {  	_ =	shalt  }
0x78: {  	_ =	shalt  }
0x79: {  	_ =	shalt  }
0x7a: {  	_ =	shalt  }
0x7b: {  	_ =	shalt  }
0x7c: {  	_ =	shalt  }
0x7d: {  	_ =	shalt  }
0x7e: {  	_ =	shalt  }
0x7f: {  	_ =	shalt  }
0x80: {  	_ =	shalt  }
0x81: {  	_ =	shalt  }
0x82: {  	_ =	shalt  }
0x83: {  	_ =	shalt  }
0x84: {  	_ =	shalt  }
0x85: {  	_ =	shalt  }
0x86: {  	_ =	shalt  }
0x87: {  	_ =	shalt  }
.Lfunc_end0:
.L_simem_size_0:
called_computation_lowered:
.L_overlay_start_0:
0x88: {  	s2 =	sld [smem:$0x3FD9]  }
0x89: {  	s3 =	sld [smem:$0x3FFE];
	_ =	sdelay $0x1  }
0x8a: {  	s1 =	srdreg.scid  }
0x8b: {  	s0 =	sand.u32 $0x1, s1  }
0x8c: {  	s17 =	sshll.u32 s0, $0xA;
	s2 =	sadd.s32 s3, s2  }
0x8d: {  	s2 =	sadd.s32 s2, s17  }
0x8e: {  	[smem:$0x3FBC] =	sst s2  }
0x8f: {  	_ = 	snop  }
0x90: {  	s18 =	sld [smem:$0x3FC9];
	(tm) =	ssettm $0x1  }
0x91: {  	s19 =	sld [smem:$0x3FFB];
	_ =	sdelay $0x3  }
0x92: {  	_ =	strace s19  }
0x93: {  	s2 =	sld [smem:$0x3FFC];
	_ =	sdelay $0x3  }
0x94: {  	_ =	strace s2  }
0x95: {  	s2 =	sld [smem:$0x3FFD];
	_ =	sdelay $0x3  }
0x96: {  	_ =	strace s2  }
0x97: {  	_ =	strace $0x8FFFFFFF  }
0x98: {  	s20 =	sld [smem:$0x3FDB];
	_ =	sdelay $0x1  }
0x99: {  	s4 =	simm.s32 $_scs_section_size  }
0x9a: {  	s5 =	simm.s32 $_size__tile_overlayer_lowered;
	s6 =	simm.s32 $_tile_overlayer_lowered  }
0x9b: {  	s7 =	simm.s32 $0x1BFF;
	s21 =	sshll.u32 s6, $0x1;
	s4 =	sadd.s32 s4, s20  }
0x9c: {  	s22 =	simm.s32 $0x0;
	s5 =	sshll.u32 s5, $0x1;
	s6 =	sadd.s32 s21, s4  }
0x9d: {  	[timem:s22], [sflag:s7] =	dma.local [hbm:s6], s5  }
0x9e: {  	_ =	swait.ge [sflag:s7], s5  }
0x9f: {  	s5 =	ssub.s32 $0x0, s5;
	[sflag:s7] =	ssyncset.done $0x0  }
0xa0: {  	[sflag:s7] =	ssyncadd.s32 s5;
	_ =	sdelay $0x1  }
0xa1: {  	s23 =	simm.s32 $0x1B8B  }
0xa2: {  	_ =	swait.ge [sflag:s23], $0x1  }
0xa3: {  	[sflag:s23] =	ssyncset.done $0x0  }
0xa4: {  	[sflag:s23] =	ssyncadd.s32 $0xFFFFFFFF  }
0xa5: {  	s5 =	sld [smem:$0x0]  }
0xa6: {  	s6 =	sand.u32 $0xFFFFFFFE, s1  }
0xa7: {  	p0 =	sne.s32 s1, s6  }
0xa8: {  	s6 =	sshll.u32 @p0 s6, $0xE  }
0xa9: {  	s6 =	sadd.s32 @p0 $0x11B8D, s6;
	s7 =	sshll.u32 @p0 s5, $0x11  }
0xaa: {  	s6 =	sor.u32 @p0 s7, s6  }
0xab: {  	[sflag:s6] =	ssyncadd.remote.s32 @p0 $0x1;
	_ =	sdelay $0x1  }
0xac: {  	s6 =	simm.s32 @p0 $0x1B8D  }
0xad: {  	_ =	swait.eq @p0 [sflag:s6], $0x1  }
0xae: {  	[sflag:s6] =	ssyncadd.s32 @p0 $0xFFFFFFFF  }
0xaf: {  	s7 =	sshll.u32 @!p0 s1, $0xE  }
0xb0: {  	s7 =	sor.u32 @!p0 $0x4000, s7;
	s6 =	simm.s32 @!p0 $0x1B8D  }
0xb1: {  	s5 =	sshll.u32 @!p0 s5, $0x11;
	s7 =	sadd.s32 @!p0 $0x11B8D, s7;
	_ =	swait.eq @!p0 [sflag:s6], $0x1  }
0xb2: {  	s5 =	sor.u32 @!p0 s5, s7;
	[sflag:s6] =	ssyncadd.s32 @!p0 $0xFFFFFFFF  }
0xb3: {  	s25 =	simm.s32 $0x1B8E;
	s24 =	sld [smem:$0x3FFE];
	[sflag:s5] =	ssyncadd.remote.s32 @!p0 $0x1  }
0xb4: {  	s26 =	simm.s32 $execute0_lowered;
	[smem:$0x3FD2] =	sst s25  }
0xb5: {  	s6 =	sshll.u32 s26, $0x1;
	_ =	strace $0x80000049;
	[dreg:$0x1] =	wrdreg $0xFFFFFFFF  }
0xb6: {  	s28 =	simm.s32 $_size_execute0_lowered;
	s4 =	sadd.s32 s4, s6;
	[dreg:$0x0] =	wrdreg $0x0  }
0xb7: {  	s6 =	sshll.u32 s28, $0x1;
	[dreg:$0x2] =	wrdreg s4  }
0xb8: {  	[dreg:$0x3] =	wrdreg s6  }
0xb9: {  	[dreg:$0x4] =	wrdreg $0xC0  }
0xba: {  	_ =	task [dreg:s22], $0x5FFFF  }
0xbb: {  	[dreg:$0x1] =	wrdreg $0xFFFFFFFF  }
0xbc: {  	[dreg:$0x0] =	wrdreg $0x60  }
0xbd: {  	[dreg:$0x2] =	wrdreg s18  }
0xbe: {  	[dreg:$0x3] =	wrdreg s24  }
0xbf: {  	[dreg:$0x4] =	wrdreg $0x9  }
0xc0: {  	_ =	task.clear_ibuf [dreg:s22], $0x5FFFF;
	_ =	strace $0x90000049  }
0xc1: {  	s29 =	simm.s32 $0x9;
	_ =	strace $0x8000004B  }
0xc2: {  	_ =	swait.ge [sflag:s29], $0x1  }
0xc3: {  	[sflag:s29] =	ssyncadd.s32 $0xFFFFFFFF  }
0xc4: {  	_ =	strace $0x9000004B  }
0xc5: {  	_ =	sfence  }
0xc6: {  	s30 =	sld [smem:$0x0];
	_ =	sdelay $0x2  }
0xc7: {  	s31 =	sshll.u32 s1, $0xD;
	s1 =	sshrl.u32 s1, $0x2  }
0xc8: {  	s4 =	sand.u32 $0x4000, s31;
	s1 =	sadd.s32 s1, s30  }
0xc9: {  	s0 =	sor.u32 s4, s0;
	s1 =	sshll.u32 s1, $0x11  }
0xca: {  	s0 =	sor.u32 s1, s0  }
0xcb: {  	s0 =	sadd.s32 $0x8F2B, s0  }
0xcc: {  	[sflag:s0] =	ssyncadd.remote.s32 $0x1  }
0xcd: {  	_ =	sfence.sel $0xFFFF  }
0xce: {  	[dreg:$0x0] =	wrdreg $0xFFFFFFFF;
	(pc) =	sbr.abs _section_cstart, $3  }
0xcf: {  	[dreg:$0x1] =	wrdreg $0xFFFFFFFF  }
0xd0: {  	_ =	task.clear_ibuf [dreg:s22], $0x2FFFF;
	_ =	strace $0x9FFFFFFF  }
0xd1: {  	(tm) =	ssettm $0x7FFFFFFF  }
tec
execute0_lowered:
.L_overlay_start_1:
0x0: {  	(tag) =	ssettag $0x1  }
0x1: {  	s1 =	srdreg.scid;
	s2 =	rddreg [dreg:$0x0]  }
0x2: {  	s0 =	stileid.u32;
	s4 =	rddreg [dreg:$0x1];
	s3 =	simm.s32 $0x0  }
0x3: {  	s11 =	simm.s32 $0x80;
	s12 =	simm.s32 $0x4080;
	s13 =	simm.s32 $0x4100  }
0x4: {  	s14 =	simm.s32 $0x1;
	s15 =	simm.s32 $0x2;
	s16 =	simm.s32 $0x0  }
0x5: {  	s6 =	sand.u32 $0x1, s1;
	s5 =	sshll.u32 s0, $0x8;
	s1 =	rddreg [dreg:$0x2]  }
0x6: {  	[smem:$0x7FF] =	sst s3;
	s26 =	sshll.u32 s0, $0xC;
	s9 =	sshll.u32 s0, $0x1  }
0x7: {  	s7 =	sshll.u32 s6, $0x7;
	_ =	strace $0x8000004A;
	s8 =	ssub.s32 $0x2, s6  }
0x8: {  	s10 =	sadd.s32 s26, s4;
	s29 =	sor.u32 s6, s9;
	s30 =	sshll.u32 s6, $0xB  }
0x9: {  	s5 =	sor.u32 s7, s5;
	s28 =	sshrl.u32 s8, $0x1;
	p0 =	slt.u32 s29, $0x11  }
0xa: {  	s31 =	sadd.s32 s30, s10;
	s5 =	sshrl.u32 s5, $0x3;
	s8 =	ssub.s32 s8, s28  }
0xb: {  	s9 =	sadd.s32 $0x3BCA00, s31;
	s25 =	sadd.s32 s5, s4;
	s4 =	simm.s32 $0x14  }
0xc: {  	s5 =	smax.u32 s8, $0x1;
	s8 =	sadd.s32 $0x284200, s31;
	s4 =	simm.s32 @!p0 $0x13  }
0xd: {  	s10 =	simm.s32 $0x3;
	s6 =	sadd.s32 $0x27F200, s25;
	s7 =	sadd.s32 $0x281A00, s25  }
.LBB2_1:
0xe: {  	[tilespmem:s3], [sflag:$0x3] =	stream.linear.gather [hbm4b:s7+s3], $0x80, $0x38;
	[tilespmem:$0x8100] =	vst v63  }
0xf: {  	_ =	swait.ge [sflag:s10], $0x80  }
0x10: {  	[sflag:s10] =	ssyncset.done $0x0  }
0x11: {  	[sflag:s10] =	ssyncadd.s32 $0xFFFFFF80  }
0x12: {  	[tilespmem:s11], [sflag:$0x1] =	stream.indirect.gather [hbm4b:s2+s11], $0x80, s3, s11, $0xb8;
	[tilespmem:$0x8100] =	vst v63  }
0x13: {  	_ = 	snop  }
0x14: {  	[tilespmem:s12], [sflag:$0x3] =	stream.linear.gather [hbm4b:s6+s3], $0x80, $0x38;
	[tilespmem:$0x8100] =	vst v63  }
0x15: {  	_ =	swait.ge [sflag:s10], $0x80  }
0x16: {  	[sflag:s10] =	ssyncset.done $0x0  }
0x17: {  	[sflag:s10] =	ssyncadd.s32 $0xFFFFFF80  }
0x18: {  	[tilespmem:s13], [sflag:$0x2] =	stream.indirect.gather [hbm4b:s2+s11], $0x80, s12, s11, $0xb8;
	[tilespmem:$0x8100] =	vst v63  }
0x19: {  	_ =	swait.ge [sflag:s14], $0x4000  }
0x1a: {  	[sflag:s14] =	ssyncset.done $0x0  }
0x1b: {  	[sflag:s14] =	ssyncadd.s32 $0xFFFFC000  }
0x1c: {  	[hbm4b:s8+s3] =	stream.linear.scatter [tilespmem:s11], [sflag:$0x3], $0x4000, $0x38;
	[tilespmem:$0x8100] =	vst v63  }
0x1d: {  	_ =	swait.ge [sflag:s10], $0x4000  }
0x1e: {  	[sflag:s10] =	ssyncset.done $0x0  }
0x1f: {  	[sflag:s10] =	ssyncadd.s32 $0xFFFFC000  }
0x20: {  	p0 =	sne.s32 s4, $0x1;
	_ =	swait.ge [sflag:s15], $0x4000  }
.Ltmp0:
0x21: {  	[sflag:s15] =	ssyncset.done $0x0;
	(pc) =	sbr.rel @!p0 .LBB2_3-.Ltmp0, $4  }
0x22: {  	s17 =	sadd.s32 $0xFFFFFFFF, s4;
	[sflag:s15] =	ssyncadd.s32 $0xFFFFC000  }
0x23: {  	[hbm4b:s9+s3] =	stream.linear.scatter [tilespmem:s13], [sflag:$0x3], $0x4000, $0x38;
	[tilespmem:$0x8100] =	vst v63  }
0x24: {  	s18 =	sadd.s32 $0x10000, s8;
	s19 =	sadd.s32 $0x10000, s9;
	_ =	swait.ge [sflag:s10], $0x4000  }
0x25: {  	s20 =	smov.u32 s6;
	s21 =	smov.u32 s7;
	[sflag:s10] =	ssyncset.done $0x0  }
.LBB2_2:
0x26: {  	[sflag:s10] =	ssyncadd.s32 $0xFFFFC000;
	s20 =	sadd.s32 $0x200, s20;
	s21 =	sadd.s32 $0x200, s21  }
0x27: {  	[tilespmem:s3], [sflag:$0x3] =	stream.linear.gather [hbm4b:s21+s3], $0x80, $0x38;
	[tilespmem:$0x8100] =	vst v63  }
0x28: {  	p0 =	sne.s32 s17, $0x1;
	s17 =	sadd.s32 $0xFFFFFFFF, s17;
	_ =	swait.ge [sflag:s10], $0x80  }
0x29: {  	[sflag:s10] =	ssyncset.done $0x0  }
0x2a: {  	[sflag:s10] =	ssyncadd.s32 $0xFFFFFF80  }
0x2b: {  	[tilespmem:s11], [sflag:$0x1] =	stream.indirect.gather [hbm4b:s2+s11], $0x80, s3, s11, $0xb8;
	[tilespmem:$0x8100] =	vst v63  }
0x2c: {  	_ = 	snop  }
0x2d: {  	[tilespmem:s12], [sflag:$0x3] =	stream.linear.gather [hbm4b:s20+s3], $0x80, $0x38;
	[tilespmem:$0x8100] =	vst v63  }
0x2e: {  	_ =	swait.ge [sflag:s10], $0x80  }
0x2f: {  	[sflag:s10] =	ssyncset.done $0x0  }
0x30: {  	[sflag:s10] =	ssyncadd.s32 $0xFFFFFF80  }
0x31: {  	[tilespmem:s13], [sflag:$0x2] =	stream.indirect.gather [hbm4b:s2+s11], $0x80, s12, s11, $0xb8;
	[tilespmem:$0x8100] =	vst v63  }
0x32: {  	_ =	swait.ge [sflag:s14], $0x4000  }
0x33: {  	[sflag:s14] =	ssyncset.done $0x0  }
0x34: {  	[sflag:s14] =	ssyncadd.s32 $0xFFFFC000  }
0x35: {  	[hbm4b:s18+s3] =	stream.linear.scatter [tilespmem:s11], [sflag:$0x3], $0x4000, $0x38;
	[tilespmem:$0x8100] =	vst v63  }
0x36: {  	_ =	swait.ge [sflag:s10], $0x4000  }
0x37: {  	[sflag:s10] =	ssyncset.done $0x0  }
0x38: {  	[sflag:s10] =	ssyncadd.s32 $0xFFFFC000  }
0x39: {  	_ =	swait.ge [sflag:s15], $0x4000  }
.Ltmp1:
0x3a: {  	[sflag:s15] =	ssyncset.done $0x0;
	(pc) =	sbr.rel @p0 .LBB2_2-.Ltmp1, $4  }
0x3b: {  	[sflag:s15] =	ssyncadd.s32 $0xFFFFC000  }
0x3c: {  	[hbm4b:s19+s3] =	stream.linear.scatter [tilespmem:s13], [sflag:$0x3], $0x4000, $0x38;
	[tilespmem:$0x8100] =	vst v63  }
0x3d: {  	_ =	swait.ge [sflag:s10], $0x4000  }
0x3e: {  	s18 =	sadd.s32 $0x10000, s18;
	s19 =	sadd.s32 $0x10000, s19;
	[sflag:s10] =	ssyncset.done $0x0  }
.LBB2_3:
0x3f: {  	s16 =	sadd.s32 $0x1, s16  }
0x40: {  	p0 =	sne.s32 s16, s5  }
.Ltmp2:
0x41: {  	_ = 	snop;
	(pc) =	sbr.rel @p0 .LBB2_1-.Ltmp2, $2  }
0x42: {  	_ =	sdelay $0x2  }
0x43: {  	[sflag:s10] =	ssyncadd.s32 $0xFFFFC000  }
0x44: {  	_ =	sfence.sel $0x180000  }
0x45: {  	[bflag:$0x0] =	sbarrier.arrive $0xFFFF  }
0x46: {  	p0 =	sne.s32 s0, $0x0;
	_ =	strace $0x9000004A  }
0x47: {  	s0 =	sadd.s32 @!p0 $0x100000, s1;
	[bflag:$0x2] =	sbarrier.arrive $0xFFFF  }
0x48: {  	[sflag:s0] =	ssyncadd.tile.s32 @!p0 $0x1;
	_ =	shalt  }
.Lfunc_end2:
_tile_overlayer_lowered:
.L_overlay_start_2:
0x49: {  	(tag) =	ssettag $0x2  }
0x4a: {  	s0 =	rddreg [dreg:$0x0];
	s2 =	stileid.u32  }
0x4b: {  	s1 =	rddreg [dreg:$0x1];
	p0 =	sne.s32 s2, $0x0  }
0x4c: {  	s3 =	rddreg [dreg:$0x2];
	[bflag:$0x3] =	sbarrier.arrive $0xFFFF;
	s2 =	simm.s32 @!p0 $0x1C03  }
0x4d: {  	[timem:s3], [sflag:s2] =	dma.local @!p0 [hbm:s0], s1  }
0x4e: {  	s0 =	simm.s32 @!p0 $0x3  }
0x4f: {  	_ =	swait.ge @!p0 [sflag:s0], s1  }
0x50: {  	s1 =	ssub.s32 @!p0 $0x0, s1;
	[sflag:s0] =	ssyncset.done @!p0 $0x0  }
0x51: {  	[sflag:s0] =	ssyncadd.s32 @!p0 s1  }
0x52: {  	[bflag:$0x3] =	sbarrier.arrive $0xFFFF  }
0x53: {  	_ =	shalt  }

// kernel: kernel.26.cloned.1.call-start
scs
__scs_entry_jumppad:
0x0: {  	(pc) =	sbr.rel $0x88, $3  }
0x1: {  	(tag) =	ssettag $0x0;
	lr =	simm.s32 $0x1  }
0x2: {  	[smem:$0x3F95] =	sst lr;
	_ =	strace $0xD0000000  }
0x3: {  	_ = 	snop  }
0x4: {  	_ = 	snop  }
0x5: {  	_ = 	snop  }
0x6: {  	_ = 	snop  }
0x7: {  	_ = 	snop  }
__scs_overlays_trampoline_lowered:
0x8: {  	[smem:$0x3FA4] =	sst s0  }
0x9: {  	[smem:$0x3FA5] =	sst s1  }
0xa: {  	[smem:$0x3FA6] =	sst s2  }
0xb: {  	[smem:$0x3FA7] =	sst s3  }
0xc: {  	[smem:$0x3FA8] =	sst s4  }
0xd: {  	[smem:$0x3FA9] =	sst s5  }
0xe: {  	[smem:$0x3FAA] =	sst s6  }
0xf: {  	[smem:$0x3FAB] =	sst s7  }
0x10: {  	[smem:$0x3FAC] =	sst s8  }
0x11: {  	[smem:$0x3FAD] =	sst s9;
	s0 =	simm.s32 @!p0 $0x0  }
0x12: {  	s1 =	sld [smem:$0x3F93];
	s0 =	simm.s32 @p0 $0x1  }
0x13: {  	[smem:$0x3FAE] =	sst s0;
	s0 =	simm.s32 @!p1 $0x0  }
0x14: {  	s2 =	sld [smem:$0x3F92];
	s0 =	simm.s32 @p1 $0x1  }
0x15: {  	[smem:$0x3FAF] =	sst s0;
	s0 =	simm.s32 @!p2 $0x0  }
0x16: {  	s3 =	sld [smem:$0x3FDB];
	s0 =	simm.s32 @p2 $0x1  }
0x17: {  	s4 =	simm.s32 $0x1BF5;
	[smem:$0x3FB1] =	sst s0  }
0x18: {  	s0 =	sld [smem:$0x3F94];
	_ =	swait.ge [sflag:s4], $0x0  }
0x19: {  	s7 =	sld [smem:$0x3F95]  }
0x1a: {  	s8 =	sadd.s32 $0xFFFFE003, lr  }
0x1b: {  	s9 =	sadd.s32 $0xFFFFFEF7, lr;
	s5 =	simm.s32 $0xFFFFFFFF;
	p2 =	slt.u32 s8, $0xFFFFF086  }
0x1c: {  	p1 =	slt.u32 s9, $0xF7A;
	s5 =	simm.s32 @!p2 $0x0  }
0x1d: {  	s5 =	simm.s32 @p1 $0x1;
	p0 =	seq.s32 s7, s2  }
0x1e: {  	s7 =	smul.u32 @!p0 $0xF7A, s2;
	p2 =	seq.s32 @!p0 s5, $0x0  }
0x1f: {  	s9 =	smul.u32 $0xF7A, s1;
	s8 =	simm.s32 @!p0 $0x1BF5;
	p2 =	por !p2, p0  }
0x20: {  	[sflag:s8] =	ssyncset.s32 @!p0 $0xFFFFF086;
	s6 =	sadd.s32 @!p0 s3, s7;
	s7 =	simm.s32 @!p0 $0x108  }
0x21: {  	s3 =	sadd.s32 s3, s9;
	s6 =	sadd.s32 @!p0 $0x88, s6;
	s7 =	simm.s32 @p2 $0x1082  }
0x22: {  	[simem:s7], [sflag:s8] =	dma.local @!p0 [hbm:s6], $0xF7A  }
0x23: {  	s9 =	sor.u32 $0xD0000000, s2;
	s6 =	simm.s32 $0x108;
	_ =	swait.ge @!p0 [sflag:s8], $0x0  }
0x24: {  	s3 =	sadd.s32 $0x88, s3;
	s6 =	simm.s32 @!p1 $0x1082;
	[sflag:s4] =	ssyncset.s32 $0xFFFFF086  }
0x25: {  	[simem:s6], [sflag:s4] =	dma.local [hbm:s3], $0xF7A  }
0x26: {  	[smem:$0x3F95] =	sst s1;
	(tag) =	ssettag s2;
	_ =	strace s9  }
0x27: {  	s1 =	sld [smem:$0x3FA5]  }
0x28: {  	s2 =	sld [smem:$0x3FA6]  }
0x29: {  	s4 =	sld [smem:$0x3FA8]  }
0x2a: {  	p0 =	seq.s32 s5, $0x0;
	s5 =	sld [smem:$0x3FA9]  }
0x2b: {  	s6 =	sld [smem:$0x3FAA]  }
0x2c: {  	s7 =	sld [smem:$0x3FAB]  }
0x2d: {  	s3 =	simm.s32 $0x108;
	s8 =	sld [smem:$0x3FAC]  }
0x2e: {  	s3 =	simm.s32 @!p0 $0x1082;
	s9 =	sld [smem:$0x3FAD]  }
0x2f: {  	lr =	sadd.s32 s0, s3;
	s0 =	sld [smem:$0x3FA4]  }
0x30: {  	s3 =	sld [smem:$0x3FA7]  }
0x31: {  	[smem:$0x3FB0] =	sst s10  }
0x32: {  	s10 =	sld [smem:$0x3FAE];
	_ =	sdelay $0x3  }
0x33: {  	p0 =	seq.s32 s10, $0x1;
	s10 =	sld [smem:$0x3FB0];
	_ =	sdelay $0x3  }
0x34: {  	[smem:$0x3FB0] =	sst s10  }
0x35: {  	s10 =	sld [smem:$0x3FAF];
	_ =	sdelay $0x3  }
0x36: {  	p1 =	seq.s32 s10, $0x1;
	s10 =	sld [smem:$0x3FB0];
	_ =	sdelay $0x3  }
0x37: {  	[smem:$0x3FB0] =	sst s10  }
0x38: {  	s10 =	sld [smem:$0x3FB1]  }
0x39: {  	_ = 	snop;
	(pc) =	sbr.ind lr, $3  }
0x3a: {  	_ = 	snop  }
0x3b: {  	_ = 	snop  }
0x3c: {  	p2 =	seq.s32 s10, $0x1;
	s10 =	sld [smem:$0x3FB0]  }
0x3d: {  	_ =	shalt  }
0x3e: {  	_ =	shalt  }
0x3f: {  	_ =	shalt  }
0x40: {  	_ =	shalt  }
0x41: {  	_ =	shalt  }
0x42: {  	_ =	shalt  }
0x43: {  	_ =	shalt  }
0x44: {  	_ =	shalt  }
0x45: {  	_ =	shalt  }
0x46: {  	_ =	shalt  }
0x47: {  	_ =	shalt  }
0x48: {  	_ =	shalt  }
0x49: {  	_ =	shalt  }
0x4a: {  	_ =	shalt  }
0x4b: {  	_ =	shalt  }
0x4c: {  	_ =	shalt  }
0x4d: {  	_ =	shalt  }
0x4e: {  	_ =	shalt  }
0x4f: {  	_ =	shalt  }
0x50: {  	_ =	shalt  }
0x51: {  	_ =	shalt  }
0x52: {  	_ =	shalt  }
0x53: {  	_ =	shalt  }
0x54: {  	_ =	shalt  }
0x55: {  	_ =	shalt  }
0x56: {  	_ =	shalt  }
0x57: {  	_ =	shalt  }
0x58: {  	_ =	shalt  }
0x59: {  	_ =	shalt  }
0x5a: {  	_ =	shalt  }
0x5b: {  	_ =	shalt  }
0x5c: {  	_ =	shalt  }
0x5d: {  	_ =	shalt  }
0x5e: {  	_ =	shalt  }
0x5f: {  	_ =	shalt  }
0x60: {  	_ =	shalt  }
0x61: {  	_ =	shalt  }
0x62: {  	_ =	shalt  }
0x63: {  	_ =	shalt  }
0x64: {  	_ =	shalt  }
0x65: {  	_ =	shalt  }
0x66: {  	_ =	shalt  }
0x67: {  	_ =	shalt  }
0x68: {  	_ =	shalt  }
0x69: {  	_ =	shalt  }
0x6a: {  	_ =	shalt  }
0x6b: {  	_ =	shalt  }
0x6c: {  	_ =	shalt  }
0x6d: {  	_ =	shalt  }
0x6e: {  	_ =	shalt  }
0x6f: {  	_ =	shalt  }
0x70: {  	_ =	shalt  }
0x71: {  	_ =	shalt  }
0x72: {  	_ =	shalt  }
0x73: {  	_ =	shalt  }
0x74: {  	_ =	shalt  }
0x75: {  	_ =	shalt  }
0x76: {  	_ =	shalt  }
0x77: {  	_ =	shalt  }
0x78: {  	_ =	shalt  }
0x79: {  	_ =	shalt  }
0x7a: {  	_ =	shalt  }
0x7b: {  	_ =	shalt  }
0x7c: {  	_ =	shalt  }
0x7d: {  	_ =	shalt  }
0x7e: {  	_ =	shalt  }
0x7f: {  	_ =	shalt  }
0x80: {  	_ =	shalt  }
0x81: {  	_ =	shalt  }
0x82: {  	_ =	shalt  }
0x83: {  	_ =	shalt  }
0x84: {  	_ =	shalt  }
0x85: {  	_ =	shalt  }
0x86: {  	_ =	shalt  }
0x87: {  	_ =	shalt  }
.Lfunc_end0:
.L_simem_size_0:
called_computation.1_lowered:
.L_overlay_start_0:
0x88: {  	s2 =	sld [smem:$0x3FD9]  }
0x89: {  	s3 =	sld [smem:$0x3FFE];
	_ =	sdelay $0x1  }
0x8a: {  	s1 =	srdreg.scid  }
0x8b: {  	s0 =	sand.u32 $0x1, s1  }
0x8c: {  	s17 =	sshll.u32 s0, $0xA;
	s2 =	sadd.s32 s3, s2  }
0x8d: {  	s2 =	sadd.s32 s2, s17  }
0x8e: {  	[smem:$0x3FBC] =	sst s2  }
0x8f: {  	_ = 	snop  }
0x90: {  	(tm) =	ssettm $0x1  }
0x91: {  	s18 =	sld [smem:$0x3FFB];
	_ =	sdelay $0x3  }
0x92: {  	_ =	strace s18  }
0x93: {  	s2 =	sld [smem:$0x3FFC];
	_ =	sdelay $0x3  }
0x94: {  	_ =	strace s2  }
0x95: {  	s2 =	sld [smem:$0x3FFD];
	_ =	sdelay $0x3  }
0x96: {  	_ =	strace s2  }
0x97: {  	_ =	strace $0x8FFFFFFF  }
0x98: {  	s19 =	sld [smem:$0x3FDB];
	_ =	sdelay $0x1  }
0x99: {  	s20 =	simm.s32 $_scs_section_size  }
0x9a: {  	s4 =	simm.s32 $_size__tile_overlayer_lowered;
	s5 =	simm.s32 $_tile_overlayer_lowered  }
0x9b: {  	s6 =	simm.s32 $0x1BFF;
	s21 =	sshll.u32 s5, $0x1;
	s3 =	sadd.s32 s20, s19  }
0x9c: {  	s22 =	simm.s32 $0x0;
	s4 =	sshll.u32 s4, $0x1;
	s5 =	sadd.s32 s21, s3  }
0x9d: {  	[timem:s22], [sflag:s6] =	dma.local [hbm:s5], s4  }
0x9e: {  	_ =	swait.ge [sflag:s6], s4  }
0x9f: {  	s4 =	ssub.s32 $0x0, s4;
	[sflag:s6] =	ssyncset.done $0x0  }
0xa0: {  	[sflag:s6] =	ssyncadd.s32 s4;
	_ =	sdelay $0x1  }
0xa1: {  	s23 =	simm.s32 $0x1B8B  }
0xa2: {  	_ =	swait.ge [sflag:s23], $0x1  }
0xa3: {  	[sflag:s23] =	ssyncset.done $0x0  }
0xa4: {  	[sflag:s23] =	ssyncadd.s32 $0xFFFFFFFF  }
0xa5: {  	s4 =	sld [smem:$0x0]  }
0xa6: {  	s5 =	sand.u32 $0xFFFFFFFE, s1  }
0xa7: {  	p0 =	sne.s32 s1, s5  }
0xa8: {  	s5 =	sshll.u32 @p0 s5, $0xE  }
0xa9: {  	s5 =	sadd.s32 @p0 $0x11B8D, s5;
	s6 =	sshll.u32 @p0 s4, $0x11  }
0xaa: {  	s5 =	sor.u32 @p0 s6, s5  }
0xab: {  	[sflag:s5] =	ssyncadd.remote.s32 @p0 $0x1;
	_ =	sdelay $0x1  }
0xac: {  	s5 =	simm.s32 @p0 $0x1B8D  }
0xad: {  	_ =	swait.eq @p0 [sflag:s5], $0x1  }
0xae: {  	[sflag:s5] =	ssyncadd.s32 @p0 $0xFFFFFFFF  }
0xaf: {  	s6 =	sshll.u32 @!p0 s1, $0xE  }
0xb0: {  	s6 =	sor.u32 @!p0 $0x4000, s6;
	s5 =	simm.s32 @!p0 $0x1B8D  }
0xb1: {  	s4 =	sshll.u32 @!p0 s4, $0x11;
	s6 =	sadd.s32 @!p0 $0x11B8D, s6;
	_ =	swait.eq @!p0 [sflag:s5], $0x1  }
0xb2: {  	s4 =	sor.u32 @!p0 s4, s6;
	[sflag:s5] =	ssyncadd.s32 @!p0 $0xFFFFFFFF  }
0xb3: {  	s25 =	simm.s32 $0x1B8E;
	s24 =	sld [smem:$0x3FFE];
	[sflag:s4] =	ssyncadd.remote.s32 @!p0 $0x1  }
0xb4: {  	s26 =	simm.s32 $execute0_lowered;
	[smem:$0x3FD2] =	sst s25  }
0xb5: {  	s5 =	sshll.u32 s26, $0x1;
	_ =	strace $0x8000004F;
	[dreg:$0x1] =	wrdreg $0xFFFFFFFF  }
0xb6: {  	s28 =	simm.s32 $_size_execute0_lowered;
	s3 =	sadd.s32 s3, s5;
	[dreg:$0x0] =	wrdreg $0x0  }
0xb7: {  	s5 =	sshll.u32 s28, $0x1;
	[dreg:$0x2] =	wrdreg s3  }
0xb8: {  	[dreg:$0x3] =	wrdreg s5  }
0xb9: {  	[dreg:$0x4] =	wrdreg $0xC0  }
0xba: {  	_ =	task [dreg:s22], $0x5FFFF  }
0xbb: {  	[dreg:$0x1] =	wrdreg $0xFFFFFFFF  }
0xbc: {  	[dreg:$0x0] =	wrdreg $0x60  }
0xbd: {  	[dreg:$0x2] =	wrdreg s24  }
0xbe: {  	[dreg:$0x3] =	wrdreg $0x40800  }
0xbf: {  	[dreg:$0x4] =	wrdreg $0x9  }
0xc0: {  	_ =	task.clear_ibuf [dreg:s22], $0x5FFFF;
	_ =	strace $0x9000004F  }
0xc1: {  	s29 =	simm.s32 $0x9;
	_ =	strace $0x80000051  }
0xc2: {  	_ =	swait.ge [sflag:s29], $0x1  }
0xc3: {  	[sflag:s29] =	ssyncadd.s32 $0xFFFFFFFF  }
0xc4: {  	_ =	strace $0x90000051  }
0xc5: {  	_ =	sfence  }
0xc6: {  	s30 =	sld [smem:$0x0];
	_ =	sdelay $0x2  }
0xc7: {  	s31 =	sshll.u32 s1, $0xD;
	s1 =	sshrl.u32 s1, $0x2  }
0xc8: {  	s4 =	sand.u32 $0x4000, s31;
	s1 =	sadd.s32 s1, s30  }
0xc9: {  	s0 =	sor.u32 s4, s0;
	s1 =	sshll.u32 s1, $0x11  }
0xca: {  	s0 =	sor.u32 s1, s0  }
0xcb: {  	s0 =	sadd.s32 $0x8F2B, s0  }
0xcc: {  	[sflag:s0] =	ssyncadd.remote.s32 $0x1  }
0xcd: {  	_ =	sfence.sel $0xFFFF  }
0xce: {  	[dreg:$0x0] =	wrdreg $0xFFFFFFFF;
	(pc) =	sbr.abs _section_cstart, $3  }
0xcf: {  	[dreg:$0x1] =	wrdreg $0xFFFFFFFF  }
0xd0: {  	_ =	task.clear_ibuf [dreg:s22], $0x2FFFF;
	_ =	strace $0x9FFFFFFF  }
0xd1: {  	(tm) =	ssettm $0x7FFFFFFF  }
tec
execute0_lowered:
.L_overlay_start_1:
0x0: {  	(tag) =	ssettag $0x1  }
0x1: {  	s4 =	rddreg [dreg:$0x0]  }
0x2: {  	s1 =	rddreg [dreg:$0x1]  }
0x3: {  	s0 =	rddreg [dreg:$0x2];
	s3 =	simm.s32 $0x0;
	s5 =	srdreg.scid  }
0x4: {  	s2 =	stileid.u32;
	[smem:$0x7FF] =	sst s3;
	s7 =	sand.u32 $0x1, s5  }
0x5: {  	s22 =	sshll.u32 s2, $0x8;
	s8 =	smul.u32 $0x14000, s2;
	s9 =	sshll.u32 s2, $0xC  }
0x6: {  	s12 =	sshll.u32 s2, $0x1;
	s13 =	smul.u32 $0x50000, s2;
	s30 =	sshll.u32 s2, $0x6  }
0x7: {  	s6 =	sshll.u32 s7, $0x7;
	s23 =	smul.u32 $0x140000, s7;
	_ =	strace $0x80000050  }
0x8: {  	s9 =	sadd.s32 s9, s4;
	s25 =	ssub.s32 $0x2, s7;
	s26 =	sor.u32 s7, s12  }
0x9: {  	s31 =	sshll.u32 s7, $0xB;
	s12 =	simm.s32 $0x1;
	s5 =	sor.u32 s6, s22  }
0xa: {  	s24 =	sshrl.u32 s8, $0x3;
	s11 =	sshrl.u32 s25, $0x1;
	p0 =	slt.u32 s26, $0x11  }
0xb: {  	s28 =	sshrl.u32 s13, $0x2;
	s9 =	sadd.s32 s31, s9;
	s13 =	simm.s32 $0x80  }
0xc: {  	s5 =	sshrl.u32 s5, $0x3;
	s6 =	sadd.s32 s8, s23;
	s8 =	ssub.s32 s25, s11  }
0xd: {  	s29 =	sadd.s32 s28, s1;
	s9 =	sadd.s32 $0x86200, s9;
	s10 =	sadd.s32 s5, s4  }
0xe: {  	s5 =	sadd.s32 s24, s4;
	s6 =	sshrl.u32 s6, $0x3;
	s8 =	smax.u32 s8, $0x1  }
0xf: {  	s11 =	sshrl.u32 s29, $0x3;
	s14 =	sadd.s32 s6, s4;
	s4 =	simm.s32 $0x14  }
0x10: {  	s5 =	sadd.s32 $0xE200, s5;
	s6 =	sor.u32 $0x1C01, s30;
	s10 =	sadd.s32 $0x281A00, s10  }
0x11: {  	s4 =	simm.s32 @!p0 $0x13;
	s7 =	sadd.s32 $0x1BEA00, s14;
	s14 =	simm.s32 $0x0  }
.LBB2_1:
0x12: {  	[spmem:s11], [sflag:s6] =	dma.local [hbm:s5], $0x2800  }
0x13: {  	_ =	swait.ge [sflag:s12], $0x2800  }
0x14: {  	[sflag:s12] =	ssyncset.done $0x0  }
0x15: {  	[sflag:s12] =	ssyncadd.s32 $0xFFFFD800  }
0x16: {  	[bflag:$0x0] =	sbarrier.arrive $0xFFFF  }
0x17: {  	[tilespmem:s13], [sflag:$0x1] =	stream.linear.gather [hbm4b:s9+s3], $0x4000, $0x38;
	[tilespmem:$0x18080] =	vst v63  }
0x18: {  	_ =	swait.ge [sflag:s12], $0x4000  }
0x19: {  	[sflag:s12] =	ssyncset.done $0x0  }
0x1a: {  	[sflag:s12] =	ssyncadd.s32 $0xFFFFC000  }
0x1b: {  	[tilespmem:s3], [sflag:$0x1] =	stream.linear.gather [hbm4b:s10+s3], $0x80, $0x38;
	[tilespmem:$0x18080] =	vst v63  }
0x1c: {  	p0 =	sne.s32 s4, $0x1;
	_ =	swait.ge [sflag:s12], $0x80  }
.Ltmp0:
0x1d: {  	[sflag:s12] =	ssyncset.done $0x0;
	(pc) =	sbr.rel @!p0 .LBB2_3-.Ltmp0, $4  }
0x1e: {  	[sflag:s12] =	ssyncadd.s32 $0xFFFFFF80  }
0x1f: {  	[spmem:s1] =	stream.indirect.scatter.add.f32 [tilespmem:s13], [sflag:$0x1], $0x80, s3, s13, $0xb8;
	[tilespmem:$0x18080] =	vst v63  }
0x20: {  	s15 =	sadd.s32 $0xFFFFFFFF, s4;
	_ =	swait.ge [sflag:s12], $0x4000  }
0x21: {  	s16 =	smov.u32 s9;
	s17 =	smov.u32 s10;
	[sflag:s12] =	ssyncset.done $0x0  }
.LBB2_2:
0x22: {  	[sflag:s12] =	ssyncadd.s32 $0xFFFFC000;
	s16 =	sadd.s32 $0x10000, s16;
	s17 =	sadd.s32 $0x200, s17  }
0x23: {  	[tilespmem:s13], [sflag:$0x1] =	stream.linear.gather [hbm4b:s16+s3], $0x4000, $0x38;
	[tilespmem:$0x18080] =	vst v63  }
0x24: {  	p0 =	sne.s32 s15, $0x1;
	s15 =	sadd.s32 $0xFFFFFFFF, s15;
	_ =	swait.ge [sflag:s12], $0x4000  }
0x25: {  	[sflag:s12] =	ssyncset.done $0x0  }
0x26: {  	[sflag:s12] =	ssyncadd.s32 $0xFFFFC000  }
0x27: {  	[tilespmem:s3], [sflag:$0x1] =	stream.linear.gather [hbm4b:s17+s3], $0x80, $0x38;
	[tilespmem:$0x18080] =	vst v63  }
0x28: {  	_ =	swait.ge [sflag:s12], $0x80  }
.Ltmp1:
0x29: {  	[sflag:s12] =	ssyncset.done $0x0;
	(pc) =	sbr.rel @p0 .LBB2_2-.Ltmp1, $4  }
0x2a: {  	[sflag:s12] =	ssyncadd.s32 $0xFFFFFF80  }
0x2b: {  	[spmem:s1] =	stream.indirect.scatter.add.f32 [tilespmem:s13], [sflag:$0x1], $0x80, s3, s13, $0xb8;
	[tilespmem:$0x18080] =	vst v63  }
0x2c: {  	_ =	swait.ge [sflag:s12], $0x4000  }
0x2d: {  	[sflag:s12] =	ssyncset.done $0x0  }
.LBB2_3:
0x2e: {  	s14 =	sadd.s32 $0x1, s14  }
0x2f: {  	[sflag:s12] =	ssyncadd.s32 $0xFFFFC000;
	p0 =	sne.s32 s14, s8  }
.Ltmp2:
0x30: {  	[bflag:$0x0] =	sbarrier.arrive $0xFFFF;
	(pc) =	sbr.rel @p0 .LBB2_1-.Ltmp2, $4  }
0x31: {  	[hbm:s7], [sflag:s6] =	dma.local [spmem:s11], $0x2800  }
0x32: {  	_ =	swait.ge [sflag:s12], $0x2800  }
0x33: {  	[sflag:s12] =	ssyncset.done $0x0  }
0x34: {  	[sflag:s12] =	ssyncadd.s32 $0xFFFFD800  }
0x35: {  	_ =	sfence.sel $0x180000  }
0x36: {  	[bflag:$0x0] =	sbarrier.arrive $0xFFFF  }
0x37: {  	p0 =	sne.s32 s2, $0x0;
	_ =	strace $0x90000050  }
0x38: {  	s0 =	sadd.s32 @!p0 $0x100000, s0;
	[bflag:$0x2] =	sbarrier.arrive $0xFFFF  }
0x39: {  	[sflag:s0] =	ssyncadd.tile.s32 @!p0 $0x1;
	_ =	shalt  }
.Lfunc_end2:
_tile_overlayer_lowered:
.L_overlay_start_2:
0x3a: {  	(tag) =	ssettag $0x2  }
0x3b: {  	s0 =	rddreg [dreg:$0x0];
	s2 =	stileid.u32  }
0x3c: {  	s1 =	rddreg [dreg:$0x1];
	p0 =	sne.s32 s2, $0x0  }
0x3d: {  	s3 =	rddreg [dreg:$0x2];
	[bflag:$0x3] =	sbarrier.arrive $0xFFFF;
	s2 =	simm.s32 @!p0 $0x1C01  }
0x3e: {  	[timem:s3], [sflag:s2] =	dma.local @!p0 [hbm:s0], s1  }
0x3f: {  	s0 =	simm.s32 @!p0 $0x1  }
0x40: {  	_ =	swait.ge @!p0 [sflag:s0], s1  }
0x41: {  	s1 =	ssub.s32 @!p0 $0x0, s1;
	[sflag:s0] =	ssyncset.done @!p0 $0x0  }
0x42: {  	[sflag:s0] =	ssyncadd.s32 @!p0 s1  }
0x43: {  	[bflag:$0x3] =	sbarrier.arrive $0xFFFF  }
0x44: {  	_ =	shalt  }

// kernel: kernel.29.cloned.1.call-start
scs
__scs_entry_jumppad:
0x0: {  	(pc) =	sbr.rel $0x88, $3  }
0x1: {  	(tag) =	ssettag $0x0;
	lr =	simm.s32 $0x1  }
0x2: {  	[smem:$0x3F95] =	sst lr;
	_ =	strace $0xD0000000  }
0x3: {  	_ = 	snop  }
0x4: {  	_ = 	snop  }
0x5: {  	_ = 	snop  }
0x6: {  	_ = 	snop  }
0x7: {  	_ = 	snop  }
__scs_overlays_trampoline_lowered:
0x8: {  	[smem:$0x3FA4] =	sst s0  }
0x9: {  	[smem:$0x3FA5] =	sst s1  }
0xa: {  	[smem:$0x3FA6] =	sst s2  }
0xb: {  	[smem:$0x3FA7] =	sst s3  }
0xc: {  	[smem:$0x3FA8] =	sst s4  }
0xd: {  	[smem:$0x3FA9] =	sst s5  }
0xe: {  	[smem:$0x3FAA] =	sst s6  }
0xf: {  	[smem:$0x3FAB] =	sst s7  }
0x10: {  	[smem:$0x3FAC] =	sst s8  }
0x11: {  	[smem:$0x3FAD] =	sst s9;
	s0 =	simm.s32 @!p0 $0x0  }
0x12: {  	s1 =	sld [smem:$0x3F93];
	s0 =	simm.s32 @p0 $0x1  }
0x13: {  	[smem:$0x3FAE] =	sst s0;
	s0 =	simm.s32 @!p1 $0x0  }
0x14: {  	s2 =	sld [smem:$0x3F92];
	s0 =	simm.s32 @p1 $0x1  }
0x15: {  	[smem:$0x3FAF] =	sst s0;
	s0 =	simm.s32 @!p2 $0x0  }
0x16: {  	s3 =	sld [smem:$0x3FDB];
	s0 =	simm.s32 @p2 $0x1  }
0x17: {  	s4 =	simm.s32 $0x1BF5;
	[smem:$0x3FB1] =	sst s0  }
0x18: {  	s0 =	sld [smem:$0x3F94];
	_ =	swait.ge [sflag:s4], $0x0  }
0x19: {  	s7 =	sld [smem:$0x3F95]  }
0x1a: {  	s8 =	sadd.s32 $0xFFFFE003, lr  }
0x1b: {  	s9 =	sadd.s32 $0xFFFFFEF7, lr;
	s5 =	simm.s32 $0xFFFFFFFF;
	p2 =	slt.u32 s8, $0xFFFFF086  }
0x1c: {  	p1 =	slt.u32 s9, $0xF7A;
	s5 =	simm.s32 @!p2 $0x0  }
0x1d: {  	s5 =	simm.s32 @p1 $0x1;
	p0 =	seq.s32 s7, s2  }
0x1e: {  	s7 =	smul.u32 @!p0 $0xF7A, s2;
	p2 =	seq.s32 @!p0 s5, $0x0  }
0x1f: {  	s9 =	smul.u32 $0xF7A, s1;
	s8 =	simm.s32 @!p0 $0x1BF5;
	p2 =	por !p2, p0  }
0x20: {  	[sflag:s8] =	ssyncset.s32 @!p0 $0xFFFFF086;
	s6 =	sadd.s32 @!p0 s3, s7;
	s7 =	simm.s32 @!p0 $0x108  }
0x21: {  	s3 =	sadd.s32 s3, s9;
	s6 =	sadd.s32 @!p0 $0x88, s6;
	s7 =	simm.s32 @p2 $0x1082  }
0x22: {  	[simem:s7], [sflag:s8] =	dma.local @!p0 [hbm:s6], $0xF7A  }
0x23: {  	s9 =	sor.u32 $0xD0000000, s2;
	s6 =	simm.s32 $0x108;
	_ =	swait.ge @!p0 [sflag:s8], $0x0  }
0x24: {  	s3 =	sadd.s32 $0x88, s3;
	s6 =	simm.s32 @!p1 $0x1082;
	[sflag:s4] =	ssyncset.s32 $0xFFFFF086  }
0x25: {  	[simem:s6], [sflag:s4] =	dma.local [hbm:s3], $0xF7A  }
0x26: {  	[smem:$0x3F95] =	sst s1;
	(tag) =	ssettag s2;
	_ =	strace s9  }
0x27: {  	s1 =	sld [smem:$0x3FA5]  }
0x28: {  	s2 =	sld [smem:$0x3FA6]  }
0x29: {  	s4 =	sld [smem:$0x3FA8]  }
0x2a: {  	p0 =	seq.s32 s5, $0x0;
	s5 =	sld [smem:$0x3FA9]  }
0x2b: {  	s6 =	sld [smem:$0x3FAA]  }
0x2c: {  	s7 =	sld [smem:$0x3FAB]  }
0x2d: {  	s3 =	simm.s32 $0x108;
	s8 =	sld [smem:$0x3FAC]  }
0x2e: {  	s3 =	simm.s32 @!p0 $0x1082;
	s9 =	sld [smem:$0x3FAD]  }
0x2f: {  	lr =	sadd.s32 s0, s3;
	s0 =	sld [smem:$0x3FA4]  }
0x30: {  	s3 =	sld [smem:$0x3FA7]  }
0x31: {  	[smem:$0x3FB0] =	sst s10  }
0x32: {  	s10 =	sld [smem:$0x3FAE];
	_ =	sdelay $0x3  }
0x33: {  	p0 =	seq.s32 s10, $0x1;
	s10 =	sld [smem:$0x3FB0];
	_ =	sdelay $0x3  }
0x34: {  	[smem:$0x3FB0] =	sst s10  }
0x35: {  	s10 =	sld [smem:$0x3FAF];
	_ =	sdelay $0x3  }
0x36: {  	p1 =	seq.s32 s10, $0x1;
	s10 =	sld [smem:$0x3FB0];
	_ =	sdelay $0x3  }
0x37: {  	[smem:$0x3FB0] =	sst s10  }
0x38: {  	s10 =	sld [smem:$0x3FB1]  }
0x39: {  	_ = 	snop;
	(pc) =	sbr.ind lr, $3  }
0x3a: {  	_ = 	snop  }
0x3b: {  	_ = 	snop  }
0x3c: {  	p2 =	seq.s32 s10, $0x1;
	s10 =	sld [smem:$0x3FB0]  }
0x3d: {  	_ =	shalt  }
0x3e: {  	_ =	shalt  }
0x3f: {  	_ =	shalt  }
0x40: {  	_ =	shalt  }
0x41: {  	_ =	shalt  }
0x42: {  	_ =	shalt  }
0x43: {  	_ =	shalt  }
0x44: {  	_ =	shalt  }
0x45: {  	_ =	shalt  }
0x46: {  	_ =	shalt  }
0x47: {  	_ =	shalt  }
0x48: {  	_ =	shalt  }
0x49: {  	_ =	shalt  }
0x4a: {  	_ =	shalt  }
0x4b: {  	_ =	shalt  }
0x4c: {  	_ =	shalt  }
0x4d: {  	_ =	shalt  }
0x4e: {  	_ =	shalt  }
0x4f: {  	_ =	shalt  }
0x50: {  	_ =	shalt  }
0x51: {  	_ =	shalt  }
0x52: {  	_ =	shalt  }
0x53: {  	_ =	shalt  }
0x54: {  	_ =	shalt  }
0x55: {  	_ =	shalt  }
0x56: {  	_ =	shalt  }
0x57: {  	_ =	shalt  }
0x58: {  	_ =	shalt  }
0x59: {  	_ =	shalt  }
0x5a: {  	_ =	shalt  }
0x5b: {  	_ =	shalt  }
0x5c: {  	_ =	shalt  }
0x5d: {  	_ =	shalt  }
0x5e: {  	_ =	shalt  }
0x5f: {  	_ =	shalt  }
0x60: {  	_ =	shalt  }
0x61: {  	_ =	shalt  }
0x62: {  	_ =	shalt  }
0x63: {  	_ =	shalt  }
0x64: {  	_ =	shalt  }
0x65: {  	_ =	shalt  }
0x66: {  	_ =	shalt  }
0x67: {  	_ =	shalt  }
0x68: {  	_ =	shalt  }
0x69: {  	_ =	shalt  }
0x6a: {  	_ =	shalt  }
0x6b: {  	_ =	shalt  }
0x6c: {  	_ =	shalt  }
0x6d: {  	_ =	shalt  }
0x6e: {  	_ =	shalt  }
0x6f: {  	_ =	shalt  }
0x70: {  	_ =	shalt  }
0x71: {  	_ =	shalt  }
0x72: {  	_ =	shalt  }
0x73: {  	_ =	shalt  }
0x74: {  	_ =	shalt  }
0x75: {  	_ =	shalt  }
0x76: {  	_ =	shalt  }
0x77: {  	_ =	shalt  }
0x78: {  	_ =	shalt  }
0x79: {  	_ =	shalt  }
0x7a: {  	_ =	shalt  }
0x7b: {  	_ =	shalt  }
0x7c: {  	_ =	shalt  }
0x7d: {  	_ =	shalt  }
0x7e: {  	_ =	shalt  }
0x7f: {  	_ =	shalt  }
0x80: {  	_ =	shalt  }
0x81: {  	_ =	shalt  }
0x82: {  	_ =	shalt  }
0x83: {  	_ =	shalt  }
0x84: {  	_ =	shalt  }
0x85: {  	_ =	shalt  }
0x86: {  	_ =	shalt  }
0x87: {  	_ =	shalt  }
.Lfunc_end0:
.L_simem_size_0:
called_computation.2_lowered:
.L_overlay_start_0:
0x88: {  	s2 =	sld [smem:$0x3FD9]  }
0x89: {  	s3 =	sld [smem:$0x3FFE];
	_ =	sdelay $0x1  }
0x8a: {  	s1 =	srdreg.scid  }
0x8b: {  	s0 =	sand.u32 $0x1, s1  }
0x8c: {  	s17 =	sshll.u32 s0, $0xA;
	s2 =	sadd.s32 s3, s2  }
0x8d: {  	s2 =	sadd.s32 s2, s17  }
0x8e: {  	[smem:$0x3FBC] =	sst s2  }
0x8f: {  	_ = 	snop  }
0x90: {  	s2 =	sld [smem:$0x3FC9];
	(tm) =	ssettm $0x1  }
0x91: {  	s18 =	sld [smem:$0x3FFB];
	_ =	sdelay $0x3  }
0x92: {  	_ =	strace s18  }
0x93: {  	s3 =	sld [smem:$0x3FFC];
	_ =	sdelay $0x3  }
0x94: {  	_ =	strace s3  }
0x95: {  	s3 =	sld [smem:$0x3FFD];
	_ =	sdelay $0x3  }
0x96: {  	_ =	strace s3  }
0x97: {  	_ =	strace $0x8FFFFFFF  }
0x98: {  	s19 =	sld [smem:$0x3FDB];
	_ =	sdelay $0x1  }
0x99: {  	s4 =	simm.s32 $_scs_section_size  }
0x9a: {  	s5 =	simm.s32 $_size__tile_overlayer_lowered;
	s6 =	simm.s32 $_tile_overlayer_lowered  }
0x9b: {  	s22 =	simm.s32 $0x1BFF;
	s21 =	sshll.u32 s6, $0x1;
	s3 =	sadd.s32 s4, s19  }
0x9c: {  	s7 =	simm.s32 $0x0;
	s20 =	sshll.u32 s5, $0x1;
	s5 =	sadd.s32 s21, s3  }
0x9d: {  	[timem:s7], [sflag:s22] =	dma.local [hbm:s5], s20  }
0x9e: {  	_ =	swait.ge [sflag:s22], s20  }
0x9f: {  	s4 =	ssub.s32 $0x0, s20;
	[sflag:s22] =	ssyncset.done $0x0  }
0xa0: {  	[sflag:s22] =	ssyncadd.s32 s4;
	_ =	sdelay $0x1  }
0xa1: {  	s23 =	simm.s32 $0x1B8B  }
0xa2: {  	_ =	swait.ge [sflag:s23], $0x1  }
0xa3: {  	[sflag:s23] =	ssyncset.done $0x0  }
0xa4: {  	s25 =	simm.s32 $0x1B8E;
	s24 =	sld [smem:$0x3FFE];
	[sflag:s23] =	ssyncadd.s32 $0xFFFFFFFF  }
0xa5: {  	s26 =	simm.s32 $execute0_lowered;
	[smem:$0x3FD2] =	sst s25  }
0xa6: {  	s5 =	sshll.u32 s26, $0x1;
	_ =	strace $0x80000046;
	[dreg:$0x1] =	wrdreg $0xFFFFFFFF  }
0xa7: {  	s28 =	simm.s32 $_size_execute0_lowered;
	s3 =	sadd.s32 s3, s5;
	[dreg:$0x0] =	wrdreg $0x0  }
0xa8: {  	s5 =	sshll.u32 s28, $0x1;
	[dreg:$0x2] =	wrdreg s3  }
0xa9: {  	[dreg:$0x3] =	wrdreg s5  }
0xaa: {  	[dreg:$0x4] =	wrdreg $0xC0  }
0xab: {  	_ =	task [dreg:s7], $0x5FFFF  }
0xac: {  	[dreg:$0x1] =	wrdreg $0xFFFFFFFF  }
0xad: {  	[dreg:$0x0] =	wrdreg $0x60  }
0xae: {  	[dreg:$0x2] =	wrdreg s2  }
0xaf: {  	[dreg:$0x3] =	wrdreg s24  }
0xb0: {  	[dreg:$0x4] =	wrdreg $0xA  }
0xb1: {  	_ =	task.clear_ibuf [dreg:s7], $0x5FFFF;
	_ =	strace $0x90000046  }
0xb2: {  	s29 =	simm.s32 $0xA;
	_ =	strace $0x80000048  }
0xb3: {  	_ =	swait.ge [sflag:s29], $0x1  }
0xb4: {  	[sflag:s29] =	ssyncadd.s32 $0xFFFFFFFF  }
0xb5: {  	_ =	strace $0x90000048  }
0xb6: {  	_ =	sfence  }
0xb7: {  	s30 =	sld [smem:$0x0];
	_ =	sdelay $0x2  }
0xb8: {  	s31 =	sshll.u32 s1, $0xD;
	s1 =	sshrl.u32 s1, $0x2  }
0xb9: {  	s3 =	sand.u32 $0x4000, s31;
	s1 =	sadd.s32 s1, s30  }
0xba: {  	s0 =	sor.u32 s3, s0;
	s1 =	sshll.u32 s1, $0x11  }
0xbb: {  	s0 =	sor.u32 s1, s0  }
0xbc: {  	s0 =	sadd.s32 $0x8F2B, s0  }
0xbd: {  	[sflag:s0] =	ssyncadd.remote.s32 $0x1  }
0xbe: {  	_ =	sfence.sel $0xFFFF  }
0xbf: {  	[dreg:$0x0] =	wrdreg $0xFFFFFFFF;
	(pc) =	sbr.abs _section_cstart, $3  }
0xc0: {  	[dreg:$0x1] =	wrdreg $0xFFFFFFFF  }
0xc1: {  	_ =	task.clear_ibuf [dreg:s7], $0x2FFFF;
	_ =	strace $0x9FFFFFFF  }
0xc2: {  	(tm) =	ssettm $0x7FFFFFFF  }
0xc3: {  	_ =	shalt  }
tec
execute0_lowered:
.L_overlay_start_1:
0x0: {  	(tag) =	ssettag $0x1  }
0x1: {  	s1 =	srdreg.scid;
	s2 =	rddreg [dreg:$0x0]  }
0x2: {  	s0 =	stileid.u32;
	s4 =	rddreg [dreg:$0x1];
	s3 =	simm.s32 $0x0  }
0x3: {  	s11 =	simm.s32 $0x80;
	s12 =	simm.s32 $0x4080;
	s13 =	simm.s32 $0x4100  }
0x4: {  	s14 =	simm.s32 $0x1;
	s15 =	simm.s32 $0x2;
	s16 =	simm.s32 $0x0  }
0x5: {  	s6 =	sand.u32 $0x1, s1;
	s5 =	sshll.u32 s0, $0x8;
	s1 =	rddreg [dreg:$0x2]  }
0x6: {  	[smem:$0x7FF] =	sst s3;
	s26 =	sshll.u32 s0, $0xC;
	s9 =	sshll.u32 s0, $0x1  }
0x7: {  	s7 =	sshll.u32 s6, $0x7;
	_ =	strace $0x80000047;
	s8 =	ssub.s32 $0x2, s6  }
0x8: {  	s10 =	sadd.s32 s26, s4;
	s29 =	sor.u32 s6, s9;
	s30 =	sshll.u32 s6, $0xB  }
0x9: {  	s5 =	sor.u32 s7, s5;
	s28 =	sshrl.u32 s8, $0x1;
	p0 =	slt.u32 s29, $0x11  }
0xa: {  	s31 =	sadd.s32 s30, s10;
	s10 =	simm.s32 $0x3;
	s5 =	sshrl.u32 s5, $0x3  }
0xb: {  	s8 =	ssub.s32 s8, s28;
	s9 =	sadd.s32 $0x146A00, s31;
	s25 =	sadd.s32 s5, s4  }
0xc: {  	s4 =	simm.s32 $0x14;
	s5 =	smax.u32 s8, $0x1;
	s8 =	sadd.s32 $0xE200, s31  }
0xd: {  	s4 =	simm.s32 @!p0 $0x13;
	s6 =	sadd.s32 $0x9200, s25;
	s7 =	sadd.s32 $0xBA00, s25  }
.LBB2_1:
0xe: {  	[tilespmem:s3], [sflag:$0x3] =	stream.linear.gather [hbm4b:s7+s3], $0x80, $0x38;
	[tilespmem:$0x8100] =	vst v63  }
0xf: {  	_ =	swait.ge [sflag:s10], $0x80  }
0x10: {  	[sflag:s10] =	ssyncset.done $0x0  }
0x11: {  	[sflag:s10] =	ssyncadd.s32 $0xFFFFFF80  }
0x12: {  	[tilespmem:s11], [sflag:$0x1] =	stream.indirect.gather [hbm4b:s2+s11], $0x80, s3, s11, $0xb8;
	[tilespmem:$0x8100] =	vst v63  }
0x13: {  	_ = 	snop  }
0x14: {  	[tilespmem:s12], [sflag:$0x3] =	stream.linear.gather [hbm4b:s6+s3], $0x80, $0x38;
	[tilespmem:$0x8100] =	vst v63  }
0x15: {  	_ =	swait.ge [sflag:s10], $0x80  }
0x16: {  	[sflag:s10] =	ssyncset.done $0x0  }
0x17: {  	[sflag:s10] =	ssyncadd.s32 $0xFFFFFF80  }
0x18: {  	[tilespmem:s13], [sflag:$0x2] =	stream.indirect.gather [hbm4b:s2+s11], $0x80, s12, s11, $0xb8;
	[tilespmem:$0x8100] =	vst v63  }
0x19: {  	_ =	swait.ge [sflag:s14], $0x4000  }
0x1a: {  	[sflag:s14] =	ssyncset.done $0x0  }
0x1b: {  	[sflag:s14] =	ssyncadd.s32 $0xFFFFC000  }
0x1c: {  	[hbm4b:s8+s3] =	stream.linear.scatter [tilespmem:s11], [sflag:$0x3], $0x4000, $0x38;
	[tilespmem:$0x8100] =	vst v63  }
0x1d: {  	_ =	swait.ge [sflag:s10], $0x4000  }
0x1e: {  	[sflag:s10] =	ssyncset.done $0x0  }
0x1f: {  	[sflag:s10] =	ssyncadd.s32 $0xFFFFC000  }
0x20: {  	p0 =	sne.s32 s4, $0x1;
	_ =	swait.ge [sflag:s15], $0x4000  }
.Ltmp0:
0x21: {  	[sflag:s15] =	ssyncset.done $0x0;
	(pc) =	sbr.rel @!p0 .LBB2_3-.Ltmp0, $4  }
0x22: {  	s17 =	sadd.s32 $0xFFFFFFFF, s4;
	[sflag:s15] =	ssyncadd.s32 $0xFFFFC000  }
0x23: {  	[hbm4b:s9+s3] =	stream.linear.scatter [tilespmem:s13], [sflag:$0x3], $0x4000, $0x38;
	[tilespmem:$0x8100] =	vst v63  }
0x24: {  	s18 =	sadd.s32 $0x10000, s8;
	s19 =	sadd.s32 $0x10000, s9;
	_ =	swait.ge [sflag:s10], $0x4000  }
0x25: {  	s20 =	smov.u32 s6;
	s21 =	smov.u32 s7;
	[sflag:s10] =	ssyncset.done $0x0  }
.LBB2_2:
0x26: {  	[sflag:s10] =	ssyncadd.s32 $0xFFFFC000;
	s20 =	sadd.s32 $0x200, s20;
	s21 =	sadd.s32 $0x200, s21  }
0x27: {  	[tilespmem:s3], [sflag:$0x3] =	stream.linear.gather [hbm4b:s21+s3], $0x80, $0x38;
	[tilespmem:$0x8100] =	vst v63  }
0x28: {  	p0 =	sne.s32 s17, $0x1;
	s17 =	sadd.s32 $0xFFFFFFFF, s17;
	_ =	swait.ge [sflag:s10], $0x80  }
0x29: {  	[sflag:s10] =	ssyncset.done $0x0  }
0x2a: {  	[sflag:s10] =	ssyncadd.s32 $0xFFFFFF80  }
0x2b: {  	[tilespmem:s11], [sflag:$0x1] =	stream.indirect.gather [hbm4b:s2+s11], $0x80, s3, s11, $0xb8;
	[tilespmem:$0x8100] =	vst v63  }
0x2c: {  	_ = 	snop  }
0x2d: {  	[tilespmem:s12], [sflag:$0x3] =	stream.linear.gather [hbm4b:s20+s3], $0x80, $0x38;
	[tilespmem:$0x8100] =	vst v63  }
0x2e: {  	_ =	swait.ge [sflag:s10], $0x80  }
0x2f: {  	[sflag:s10] =	ssyncset.done $0x0  }
0x30: {  	[sflag:s10] =	ssyncadd.s32 $0xFFFFFF80  }
0x31: {  	[tilespmem:s13], [sflag:$0x2] =	stream.indirect.gather [hbm4b:s2+s11], $0x80, s12, s11, $0xb8;
	[tilespmem:$0x8100] =	vst v63  }
0x32: {  	_ =	swait.ge [sflag:s14], $0x4000  }
0x33: {  	[sflag:s14] =	ssyncset.done $0x0  }
0x34: {  	[sflag:s14] =	ssyncadd.s32 $0xFFFFC000  }
0x35: {  	[hbm4b:s18+s3] =	stream.linear.scatter [tilespmem:s11], [sflag:$0x3], $0x4000, $0x38;
	[tilespmem:$0x8100] =	vst v63  }
0x36: {  	_ =	swait.ge [sflag:s10], $0x4000  }
0x37: {  	[sflag:s10] =	ssyncset.done $0x0  }
0x38: {  	[sflag:s10] =	ssyncadd.s32 $0xFFFFC000  }
0x39: {  	_ =	swait.ge [sflag:s15], $0x4000  }
.Ltmp1:
0x3a: {  	[sflag:s15] =	ssyncset.done $0x0;
	(pc) =	sbr.rel @p0 .LBB2_2-.Ltmp1, $4  }
0x3b: {  	[sflag:s15] =	ssyncadd.s32 $0xFFFFC000  }
0x3c: {  	[hbm4b:s19+s3] =	stream.linear.scatter [tilespmem:s13], [sflag:$0x3], $0x4000, $0x38;
	[tilespmem:$0x8100] =	vst v63  }
0x3d: {  	_ =	swait.ge [sflag:s10], $0x4000  }
0x3e: {  	s18 =	sadd.s32 $0x10000, s18;
	s19 =	sadd.s32 $0x10000, s19;
	[sflag:s10] =	ssyncset.done $0x0  }
.LBB2_3:
0x3f: {  	s16 =	sadd.s32 $0x1, s16  }
0x40: {  	p0 =	sne.s32 s16, s5  }
.Ltmp2:
0x41: {  	_ = 	snop;
	(pc) =	sbr.rel @p0 .LBB2_1-.Ltmp2, $2  }
0x42: {  	_ =	sdelay $0x2  }
0x43: {  	[sflag:s10] =	ssyncadd.s32 $0xFFFFC000  }
0x44: {  	_ =	sfence.sel $0x180000  }
0x45: {  	[bflag:$0x0] =	sbarrier.arrive $0xFFFF  }
0x46: {  	p0 =	sne.s32 s0, $0x0;
	_ =	strace $0x90000047  }
0x47: {  	s0 =	sadd.s32 @!p0 $0x100000, s1;
	[bflag:$0x2] =	sbarrier.arrive $0xFFFF  }
0x48: {  	[sflag:s0] =	ssyncadd.tile.s32 @!p0 $0x1;
	_ =	shalt  }
.Lfunc_end2:
_tile_overlayer_lowered:
.L_overlay_start_2:
0x49: {  	(tag) =	ssettag $0x2  }
0x4a: {  	s0 =	rddreg [dreg:$0x0];
	s2 =	stileid.u32  }
0x4b: {  	s1 =	rddreg [dreg:$0x1];
	p0 =	sne.s32 s2, $0x0  }
0x4c: {  	s3 =	rddreg [dreg:$0x2];
	[bflag:$0x3] =	sbarrier.arrive $0xFFFF;
	s2 =	simm.s32 @!p0 $0x1C03  }
0x4d: {  	[timem:s3], [sflag:s2] =	dma.local @!p0 [hbm:s0], s1  }
0x4e: {  	s0 =	simm.s32 @!p0 $0x3  }
0x4f: {  	_ =	swait.ge @!p0 [sflag:s0], s1  }
0x50: {  	s1 =	ssub.s32 @!p0 $0x0, s1;
	[sflag:s0] =	ssyncset.done @!p0 $0x0  }
0x51: {  	[sflag:s0] =	ssyncadd.s32 @!p0 s1  }
0x52: {  	[bflag:$0x3] =	sbarrier.arrive $0xFFFF  }
0x53: {  	_ =	shalt  }

// kernel: kernel.32.cloned.1.call-start
scs
__scs_entry_jumppad:
0x0: {  	(pc) =	sbr.rel $0x88, $3  }
0x1: {  	(tag) =	ssettag $0x0;
	lr =	simm.s32 $0x1  }
0x2: {  	[smem:$0x3F95] =	sst lr;
	_ =	strace $0xD0000000  }
0x3: {  	_ = 	snop  }
0x4: {  	_ = 	snop  }
0x5: {  	_ = 	snop  }
0x6: {  	_ = 	snop  }
0x7: {  	_ = 	snop  }
__scs_overlays_trampoline_lowered:
0x8: {  	[smem:$0x3FA4] =	sst s0  }
0x9: {  	[smem:$0x3FA5] =	sst s1  }
0xa: {  	[smem:$0x3FA6] =	sst s2  }
0xb: {  	[smem:$0x3FA7] =	sst s3  }
0xc: {  	[smem:$0x3FA8] =	sst s4  }
0xd: {  	[smem:$0x3FA9] =	sst s5  }
0xe: {  	[smem:$0x3FAA] =	sst s6  }
0xf: {  	[smem:$0x3FAB] =	sst s7  }
0x10: {  	[smem:$0x3FAC] =	sst s8  }
0x11: {  	[smem:$0x3FAD] =	sst s9;
	s0 =	simm.s32 @!p0 $0x0  }
0x12: {  	s1 =	sld [smem:$0x3F93];
	s0 =	simm.s32 @p0 $0x1  }
0x13: {  	[smem:$0x3FAE] =	sst s0;
	s0 =	simm.s32 @!p1 $0x0  }
0x14: {  	s2 =	sld [smem:$0x3F92];
	s0 =	simm.s32 @p1 $0x1  }
0x15: {  	[smem:$0x3FAF] =	sst s0;
	s0 =	simm.s32 @!p2 $0x0  }
0x16: {  	s3 =	sld [smem:$0x3FDB];
	s0 =	simm.s32 @p2 $0x1  }
0x17: {  	s4 =	simm.s32 $0x1BF5;
	[smem:$0x3FB1] =	sst s0  }
0x18: {  	s0 =	sld [smem:$0x3F94];
	_ =	swait.ge [sflag:s4], $0x0  }
0x19: {  	s7 =	sld [smem:$0x3F95]  }
0x1a: {  	s8 =	sadd.s32 $0xFFFFE003, lr  }
0x1b: {  	s9 =	sadd.s32 $0xFFFFFEF7, lr;
	s5 =	simm.s32 $0xFFFFFFFF;
	p2 =	slt.u32 s8, $0xFFFFF086  }
0x1c: {  	p1 =	slt.u32 s9, $0xF7A;
	s5 =	simm.s32 @!p2 $0x0  }
0x1d: {  	s5 =	simm.s32 @p1 $0x1;
	p0 =	seq.s32 s7, s2  }
0x1e: {  	s7 =	smul.u32 @!p0 $0xF7A, s2;
	p2 =	seq.s32 @!p0 s5, $0x0  }
0x1f: {  	s9 =	smul.u32 $0xF7A, s1;
	s8 =	simm.s32 @!p0 $0x1BF5;
	p2 =	por !p2, p0  }
0x20: {  	[sflag:s8] =	ssyncset.s32 @!p0 $0xFFFFF086;
	s6 =	sadd.s32 @!p0 s3, s7;
	s7 =	simm.s32 @!p0 $0x108  }
0x21: {  	s3 =	sadd.s32 s3, s9;
	s6 =	sadd.s32 @!p0 $0x88, s6;
	s7 =	simm.s32 @p2 $0x1082  }
0x22: {  	[simem:s7], [sflag:s8] =	dma.local @!p0 [hbm:s6], $0xF7A  }
0x23: {  	s9 =	sor.u32 $0xD0000000, s2;
	s6 =	simm.s32 $0x108;
	_ =	swait.ge @!p0 [sflag:s8], $0x0  }
0x24: {  	s3 =	sadd.s32 $0x88, s3;
	s6 =	simm.s32 @!p1 $0x1082;
	[sflag:s4] =	ssyncset.s32 $0xFFFFF086  }
0x25: {  	[simem:s6], [sflag:s4] =	dma.local [hbm:s3], $0xF7A  }
0x26: {  	[smem:$0x3F95] =	sst s1;
	(tag) =	ssettag s2;
	_ =	strace s9  }
0x27: {  	s1 =	sld [smem:$0x3FA5]  }
0x28: {  	s2 =	sld [smem:$0x3FA6]  }
0x29: {  	s4 =	sld [smem:$0x3FA8]  }
0x2a: {  	p0 =	seq.s32 s5, $0x0;
	s5 =	sld [smem:$0x3FA9]  }
0x2b: {  	s6 =	sld [smem:$0x3FAA]  }
0x2c: {  	s7 =	sld [smem:$0x3FAB]  }
0x2d: {  	s3 =	simm.s32 $0x108;
	s8 =	sld [smem:$0x3FAC]  }
0x2e: {  	s3 =	simm.s32 @!p0 $0x1082;
	s9 =	sld [smem:$0x3FAD]  }
0x2f: {  	lr =	sadd.s32 s0, s3;
	s0 =	sld [smem:$0x3FA4]  }
0x30: {  	s3 =	sld [smem:$0x3FA7]  }
0x31: {  	[smem:$0x3FB0] =	sst s10  }
0x32: {  	s10 =	sld [smem:$0x3FAE];
	_ =	sdelay $0x3  }
0x33: {  	p0 =	seq.s32 s10, $0x1;
	s10 =	sld [smem:$0x3FB0];
	_ =	sdelay $0x3  }
0x34: {  	[smem:$0x3FB0] =	sst s10  }
0x35: {  	s10 =	sld [smem:$0x3FAF];
	_ =	sdelay $0x3  }
0x36: {  	p1 =	seq.s32 s10, $0x1;
	s10 =	sld [smem:$0x3FB0];
	_ =	sdelay $0x3  }
0x37: {  	[smem:$0x3FB0] =	sst s10  }
0x38: {  	s10 =	sld [smem:$0x3FB1]  }
0x39: {  	_ = 	snop;
	(pc) =	sbr.ind lr, $3  }
0x3a: {  	_ = 	snop  }
0x3b: {  	_ = 	snop  }
0x3c: {  	p2 =	seq.s32 s10, $0x1;
	s10 =	sld [smem:$0x3FB0]  }
0x3d: {  	_ =	shalt  }
0x3e: {  	_ =	shalt  }
0x3f: {  	_ =	shalt  }
0x40: {  	_ =	shalt  }
0x41: {  	_ =	shalt  }
0x42: {  	_ =	shalt  }
0x43: {  	_ =	shalt  }
0x44: {  	_ =	shalt  }
0x45: {  	_ =	shalt  }
0x46: {  	_ =	shalt  }
0x47: {  	_ =	shalt  }
0x48: {  	_ =	shalt  }
0x49: {  	_ =	shalt  }
0x4a: {  	_ =	shalt  }
0x4b: {  	_ =	shalt  }
0x4c: {  	_ =	shalt  }
0x4d: {  	_ =	shalt  }
0x4e: {  	_ =	shalt  }
0x4f: {  	_ =	shalt  }
0x50: {  	_ =	shalt  }
0x51: {  	_ =	shalt  }
0x52: {  	_ =	shalt  }
0x53: {  	_ =	shalt  }
0x54: {  	_ =	shalt  }
0x55: {  	_ =	shalt  }
0x56: {  	_ =	shalt  }
0x57: {  	_ =	shalt  }
0x58: {  	_ =	shalt  }
0x59: {  	_ =	shalt  }
0x5a: {  	_ =	shalt  }
0x5b: {  	_ =	shalt  }
0x5c: {  	_ =	shalt  }
0x5d: {  	_ =	shalt  }
0x5e: {  	_ =	shalt  }
0x5f: {  	_ =	shalt  }
0x60: {  	_ =	shalt  }
0x61: {  	_ =	shalt  }
0x62: {  	_ =	shalt  }
0x63: {  	_ =	shalt  }
0x64: {  	_ =	shalt  }
0x65: {  	_ =	shalt  }
0x66: {  	_ =	shalt  }
0x67: {  	_ =	shalt  }
0x68: {  	_ =	shalt  }
0x69: {  	_ =	shalt  }
0x6a: {  	_ =	shalt  }
0x6b: {  	_ =	shalt  }
0x6c: {  	_ =	shalt  }
0x6d: {  	_ =	shalt  }
0x6e: {  	_ =	shalt  }
0x6f: {  	_ =	shalt  }
0x70: {  	_ =	shalt  }
0x71: {  	_ =	shalt  }
0x72: {  	_ =	shalt  }
0x73: {  	_ =	shalt  }
0x74: {  	_ =	shalt  }
0x75: {  	_ =	shalt  }
0x76: {  	_ =	shalt  }
0x77: {  	_ =	shalt  }
0x78: {  	_ =	shalt  }
0x79: {  	_ =	shalt  }
0x7a: {  	_ =	shalt  }
0x7b: {  	_ =	shalt  }
0x7c: {  	_ =	shalt  }
0x7d: {  	_ =	shalt  }
0x7e: {  	_ =	shalt  }
0x7f: {  	_ =	shalt  }
0x80: {  	_ =	shalt  }
0x81: {  	_ =	shalt  }
0x82: {  	_ =	shalt  }
0x83: {  	_ =	shalt  }
0x84: {  	_ =	shalt  }
0x85: {  	_ =	shalt  }
0x86: {  	_ =	shalt  }
0x87: {  	_ =	shalt  }
.Lfunc_end0:
.L_simem_size_0:
called_computation.3_lowered:
.L_overlay_start_0:
0x88: {  	s2 =	sld [smem:$0x3FD9]  }
0x89: {  	s3 =	sld [smem:$0x3FFE];
	_ =	sdelay $0x1  }
0x8a: {  	s1 =	srdreg.scid  }
0x8b: {  	s0 =	sand.u32 $0x1, s1  }
0x8c: {  	s17 =	sshll.u32 s0, $0xA;
	s2 =	sadd.s32 s3, s2  }
0x8d: {  	s2 =	sadd.s32 s2, s17  }
0x8e: {  	[smem:$0x3FBC] =	sst s2  }
0x8f: {  	_ = 	snop  }
0x90: {  	(tm) =	ssettm $0x1  }
0x91: {  	s18 =	sld [smem:$0x3FFB];
	_ =	sdelay $0x3  }
0x92: {  	_ =	strace s18  }
0x93: {  	s2 =	sld [smem:$0x3FFC];
	_ =	sdelay $0x3  }
0x94: {  	_ =	strace s2  }
0x95: {  	s2 =	sld [smem:$0x3FFD];
	_ =	sdelay $0x3  }
0x96: {  	_ =	strace s2  }
0x97: {  	_ =	strace $0x8FFFFFFF  }
0x98: {  	s19 =	sld [smem:$0x3FDB];
	_ =	sdelay $0x1  }
0x99: {  	s20 =	simm.s32 $_scs_section_size  }
0x9a: {  	s4 =	simm.s32 $_size__tile_overlayer_lowered;
	s5 =	simm.s32 $_tile_overlayer_lowered  }
0x9b: {  	s6 =	simm.s32 $0x1BFF;
	s21 =	sshll.u32 s5, $0x1;
	s3 =	sadd.s32 s20, s19  }
0x9c: {  	s22 =	simm.s32 $0x0;
	s4 =	sshll.u32 s4, $0x1;
	s5 =	sadd.s32 s21, s3  }
0x9d: {  	[timem:s22], [sflag:s6] =	dma.local [hbm:s5], s4  }
0x9e: {  	_ =	swait.ge [sflag:s6], s4  }
0x9f: {  	s4 =	ssub.s32 $0x0, s4;
	[sflag:s6] =	ssyncset.done $0x0  }
0xa0: {  	[sflag:s6] =	ssyncadd.s32 s4;
	_ =	sdelay $0x1  }
0xa1: {  	s23 =	simm.s32 $0x1B8B  }
0xa2: {  	_ =	swait.ge [sflag:s23], $0x1  }
0xa3: {  	[sflag:s23] =	ssyncset.done $0x0  }
0xa4: {  	[sflag:s23] =	ssyncadd.s32 $0xFFFFFFFF  }
0xa5: {  	s4 =	sld [smem:$0x0]  }
0xa6: {  	s5 =	sand.u32 $0xFFFFFFFE, s1  }
0xa7: {  	p0 =	sne.s32 s1, s5  }
0xa8: {  	s5 =	sshll.u32 @p0 s5, $0xE  }
0xa9: {  	s5 =	sadd.s32 @p0 $0x11B8D, s5;
	s6 =	sshll.u32 @p0 s4, $0x11  }
0xaa: {  	s5 =	sor.u32 @p0 s6, s5  }
0xab: {  	[sflag:s5] =	ssyncadd.remote.s32 @p0 $0x1;
	_ =	sdelay $0x1  }
0xac: {  	s5 =	simm.s32 @p0 $0x1B8D  }
0xad: {  	_ =	swait.eq @p0 [sflag:s5], $0x1  }
0xae: {  	[sflag:s5] =	ssyncadd.s32 @p0 $0xFFFFFFFF  }
0xaf: {  	s6 =	sshll.u32 @!p0 s1, $0xE  }
0xb0: {  	s6 =	sor.u32 @!p0 $0x4000, s6;
	s5 =	simm.s32 @!p0 $0x1B8D  }
0xb1: {  	s4 =	sshll.u32 @!p0 s4, $0x11;
	s6 =	sadd.s32 @!p0 $0x11B8D, s6;
	_ =	swait.eq @!p0 [sflag:s5], $0x1  }
0xb2: {  	s4 =	sor.u32 @!p0 s4, s6;
	[sflag:s5] =	ssyncadd.s32 @!p0 $0xFFFFFFFF  }
0xb3: {  	s25 =	simm.s32 $0x1B8E;
	s24 =	sld [smem:$0x3FFE];
	[sflag:s4] =	ssyncadd.remote.s32 @!p0 $0x1  }
0xb4: {  	s26 =	simm.s32 $execute0_lowered;
	[smem:$0x3FD2] =	sst s25  }
0xb5: {  	s5 =	sshll.u32 s26, $0x1;
	_ =	strace $0x8000004C;
	[dreg:$0x1] =	wrdreg $0xFFFFFFFF  }
0xb6: {  	s28 =	simm.s32 $_size_execute0_lowered;
	s3 =	sadd.s32 s3, s5;
	[dreg:$0x0] =	wrdreg $0x0  }
0xb7: {  	s5 =	sshll.u32 s28, $0x1;
	[dreg:$0x2] =	wrdreg s3  }
0xb8: {  	[dreg:$0x3] =	wrdreg s5  }
0xb9: {  	[dreg:$0x4] =	wrdreg $0xC0  }
0xba: {  	_ =	task [dreg:s22], $0x5FFFF  }
0xbb: {  	[dreg:$0x1] =	wrdreg $0xFFFFFFFF  }
0xbc: {  	[dreg:$0x0] =	wrdreg $0x60  }
0xbd: {  	[dreg:$0x2] =	wrdreg s24  }
0xbe: {  	[dreg:$0x3] =	wrdreg $0x40800  }
0xbf: {  	[dreg:$0x4] =	wrdreg $0xA  }
0xc0: {  	_ =	task.clear_ibuf [dreg:s22], $0x5FFFF;
	_ =	strace $0x9000004C  }
0xc1: {  	s29 =	simm.s32 $0xA;
	_ =	strace $0x8000004E  }
0xc2: {  	_ =	swait.ge [sflag:s29], $0x1  }
0xc3: {  	[sflag:s29] =	ssyncadd.s32 $0xFFFFFFFF  }
0xc4: {  	_ =	strace $0x9000004E  }
0xc5: {  	_ =	sfence  }
0xc6: {  	s30 =	sld [smem:$0x0];
	_ =	sdelay $0x2  }
0xc7: {  	s31 =	sshll.u32 s1, $0xD;
	s1 =	sshrl.u32 s1, $0x2  }
0xc8: {  	s4 =	sand.u32 $0x4000, s31;
	s1 =	sadd.s32 s1, s30  }
0xc9: {  	s0 =	sor.u32 s4, s0;
	s1 =	sshll.u32 s1, $0x11  }
0xca: {  	s0 =	sor.u32 s1, s0  }
0xcb: {  	s0 =	sadd.s32 $0x8F2B, s0  }
0xcc: {  	[sflag:s0] =	ssyncadd.remote.s32 $0x1  }
0xcd: {  	_ =	sfence.sel $0xFFFF  }
0xce: {  	[dreg:$0x0] =	wrdreg $0xFFFFFFFF;
	(pc) =	sbr.abs _section_cstart, $3  }
0xcf: {  	[dreg:$0x1] =	wrdreg $0xFFFFFFFF  }
0xd0: {  	_ =	task.clear_ibuf [dreg:s22], $0x2FFFF;
	_ =	strace $0x9FFFFFFF  }
0xd1: {  	(tm) =	ssettm $0x7FFFFFFF  }
tec
execute0_lowered:
.L_overlay_start_1:
0x0: {  	(tag) =	ssettag $0x1  }
0x1: {  	s4 =	rddreg [dreg:$0x0]  }
0x2: {  	s1 =	rddreg [dreg:$0x1]  }
0x3: {  	s0 =	rddreg [dreg:$0x2];
	s3 =	simm.s32 $0x0;
	s5 =	srdreg.scid  }
0x4: {  	s2 =	stileid.u32;
	[smem:$0x7FF] =	sst s3;
	s7 =	sand.u32 $0x1, s5  }
0x5: {  	s22 =	sshll.u32 s2, $0x8;
	s8 =	smul.u32 $0x14000, s2;
	s9 =	sshll.u32 s2, $0xC  }
0x6: {  	s12 =	sshll.u32 s2, $0x1;
	s13 =	smul.u32 $0x50000, s2;
	s30 =	sshll.u32 s2, $0x6  }
0x7: {  	s6 =	sshll.u32 s7, $0x7;
	s23 =	smul.u32 $0x140000, s7;
	_ =	strace $0x8000004D  }
0x8: {  	s9 =	sadd.s32 s9, s4;
	s25 =	ssub.s32 $0x2, s7;
	s26 =	sor.u32 s7, s12  }
0x9: {  	s31 =	sshll.u32 s7, $0xB;
	s12 =	simm.s32 $0x1;
	s5 =	sor.u32 s6, s22  }
0xa: {  	s24 =	sshrl.u32 s8, $0x3;
	s11 =	sshrl.u32 s25, $0x1;
	p0 =	slt.u32 s26, $0x11  }
0xb: {  	s28 =	sshrl.u32 s13, $0x2;
	s9 =	sadd.s32 s31, s9;
	s13 =	simm.s32 $0x80  }
0xc: {  	s5 =	sshrl.u32 s5, $0x3;
	s6 =	sadd.s32 s8, s23;
	s8 =	ssub.s32 s25, s11  }
0xd: {  	s29 =	sadd.s32 s28, s1;
	s9 =	sadd.s32 $0x63C600, s9;
	s10 =	sadd.s32 s5, s4  }
0xe: {  	s5 =	sadd.s32 s24, s4;
	s6 =	sshrl.u32 s6, $0x3;
	s8 =	smax.u32 s8, $0x1  }
0xf: {  	s11 =	sshrl.u32 s29, $0x3;
	s14 =	sadd.s32 s6, s4;
	s4 =	simm.s32 $0x14  }
0x10: {  	s5 =	sadd.s32 $0xE200, s5;
	s6 =	sor.u32 $0x1C01, s30;
	s10 =	sadd.s32 $0xBA00, s10  }
0x11: {  	s4 =	simm.s32 @!p0 $0x13;
	s7 =	sadd.s32 $0x36200, s14;
	s14 =	simm.s32 $0x0  }
.LBB2_1:
0x12: {  	[spmem:s11], [sflag:s6] =	dma.local [hbm:s5], $0x2800  }
0x13: {  	_ =	swait.ge [sflag:s12], $0x2800  }
0x14: {  	[sflag:s12] =	ssyncset.done $0x0  }
0x15: {  	[sflag:s12] =	ssyncadd.s32 $0xFFFFD800  }
0x16: {  	[bflag:$0x0] =	sbarrier.arrive $0xFFFF  }
0x17: {  	[tilespmem:s13], [sflag:$0x1] =	stream.linear.gather [hbm4b:s9+s3], $0x4000, $0x38;
	[tilespmem:$0x18080] =	vst v63  }
0x18: {  	_ =	swait.ge [sflag:s12], $0x4000  }
0x19: {  	[sflag:s12] =	ssyncset.done $0x0  }
0x1a: {  	[sflag:s12] =	ssyncadd.s32 $0xFFFFC000  }
0x1b: {  	[tilespmem:s3], [sflag:$0x1] =	stream.linear.gather [hbm4b:s10+s3], $0x80, $0x38;
	[tilespmem:$0x18080] =	vst v63  }
0x1c: {  	p0 =	sne.s32 s4, $0x1;
	_ =	swait.ge [sflag:s12], $0x80  }
.Ltmp0:
0x1d: {  	[sflag:s12] =	ssyncset.done $0x0;
	(pc) =	sbr.rel @!p0 .LBB2_3-.Ltmp0, $4  }
0x1e: {  	[sflag:s12] =	ssyncadd.s32 $0xFFFFFF80  }
0x1f: {  	[spmem:s1] =	stream.indirect.scatter.add.f32 [tilespmem:s13], [sflag:$0x1], $0x80, s3, s13, $0xb8;
	[tilespmem:$0x18080] =	vst v63  }
0x20: {  	s15 =	sadd.s32 $0xFFFFFFFF, s4;
	_ =	swait.ge [sflag:s12], $0x4000  }
0x21: {  	s16 =	smov.u32 s9;
	s17 =	smov.u32 s10;
	[sflag:s12] =	ssyncset.done $0x0  }
.LBB2_2:
0x22: {  	[sflag:s12] =	ssyncadd.s32 $0xFFFFC000;
	s16 =	sadd.s32 $0x10000, s16;
	s17 =	sadd.s32 $0x200, s17  }
0x23: {  	[tilespmem:s13], [sflag:$0x1] =	stream.linear.gather [hbm4b:s16+s3], $0x4000, $0x38;
	[tilespmem:$0x18080] =	vst v63  }
0x24: {  	p0 =	sne.s32 s15, $0x1;
	s15 =	sadd.s32 $0xFFFFFFFF, s15;
	_ =	swait.ge [sflag:s12], $0x4000  }
0x25: {  	[sflag:s12] =	ssyncset.done $0x0  }
0x26: {  	[sflag:s12] =	ssyncadd.s32 $0xFFFFC000  }
0x27: {  	[tilespmem:s3], [sflag:$0x1] =	stream.linear.gather [hbm4b:s17+s3], $0x80, $0x38;
	[tilespmem:$0x18080] =	vst v63  }
0x28: {  	_ =	swait.ge [sflag:s12], $0x80  }
.Ltmp1:
0x29: {  	[sflag:s12] =	ssyncset.done $0x0;
	(pc) =	sbr.rel @p0 .LBB2_2-.Ltmp1, $4  }
0x2a: {  	[sflag:s12] =	ssyncadd.s32 $0xFFFFFF80  }
0x2b: {  	[spmem:s1] =	stream.indirect.scatter.add.f32 [tilespmem:s13], [sflag:$0x1], $0x80, s3, s13, $0xb8;
	[tilespmem:$0x18080] =	vst v63  }
0x2c: {  	_ =	swait.ge [sflag:s12], $0x4000  }
0x2d: {  	[sflag:s12] =	ssyncset.done $0x0  }
.LBB2_3:
0x2e: {  	s14 =	sadd.s32 $0x1, s14  }
0x2f: {  	[sflag:s12] =	ssyncadd.s32 $0xFFFFC000;
	p0 =	sne.s32 s14, s8  }
.Ltmp2:
0x30: {  	[bflag:$0x0] =	sbarrier.arrive $0xFFFF;
	(pc) =	sbr.rel @p0 .LBB2_1-.Ltmp2, $4  }
0x31: {  	[hbm:s7], [sflag:s6] =	dma.local [spmem:s11], $0x2800  }
0x32: {  	_ =	swait.ge [sflag:s12], $0x2800  }
0x33: {  	[sflag:s12] =	ssyncset.done $0x0  }
0x34: {  	[sflag:s12] =	ssyncadd.s32 $0xFFFFD800  }
0x35: {  	_ =	sfence.sel $0x180000  }
0x36: {  	[bflag:$0x0] =	sbarrier.arrive $0xFFFF  }
0x37: {  	p0 =	sne.s32 s2, $0x0;
	_ =	strace $0x9000004D  }
0x38: {  	s0 =	sadd.s32 @!p0 $0x100000, s0;
	[bflag:$0x2] =	sbarrier.arrive $0xFFFF  }
0x39: {  	[sflag:s0] =	ssyncadd.tile.s32 @!p0 $0x1;
	_ =	shalt  }
.Lfunc_end2:
_tile_overlayer_lowered:
.L_overlay_start_2:
0x3a: {  	(tag) =	ssettag $0x2  }
0x3b: {  	s0 =	rddreg [dreg:$0x0];
	s2 =	stileid.u32  }
0x3c: {  	s1 =	rddreg [dreg:$0x1];
	p0 =	sne.s32 s2, $0x0  }
0x3d: {  	s3 =	rddreg [dreg:$0x2];
	[bflag:$0x3] =	sbarrier.arrive $0xFFFF;
	s2 =	simm.s32 @!p0 $0x1C01  }
0x3e: {  	[timem:s3], [sflag:s2] =	dma.local @!p0 [hbm:s0], s1  }
0x3f: {  	s0 =	simm.s32 @!p0 $0x1  }
0x40: {  	_ =	swait.ge @!p0 [sflag:s0], s1  }
0x41: {  	s1 =	ssub.s32 @!p0 $0x0, s1;
	[sflag:s0] =	ssyncset.done @!p0 $0x0  }
0x42: {  	[sflag:s0] =	ssyncadd.s32 @!p0 s1  }
0x43: {  	[bflag:$0x3] =	sbarrier.arrive $0xFFFF  }
0x44: {  	_ =	shalt  }

// kernel: kernel.35.cloned.1.call-start
scs
__scs_entry_jumppad:
0x0: {  	(pc) =	sbr.rel $0x88, $3  }
0x1: {  	(tag) =	ssettag $0x0;
	lr =	simm.s32 $0x1  }
0x2: {  	[smem:$0x3F95] =	sst lr;
	_ =	strace $0xD0000000  }
0x3: {  	_ = 	snop  }
0x4: {  	_ = 	snop  }
0x5: {  	_ = 	snop  }
0x6: {  	_ = 	snop  }
0x7: {  	_ = 	snop  }
__scs_overlays_trampoline_lowered:
0x8: {  	[smem:$0x3FA4] =	sst s0  }
0x9: {  	[smem:$0x3FA5] =	sst s1  }
0xa: {  	[smem:$0x3FA6] =	sst s2  }
0xb: {  	[smem:$0x3FA7] =	sst s3  }
0xc: {  	[smem:$0x3FA8] =	sst s4  }
0xd: {  	[smem:$0x3FA9] =	sst s5  }
0xe: {  	[smem:$0x3FAA] =	sst s6  }
0xf: {  	[smem:$0x3FAB] =	sst s7  }
0x10: {  	[smem:$0x3FAC] =	sst s8  }
0x11: {  	[smem:$0x3FAD] =	sst s9;
	s0 =	simm.s32 @!p0 $0x0  }
0x12: {  	s1 =	sld [smem:$0x3F93];
	s0 =	simm.s32 @p0 $0x1  }
0x13: {  	[smem:$0x3FAE] =	sst s0;
	s0 =	simm.s32 @!p1 $0x0  }
0x14: {  	s2 =	sld [smem:$0x3F92];
	s0 =	simm.s32 @p1 $0x1  }
0x15: {  	[smem:$0x3FAF] =	sst s0;
	s0 =	simm.s32 @!p2 $0x0  }
0x16: {  	s3 =	sld [smem:$0x3FDB];
	s0 =	simm.s32 @p2 $0x1  }
0x17: {  	s4 =	simm.s32 $0x1BF5;
	[smem:$0x3FB1] =	sst s0  }
0x18: {  	s0 =	sld [smem:$0x3F94];
	_ =	swait.ge [sflag:s4], $0x0  }
0x19: {  	s7 =	sld [smem:$0x3F95]  }
0x1a: {  	s8 =	sadd.s32 $0xFFFFE003, lr  }
0x1b: {  	s9 =	sadd.s32 $0xFFFFFEF7, lr;
	s5 =	simm.s32 $0xFFFFFFFF;
	p2 =	slt.u32 s8, $0xFFFFF086  }
0x1c: {  	p1 =	slt.u32 s9, $0xF7A;
	s5 =	simm.s32 @!p2 $0x0  }
0x1d: {  	s5 =	simm.s32 @p1 $0x1;
	p0 =	seq.s32 s7, s2  }
0x1e: {  	s7 =	smul.u32 @!p0 $0xF7A, s2;
	p2 =	seq.s32 @!p0 s5, $0x0  }
0x1f: {  	s9 =	smul.u32 $0xF7A, s1;
	s8 =	simm.s32 @!p0 $0x1BF5;
	p2 =	por !p2, p0  }
0x20: {  	[sflag:s8] =	ssyncset.s32 @!p0 $0xFFFFF086;
	s6 =	sadd.s32 @!p0 s3, s7;
	s7 =	simm.s32 @!p0 $0x108  }
0x21: {  	s3 =	sadd.s32 s3, s9;
	s6 =	sadd.s32 @!p0 $0x88, s6;
	s7 =	simm.s32 @p2 $0x1082  }
0x22: {  	[simem:s7], [sflag:s8] =	dma.local @!p0 [hbm:s6], $0xF7A  }
0x23: {  	s9 =	sor.u32 $0xD0000000, s2;
	s6 =	simm.s32 $0x108;
	_ =	swait.ge @!p0 [sflag:s8], $0x0  }
0x24: {  	s3 =	sadd.s32 $0x88, s3;
	s6 =	simm.s32 @!p1 $0x1082;
	[sflag:s4] =	ssyncset.s32 $0xFFFFF086  }
0x25: {  	[simem:s6], [sflag:s4] =	dma.local [hbm:s3], $0xF7A  }
0x26: {  	[smem:$0x3F95] =	sst s1;
	(tag) =	ssettag s2;
	_ =	strace s9  }
0x27: {  	s1 =	sld [smem:$0x3FA5]  }
0x28: {  	s2 =	sld [smem:$0x3FA6]  }
0x29: {  	s4 =	sld [smem:$0x3FA8]  }
0x2a: {  	p0 =	seq.s32 s5, $0x0;
	s5 =	sld [smem:$0x3FA9]  }
0x2b: {  	s6 =	sld [smem:$0x3FAA]  }
0x2c: {  	s7 =	sld [smem:$0x3FAB]  }
0x2d: {  	s3 =	simm.s32 $0x108;
	s8 =	sld [smem:$0x3FAC]  }
0x2e: {  	s3 =	simm.s32 @!p0 $0x1082;
	s9 =	sld [smem:$0x3FAD]  }
0x2f: {  	lr =	sadd.s32 s0, s3;
	s0 =	sld [smem:$0x3FA4]  }
0x30: {  	s3 =	sld [smem:$0x3FA7]  }
0x31: {  	[smem:$0x3FB0] =	sst s10  }
0x32: {  	s10 =	sld [smem:$0x3FAE];
	_ =	sdelay $0x3  }
0x33: {  	p0 =	seq.s32 s10, $0x1;
	s10 =	sld [smem:$0x3FB0];
	_ =	sdelay $0x3  }
0x34: {  	[smem:$0x3FB0] =	sst s10  }
0x35: {  	s10 =	sld [smem:$0x3FAF];
	_ =	sdelay $0x3  }
0x36: {  	p1 =	seq.s32 s10, $0x1;
	s10 =	sld [smem:$0x3FB0];
	_ =	sdelay $0x3  }
0x37: {  	[smem:$0x3FB0] =	sst s10  }
0x38: {  	s10 =	sld [smem:$0x3FB1]  }
0x39: {  	_ = 	snop;
	(pc) =	sbr.ind lr, $3  }
0x3a: {  	_ = 	snop  }
0x3b: {  	_ = 	snop  }
0x3c: {  	p2 =	seq.s32 s10, $0x1;
	s10 =	sld [smem:$0x3FB0]  }
0x3d: {  	_ =	shalt  }
0x3e: {  	_ =	shalt  }
0x3f: {  	_ =	shalt  }
0x40: {  	_ =	shalt  }
0x41: {  	_ =	shalt  }
0x42: {  	_ =	shalt  }
0x43: {  	_ =	shalt  }
0x44: {  	_ =	shalt  }
0x45: {  	_ =	shalt  }
0x46: {  	_ =	shalt  }
0x47: {  	_ =	shalt  }
0x48: {  	_ =	shalt  }
0x49: {  	_ =	shalt  }
0x4a: {  	_ =	shalt  }
0x4b: {  	_ =	shalt  }
0x4c: {  	_ =	shalt  }
0x4d: {  	_ =	shalt  }
0x4e: {  	_ =	shalt  }
0x4f: {  	_ =	shalt  }
0x50: {  	_ =	shalt  }
0x51: {  	_ =	shalt  }
0x52: {  	_ =	shalt  }
0x53: {  	_ =	shalt  }
0x54: {  	_ =	shalt  }
0x55: {  	_ =	shalt  }
0x56: {  	_ =	shalt  }
0x57: {  	_ =	shalt  }
0x58: {  	_ =	shalt  }
0x59: {  	_ =	shalt  }
0x5a: {  	_ =	shalt  }
0x5b: {  	_ =	shalt  }
0x5c: {  	_ =	shalt  }
0x5d: {  	_ =	shalt  }
0x5e: {  	_ =	shalt  }
0x5f: {  	_ =	shalt  }
0x60: {  	_ =	shalt  }
0x61: {  	_ =	shalt  }
0x62: {  	_ =	shalt  }
0x63: {  	_ =	shalt  }
0x64: {  	_ =	shalt  }
0x65: {  	_ =	shalt  }
0x66: {  	_ =	shalt  }
0x67: {  	_ =	shalt  }
0x68: {  	_ =	shalt  }
0x69: {  	_ =	shalt  }
0x6a: {  	_ =	shalt  }
0x6b: {  	_ =	shalt  }
0x6c: {  	_ =	shalt  }
0x6d: {  	_ =	shalt  }
0x6e: {  	_ =	shalt  }
0x6f: {  	_ =	shalt  }
0x70: {  	_ =	shalt  }
0x71: {  	_ =	shalt  }
0x72: {  	_ =	shalt  }
0x73: {  	_ =	shalt  }
0x74: {  	_ =	shalt  }
0x75: {  	_ =	shalt  }
0x76: {  	_ =	shalt  }
0x77: {  	_ =	shalt  }
0x78: {  	_ =	shalt  }
0x79: {  	_ =	shalt  }
0x7a: {  	_ =	shalt  }
0x7b: {  	_ =	shalt  }
0x7c: {  	_ =	shalt  }
0x7d: {  	_ =	shalt  }
0x7e: {  	_ =	shalt  }
0x7f: {  	_ =	shalt  }
0x80: {  	_ =	shalt  }
0x81: {  	_ =	shalt  }
0x82: {  	_ =	shalt  }
0x83: {  	_ =	shalt  }
0x84: {  	_ =	shalt  }
0x85: {  	_ =	shalt  }
0x86: {  	_ =	shalt  }
0x87: {  	_ =	shalt  }
.Lfunc_end0:
.L_simem_size_0:
called_computation.4_lowered:
.L_overlay_start_0:
0x88: {  	s2 =	sld [smem:$0x3FD9]  }
0x89: {  	s3 =	sld [smem:$0x3FFE];
	_ =	sdelay $0x1  }
0x8a: {  	s1 =	srdreg.scid  }
0x8b: {  	s0 =	sand.u32 $0x1, s1  }
0x8c: {  	s17 =	sshll.u32 s0, $0xA;
	s2 =	sadd.s32 s3, s2  }
0x8d: {  	s2 =	sadd.s32 s2, s17  }
0x8e: {  	[smem:$0x3FBC] =	sst s2  }
0x8f: {  	_ = 	snop  }
0x90: {  	s18 =	sld [smem:$0x3FD0];
	(tm) =	ssettm $0x1  }
0x91: {  	s19 =	sld [smem:$0x3FFB];
	_ =	sdelay $0x3  }
0x92: {  	_ =	strace s19  }
0x93: {  	s2 =	sld [smem:$0x3FFC];
	_ =	sdelay $0x3  }
0x94: {  	_ =	strace s2  }
0x95: {  	s2 =	sld [smem:$0x3FFD];
	_ =	sdelay $0x3  }
0x96: {  	_ =	strace s2  }
0x97: {  	_ =	strace $0x8FFFFFFF  }
0x98: {  	s20 =	sld [smem:$0x3FDB];
	_ =	sdelay $0x1  }
0x99: {  	s4 =	simm.s32 $_scs_section_size  }
0x9a: {  	s5 =	simm.s32 $_size__tile_overlayer_lowered;
	s6 =	simm.s32 $_tile_overlayer_lowered  }
0x9b: {  	s7 =	simm.s32 $0x1BFF;
	s21 =	sshll.u32 s6, $0x1;
	s4 =	sadd.s32 s4, s20  }
0x9c: {  	s22 =	simm.s32 $0x0;
	s5 =	sshll.u32 s5, $0x1;
	s6 =	sadd.s32 s21, s4  }
0x9d: {  	[timem:s22], [sflag:s7] =	dma.local [hbm:s6], s5  }
0x9e: {  	_ =	swait.ge [sflag:s7], s5  }
0x9f: {  	s5 =	ssub.s32 $0x0, s5;
	[sflag:s7] =	ssyncset.done $0x0  }
0xa0: {  	[sflag:s7] =	ssyncadd.s32 s5;
	_ =	sdelay $0x1  }
0xa1: {  	s23 =	simm.s32 $0x1B8B  }
0xa2: {  	_ =	swait.ge [sflag:s23], $0x1  }
0xa3: {  	[sflag:s23] =	ssyncset.done $0x0  }
0xa4: {  	[sflag:s23] =	ssyncadd.s32 $0xFFFFFFFF  }
0xa5: {  	s5 =	sld [smem:$0x0]  }
0xa6: {  	s6 =	sand.u32 $0xFFFFFFFE, s1  }
0xa7: {  	p0 =	sne.s32 s1, s6  }
0xa8: {  	s6 =	sshll.u32 @p0 s6, $0xE  }
0xa9: {  	s6 =	sadd.s32 @p0 $0x11B8D, s6;
	s7 =	sshll.u32 @p0 s5, $0x11  }
0xaa: {  	s6 =	sor.u32 @p0 s7, s6  }
0xab: {  	[sflag:s6] =	ssyncadd.remote.s32 @p0 $0x1;
	_ =	sdelay $0x1  }
0xac: {  	s6 =	simm.s32 @p0 $0x1B8D  }
0xad: {  	_ =	swait.eq @p0 [sflag:s6], $0x1  }
0xae: {  	[sflag:s6] =	ssyncadd.s32 @p0 $0xFFFFFFFF  }
0xaf: {  	s7 =	sshll.u32 @!p0 s1, $0xE  }
0xb0: {  	s7 =	sor.u32 @!p0 $0x4000, s7;
	s6 =	simm.s32 @!p0 $0x1B8D  }
0xb1: {  	s5 =	sshll.u32 @!p0 s5, $0x11;
	s7 =	sadd.s32 @!p0 $0x11B8D, s7;
	_ =	swait.eq @!p0 [sflag:s6], $0x1  }
0xb2: {  	s5 =	sor.u32 @!p0 s5, s7;
	[sflag:s6] =	ssyncadd.s32 @!p0 $0xFFFFFFFF  }
0xb3: {  	s25 =	simm.s32 $0x1B8E;
	s24 =	sld [smem:$0x3FFE];
	[sflag:s5] =	ssyncadd.remote.s32 @!p0 $0x1  }
0xb4: {  	s26 =	simm.s32 $execute0_lowered;
	[smem:$0x3FD2] =	sst s25  }
0xb5: {  	s6 =	sshll.u32 s26, $0x1;
	_ =	strace $0x80000055;
	[dreg:$0x1] =	wrdreg $0xFFFFFFFF  }
0xb6: {  	s28 =	simm.s32 $_size_execute0_lowered;
	s4 =	sadd.s32 s4, s6;
	[dreg:$0x0] =	wrdreg $0x0  }
0xb7: {  	s6 =	sshll.u32 s28, $0x1;
	[dreg:$0x2] =	wrdreg s4  }
0xb8: {  	[dreg:$0x3] =	wrdreg s6  }
0xb9: {  	[dreg:$0x4] =	wrdreg $0xC0  }
0xba: {  	_ =	task [dreg:s22], $0x5FFFF  }
0xbb: {  	[dreg:$0x1] =	wrdreg $0xFFFFFFFF  }
0xbc: {  	[dreg:$0x0] =	wrdreg $0x60  }
0xbd: {  	[dreg:$0x2] =	wrdreg s18  }
0xbe: {  	[dreg:$0x3] =	wrdreg s24  }
0xbf: {  	[dreg:$0x4] =	wrdreg $0x9  }
0xc0: {  	_ =	task.clear_ibuf [dreg:s22], $0x5FFFF;
	_ =	strace $0x90000055  }
0xc1: {  	s29 =	simm.s32 $0x9;
	_ =	strace $0x80000057  }
0xc2: {  	_ =	swait.ge [sflag:s29], $0x1  }
0xc3: {  	[sflag:s29] =	ssyncadd.s32 $0xFFFFFFFF  }
0xc4: {  	_ =	strace $0x90000057  }
0xc5: {  	_ =	sfence  }
0xc6: {  	s30 =	sld [smem:$0x0];
	_ =	sdelay $0x2  }
0xc7: {  	s31 =	sshll.u32 s1, $0xD;
	s1 =	sshrl.u32 s1, $0x2  }
0xc8: {  	s4 =	sand.u32 $0x4000, s31;
	s1 =	sadd.s32 s1, s30  }
0xc9: {  	s0 =	sor.u32 s4, s0;
	s1 =	sshll.u32 s1, $0x11  }
0xca: {  	s0 =	sor.u32 s1, s0  }
0xcb: {  	s0 =	sadd.s32 $0x8F2B, s0  }
0xcc: {  	[sflag:s0] =	ssyncadd.remote.s32 $0x1  }
0xcd: {  	_ =	sfence.sel $0xFFFF  }
0xce: {  	[dreg:$0x0] =	wrdreg $0xFFFFFFFF;
	(pc) =	sbr.abs _section_cstart, $3  }
0xcf: {  	[dreg:$0x1] =	wrdreg $0xFFFFFFFF  }
0xd0: {  	_ =	task.clear_ibuf [dreg:s22], $0x2FFFF;
	_ =	strace $0x9FFFFFFF  }
0xd1: {  	(tm) =	ssettm $0x7FFFFFFF  }
tec
execute0_lowered:
.L_overlay_start_1:
0x0: {  	(tag) =	ssettag $0x1  }
0x1: {  	s1 =	srdreg.scid;
	s2 =	rddreg [dreg:$0x0]  }
0x2: {  	s0 =	stileid.u32;
	s4 =	rddreg [dreg:$0x1];
	s3 =	simm.s32 $0x0  }
0x3: {  	s11 =	simm.s32 $0x80;
	s12 =	simm.s32 $0x4080;
	s13 =	simm.s32 $0x4100  }
0x4: {  	s14 =	simm.s32 $0x1;
	s15 =	simm.s32 $0x2;
	s16 =	simm.s32 $0x0  }
0x5: {  	s6 =	sand.u32 $0x1, s1;
	s5 =	sshll.u32 s0, $0x8;
	s1 =	rddreg [dreg:$0x2]  }
0x6: {  	[smem:$0x7FF] =	sst s3;
	s26 =	sshll.u32 s0, $0xC;
	s9 =	sshll.u32 s0, $0x1  }
0x7: {  	s7 =	sshll.u32 s6, $0x7;
	_ =	strace $0x80000056;
	s8 =	ssub.s32 $0x2, s6  }
0x8: {  	s10 =	sadd.s32 s26, s4;
	s29 =	sor.u32 s6, s9;
	s30 =	sshll.u32 s6, $0xB  }
0x9: {  	s5 =	sor.u32 s7, s5;
	s28 =	sshrl.u32 s8, $0x1;
	p0 =	slt.u32 s29, $0x11  }
0xa: {  	s31 =	sadd.s32 s30, s10;
	s5 =	sshrl.u32 s5, $0x3;
	s8 =	ssub.s32 s8, s28  }
0xb: {  	s9 =	sadd.s32 $0x63C600, s31;
	s25 =	sadd.s32 s5, s4;
	s4 =	simm.s32 $0x14  }
0xc: {  	s5 =	smax.u32 s8, $0x1;
	s8 =	sadd.s32 $0x3BCA00, s31;
	s4 =	simm.s32 @!p0 $0x13  }
0xd: {  	s10 =	simm.s32 $0x3;
	s6 =	sadd.s32 $0x27F200, s25;
	s7 =	sadd.s32 $0x281A00, s25  }
.LBB2_1:
0xe: {  	[tilespmem:s3], [sflag:$0x3] =	stream.linear.gather [hbm4b:s7+s3], $0x80, $0x38;
	[tilespmem:$0x8100] =	vst v63  }
0xf: {  	_ =	swait.ge [sflag:s10], $0x80  }
0x10: {  	[sflag:s10] =	ssyncset.done $0x0  }
0x11: {  	[sflag:s10] =	ssyncadd.s32 $0xFFFFFF80  }
0x12: {  	[tilespmem:s11], [sflag:$0x1] =	stream.indirect.gather [hbm4b:s2+s11], $0x80, s3, s11, $0xb8;
	[tilespmem:$0x8100] =	vst v63  }
0x13: {  	_ = 	snop  }
0x14: {  	[tilespmem:s12], [sflag:$0x3] =	stream.linear.gather [hbm4b:s6+s3], $0x80, $0x38;
	[tilespmem:$0x8100] =	vst v63  }
0x15: {  	_ =	swait.ge [sflag:s10], $0x80  }
0x16: {  	[sflag:s10] =	ssyncset.done $0x0  }
0x17: {  	[sflag:s10] =	ssyncadd.s32 $0xFFFFFF80  }
0x18: {  	[tilespmem:s13], [sflag:$0x2] =	stream.indirect.gather [hbm4b:s2+s11], $0x80, s12, s11, $0xb8;
	[tilespmem:$0x8100] =	vst v63  }
0x19: {  	_ =	swait.ge [sflag:s14], $0x4000  }
0x1a: {  	[sflag:s14] =	ssyncset.done $0x0  }
0x1b: {  	[sflag:s14] =	ssyncadd.s32 $0xFFFFC000  }
0x1c: {  	[hbm4b:s8+s3] =	stream.linear.scatter [tilespmem:s11], [sflag:$0x3], $0x4000, $0x38;
	[tilespmem:$0x8100] =	vst v63  }
0x1d: {  	_ =	swait.ge [sflag:s10], $0x4000  }
0x1e: {  	[sflag:s10] =	ssyncset.done $0x0  }
0x1f: {  	[sflag:s10] =	ssyncadd.s32 $0xFFFFC000  }
0x20: {  	p0 =	sne.s32 s4, $0x1;
	_ =	swait.ge [sflag:s15], $0x4000  }
.Ltmp0:
0x21: {  	[sflag:s15] =	ssyncset.done $0x0;
	(pc) =	sbr.rel @!p0 .LBB2_3-.Ltmp0, $4  }
0x22: {  	s17 =	sadd.s32 $0xFFFFFFFF, s4;
	[sflag:s15] =	ssyncadd.s32 $0xFFFFC000  }
0x23: {  	[hbm4b:s9+s3] =	stream.linear.scatter [tilespmem:s13], [sflag:$0x3], $0x4000, $0x38;
	[tilespmem:$0x8100] =	vst v63  }
0x24: {  	s18 =	sadd.s32 $0x10000, s8;
	s19 =	sadd.s32 $0x10000, s9;
	_ =	swait.ge [sflag:s10], $0x4000  }
0x25: {  	s20 =	smov.u32 s6;
	s21 =	smov.u32 s7;
	[sflag:s10] =	ssyncset.done $0x0  }
.LBB2_2:
0x26: {  	[sflag:s10] =	ssyncadd.s32 $0xFFFFC000;
	s20 =	sadd.s32 $0x200, s20;
	s21 =	sadd.s32 $0x200, s21  }
0x27: {  	[tilespmem:s3], [sflag:$0x3] =	stream.linear.gather [hbm4b:s21+s3], $0x80, $0x38;
	[tilespmem:$0x8100] =	vst v63  }
0x28: {  	p0 =	sne.s32 s17, $0x1;
	s17 =	sadd.s32 $0xFFFFFFFF, s17;
	_ =	swait.ge [sflag:s10], $0x80  }
0x29: {  	[sflag:s10] =	ssyncset.done $0x0  }
0x2a: {  	[sflag:s10] =	ssyncadd.s32 $0xFFFFFF80  }
0x2b: {  	[tilespmem:s11], [sflag:$0x1] =	stream.indirect.gather [hbm4b:s2+s11], $0x80, s3, s11, $0xb8;
	[tilespmem:$0x8100] =	vst v63  }
0x2c: {  	_ = 	snop  }
0x2d: {  	[tilespmem:s12], [sflag:$0x3] =	stream.linear.gather [hbm4b:s20+s3], $0x80, $0x38;
	[tilespmem:$0x8100] =	vst v63  }
0x2e: {  	_ =	swait.ge [sflag:s10], $0x80  }
0x2f: {  	[sflag:s10] =	ssyncset.done $0x0  }
0x30: {  	[sflag:s10] =	ssyncadd.s32 $0xFFFFFF80  }
0x31: {  	[tilespmem:s13], [sflag:$0x2] =	stream.indirect.gather [hbm4b:s2+s11], $0x80, s12, s11, $0xb8;
	[tilespmem:$0x8100] =	vst v63  }
0x32: {  	_ =	swait.ge [sflag:s14], $0x4000  }
0x33: {  	[sflag:s14] =	ssyncset.done $0x0  }
0x34: {  	[sflag:s14] =	ssyncadd.s32 $0xFFFFC000  }
0x35: {  	[hbm4b:s18+s3] =	stream.linear.scatter [tilespmem:s11], [sflag:$0x3], $0x4000, $0x38;
	[tilespmem:$0x8100] =	vst v63  }
0x36: {  	_ =	swait.ge [sflag:s10], $0x4000  }
0x37: {  	[sflag:s10] =	ssyncset.done $0x0  }
0x38: {  	[sflag:s10] =	ssyncadd.s32 $0xFFFFC000  }
0x39: {  	_ =	swait.ge [sflag:s15], $0x4000  }
.Ltmp1:
0x3a: {  	[sflag:s15] =	ssyncset.done $0x0;
	(pc) =	sbr.rel @p0 .LBB2_2-.Ltmp1, $4  }
0x3b: {  	[sflag:s15] =	ssyncadd.s32 $0xFFFFC000  }
0x3c: {  	[hbm4b:s19+s3] =	stream.linear.scatter [tilespmem:s13], [sflag:$0x3], $0x4000, $0x38;
	[tilespmem:$0x8100] =	vst v63  }
0x3d: {  	_ =	swait.ge [sflag:s10], $0x4000  }
0x3e: {  	s18 =	sadd.s32 $0x10000, s18;
	s19 =	sadd.s32 $0x10000, s19;
	[sflag:s10] =	ssyncset.done $0x0  }
.LBB2_3:
0x3f: {  	s16 =	sadd.s32 $0x1, s16  }
0x40: {  	p0 =	sne.s32 s16, s5  }
.Ltmp2:
0x41: {  	_ = 	snop;
	(pc) =	sbr.rel @p0 .LBB2_1-.Ltmp2, $2  }
0x42: {  	_ =	sdelay $0x2  }
0x43: {  	[sflag:s10] =	ssyncadd.s32 $0xFFFFC000  }
0x44: {  	_ =	sfence.sel $0x180000  }
0x45: {  	[bflag:$0x0] =	sbarrier.arrive $0xFFFF  }
0x46: {  	p0 =	sne.s32 s0, $0x0;
	_ =	strace $0x90000056  }
0x47: {  	s0 =	sadd.s32 @!p0 $0x100000, s1;
	[bflag:$0x2] =	sbarrier.arrive $0xFFFF  }
0x48: {  	[sflag:s0] =	ssyncadd.tile.s32 @!p0 $0x1;
	_ =	shalt  }
.Lfunc_end2:
_tile_overlayer_lowered:
.L_overlay_start_2:
0x49: {  	(tag) =	ssettag $0x2  }
0x4a: {  	s0 =	rddreg [dreg:$0x0];
	s2 =	stileid.u32  }
0x4b: {  	s1 =	rddreg [dreg:$0x1];
	p0 =	sne.s32 s2, $0x0  }
0x4c: {  	s3 =	rddreg [dreg:$0x2];
	[bflag:$0x3] =	sbarrier.arrive $0xFFFF;
	s2 =	simm.s32 @!p0 $0x1C03  }
0x4d: {  	[timem:s3], [sflag:s2] =	dma.local @!p0 [hbm:s0], s1  }
0x4e: {  	s0 =	simm.s32 @!p0 $0x3  }
0x4f: {  	_ =	swait.ge @!p0 [sflag:s0], s1  }
0x50: {  	s1 =	ssub.s32 @!p0 $0x0, s1;
	[sflag:s0] =	ssyncset.done @!p0 $0x0  }
0x51: {  	[sflag:s0] =	ssyncadd.s32 @!p0 s1  }
0x52: {  	[bflag:$0x3] =	sbarrier.arrive $0xFFFF  }
0x53: {  	_ =	shalt  }

// kernel: kernel.38.cloned.1.call-start
scs
__scs_entry_jumppad:
0x0: {  	(pc) =	sbr.rel $0x88, $3  }
0x1: {  	(tag) =	ssettag $0x0;
	lr =	simm.s32 $0x1  }
0x2: {  	[smem:$0x3F95] =	sst lr;
	_ =	strace $0xD0000000  }
0x3: {  	_ = 	snop  }
0x4: {  	_ = 	snop  }
0x5: {  	_ = 	snop  }
0x6: {  	_ = 	snop  }
0x7: {  	_ = 	snop  }
__scs_overlays_trampoline_lowered:
0x8: {  	[smem:$0x3FA4] =	sst s0  }
0x9: {  	[smem:$0x3FA5] =	sst s1  }
0xa: {  	[smem:$0x3FA6] =	sst s2  }
0xb: {  	[smem:$0x3FA7] =	sst s3  }
0xc: {  	[smem:$0x3FA8] =	sst s4  }
0xd: {  	[smem:$0x3FA9] =	sst s5  }
0xe: {  	[smem:$0x3FAA] =	sst s6  }
0xf: {  	[smem:$0x3FAB] =	sst s7  }
0x10: {  	[smem:$0x3FAC] =	sst s8  }
0x11: {  	[smem:$0x3FAD] =	sst s9;
	s0 =	simm.s32 @!p0 $0x0  }
0x12: {  	s1 =	sld [smem:$0x3F93];
	s0 =	simm.s32 @p0 $0x1  }
0x13: {  	[smem:$0x3FAE] =	sst s0;
	s0 =	simm.s32 @!p1 $0x0  }
0x14: {  	s2 =	sld [smem:$0x3F92];
	s0 =	simm.s32 @p1 $0x1  }
0x15: {  	[smem:$0x3FAF] =	sst s0;
	s0 =	simm.s32 @!p2 $0x0  }
0x16: {  	s3 =	sld [smem:$0x3FDB];
	s0 =	simm.s32 @p2 $0x1  }
0x17: {  	s4 =	simm.s32 $0x1BF5;
	[smem:$0x3FB1] =	sst s0  }
0x18: {  	s0 =	sld [smem:$0x3F94];
	_ =	swait.ge [sflag:s4], $0x0  }
0x19: {  	s7 =	sld [smem:$0x3F95]  }
0x1a: {  	s8 =	sadd.s32 $0xFFFFE003, lr  }
0x1b: {  	s9 =	sadd.s32 $0xFFFFFEF7, lr;
	s5 =	simm.s32 $0xFFFFFFFF;
	p2 =	slt.u32 s8, $0xFFFFF086  }
0x1c: {  	p1 =	slt.u32 s9, $0xF7A;
	s5 =	simm.s32 @!p2 $0x0  }
0x1d: {  	s5 =	simm.s32 @p1 $0x1;
	p0 =	seq.s32 s7, s2  }
0x1e: {  	s7 =	smul.u32 @!p0 $0xF7A, s2;
	p2 =	seq.s32 @!p0 s5, $0x0  }
0x1f: {  	s9 =	smul.u32 $0xF7A, s1;
	s8 =	simm.s32 @!p0 $0x1BF5;
	p2 =	por !p2, p0  }
0x20: {  	[sflag:s8] =	ssyncset.s32 @!p0 $0xFFFFF086;
	s6 =	sadd.s32 @!p0 s3, s7;
	s7 =	simm.s32 @!p0 $0x108  }
0x21: {  	s3 =	sadd.s32 s3, s9;
	s6 =	sadd.s32 @!p0 $0x88, s6;
	s7 =	simm.s32 @p2 $0x1082  }
0x22: {  	[simem:s7], [sflag:s8] =	dma.local @!p0 [hbm:s6], $0xF7A  }
0x23: {  	s9 =	sor.u32 $0xD0000000, s2;
	s6 =	simm.s32 $0x108;
	_ =	swait.ge @!p0 [sflag:s8], $0x0  }
0x24: {  	s3 =	sadd.s32 $0x88, s3;
	s6 =	simm.s32 @!p1 $0x1082;
	[sflag:s4] =	ssyncset.s32 $0xFFFFF086  }
0x25: {  	[simem:s6], [sflag:s4] =	dma.local [hbm:s3], $0xF7A  }
0x26: {  	[smem:$0x3F95] =	sst s1;
	(tag) =	ssettag s2;
	_ =	strace s9  }
0x27: {  	s1 =	sld [smem:$0x3FA5]  }
0x28: {  	s2 =	sld [smem:$0x3FA6]  }
0x29: {  	s4 =	sld [smem:$0x3FA8]  }
0x2a: {  	p0 =	seq.s32 s5, $0x0;
	s5 =	sld [smem:$0x3FA9]  }
0x2b: {  	s6 =	sld [smem:$0x3FAA]  }
0x2c: {  	s7 =	sld [smem:$0x3FAB]  }
0x2d: {  	s3 =	simm.s32 $0x108;
	s8 =	sld [smem:$0x3FAC]  }
0x2e: {  	s3 =	simm.s32 @!p0 $0x1082;
	s9 =	sld [smem:$0x3FAD]  }
0x2f: {  	lr =	sadd.s32 s0, s3;
	s0 =	sld [smem:$0x3FA4]  }
0x30: {  	s3 =	sld [smem:$0x3FA7]  }
0x31: {  	[smem:$0x3FB0] =	sst s10  }
0x32: {  	s10 =	sld [smem:$0x3FAE];
	_ =	sdelay $0x3  }
0x33: {  	p0 =	seq.s32 s10, $0x1;
	s10 =	sld [smem:$0x3FB0];
	_ =	sdelay $0x3  }
0x34: {  	[smem:$0x3FB0] =	sst s10  }
0x35: {  	s10 =	sld [smem:$0x3FAF];
	_ =	sdelay $0x3  }
0x36: {  	p1 =	seq.s32 s10, $0x1;
	s10 =	sld [smem:$0x3FB0];
	_ =	sdelay $0x3  }
0x37: {  	[smem:$0x3FB0] =	sst s10  }
0x38: {  	s10 =	sld [smem:$0x3FB1]  }
0x39: {  	_ = 	snop;
	(pc) =	sbr.ind lr, $3  }
0x3a: {  	_ = 	snop  }
0x3b: {  	_ = 	snop  }
0x3c: {  	p2 =	seq.s32 s10, $0x1;
	s10 =	sld [smem:$0x3FB0]  }
0x3d: {  	_ =	shalt  }
0x3e: {  	_ =	shalt  }
0x3f: {  	_ =	shalt  }
0x40: {  	_ =	shalt  }
0x41: {  	_ =	shalt  }
0x42: {  	_ =	shalt  }
0x43: {  	_ =	shalt  }
0x44: {  	_ =	shalt  }
0x45: {  	_ =	shalt  }
0x46: {  	_ =	shalt  }
0x47: {  	_ =	shalt  }
0x48: {  	_ =	shalt  }
0x49: {  	_ =	shalt  }
0x4a: {  	_ =	shalt  }
0x4b: {  	_ =	shalt  }
0x4c: {  	_ =	shalt  }
0x4d: {  	_ =	shalt  }
0x4e: {  	_ =	shalt  }
0x4f: {  	_ =	shalt  }
0x50: {  	_ =	shalt  }
0x51: {  	_ =	shalt  }
0x52: {  	_ =	shalt  }
0x53: {  	_ =	shalt  }
0x54: {  	_ =	shalt  }
0x55: {  	_ =	shalt  }
0x56: {  	_ =	shalt  }
0x57: {  	_ =	shalt  }
0x58: {  	_ =	shalt  }
0x59: {  	_ =	shalt  }
0x5a: {  	_ =	shalt  }
0x5b: {  	_ =	shalt  }
0x5c: {  	_ =	shalt  }
0x5d: {  	_ =	shalt  }
0x5e: {  	_ =	shalt  }
0x5f: {  	_ =	shalt  }
0x60: {  	_ =	shalt  }
0x61: {  	_ =	shalt  }
0x62: {  	_ =	shalt  }
0x63: {  	_ =	shalt  }
0x64: {  	_ =	shalt  }
0x65: {  	_ =	shalt  }
0x66: {  	_ =	shalt  }
0x67: {  	_ =	shalt  }
0x68: {  	_ =	shalt  }
0x69: {  	_ =	shalt  }
0x6a: {  	_ =	shalt  }
0x6b: {  	_ =	shalt  }
0x6c: {  	_ =	shalt  }
0x6d: {  	_ =	shalt  }
0x6e: {  	_ =	shalt  }
0x6f: {  	_ =	shalt  }
0x70: {  	_ =	shalt  }
0x71: {  	_ =	shalt  }
0x72: {  	_ =	shalt  }
0x73: {  	_ =	shalt  }
0x74: {  	_ =	shalt  }
0x75: {  	_ =	shalt  }
0x76: {  	_ =	shalt  }
0x77: {  	_ =	shalt  }
0x78: {  	_ =	shalt  }
0x79: {  	_ =	shalt  }
0x7a: {  	_ =	shalt  }
0x7b: {  	_ =	shalt  }
0x7c: {  	_ =	shalt  }
0x7d: {  	_ =	shalt  }
0x7e: {  	_ =	shalt  }
0x7f: {  	_ =	shalt  }
0x80: {  	_ =	shalt  }
0x81: {  	_ =	shalt  }
0x82: {  	_ =	shalt  }
0x83: {  	_ =	shalt  }
0x84: {  	_ =	shalt  }
0x85: {  	_ =	shalt  }
0x86: {  	_ =	shalt  }
0x87: {  	_ =	shalt  }
.Lfunc_end0:
.L_simem_size_0:
called_computation.5_lowered:
.L_overlay_start_0:
0x88: {  	s2 =	sld [smem:$0x3FD9]  }
0x89: {  	s3 =	sld [smem:$0x3FFE];
	_ =	sdelay $0x1  }
0x8a: {  	s1 =	srdreg.scid  }
0x8b: {  	s0 =	sand.u32 $0x1, s1  }
0x8c: {  	s17 =	sshll.u32 s0, $0xA;
	s2 =	sadd.s32 s3, s2  }
0x8d: {  	s2 =	sadd.s32 s2, s17  }
0x8e: {  	[smem:$0x3FBC] =	sst s2  }
0x8f: {  	_ = 	snop  }
0x90: {  	(tm) =	ssettm $0x1  }
0x91: {  	s18 =	sld [smem:$0x3FFB];
	_ =	sdelay $0x3  }
0x92: {  	_ =	strace s18  }
0x93: {  	s2 =	sld [smem:$0x3FFC];
	_ =	sdelay $0x3  }
0x94: {  	_ =	strace s2  }
0x95: {  	s2 =	sld [smem:$0x3FFD];
	_ =	sdelay $0x3  }
0x96: {  	_ =	strace s2  }
0x97: {  	_ =	strace $0x8FFFFFFF  }
0x98: {  	s19 =	sld [smem:$0x3FDB];
	_ =	sdelay $0x1  }
0x99: {  	s20 =	simm.s32 $_scs_section_size  }
0x9a: {  	s4 =	simm.s32 $_size__tile_overlayer_lowered;
	s5 =	simm.s32 $_tile_overlayer_lowered  }
0x9b: {  	s6 =	simm.s32 $0x1BFF;
	s21 =	sshll.u32 s5, $0x1;
	s3 =	sadd.s32 s20, s19  }
0x9c: {  	s22 =	simm.s32 $0x0;
	s4 =	sshll.u32 s4, $0x1;
	s5 =	sadd.s32 s21, s3  }
0x9d: {  	[timem:s22], [sflag:s6] =	dma.local [hbm:s5], s4  }
0x9e: {  	_ =	swait.ge [sflag:s6], s4  }
0x9f: {  	s4 =	ssub.s32 $0x0, s4;
	[sflag:s6] =	ssyncset.done $0x0  }
0xa0: {  	[sflag:s6] =	ssyncadd.s32 s4;
	_ =	sdelay $0x1  }
0xa1: {  	s23 =	simm.s32 $0x1B8B  }
0xa2: {  	_ =	swait.ge [sflag:s23], $0x1  }
0xa3: {  	[sflag:s23] =	ssyncset.done $0x0  }
0xa4: {  	[sflag:s23] =	ssyncadd.s32 $0xFFFFFFFF  }
0xa5: {  	s4 =	sld [smem:$0x0]  }
0xa6: {  	s5 =	sand.u32 $0xFFFFFFFE, s1  }
0xa7: {  	p0 =	sne.s32 s1, s5  }
0xa8: {  	s5 =	sshll.u32 @p0 s5, $0xE  }
0xa9: {  	s5 =	sadd.s32 @p0 $0x11B8D, s5;
	s6 =	sshll.u32 @p0 s4, $0x11  }
0xaa: {  	s5 =	sor.u32 @p0 s6, s5  }
0xab: {  	[sflag:s5] =	ssyncadd.remote.s32 @p0 $0x1;
	_ =	sdelay $0x1  }
0xac: {  	s5 =	simm.s32 @p0 $0x1B8D  }
0xad: {  	_ =	swait.eq @p0 [sflag:s5], $0x1  }
0xae: {  	[sflag:s5] =	ssyncadd.s32 @p0 $0xFFFFFFFF  }
0xaf: {  	s6 =	sshll.u32 @!p0 s1, $0xE  }
0xb0: {  	s6 =	sor.u32 @!p0 $0x4000, s6;
	s5 =	simm.s32 @!p0 $0x1B8D  }
0xb1: {  	s4 =	sshll.u32 @!p0 s4, $0x11;
	s6 =	sadd.s32 @!p0 $0x11B8D, s6;
	_ =	swait.eq @!p0 [sflag:s5], $0x1  }
0xb2: {  	s4 =	sor.u32 @!p0 s4, s6;
	[sflag:s5] =	ssyncadd.s32 @!p0 $0xFFFFFFFF  }
0xb3: {  	s25 =	simm.s32 $0x1B8E;
	s24 =	sld [smem:$0x3FFE];
	[sflag:s4] =	ssyncadd.remote.s32 @!p0 $0x1  }
0xb4: {  	s26 =	simm.s32 $execute0_lowered;
	[smem:$0x3FD2] =	sst s25  }
0xb5: {  	s5 =	sshll.u32 s26, $0x1;
	_ =	strace $0x8000005B;
	[dreg:$0x1] =	wrdreg $0xFFFFFFFF  }
0xb6: {  	s28 =	simm.s32 $_size_execute0_lowered;
	s3 =	sadd.s32 s3, s5;
	[dreg:$0x0] =	wrdreg $0x0  }
0xb7: {  	s5 =	sshll.u32 s28, $0x1;
	[dreg:$0x2] =	wrdreg s3  }
0xb8: {  	[dreg:$0x3] =	wrdreg s5  }
0xb9: {  	[dreg:$0x4] =	wrdreg $0xC0  }
0xba: {  	_ =	task [dreg:s22], $0x5FFFF  }
0xbb: {  	[dreg:$0x1] =	wrdreg $0xFFFFFFFF  }
0xbc: {  	[dreg:$0x0] =	wrdreg $0x60  }
0xbd: {  	[dreg:$0x2] =	wrdreg s24  }
0xbe: {  	[dreg:$0x3] =	wrdreg $0x40800  }
0xbf: {  	[dreg:$0x4] =	wrdreg $0x9  }
0xc0: {  	_ =	task.clear_ibuf [dreg:s22], $0x5FFFF;
	_ =	strace $0x9000005B  }
0xc1: {  	s29 =	simm.s32 $0x9;
	_ =	strace $0x8000005D  }
0xc2: {  	_ =	swait.ge [sflag:s29], $0x1  }
0xc3: {  	[sflag:s29] =	ssyncadd.s32 $0xFFFFFFFF  }
0xc4: {  	_ =	strace $0x9000005D  }
0xc5: {  	_ =	sfence  }
0xc6: {  	s30 =	sld [smem:$0x0];
	_ =	sdelay $0x2  }
0xc7: {  	s31 =	sshll.u32 s1, $0xD;
	s1 =	sshrl.u32 s1, $0x2  }
0xc8: {  	s4 =	sand.u32 $0x4000, s31;
	s1 =	sadd.s32 s1, s30  }
0xc9: {  	s0 =	sor.u32 s4, s0;
	s1 =	sshll.u32 s1, $0x11  }
0xca: {  	s0 =	sor.u32 s1, s0  }
0xcb: {  	s0 =	sadd.s32 $0x8F2B, s0  }
0xcc: {  	[sflag:s0] =	ssyncadd.remote.s32 $0x1  }
0xcd: {  	_ =	sfence.sel $0xFFFF  }
0xce: {  	[dreg:$0x0] =	wrdreg $0xFFFFFFFF;
	(pc) =	sbr.abs _section_cstart, $3  }
0xcf: {  	[dreg:$0x1] =	wrdreg $0xFFFFFFFF  }
0xd0: {  	_ =	task.clear_ibuf [dreg:s22], $0x2FFFF;
	_ =	strace $0x9FFFFFFF  }
0xd1: {  	(tm) =	ssettm $0x7FFFFFFF  }
tec
execute0_lowered:
.L_overlay_start_1:
0x0: {  	(tag) =	ssettag $0x1  }
0x1: {  	s4 =	rddreg [dreg:$0x0]  }
0x2: {  	s1 =	rddreg [dreg:$0x1]  }
0x3: {  	s0 =	rddreg [dreg:$0x2];
	s3 =	simm.s32 $0x0;
	s5 =	srdreg.scid  }
0x4: {  	s2 =	stileid.u32;
	[smem:$0x7FF] =	sst s3;
	s7 =	sand.u32 $0x1, s5  }
0x5: {  	s22 =	sshll.u32 s2, $0x8;
	s8 =	smul.u32 $0x14000, s2;
	s9 =	sshll.u32 s2, $0xC  }
0x6: {  	s12 =	sshll.u32 s2, $0x1;
	s13 =	smul.u32 $0x50000, s2;
	s30 =	sshll.u32 s2, $0x6  }
0x7: {  	s6 =	sshll.u32 s7, $0x7;
	s23 =	smul.u32 $0x140000, s7;
	_ =	strace $0x8000005C  }
0x8: {  	s9 =	sadd.s32 s9, s4;
	s25 =	ssub.s32 $0x2, s7;
	s26 =	sor.u32 s7, s12  }
0x9: {  	s31 =	sshll.u32 s7, $0xB;
	s12 =	simm.s32 $0x1;
	s5 =	sor.u32 s6, s22  }
0xa: {  	s24 =	sshrl.u32 s8, $0x3;
	s11 =	sshrl.u32 s25, $0x1;
	p0 =	slt.u32 s26, $0x11  }
0xb: {  	s28 =	sshrl.u32 s13, $0x2;
	s9 =	sadd.s32 s31, s9;
	s13 =	simm.s32 $0x80  }
0xc: {  	s5 =	sshrl.u32 s5, $0x3;
	s6 =	sadd.s32 s8, s23;
	s8 =	ssub.s32 s25, s11  }
0xd: {  	s29 =	sadd.s32 s28, s1;
	s9 =	sadd.s32 $0x284200, s9;
	s10 =	sadd.s32 s5, s4  }
0xe: {  	s5 =	sadd.s32 s24, s4;
	s6 =	sshrl.u32 s6, $0x3;
	s8 =	smax.u32 s8, $0x1  }
0xf: {  	s11 =	sshrl.u32 s29, $0x3;
	s14 =	sadd.s32 s6, s4;
	s4 =	simm.s32 $0x14  }
0x10: {  	s5 =	sadd.s32 $0xE200, s5;
	s6 =	sor.u32 $0x1C01, s30;
	s10 =	sadd.s32 $0x281A00, s10  }
0x11: {  	s4 =	simm.s32 @!p0 $0x13;
	s7 =	sadd.s32 $0x3BCA00, s14;
	s14 =	simm.s32 $0x0  }
.LBB2_1:
0x12: {  	[spmem:s11], [sflag:s6] =	dma.local [hbm:s5], $0x2800  }
0x13: {  	_ =	swait.ge [sflag:s12], $0x2800  }
0x14: {  	[sflag:s12] =	ssyncset.done $0x0  }
0x15: {  	[sflag:s12] =	ssyncadd.s32 $0xFFFFD800  }
0x16: {  	[bflag:$0x0] =	sbarrier.arrive $0xFFFF  }
0x17: {  	[tilespmem:s13], [sflag:$0x1] =	stream.linear.gather [hbm4b:s9+s3], $0x4000, $0x38;
	[tilespmem:$0x18080] =	vst v63  }
0x18: {  	_ =	swait.ge [sflag:s12], $0x4000  }
0x19: {  	[sflag:s12] =	ssyncset.done $0x0  }
0x1a: {  	[sflag:s12] =	ssyncadd.s32 $0xFFFFC000  }
0x1b: {  	[tilespmem:s3], [sflag:$0x1] =	stream.linear.gather [hbm4b:s10+s3], $0x80, $0x38;
	[tilespmem:$0x18080] =	vst v63  }
0x1c: {  	p0 =	sne.s32 s4, $0x1;
	_ =	swait.ge [sflag:s12], $0x80  }
.Ltmp0:
0x1d: {  	[sflag:s12] =	ssyncset.done $0x0;
	(pc) =	sbr.rel @!p0 .LBB2_3-.Ltmp0, $4  }
0x1e: {  	[sflag:s12] =	ssyncadd.s32 $0xFFFFFF80  }
0x1f: {  	[spmem:s1] =	stream.indirect.scatter.add.f32 [tilespmem:s13], [sflag:$0x1], $0x80, s3, s13, $0xb8;
	[tilespmem:$0x18080] =	vst v63  }
0x20: {  	s15 =	sadd.s32 $0xFFFFFFFF, s4;
	_ =	swait.ge [sflag:s12], $0x4000  }
0x21: {  	s16 =	smov.u32 s9;
	s17 =	smov.u32 s10;
	[sflag:s12] =	ssyncset.done $0x0  }
.LBB2_2:
0x22: {  	[sflag:s12] =	ssyncadd.s32 $0xFFFFC000;
	s16 =	sadd.s32 $0x10000, s16;
	s17 =	sadd.s32 $0x200, s17  }
0x23: {  	[tilespmem:s13], [sflag:$0x1] =	stream.linear.gather [hbm4b:s16+s3], $0x4000, $0x38;
	[tilespmem:$0x18080] =	vst v63  }
0x24: {  	p0 =	sne.s32 s15, $0x1;
	s15 =	sadd.s32 $0xFFFFFFFF, s15;
	_ =	swait.ge [sflag:s12], $0x4000  }
0x25: {  	[sflag:s12] =	ssyncset.done $0x0  }
0x26: {  	[sflag:s12] =	ssyncadd.s32 $0xFFFFC000  }
0x27: {  	[tilespmem:s3], [sflag:$0x1] =	stream.linear.gather [hbm4b:s17+s3], $0x80, $0x38;
	[tilespmem:$0x18080] =	vst v63  }
0x28: {  	_ =	swait.ge [sflag:s12], $0x80  }
.Ltmp1:
0x29: {  	[sflag:s12] =	ssyncset.done $0x0;
	(pc) =	sbr.rel @p0 .LBB2_2-.Ltmp1, $4  }
0x2a: {  	[sflag:s12] =	ssyncadd.s32 $0xFFFFFF80  }
0x2b: {  	[spmem:s1] =	stream.indirect.scatter.add.f32 [tilespmem:s13], [sflag:$0x1], $0x80, s3, s13, $0xb8;
	[tilespmem:$0x18080] =	vst v63  }
0x2c: {  	_ =	swait.ge [sflag:s12], $0x4000  }
0x2d: {  	[sflag:s12] =	ssyncset.done $0x0  }
.LBB2_3:
0x2e: {  	s14 =	sadd.s32 $0x1, s14  }
0x2f: {  	[sflag:s12] =	ssyncadd.s32 $0xFFFFC000;
	p0 =	sne.s32 s14, s8  }
.Ltmp2:
0x30: {  	[bflag:$0x0] =	sbarrier.arrive $0xFFFF;
	(pc) =	sbr.rel @p0 .LBB2_1-.Ltmp2, $4  }
0x31: {  	[hbm:s7], [sflag:s6] =	dma.local [spmem:s11], $0x2800  }
0x32: {  	_ =	swait.ge [sflag:s12], $0x2800  }
0x33: {  	[sflag:s12] =	ssyncset.done $0x0  }
0x34: {  	[sflag:s12] =	ssyncadd.s32 $0xFFFFD800  }
0x35: {  	_ =	sfence.sel $0x180000  }
0x36: {  	[bflag:$0x0] =	sbarrier.arrive $0xFFFF  }
0x37: {  	p0 =	sne.s32 s2, $0x0;
	_ =	strace $0x9000005C  }
0x38: {  	s0 =	sadd.s32 @!p0 $0x100000, s0;
	[bflag:$0x2] =	sbarrier.arrive $0xFFFF  }
0x39: {  	[sflag:s0] =	ssyncadd.tile.s32 @!p0 $0x1;
	_ =	shalt  }
.Lfunc_end2:
_tile_overlayer_lowered:
.L_overlay_start_2:
0x3a: {  	(tag) =	ssettag $0x2  }
0x3b: {  	s0 =	rddreg [dreg:$0x0];
	s2 =	stileid.u32  }
0x3c: {  	s1 =	rddreg [dreg:$0x1];
	p0 =	sne.s32 s2, $0x0  }
0x3d: {  	s3 =	rddreg [dreg:$0x2];
	[bflag:$0x3] =	sbarrier.arrive $0xFFFF;
	s2 =	simm.s32 @!p0 $0x1C01  }
0x3e: {  	[timem:s3], [sflag:s2] =	dma.local @!p0 [hbm:s0], s1  }
0x3f: {  	s0 =	simm.s32 @!p0 $0x1  }
0x40: {  	_ =	swait.ge @!p0 [sflag:s0], s1  }
0x41: {  	s1 =	ssub.s32 @!p0 $0x0, s1;
	[sflag:s0] =	ssyncset.done @!p0 $0x0  }
0x42: {  	[sflag:s0] =	ssyncadd.s32 @!p0 s1  }
0x43: {  	[bflag:$0x3] =	sbarrier.arrive $0xFFFF  }
0x44: {  	_ =	shalt  }

// kernel: kernel.41.cloned.1.call-start
scs
__scs_entry_jumppad:
0x0: {  	(pc) =	sbr.rel $0x88, $3  }
0x1: {  	(tag) =	ssettag $0x0;
	lr =	simm.s32 $0x1  }
0x2: {  	[smem:$0x3F95] =	sst lr;
	_ =	strace $0xD0000000  }
0x3: {  	_ = 	snop  }
0x4: {  	_ = 	snop  }
0x5: {  	_ = 	snop  }
0x6: {  	_ = 	snop  }
0x7: {  	_ = 	snop  }
__scs_overlays_trampoline_lowered:
0x8: {  	[smem:$0x3FA4] =	sst s0  }
0x9: {  	[smem:$0x3FA5] =	sst s1  }
0xa: {  	[smem:$0x3FA6] =	sst s2  }
0xb: {  	[smem:$0x3FA7] =	sst s3  }
0xc: {  	[smem:$0x3FA8] =	sst s4  }
0xd: {  	[smem:$0x3FA9] =	sst s5  }
0xe: {  	[smem:$0x3FAA] =	sst s6  }
0xf: {  	[smem:$0x3FAB] =	sst s7  }
0x10: {  	[smem:$0x3FAC] =	sst s8  }
0x11: {  	[smem:$0x3FAD] =	sst s9;
	s0 =	simm.s32 @!p0 $0x0  }
0x12: {  	s1 =	sld [smem:$0x3F93];
	s0 =	simm.s32 @p0 $0x1  }
0x13: {  	[smem:$0x3FAE] =	sst s0;
	s0 =	simm.s32 @!p1 $0x0  }
0x14: {  	s2 =	sld [smem:$0x3F92];
	s0 =	simm.s32 @p1 $0x1  }
0x15: {  	[smem:$0x3FAF] =	sst s0;
	s0 =	simm.s32 @!p2 $0x0  }
0x16: {  	s3 =	sld [smem:$0x3FDB];
	s0 =	simm.s32 @p2 $0x1  }
0x17: {  	s4 =	simm.s32 $0x1BF5;
	[smem:$0x3FB1] =	sst s0  }
0x18: {  	s0 =	sld [smem:$0x3F94];
	_ =	swait.ge [sflag:s4], $0x0  }
0x19: {  	s7 =	sld [smem:$0x3F95]  }
0x1a: {  	s8 =	sadd.s32 $0xFFFFE003, lr  }
0x1b: {  	s9 =	sadd.s32 $0xFFFFFEF7, lr;
	s5 =	simm.s32 $0xFFFFFFFF;
	p2 =	slt.u32 s8, $0xFFFFF086  }
0x1c: {  	p1 =	slt.u32 s9, $0xF7A;
	s5 =	simm.s32 @!p2 $0x0  }
0x1d: {  	s5 =	simm.s32 @p1 $0x1;
	p0 =	seq.s32 s7, s2  }
0x1e: {  	s7 =	smul.u32 @!p0 $0xF7A, s2;
	p2 =	seq.s32 @!p0 s5, $0x0  }
0x1f: {  	s9 =	smul.u32 $0xF7A, s1;
	s8 =	simm.s32 @!p0 $0x1BF5;
	p2 =	por !p2, p0  }
0x20: {  	[sflag:s8] =	ssyncset.s32 @!p0 $0xFFFFF086;
	s6 =	sadd.s32 @!p0 s3, s7;
	s7 =	simm.s32 @!p0 $0x108  }
0x21: {  	s3 =	sadd.s32 s3, s9;
	s6 =	sadd.s32 @!p0 $0x88, s6;
	s7 =	simm.s32 @p2 $0x1082  }
0x22: {  	[simem:s7], [sflag:s8] =	dma.local @!p0 [hbm:s6], $0xF7A  }
0x23: {  	s9 =	sor.u32 $0xD0000000, s2;
	s6 =	simm.s32 $0x108;
	_ =	swait.ge @!p0 [sflag:s8], $0x0  }
0x24: {  	s3 =	sadd.s32 $0x88, s3;
	s6 =	simm.s32 @!p1 $0x1082;
	[sflag:s4] =	ssyncset.s32 $0xFFFFF086  }
0x25: {  	[simem:s6], [sflag:s4] =	dma.local [hbm:s3], $0xF7A  }
0x26: {  	[smem:$0x3F95] =	sst s1;
	(tag) =	ssettag s2;
	_ =	strace s9  }
0x27: {  	s1 =	sld [smem:$0x3FA5]  }
0x28: {  	s2 =	sld [smem:$0x3FA6]  }
0x29: {  	s4 =	sld [smem:$0x3FA8]  }
0x2a: {  	p0 =	seq.s32 s5, $0x0;
	s5 =	sld [smem:$0x3FA9]  }
0x2b: {  	s6 =	sld [smem:$0x3FAA]  }
0x2c: {  	s7 =	sld [smem:$0x3FAB]  }
0x2d: {  	s3 =	simm.s32 $0x108;
	s8 =	sld [smem:$0x3FAC]  }
0x2e: {  	s3 =	simm.s32 @!p0 $0x1082;
	s9 =	sld [smem:$0x3FAD]  }
0x2f: {  	lr =	sadd.s32 s0, s3;
	s0 =	sld [smem:$0x3FA4]  }
0x30: {  	s3 =	sld [smem:$0x3FA7]  }
0x31: {  	[smem:$0x3FB0] =	sst s10  }
0x32: {  	s10 =	sld [smem:$0x3FAE];
	_ =	sdelay $0x3  }
0x33: {  	p0 =	seq.s32 s10, $0x1;
	s10 =	sld [smem:$0x3FB0];
	_ =	sdelay $0x3  }
0x34: {  	[smem:$0x3FB0] =	sst s10  }
0x35: {  	s10 =	sld [smem:$0x3FAF];
	_ =	sdelay $0x3  }
0x36: {  	p1 =	seq.s32 s10, $0x1;
	s10 =	sld [smem:$0x3FB0];
	_ =	sdelay $0x3  }
0x37: {  	[smem:$0x3FB0] =	sst s10  }
0x38: {  	s10 =	sld [smem:$0x3FB1]  }
0x39: {  	_ = 	snop;
	(pc) =	sbr.ind lr, $3  }
0x3a: {  	_ = 	snop  }
0x3b: {  	_ = 	snop  }
0x3c: {  	p2 =	seq.s32 s10, $0x1;
	s10 =	sld [smem:$0x3FB0]  }
0x3d: {  	_ =	shalt  }
0x3e: {  	_ =	shalt  }
0x3f: {  	_ =	shalt  }
0x40: {  	_ =	shalt  }
0x41: {  	_ =	shalt  }
0x42: {  	_ =	shalt  }
0x43: {  	_ =	shalt  }
0x44: {  	_ =	shalt  }
0x45: {  	_ =	shalt  }
0x46: {  	_ =	shalt  }
0x47: {  	_ =	shalt  }
0x48: {  	_ =	shalt  }
0x49: {  	_ =	shalt  }
0x4a: {  	_ =	shalt  }
0x4b: {  	_ =	shalt  }
0x4c: {  	_ =	shalt  }
0x4d: {  	_ =	shalt  }
0x4e: {  	_ =	shalt  }
0x4f: {  	_ =	shalt  }
0x50: {  	_ =	shalt  }
0x51: {  	_ =	shalt  }
0x52: {  	_ =	shalt  }
0x53: {  	_ =	shalt  }
0x54: {  	_ =	shalt  }
0x55: {  	_ =	shalt  }
0x56: {  	_ =	shalt  }
0x57: {  	_ =	shalt  }
0x58: {  	_ =	shalt  }
0x59: {  	_ =	shalt  }
0x5a: {  	_ =	shalt  }
0x5b: {  	_ =	shalt  }
0x5c: {  	_ =	shalt  }
0x5d: {  	_ =	shalt  }
0x5e: {  	_ =	shalt  }
0x5f: {  	_ =	shalt  }
0x60: {  	_ =	shalt  }
0x61: {  	_ =	shalt  }
0x62: {  	_ =	shalt  }
0x63: {  	_ =	shalt  }
0x64: {  	_ =	shalt  }
0x65: {  	_ =	shalt  }
0x66: {  	_ =	shalt  }
0x67: {  	_ =	shalt  }
0x68: {  	_ =	shalt  }
0x69: {  	_ =	shalt  }
0x6a: {  	_ =	shalt  }
0x6b: {  	_ =	shalt  }
0x6c: {  	_ =	shalt  }
0x6d: {  	_ =	shalt  }
0x6e: {  	_ =	shalt  }
0x6f: {  	_ =	shalt  }
0x70: {  	_ =	shalt  }
0x71: {  	_ =	shalt  }
0x72: {  	_ =	shalt  }
0x73: {  	_ =	shalt  }
0x74: {  	_ =	shalt  }
0x75: {  	_ =	shalt  }
0x76: {  	_ =	shalt  }
0x77: {  	_ =	shalt  }
0x78: {  	_ =	shalt  }
0x79: {  	_ =	shalt  }
0x7a: {  	_ =	shalt  }
0x7b: {  	_ =	shalt  }
0x7c: {  	_ =	shalt  }
0x7d: {  	_ =	shalt  }
0x7e: {  	_ =	shalt  }
0x7f: {  	_ =	shalt  }
0x80: {  	_ =	shalt  }
0x81: {  	_ =	shalt  }
0x82: {  	_ =	shalt  }
0x83: {  	_ =	shalt  }
0x84: {  	_ =	shalt  }
0x85: {  	_ =	shalt  }
0x86: {  	_ =	shalt  }
0x87: {  	_ =	shalt  }
.Lfunc_end0:
.L_simem_size_0:
called_computation.6_lowered:
.L_overlay_start_0:
0x88: {  	s2 =	sld [smem:$0x3FD9]  }
0x89: {  	s3 =	sld [smem:$0x3FFE];
	_ =	sdelay $0x1  }
0x8a: {  	s1 =	srdreg.scid  }
0x8b: {  	s0 =	sand.u32 $0x1, s1  }
0x8c: {  	s17 =	sshll.u32 s0, $0xA;
	s2 =	sadd.s32 s3, s2  }
0x8d: {  	s2 =	sadd.s32 s2, s17  }
0x8e: {  	[smem:$0x3FBC] =	sst s2  }
0x8f: {  	_ = 	snop  }
0x90: {  	s2 =	sld [smem:$0x3FD0];
	(tm) =	ssettm $0x1  }
0x91: {  	s18 =	sld [smem:$0x3FFB];
	_ =	sdelay $0x3  }
0x92: {  	_ =	strace s18  }
0x93: {  	s3 =	sld [smem:$0x3FFC];
	_ =	sdelay $0x3  }
0x94: {  	_ =	strace s3  }
0x95: {  	s3 =	sld [smem:$0x3FFD];
	_ =	sdelay $0x3  }
0x96: {  	_ =	strace s3  }
0x97: {  	_ =	strace $0x8FFFFFFF  }
0x98: {  	s19 =	sld [smem:$0x3FDB];
	_ =	sdelay $0x1  }
0x99: {  	s4 =	simm.s32 $_scs_section_size  }
0x9a: {  	s5 =	simm.s32 $_size__tile_overlayer_lowered;
	s6 =	simm.s32 $_tile_overlayer_lowered  }
0x9b: {  	s22 =	simm.s32 $0x1BFF;
	s21 =	sshll.u32 s6, $0x1;
	s3 =	sadd.s32 s4, s19  }
0x9c: {  	s7 =	simm.s32 $0x0;
	s20 =	sshll.u32 s5, $0x1;
	s5 =	sadd.s32 s21, s3  }
0x9d: {  	[timem:s7], [sflag:s22] =	dma.local [hbm:s5], s20  }
0x9e: {  	_ =	swait.ge [sflag:s22], s20  }
0x9f: {  	s4 =	ssub.s32 $0x0, s20;
	[sflag:s22] =	ssyncset.done $0x0  }
0xa0: {  	[sflag:s22] =	ssyncadd.s32 s4;
	_ =	sdelay $0x1  }
0xa1: {  	s23 =	simm.s32 $0x1B8B  }
0xa2: {  	_ =	swait.ge [sflag:s23], $0x1  }
0xa3: {  	[sflag:s23] =	ssyncset.done $0x0  }
0xa4: {  	s25 =	simm.s32 $0x1B8E;
	s24 =	sld [smem:$0x3FFE];
	[sflag:s23] =	ssyncadd.s32 $0xFFFFFFFF  }
0xa5: {  	s26 =	simm.s32 $execute0_lowered;
	[smem:$0x3FD2] =	sst s25  }
0xa6: {  	s5 =	sshll.u32 s26, $0x1;
	_ =	strace $0x80000052;
	[dreg:$0x1] =	wrdreg $0xFFFFFFFF  }
0xa7: {  	s28 =	simm.s32 $_size_execute0_lowered;
	s3 =	sadd.s32 s3, s5;
	[dreg:$0x0] =	wrdreg $0x0  }
0xa8: {  	s5 =	sshll.u32 s28, $0x1;
	[dreg:$0x2] =	wrdreg s3  }
0xa9: {  	[dreg:$0x3] =	wrdreg s5  }
0xaa: {  	[dreg:$0x4] =	wrdreg $0xC0  }
0xab: {  	_ =	task [dreg:s7], $0x5FFFF  }
0xac: {  	[dreg:$0x1] =	wrdreg $0xFFFFFFFF  }
0xad: {  	[dreg:$0x0] =	wrdreg $0x60  }
0xae: {  	[dreg:$0x2] =	wrdreg s2  }
0xaf: {  	[dreg:$0x3] =	wrdreg s24  }
0xb0: {  	[dreg:$0x4] =	wrdreg $0xA  }
0xb1: {  	_ =	task.clear_ibuf [dreg:s7], $0x5FFFF;
	_ =	strace $0x90000052  }
0xb2: {  	s29 =	simm.s32 $0xA;
	_ =	strace $0x80000054  }
0xb3: {  	_ =	swait.ge [sflag:s29], $0x1  }
0xb4: {  	[sflag:s29] =	ssyncadd.s32 $0xFFFFFFFF  }
0xb5: {  	_ =	strace $0x90000054  }
0xb6: {  	_ =	sfence  }
0xb7: {  	s30 =	sld [smem:$0x0];
	_ =	sdelay $0x2  }
0xb8: {  	s31 =	sshll.u32 s1, $0xD;
	s1 =	sshrl.u32 s1, $0x2  }
0xb9: {  	s3 =	sand.u32 $0x4000, s31;
	s1 =	sadd.s32 s1, s30  }
0xba: {  	s0 =	sor.u32 s3, s0;
	s1 =	sshll.u32 s1, $0x11  }
0xbb: {  	s0 =	sor.u32 s1, s0  }
0xbc: {  	s0 =	sadd.s32 $0x8F2B, s0  }
0xbd: {  	[sflag:s0] =	ssyncadd.remote.s32 $0x1  }
0xbe: {  	_ =	sfence.sel $0xFFFF  }
0xbf: {  	[dreg:$0x0] =	wrdreg $0xFFFFFFFF;
	(pc) =	sbr.abs _section_cstart, $3  }
0xc0: {  	[dreg:$0x1] =	wrdreg $0xFFFFFFFF  }
0xc1: {  	_ =	task.clear_ibuf [dreg:s7], $0x2FFFF;
	_ =	strace $0x9FFFFFFF  }
0xc2: {  	(tm) =	ssettm $0x7FFFFFFF  }
0xc3: {  	_ =	shalt  }
tec
execute0_lowered:
.L_overlay_start_1:
0x0: {  	(tag) =	ssettag $0x1  }
0x1: {  	s1 =	srdreg.scid;
	s2 =	rddreg [dreg:$0x0]  }
0x2: {  	s0 =	stileid.u32;
	s4 =	rddreg [dreg:$0x1];
	s3 =	simm.s32 $0x0  }
0x3: {  	s11 =	simm.s32 $0x80;
	s12 =	simm.s32 $0x4080;
	s13 =	simm.s32 $0x4100  }
0x4: {  	s14 =	simm.s32 $0x1;
	s15 =	simm.s32 $0x2;
	s16 =	simm.s32 $0x0  }
0x5: {  	s6 =	sand.u32 $0x1, s1;
	s5 =	sshll.u32 s0, $0x8;
	s1 =	rddreg [dreg:$0x2]  }
0x6: {  	[smem:$0x7FF] =	sst s3;
	s26 =	sshll.u32 s0, $0xC;
	s9 =	sshll.u32 s0, $0x1  }
0x7: {  	s7 =	sshll.u32 s6, $0x7;
	_ =	strace $0x80000053;
	s8 =	ssub.s32 $0x2, s6  }
0x8: {  	s10 =	sadd.s32 s26, s4;
	s29 =	sor.u32 s6, s9;
	s30 =	sshll.u32 s6, $0xB  }
0x9: {  	s5 =	sor.u32 s7, s5;
	s28 =	sshrl.u32 s8, $0x1;
	p0 =	slt.u32 s29, $0x11  }
0xa: {  	s31 =	sadd.s32 s30, s10;
	s10 =	simm.s32 $0x3;
	s5 =	sshrl.u32 s5, $0x3  }
0xb: {  	s8 =	ssub.s32 s8, s28;
	s9 =	sadd.s32 $0x284200, s31;
	s25 =	sadd.s32 s5, s4  }
0xc: {  	s4 =	simm.s32 $0x14;
	s5 =	smax.u32 s8, $0x1;
	s8 =	sadd.s32 $0x36200, s31  }
0xd: {  	s4 =	simm.s32 @!p0 $0x13;
	s6 =	sadd.s32 $0x9200, s25;
	s7 =	sadd.s32 $0xBA00, s25  }
.LBB2_1:
0xe: {  	[tilespmem:s3], [sflag:$0x3] =	stream.linear.gather [hbm4b:s7+s3], $0x80, $0x38;
	[tilespmem:$0x8100] =	vst v63  }
0xf: {  	_ =	swait.ge [sflag:s10], $0x80  }
0x10: {  	[sflag:s10] =	ssyncset.done $0x0  }
0x11: {  	[sflag:s10] =	ssyncadd.s32 $0xFFFFFF80  }
0x12: {  	[tilespmem:s11], [sflag:$0x1] =	stream.indirect.gather [hbm4b:s2+s11], $0x80, s3, s11, $0xb8;
	[tilespmem:$0x8100] =	vst v63  }
0x13: {  	_ = 	snop  }
0x14: {  	[tilespmem:s12], [sflag:$0x3] =	stream.linear.gather [hbm4b:s6+s3], $0x80, $0x38;
	[tilespmem:$0x8100] =	vst v63  }
0x15: {  	_ =	swait.ge [sflag:s10], $0x80  }
0x16: {  	[sflag:s10] =	ssyncset.done $0x0  }
0x17: {  	[sflag:s10] =	ssyncadd.s32 $0xFFFFFF80  }
0x18: {  	[tilespmem:s13], [sflag:$0x2] =	stream.indirect.gather [hbm4b:s2+s11], $0x80, s12, s11, $0xb8;
	[tilespmem:$0x8100] =	vst v63  }
0x19: {  	_ =	swait.ge [sflag:s14], $0x4000  }
0x1a: {  	[sflag:s14] =	ssyncset.done $0x0  }
0x1b: {  	[sflag:s14] =	ssyncadd.s32 $0xFFFFC000  }
0x1c: {  	[hbm4b:s8+s3] =	stream.linear.scatter [tilespmem:s11], [sflag:$0x3], $0x4000, $0x38;
	[tilespmem:$0x8100] =	vst v63  }
0x1d: {  	_ =	swait.ge [sflag:s10], $0x4000  }
0x1e: {  	[sflag:s10] =	ssyncset.done $0x0  }
0x1f: {  	[sflag:s10] =	ssyncadd.s32 $0xFFFFC000  }
0x20: {  	p0 =	sne.s32 s4, $0x1;
	_ =	swait.ge [sflag:s15], $0x4000  }
.Ltmp0:
0x21: {  	[sflag:s15] =	ssyncset.done $0x0;
	(pc) =	sbr.rel @!p0 .LBB2_3-.Ltmp0, $4  }
0x22: {  	s17 =	sadd.s32 $0xFFFFFFFF, s4;
	[sflag:s15] =	ssyncadd.s32 $0xFFFFC000  }
0x23: {  	[hbm4b:s9+s3] =	stream.linear.scatter [tilespmem:s13], [sflag:$0x3], $0x4000, $0x38;
	[tilespmem:$0x8100] =	vst v63  }
0x24: {  	s18 =	sadd.s32 $0x10000, s8;
	s19 =	sadd.s32 $0x10000, s9;
	_ =	swait.ge [sflag:s10], $0x4000  }
0x25: {  	s20 =	smov.u32 s6;
	s21 =	smov.u32 s7;
	[sflag:s10] =	ssyncset.done $0x0  }
.LBB2_2:
0x26: {  	[sflag:s10] =	ssyncadd.s32 $0xFFFFC000;
	s20 =	sadd.s32 $0x200, s20;
	s21 =	sadd.s32 $0x200, s21  }
0x27: {  	[tilespmem:s3], [sflag:$0x3] =	stream.linear.gather [hbm4b:s21+s3], $0x80, $0x38;
	[tilespmem:$0x8100] =	vst v63  }
0x28: {  	p0 =	sne.s32 s17, $0x1;
	s17 =	sadd.s32 $0xFFFFFFFF, s17;
	_ =	swait.ge [sflag:s10], $0x80  }
0x29: {  	[sflag:s10] =	ssyncset.done $0x0  }
0x2a: {  	[sflag:s10] =	ssyncadd.s32 $0xFFFFFF80  }
0x2b: {  	[tilespmem:s11], [sflag:$0x1] =	stream.indirect.gather [hbm4b:s2+s11], $0x80, s3, s11, $0xb8;
	[tilespmem:$0x8100] =	vst v63  }
0x2c: {  	_ = 	snop  }
0x2d: {  	[tilespmem:s12], [sflag:$0x3] =	stream.linear.gather [hbm4b:s20+s3], $0x80, $0x38;
	[tilespmem:$0x8100] =	vst v63  }
0x2e: {  	_ =	swait.ge [sflag:s10], $0x80  }
0x2f: {  	[sflag:s10] =	ssyncset.done $0x0  }
0x30: {  	[sflag:s10] =	ssyncadd.s32 $0xFFFFFF80  }
0x31: {  	[tilespmem:s13], [sflag:$0x2] =	stream.indirect.gather [hbm4b:s2+s11], $0x80, s12, s11, $0xb8;
	[tilespmem:$0x8100] =	vst v63  }
0x32: {  	_ =	swait.ge [sflag:s14], $0x4000  }
0x33: {  	[sflag:s14] =	ssyncset.done $0x0  }
0x34: {  	[sflag:s14] =	ssyncadd.s32 $0xFFFFC000  }
0x35: {  	[hbm4b:s18+s3] =	stream.linear.scatter [tilespmem:s11], [sflag:$0x3], $0x4000, $0x38;
	[tilespmem:$0x8100] =	vst v63  }
0x36: {  	_ =	swait.ge [sflag:s10], $0x4000  }
0x37: {  	[sflag:s10] =	ssyncset.done $0x0  }
0x38: {  	[sflag:s10] =	ssyncadd.s32 $0xFFFFC000  }
0x39: {  	_ =	swait.ge [sflag:s15], $0x4000  }
.Ltmp1:
0x3a: {  	[sflag:s15] =	ssyncset.done $0x0;
	(pc) =	sbr.rel @p0 .LBB2_2-.Ltmp1, $4  }
0x3b: {  	[sflag:s15] =	ssyncadd.s32 $0xFFFFC000  }
0x3c: {  	[hbm4b:s19+s3] =	stream.linear.scatter [tilespmem:s13], [sflag:$0x3], $0x4000, $0x38;
	[tilespmem:$0x8100] =	vst v63  }
0x3d: {  	_ =	swait.ge [sflag:s10], $0x4000  }
0x3e: {  	s18 =	sadd.s32 $0x10000, s18;
	s19 =	sadd.s32 $0x10000, s19;
	[sflag:s10] =	ssyncset.done $0x0  }
.LBB2_3:
0x3f: {  	s16 =	sadd.s32 $0x1, s16  }
0x40: {  	p0 =	sne.s32 s16, s5  }
.Ltmp2:
0x41: {  	_ = 	snop;
	(pc) =	sbr.rel @p0 .LBB2_1-.Ltmp2, $2  }
0x42: {  	_ =	sdelay $0x2  }
0x43: {  	[sflag:s10] =	ssyncadd.s32 $0xFFFFC000  }
0x44: {  	_ =	sfence.sel $0x180000  }
0x45: {  	[bflag:$0x0] =	sbarrier.arrive $0xFFFF  }
0x46: {  	p0 =	sne.s32 s0, $0x0;
	_ =	strace $0x90000053  }
0x47: {  	s0 =	sadd.s32 @!p0 $0x100000, s1;
	[bflag:$0x2] =	sbarrier.arrive $0xFFFF  }
0x48: {  	[sflag:s0] =	ssyncadd.tile.s32 @!p0 $0x1;
	_ =	shalt  }
.Lfunc_end2:
_tile_overlayer_lowered:
.L_overlay_start_2:
0x49: {  	(tag) =	ssettag $0x2  }
0x4a: {  	s0 =	rddreg [dreg:$0x0];
	s2 =	stileid.u32  }
0x4b: {  	s1 =	rddreg [dreg:$0x1];
	p0 =	sne.s32 s2, $0x0  }
0x4c: {  	s3 =	rddreg [dreg:$0x2];
	[bflag:$0x3] =	sbarrier.arrive $0xFFFF;
	s2 =	simm.s32 @!p0 $0x1C03  }
0x4d: {  	[timem:s3], [sflag:s2] =	dma.local @!p0 [hbm:s0], s1  }
0x4e: {  	s0 =	simm.s32 @!p0 $0x3  }
0x4f: {  	_ =	swait.ge @!p0 [sflag:s0], s1  }
0x50: {  	s1 =	ssub.s32 @!p0 $0x0, s1;
	[sflag:s0] =	ssyncset.done @!p0 $0x0  }
0x51: {  	[sflag:s0] =	ssyncadd.s32 @!p0 s1  }
0x52: {  	[bflag:$0x3] =	sbarrier.arrive $0xFFFF  }
0x53: {  	_ =	shalt  }

// kernel: kernel.44.cloned.1.call-start
scs
__scs_entry_jumppad:
0x0: {  	(pc) =	sbr.rel $0x88, $3  }
0x1: {  	(tag) =	ssettag $0x0;
	lr =	simm.s32 $0x1  }
0x2: {  	[smem:$0x3F95] =	sst lr;
	_ =	strace $0xD0000000  }
0x3: {  	_ = 	snop  }
0x4: {  	_ = 	snop  }
0x5: {  	_ = 	snop  }
0x6: {  	_ = 	snop  }
0x7: {  	_ = 	snop  }
__scs_overlays_trampoline_lowered:
0x8: {  	[smem:$0x3FA4] =	sst s0  }
0x9: {  	[smem:$0x3FA5] =	sst s1  }
0xa: {  	[smem:$0x3FA6] =	sst s2  }
0xb: {  	[smem:$0x3FA7] =	sst s3  }
0xc: {  	[smem:$0x3FA8] =	sst s4  }
0xd: {  	[smem:$0x3FA9] =	sst s5  }
0xe: {  	[smem:$0x3FAA] =	sst s6  }
0xf: {  	[smem:$0x3FAB] =	sst s7  }
0x10: {  	[smem:$0x3FAC] =	sst s8  }
0x11: {  	[smem:$0x3FAD] =	sst s9;
	s0 =	simm.s32 @!p0 $0x0  }
0x12: {  	s1 =	sld [smem:$0x3F93];
	s0 =	simm.s32 @p0 $0x1  }
0x13: {  	[smem:$0x3FAE] =	sst s0;
	s0 =	simm.s32 @!p1 $0x0  }
0x14: {  	s2 =	sld [smem:$0x3F92];
	s0 =	simm.s32 @p1 $0x1  }
0x15: {  	[smem:$0x3FAF] =	sst s0;
	s0 =	simm.s32 @!p2 $0x0  }
0x16: {  	s3 =	sld [smem:$0x3FDB];
	s0 =	simm.s32 @p2 $0x1  }
0x17: {  	s4 =	simm.s32 $0x1BF5;
	[smem:$0x3FB1] =	sst s0  }
0x18: {  	s0 =	sld [smem:$0x3F94];
	_ =	swait.ge [sflag:s4], $0x0  }
0x19: {  	s7 =	sld [smem:$0x3F95]  }
0x1a: {  	s8 =	sadd.s32 $0xFFFFE003, lr  }
0x1b: {  	s9 =	sadd.s32 $0xFFFFFEF7, lr;
	s5 =	simm.s32 $0xFFFFFFFF;
	p2 =	slt.u32 s8, $0xFFFFF086  }
0x1c: {  	p1 =	slt.u32 s9, $0xF7A;
	s5 =	simm.s32 @!p2 $0x0  }
0x1d: {  	s5 =	simm.s32 @p1 $0x1;
	p0 =	seq.s32 s7, s2  }
0x1e: {  	s7 =	smul.u32 @!p0 $0xF7A, s2;
	p2 =	seq.s32 @!p0 s5, $0x0  }
0x1f: {  	s9 =	smul.u32 $0xF7A, s1;
	s8 =	simm.s32 @!p0 $0x1BF5;
	p2 =	por !p2, p0  }
0x20: {  	[sflag:s8] =	ssyncset.s32 @!p0 $0xFFFFF086;
	s6 =	sadd.s32 @!p0 s3, s7;
	s7 =	simm.s32 @!p0 $0x108  }
0x21: {  	s3 =	sadd.s32 s3, s9;
	s6 =	sadd.s32 @!p0 $0x88, s6;
	s7 =	simm.s32 @p2 $0x1082  }
0x22: {  	[simem:s7], [sflag:s8] =	dma.local @!p0 [hbm:s6], $0xF7A  }
0x23: {  	s9 =	sor.u32 $0xD0000000, s2;
	s6 =	simm.s32 $0x108;
	_ =	swait.ge @!p0 [sflag:s8], $0x0  }
0x24: {  	s3 =	sadd.s32 $0x88, s3;
	s6 =	simm.s32 @!p1 $0x1082;
	[sflag:s4] =	ssyncset.s32 $0xFFFFF086  }
0x25: {  	[simem:s6], [sflag:s4] =	dma.local [hbm:s3], $0xF7A  }
0x26: {  	[smem:$0x3F95] =	sst s1;
	(tag) =	ssettag s2;
	_ =	strace s9  }
0x27: {  	s1 =	sld [smem:$0x3FA5]  }
0x28: {  	s2 =	sld [smem:$0x3FA6]  }
0x29: {  	s4 =	sld [smem:$0x3FA8]  }
0x2a: {  	p0 =	seq.s32 s5, $0x0;
	s5 =	sld [smem:$0x3FA9]  }
0x2b: {  	s6 =	sld [smem:$0x3FAA]  }
0x2c: {  	s7 =	sld [smem:$0x3FAB]  }
0x2d: {  	s3 =	simm.s32 $0x108;
	s8 =	sld [smem:$0x3FAC]  }
0x2e: {  	s3 =	simm.s32 @!p0 $0x1082;
	s9 =	sld [smem:$0x3FAD]  }
0x2f: {  	lr =	sadd.s32 s0, s3;
	s0 =	sld [smem:$0x3FA4]  }
0x30: {  	s3 =	sld [smem:$0x3FA7]  }
0x31: {  	[smem:$0x3FB0] =	sst s10  }
0x32: {  	s10 =	sld [smem:$0x3FAE];
	_ =	sdelay $0x3  }
0x33: {  	p0 =	seq.s32 s10, $0x1;
	s10 =	sld [smem:$0x3FB0];
	_ =	sdelay $0x3  }
0x34: {  	[smem:$0x3FB0] =	sst s10  }
0x35: {  	s10 =	sld [smem:$0x3FAF];
	_ =	sdelay $0x3  }
0x36: {  	p1 =	seq.s32 s10, $0x1;
	s10 =	sld [smem:$0x3FB0];
	_ =	sdelay $0x3  }
0x37: {  	[smem:$0x3FB0] =	sst s10  }
0x38: {  	s10 =	sld [smem:$0x3FB1]  }
0x39: {  	_ = 	snop;
	(pc) =	sbr.ind lr, $3  }
0x3a: {  	_ = 	snop  }
0x3b: {  	_ = 	snop  }
0x3c: {  	p2 =	seq.s32 s10, $0x1;
	s10 =	sld [smem:$0x3FB0]  }
0x3d: {  	_ =	shalt  }
0x3e: {  	_ =	shalt  }
0x3f: {  	_ =	shalt  }
0x40: {  	_ =	shalt  }
0x41: {  	_ =	shalt  }
0x42: {  	_ =	shalt  }
0x43: {  	_ =	shalt  }
0x44: {  	_ =	shalt  }
0x45: {  	_ =	shalt  }
0x46: {  	_ =	shalt  }
0x47: {  	_ =	shalt  }
0x48: {  	_ =	shalt  }
0x49: {  	_ =	shalt  }
0x4a: {  	_ =	shalt  }
0x4b: {  	_ =	shalt  }
0x4c: {  	_ =	shalt  }
0x4d: {  	_ =	shalt  }
0x4e: {  	_ =	shalt  }
0x4f: {  	_ =	shalt  }
0x50: {  	_ =	shalt  }
0x51: {  	_ =	shalt  }
0x52: {  	_ =	shalt  }
0x53: {  	_ =	shalt  }
0x54: {  	_ =	shalt  }
0x55: {  	_ =	shalt  }
0x56: {  	_ =	shalt  }
0x57: {  	_ =	shalt  }
0x58: {  	_ =	shalt  }
0x59: {  	_ =	shalt  }
0x5a: {  	_ =	shalt  }
0x5b: {  	_ =	shalt  }
0x5c: {  	_ =	shalt  }
0x5d: {  	_ =	shalt  }
0x5e: {  	_ =	shalt  }
0x5f: {  	_ =	shalt  }
0x60: {  	_ =	shalt  }
0x61: {  	_ =	shalt  }
0x62: {  	_ =	shalt  }
0x63: {  	_ =	shalt  }
0x64: {  	_ =	shalt  }
0x65: {  	_ =	shalt  }
0x66: {  	_ =	shalt  }
0x67: {  	_ =	shalt  }
0x68: {  	_ =	shalt  }
0x69: {  	_ =	shalt  }
0x6a: {  	_ =	shalt  }
0x6b: {  	_ =	shalt  }
0x6c: {  	_ =	shalt  }
0x6d: {  	_ =	shalt  }
0x6e: {  	_ =	shalt  }
0x6f: {  	_ =	shalt  }
0x70: {  	_ =	shalt  }
0x71: {  	_ =	shalt  }
0x72: {  	_ =	shalt  }
0x73: {  	_ =	shalt  }
0x74: {  	_ =	shalt  }
0x75: {  	_ =	shalt  }
0x76: {  	_ =	shalt  }
0x77: {  	_ =	shalt  }
0x78: {  	_ =	shalt  }
0x79: {  	_ =	shalt  }
0x7a: {  	_ =	shalt  }
0x7b: {  	_ =	shalt  }
0x7c: {  	_ =	shalt  }
0x7d: {  	_ =	shalt  }
0x7e: {  	_ =	shalt  }
0x7f: {  	_ =	shalt  }
0x80: {  	_ =	shalt  }
0x81: {  	_ =	shalt  }
0x82: {  	_ =	shalt  }
0x83: {  	_ =	shalt  }
0x84: {  	_ =	shalt  }
0x85: {  	_ =	shalt  }
0x86: {  	_ =	shalt  }
0x87: {  	_ =	shalt  }
.Lfunc_end0:
.L_simem_size_0:
called_computation.7_lowered:
.L_overlay_start_0:
0x88: {  	s2 =	sld [smem:$0x3FD9]  }
0x89: {  	s3 =	sld [smem:$0x3FFE];
	_ =	sdelay $0x1  }
0x8a: {  	s1 =	srdreg.scid  }
0x8b: {  	s0 =	sand.u32 $0x1, s1  }
0x8c: {  	s17 =	sshll.u32 s0, $0xA;
	s2 =	sadd.s32 s3, s2  }
0x8d: {  	s2 =	sadd.s32 s2, s17  }
0x8e: {  	[smem:$0x3FBC] =	sst s2  }
0x8f: {  	_ = 	snop  }
0x90: {  	(tm) =	ssettm $0x1  }
0x91: {  	s18 =	sld [smem:$0x3FFB];
	_ =	sdelay $0x3  }
0x92: {  	_ =	strace s18  }
0x93: {  	s2 =	sld [smem:$0x3FFC];
	_ =	sdelay $0x3  }
0x94: {  	_ =	strace s2  }
0x95: {  	s2 =	sld [smem:$0x3FFD];
	_ =	sdelay $0x3  }
0x96: {  	_ =	strace s2  }
0x97: {  	_ =	strace $0x8FFFFFFF  }
0x98: {  	s19 =	sld [smem:$0x3FDB];
	_ =	sdelay $0x1  }
0x99: {  	s20 =	simm.s32 $_scs_section_size  }
0x9a: {  	s4 =	simm.s32 $_size__tile_overlayer_lowered;
	s5 =	simm.s32 $_tile_overlayer_lowered  }
0x9b: {  	s6 =	simm.s32 $0x1BFF;
	s21 =	sshll.u32 s5, $0x1;
	s3 =	sadd.s32 s20, s19  }
0x9c: {  	s22 =	simm.s32 $0x0;
	s4 =	sshll.u32 s4, $0x1;
	s5 =	sadd.s32 s21, s3  }
0x9d: {  	[timem:s22], [sflag:s6] =	dma.local [hbm:s5], s4  }
0x9e: {  	_ =	swait.ge [sflag:s6], s4  }
0x9f: {  	s4 =	ssub.s32 $0x0, s4;
	[sflag:s6] =	ssyncset.done $0x0  }
0xa0: {  	[sflag:s6] =	ssyncadd.s32 s4;
	_ =	sdelay $0x1  }
0xa1: {  	s23 =	simm.s32 $0x1B8B  }
0xa2: {  	_ =	swait.ge [sflag:s23], $0x1  }
0xa3: {  	[sflag:s23] =	ssyncset.done $0x0  }
0xa4: {  	[sflag:s23] =	ssyncadd.s32 $0xFFFFFFFF  }
0xa5: {  	s4 =	sld [smem:$0x0]  }
0xa6: {  	s5 =	sand.u32 $0xFFFFFFFE, s1  }
0xa7: {  	p0 =	sne.s32 s1, s5  }
0xa8: {  	s5 =	sshll.u32 @p0 s5, $0xE  }
0xa9: {  	s5 =	sadd.s32 @p0 $0x11B8D, s5;
	s6 =	sshll.u32 @p0 s4, $0x11  }
0xaa: {  	s5 =	sor.u32 @p0 s6, s5  }
0xab: {  	[sflag:s5] =	ssyncadd.remote.s32 @p0 $0x1;
	_ =	sdelay $0x1  }
0xac: {  	s5 =	simm.s32 @p0 $0x1B8D  }
0xad: {  	_ =	swait.eq @p0 [sflag:s5], $0x1  }
0xae: {  	[sflag:s5] =	ssyncadd.s32 @p0 $0xFFFFFFFF  }
0xaf: {  	s6 =	sshll.u32 @!p0 s1, $0xE  }
0xb0: {  	s6 =	sor.u32 @!p0 $0x4000, s6;
	s5 =	simm.s32 @!p0 $0x1B8D  }
0xb1: {  	s4 =	sshll.u32 @!p0 s4, $0x11;
	s6 =	sadd.s32 @!p0 $0x11B8D, s6;
	_ =	swait.eq @!p0 [sflag:s5], $0x1  }
0xb2: {  	s4 =	sor.u32 @!p0 s4, s6;
	[sflag:s5] =	ssyncadd.s32 @!p0 $0xFFFFFFFF  }
0xb3: {  	s25 =	simm.s32 $0x1B8E;
	s24 =	sld [smem:$0x3FFE];
	[sflag:s4] =	ssyncadd.remote.s32 @!p0 $0x1  }
0xb4: {  	s26 =	simm.s32 $execute0_lowered;
	[smem:$0x3FD2] =	sst s25  }
0xb5: {  	s5 =	sshll.u32 s26, $0x1;
	_ =	strace $0x80000058;
	[dreg:$0x1] =	wrdreg $0xFFFFFFFF  }
0xb6: {  	s28 =	simm.s32 $_size_execute0_lowered;
	s3 =	sadd.s32 s3, s5;
	[dreg:$0x0] =	wrdreg $0x0  }
0xb7: {  	s5 =	sshll.u32 s28, $0x1;
	[dreg:$0x2] =	wrdreg s3  }
0xb8: {  	[dreg:$0x3] =	wrdreg s5  }
0xb9: {  	[dreg:$0x4] =	wrdreg $0xC0  }
0xba: {  	_ =	task [dreg:s22], $0x5FFFF  }
0xbb: {  	[dreg:$0x1] =	wrdreg $0xFFFFFFFF  }
0xbc: {  	[dreg:$0x0] =	wrdreg $0x60  }
0xbd: {  	[dreg:$0x2] =	wrdreg s24  }
0xbe: {  	[dreg:$0x3] =	wrdreg $0x40800  }
0xbf: {  	[dreg:$0x4] =	wrdreg $0xA  }
0xc0: {  	_ =	task.clear_ibuf [dreg:s22], $0x5FFFF;
	_ =	strace $0x90000058  }
0xc1: {  	s29 =	simm.s32 $0xA;
	_ =	strace $0x8000005A  }
0xc2: {  	_ =	swait.ge [sflag:s29], $0x1  }
0xc3: {  	[sflag:s29] =	ssyncadd.s32 $0xFFFFFFFF  }
0xc4: {  	_ =	strace $0x9000005A  }
0xc5: {  	_ =	sfence  }
0xc6: {  	s30 =	sld [smem:$0x0];
	_ =	sdelay $0x2  }
0xc7: {  	s31 =	sshll.u32 s1, $0xD;
	s1 =	sshrl.u32 s1, $0x2  }
0xc8: {  	s4 =	sand.u32 $0x4000, s31;
	s1 =	sadd.s32 s1, s30  }
0xc9: {  	s0 =	sor.u32 s4, s0;
	s1 =	sshll.u32 s1, $0x11  }
0xca: {  	s0 =	sor.u32 s1, s0  }
0xcb: {  	s0 =	sadd.s32 $0x8F2B, s0  }
0xcc: {  	[sflag:s0] =	ssyncadd.remote.s32 $0x1  }
0xcd: {  	_ =	sfence.sel $0xFFFF  }
0xce: {  	[dreg:$0x0] =	wrdreg $0xFFFFFFFF;
	(pc) =	sbr.abs _section_cstart, $3  }
0xcf: {  	[dreg:$0x1] =	wrdreg $0xFFFFFFFF  }
0xd0: {  	_ =	task.clear_ibuf [dreg:s22], $0x2FFFF;
	_ =	strace $0x9FFFFFFF  }
0xd1: {  	(tm) =	ssettm $0x7FFFFFFF  }
tec
execute0_lowered:
.L_overlay_start_1:
0x0: {  	(tag) =	ssettag $0x1  }
0x1: {  	s4 =	rddreg [dreg:$0x0]  }
0x2: {  	s1 =	rddreg [dreg:$0x1]  }
0x3: {  	s0 =	rddreg [dreg:$0x2];
	s3 =	simm.s32 $0x0;
	s5 =	srdreg.scid  }
0x4: {  	s2 =	stileid.u32;
	[smem:$0x7FF] =	sst s3;
	s7 =	sand.u32 $0x1, s5  }
0x5: {  	s22 =	sshll.u32 s2, $0x8;
	s8 =	smul.u32 $0x14000, s2;
	s9 =	sshll.u32 s2, $0xC  }
0x6: {  	s12 =	sshll.u32 s2, $0x1;
	s13 =	smul.u32 $0x50000, s2;
	s30 =	sshll.u32 s2, $0x6  }
0x7: {  	s6 =	sshll.u32 s7, $0x7;
	s23 =	smul.u32 $0x140000, s7;
	_ =	strace $0x80000059  }
0x8: {  	s9 =	sadd.s32 s9, s4;
	s25 =	ssub.s32 $0x2, s7;
	s26 =	sor.u32 s7, s12  }
0x9: {  	s31 =	sshll.u32 s7, $0xB;
	s12 =	simm.s32 $0x1;
	s5 =	sor.u32 s6, s22  }
0xa: {  	s24 =	sshrl.u32 s8, $0x3;
	s11 =	sshrl.u32 s25, $0x1;
	p0 =	slt.u32 s26, $0x11  }
0xb: {  	s28 =	sshrl.u32 s13, $0x2;
	s9 =	sadd.s32 s31, s9;
	s13 =	simm.s32 $0x80  }
0xc: {  	s5 =	sshrl.u32 s5, $0x3;
	s6 =	sadd.s32 s8, s23;
	s8 =	ssub.s32 s25, s11  }
0xd: {  	s29 =	sadd.s32 s28, s1;
	s9 =	sadd.s32 $0x774E00, s9;
	s10 =	sadd.s32 s5, s4  }
0xe: {  	s5 =	sadd.s32 s24, s4;
	s6 =	sshrl.u32 s6, $0x3;
	s8 =	smax.u32 s8, $0x1  }
0xf: {  	s11 =	sshrl.u32 s29, $0x3;
	s14 =	sadd.s32 s6, s4;
	s4 =	simm.s32 $0x14  }
0x10: {  	s5 =	sadd.s32 $0xE200, s5;
	s6 =	sor.u32 $0x1C01, s30;
	s10 =	sadd.s32 $0xBA00, s10  }
0x11: {  	s4 =	simm.s32 @!p0 $0x13;
	s7 =	sadd.s32 $0x215200, s14;
	s14 =	simm.s32 $0x0  }
.LBB2_1:
0x12: {  	[spmem:s11], [sflag:s6] =	dma.local [hbm:s5], $0x2800  }
0x13: {  	_ =	swait.ge [sflag:s12], $0x2800  }
0x14: {  	[sflag:s12] =	ssyncset.done $0x0  }
0x15: {  	[sflag:s12] =	ssyncadd.s32 $0xFFFFD800  }
0x16: {  	[bflag:$0x0] =	sbarrier.arrive $0xFFFF  }
0x17: {  	[tilespmem:s13], [sflag:$0x1] =	stream.linear.gather [hbm4b:s9+s3], $0x4000, $0x38;
	[tilespmem:$0x18080] =	vst v63  }
0x18: {  	_ =	swait.ge [sflag:s12], $0x4000  }
0x19: {  	[sflag:s12] =	ssyncset.done $0x0  }
0x1a: {  	[sflag:s12] =	ssyncadd.s32 $0xFFFFC000  }
0x1b: {  	[tilespmem:s3], [sflag:$0x1] =	stream.linear.gather [hbm4b:s10+s3], $0x80, $0x38;
	[tilespmem:$0x18080] =	vst v63  }
0x1c: {  	p0 =	sne.s32 s4, $0x1;
	_ =	swait.ge [sflag:s12], $0x80  }
.Ltmp0:
0x1d: {  	[sflag:s12] =	ssyncset.done $0x0;
	(pc) =	sbr.rel @!p0 .LBB2_3-.Ltmp0, $4  }
0x1e: {  	[sflag:s12] =	ssyncadd.s32 $0xFFFFFF80  }
0x1f: {  	[spmem:s1] =	stream.indirect.scatter.add.f32 [tilespmem:s13], [sflag:$0x1], $0x80, s3, s13, $0xb8;
	[tilespmem:$0x18080] =	vst v63  }
0x20: {  	s15 =	sadd.s32 $0xFFFFFFFF, s4;
	_ =	swait.ge [sflag:s12], $0x4000  }
0x21: {  	s16 =	smov.u32 s9;
	s17 =	smov.u32 s10;
	[sflag:s12] =	ssyncset.done $0x0  }
.LBB2_2:
0x22: {  	[sflag:s12] =	ssyncadd.s32 $0xFFFFC000;
	s16 =	sadd.s32 $0x10000, s16;
	s17 =	sadd.s32 $0x200, s17  }
0x23: {  	[tilespmem:s13], [sflag:$0x1] =	stream.linear.gather [hbm4b:s16+s3], $0x4000, $0x38;
	[tilespmem:$0x18080] =	vst v63  }
0x24: {  	p0 =	sne.s32 s15, $0x1;
	s15 =	sadd.s32 $0xFFFFFFFF, s15;
	_ =	swait.ge [sflag:s12], $0x4000  }
0x25: {  	[sflag:s12] =	ssyncset.done $0x0  }
0x26: {  	[sflag:s12] =	ssyncadd.s32 $0xFFFFC000  }
0x27: {  	[tilespmem:s3], [sflag:$0x1] =	stream.linear.gather [hbm4b:s17+s3], $0x80, $0x38;
	[tilespmem:$0x18080] =	vst v63  }
0x28: {  	_ =	swait.ge [sflag:s12], $0x80  }
.Ltmp1:
0x29: {  	[sflag:s12] =	ssyncset.done $0x0;
	(pc) =	sbr.rel @p0 .LBB2_2-.Ltmp1, $4  }
0x2a: {  	[sflag:s12] =	ssyncadd.s32 $0xFFFFFF80  }
0x2b: {  	[spmem:s1] =	stream.indirect.scatter.add.f32 [tilespmem:s13], [sflag:$0x1], $0x80, s3, s13, $0xb8;
	[tilespmem:$0x18080] =	vst v63  }
0x2c: {  	_ =	swait.ge [sflag:s12], $0x4000  }
0x2d: {  	[sflag:s12] =	ssyncset.done $0x0  }
.LBB2_3:
0x2e: {  	s14 =	sadd.s32 $0x1, s14  }
0x2f: {  	[sflag:s12] =	ssyncadd.s32 $0xFFFFC000;
	p0 =	sne.s32 s14, s8  }
.Ltmp2:
0x30: {  	[bflag:$0x0] =	sbarrier.arrive $0xFFFF;
	(pc) =	sbr.rel @p0 .LBB2_1-.Ltmp2, $4  }
0x31: {  	[hbm:s7], [sflag:s6] =	dma.local [spmem:s11], $0x2800  }
0x32: {  	_ =	swait.ge [sflag:s12], $0x2800  }
0x33: {  	[sflag:s12] =	ssyncset.done $0x0  }
0x34: {  	[sflag:s12] =	ssyncadd.s32 $0xFFFFD800  }
0x35: {  	_ =	sfence.sel $0x180000  }
0x36: {  	[bflag:$0x0] =	sbarrier.arrive $0xFFFF  }
0x37: {  	p0 =	sne.s32 s2, $0x0;
	_ =	strace $0x90000059  }
0x38: {  	s0 =	sadd.s32 @!p0 $0x100000, s0;
	[bflag:$0x2] =	sbarrier.arrive $0xFFFF  }
0x39: {  	[sflag:s0] =	ssyncadd.tile.s32 @!p0 $0x1;
	_ =	shalt  }
.Lfunc_end2:
_tile_overlayer_lowered:
.L_overlay_start_2:
0x3a: {  	(tag) =	ssettag $0x2  }
0x3b: {  	s0 =	rddreg [dreg:$0x0];
	s2 =	stileid.u32  }
0x3c: {  	s1 =	rddreg [dreg:$0x1];
	p0 =	sne.s32 s2, $0x0  }
0x3d: {  	s3 =	rddreg [dreg:$0x2];
	[bflag:$0x3] =	sbarrier.arrive $0xFFFF;
	s2 =	simm.s32 @!p0 $0x1C01  }
0x3e: {  	[timem:s3], [sflag:s2] =	dma.local @!p0 [hbm:s0], s1  }
0x3f: {  	s0 =	simm.s32 @!p0 $0x1  }
0x40: {  	_ =	swait.ge @!p0 [sflag:s0], s1  }
0x41: {  	s1 =	ssub.s32 @!p0 $0x0, s1;
	[sflag:s0] =	ssyncset.done @!p0 $0x0  }
0x42: {  	[sflag:s0] =	ssyncadd.s32 @!p0 s1  }
0x43: {  	[bflag:$0x3] =	sbarrier.arrive $0xFFFF  }
0x44: {  	_ =	shalt  }

// kernel: kernel.47.cloned.1.call-start
scs
__scs_entry_jumppad:
0x0: {  	(pc) =	sbr.rel $0x88, $3  }
0x1: {  	(tag) =	ssettag $0x0;
	lr =	simm.s32 $0x1  }
0x2: {  	[smem:$0x3F95] =	sst lr;
	_ =	strace $0xD0000000  }
0x3: {  	_ = 	snop  }
0x4: {  	_ = 	snop  }
0x5: {  	_ = 	snop  }
0x6: {  	_ = 	snop  }
0x7: {  	_ = 	snop  }
__scs_overlays_trampoline_lowered:
0x8: {  	[smem:$0x3FA4] =	sst s0  }
0x9: {  	[smem:$0x3FA5] =	sst s1  }
0xa: {  	[smem:$0x3FA6] =	sst s2  }
0xb: {  	[smem:$0x3FA7] =	sst s3  }
0xc: {  	[smem:$0x3FA8] =	sst s4  }
0xd: {  	[smem:$0x3FA9] =	sst s5  }
0xe: {  	[smem:$0x3FAA] =	sst s6  }
0xf: {  	[smem:$0x3FAB] =	sst s7  }
0x10: {  	[smem:$0x3FAC] =	sst s8  }
0x11: {  	[smem:$0x3FAD] =	sst s9;
	s0 =	simm.s32 @!p0 $0x0  }
0x12: {  	s1 =	sld [smem:$0x3F93];
	s0 =	simm.s32 @p0 $0x1  }
0x13: {  	[smem:$0x3FAE] =	sst s0;
	s0 =	simm.s32 @!p1 $0x0  }
0x14: {  	s2 =	sld [smem:$0x3F92];
	s0 =	simm.s32 @p1 $0x1  }
0x15: {  	[smem:$0x3FAF] =	sst s0;
	s0 =	simm.s32 @!p2 $0x0  }
0x16: {  	s3 =	sld [smem:$0x3FDB];
	s0 =	simm.s32 @p2 $0x1  }
0x17: {  	s4 =	simm.s32 $0x1BF5;
	[smem:$0x3FB1] =	sst s0  }
0x18: {  	s0 =	sld [smem:$0x3F94];
	_ =	swait.ge [sflag:s4], $0x0  }
0x19: {  	s7 =	sld [smem:$0x3F95]  }
0x1a: {  	s8 =	sadd.s32 $0xFFFFE003, lr  }
0x1b: {  	s9 =	sadd.s32 $0xFFFFFEF7, lr;
	s5 =	simm.s32 $0xFFFFFFFF;
	p2 =	slt.u32 s8, $0xFFFFF086  }
0x1c: {  	p1 =	slt.u32 s9, $0xF7A;
	s5 =	simm.s32 @!p2 $0x0  }
0x1d: {  	s5 =	simm.s32 @p1 $0x1;
	p0 =	seq.s32 s7, s2  }
0x1e: {  	s7 =	smul.u32 @!p0 $0xF7A, s2;
	p2 =	seq.s32 @!p0 s5, $0x0  }
0x1f: {  	s9 =	smul.u32 $0xF7A, s1;
	s8 =	simm.s32 @!p0 $0x1BF5;
	p2 =	por !p2, p0  }
0x20: {  	[sflag:s8] =	ssyncset.s32 @!p0 $0xFFFFF086;
	s6 =	sadd.s32 @!p0 s3, s7;
	s7 =	simm.s32 @!p0 $0x108  }
0x21: {  	s3 =	sadd.s32 s3, s9;
	s6 =	sadd.s32 @!p0 $0x88, s6;
	s7 =	simm.s32 @p2 $0x1082  }
0x22: {  	[simem:s7], [sflag:s8] =	dma.local @!p0 [hbm:s6], $0xF7A  }
0x23: {  	s9 =	sor.u32 $0xD0000000, s2;
	s6 =	simm.s32 $0x108;
	_ =	swait.ge @!p0 [sflag:s8], $0x0  }
0x24: {  	s3 =	sadd.s32 $0x88, s3;
	s6 =	simm.s32 @!p1 $0x1082;
	[sflag:s4] =	ssyncset.s32 $0xFFFFF086  }
0x25: {  	[simem:s6], [sflag:s4] =	dma.local [hbm:s3], $0xF7A  }
0x26: {  	[smem:$0x3F95] =	sst s1;
	(tag) =	ssettag s2;
	_ =	strace s9  }
0x27: {  	s1 =	sld [smem:$0x3FA5]  }
0x28: {  	s2 =	sld [smem:$0x3FA6]  }
0x29: {  	s4 =	sld [smem:$0x3FA8]  }
0x2a: {  	p0 =	seq.s32 s5, $0x0;
	s5 =	sld [smem:$0x3FA9]  }
0x2b: {  	s6 =	sld [smem:$0x3FAA]  }
0x2c: {  	s7 =	sld [smem:$0x3FAB]  }
0x2d: {  	s3 =	simm.s32 $0x108;
	s8 =	sld [smem:$0x3FAC]  }
0x2e: {  	s3 =	simm.s32 @!p0 $0x1082;
	s9 =	sld [smem:$0x3FAD]  }
0x2f: {  	lr =	sadd.s32 s0, s3;
	s0 =	sld [smem:$0x3FA4]  }
0x30: {  	s3 =	sld [smem:$0x3FA7]  }
0x31: {  	[smem:$0x3FB0] =	sst s10  }
0x32: {  	s10 =	sld [smem:$0x3FAE];
	_ =	sdelay $0x3  }
0x33: {  	p0 =	seq.s32 s10, $0x1;
	s10 =	sld [smem:$0x3FB0];
	_ =	sdelay $0x3  }
0x34: {  	[smem:$0x3FB0] =	sst s10  }
0x35: {  	s10 =	sld [smem:$0x3FAF];
	_ =	sdelay $0x3  }
0x36: {  	p1 =	seq.s32 s10, $0x1;
	s10 =	sld [smem:$0x3FB0];
	_ =	sdelay $0x3  }
0x37: {  	[smem:$0x3FB0] =	sst s10  }
0x38: {  	s10 =	sld [smem:$0x3FB1]  }
0x39: {  	_ = 	snop;
	(pc) =	sbr.ind lr, $3  }
0x3a: {  	_ = 	snop  }
0x3b: {  	_ = 	snop  }
0x3c: {  	p2 =	seq.s32 s10, $0x1;
	s10 =	sld [smem:$0x3FB0]  }
0x3d: {  	_ =	shalt  }
0x3e: {  	_ =	shalt  }
0x3f: {  	_ =	shalt  }
0x40: {  	_ =	shalt  }
0x41: {  	_ =	shalt  }
0x42: {  	_ =	shalt  }
0x43: {  	_ =	shalt  }
0x44: {  	_ =	shalt  }
0x45: {  	_ =	shalt  }
0x46: {  	_ =	shalt  }
0x47: {  	_ =	shalt  }
0x48: {  	_ =	shalt  }
0x49: {  	_ =	shalt  }
0x4a: {  	_ =	shalt  }
0x4b: {  	_ =	shalt  }
0x4c: {  	_ =	shalt  }
0x4d: {  	_ =	shalt  }
0x4e: {  	_ =	shalt  }
0x4f: {  	_ =	shalt  }
0x50: {  	_ =	shalt  }
0x51: {  	_ =	shalt  }
0x52: {  	_ =	shalt  }
0x53: {  	_ =	shalt  }
0x54: {  	_ =	shalt  }
0x55: {  	_ =	shalt  }
0x56: {  	_ =	shalt  }
0x57: {  	_ =	shalt  }
0x58: {  	_ =	shalt  }
0x59: {  	_ =	shalt  }
0x5a: {  	_ =	shalt  }
0x5b: {  	_ =	shalt  }
0x5c: {  	_ =	shalt  }
0x5d: {  	_ =	shalt  }
0x5e: {  	_ =	shalt  }
0x5f: {  	_ =	shalt  }
0x60: {  	_ =	shalt  }
0x61: {  	_ =	shalt  }
0x62: {  	_ =	shalt  }
0x63: {  	_ =	shalt  }
0x64: {  	_ =	shalt  }
0x65: {  	_ =	shalt  }
0x66: {  	_ =	shalt  }
0x67: {  	_ =	shalt  }
0x68: {  	_ =	shalt  }
0x69: {  	_ =	shalt  }
0x6a: {  	_ =	shalt  }
0x6b: {  	_ =	shalt  }
0x6c: {  	_ =	shalt  }
0x6d: {  	_ =	shalt  }
0x6e: {  	_ =	shalt  }
0x6f: {  	_ =	shalt  }
0x70: {  	_ =	shalt  }
0x71: {  	_ =	shalt  }
0x72: {  	_ =	shalt  }
0x73: {  	_ =	shalt  }
0x74: {  	_ =	shalt  }
0x75: {  	_ =	shalt  }
0x76: {  	_ =	shalt  }
0x77: {  	_ =	shalt  }
0x78: {  	_ =	shalt  }
0x79: {  	_ =	shalt  }
0x7a: {  	_ =	shalt  }
0x7b: {  	_ =	shalt  }
0x7c: {  	_ =	shalt  }
0x7d: {  	_ =	shalt  }
0x7e: {  	_ =	shalt  }
0x7f: {  	_ =	shalt  }
0x80: {  	_ =	shalt  }
0x81: {  	_ =	shalt  }
0x82: {  	_ =	shalt  }
0x83: {  	_ =	shalt  }
0x84: {  	_ =	shalt  }
0x85: {  	_ =	shalt  }
0x86: {  	_ =	shalt  }
0x87: {  	_ =	shalt  }
.Lfunc_end0:
.L_simem_size_0:
called_computation.8_lowered:
.L_overlay_start_0:
0x88: {  	s2 =	sld [smem:$0x3FD9]  }
0x89: {  	s3 =	sld [smem:$0x3FFE];
	_ =	sdelay $0x1  }
0x8a: {  	s1 =	srdreg.scid  }
0x8b: {  	s0 =	sand.u32 $0x1, s1  }
0x8c: {  	s17 =	sshll.u32 s0, $0xA;
	s2 =	sadd.s32 s3, s2  }
0x8d: {  	s2 =	sadd.s32 s2, s17  }
0x8e: {  	[smem:$0x3FBC] =	sst s2  }
0x8f: {  	_ = 	snop  }
0x90: {  	s18 =	sld [smem:$0x3FD0];
	(tm) =	ssettm $0x1  }
0x91: {  	s19 =	sld [smem:$0x3FFB];
	_ =	sdelay $0x3  }
0x92: {  	_ =	strace s19  }
0x93: {  	s2 =	sld [smem:$0x3FFC];
	_ =	sdelay $0x3  }
0x94: {  	_ =	strace s2  }
0x95: {  	s2 =	sld [smem:$0x3FFD];
	_ =	sdelay $0x3  }
0x96: {  	_ =	strace s2  }
0x97: {  	_ =	strace $0x8FFFFFFF  }
0x98: {  	s20 =	sld [smem:$0x3FDB];
	_ =	sdelay $0x1  }
0x99: {  	s4 =	simm.s32 $_scs_section_size  }
0x9a: {  	s5 =	simm.s32 $_size__tile_overlayer_lowered;
	s6 =	simm.s32 $_tile_overlayer_lowered  }
0x9b: {  	s7 =	simm.s32 $0x1BFF;
	s21 =	sshll.u32 s6, $0x1;
	s4 =	sadd.s32 s4, s20  }
0x9c: {  	s22 =	simm.s32 $0x0;
	s5 =	sshll.u32 s5, $0x1;
	s6 =	sadd.s32 s21, s4  }
0x9d: {  	[timem:s22], [sflag:s7] =	dma.local [hbm:s6], s5  }
0x9e: {  	_ =	swait.ge [sflag:s7], s5  }
0x9f: {  	s5 =	ssub.s32 $0x0, s5;
	[sflag:s7] =	ssyncset.done $0x0  }
0xa0: {  	[sflag:s7] =	ssyncadd.s32 s5;
	_ =	sdelay $0x1  }
0xa1: {  	s23 =	simm.s32 $0x1B8B  }
0xa2: {  	_ =	swait.ge [sflag:s23], $0x1  }
0xa3: {  	[sflag:s23] =	ssyncset.done $0x0  }
0xa4: {  	[sflag:s23] =	ssyncadd.s32 $0xFFFFFFFF  }
0xa5: {  	s5 =	sld [smem:$0x0]  }
0xa6: {  	s6 =	sand.u32 $0xFFFFFFFE, s1  }
0xa7: {  	p0 =	sne.s32 s1, s6  }
0xa8: {  	s6 =	sshll.u32 @p0 s6, $0xE  }
0xa9: {  	s6 =	sadd.s32 @p0 $0x11B8D, s6;
	s7 =	sshll.u32 @p0 s5, $0x11  }
0xaa: {  	s6 =	sor.u32 @p0 s7, s6  }
0xab: {  	[sflag:s6] =	ssyncadd.remote.s32 @p0 $0x1;
	_ =	sdelay $0x1  }
0xac: {  	s6 =	simm.s32 @p0 $0x1B8D  }
0xad: {  	_ =	swait.eq @p0 [sflag:s6], $0x1  }
0xae: {  	[sflag:s6] =	ssyncadd.s32 @p0 $0xFFFFFFFF  }
0xaf: {  	s7 =	sshll.u32 @!p0 s1, $0xE  }
0xb0: {  	s7 =	sor.u32 @!p0 $0x4000, s7;
	s6 =	simm.s32 @!p0 $0x1B8D  }
0xb1: {  	s5 =	sshll.u32 @!p0 s5, $0x11;
	s7 =	sadd.s32 @!p0 $0x11B8D, s7;
	_ =	swait.eq @!p0 [sflag:s6], $0x1  }
0xb2: {  	s5 =	sor.u32 @!p0 s5, s7;
	[sflag:s6] =	ssyncadd.s32 @!p0 $0xFFFFFFFF  }
0xb3: {  	s25 =	simm.s32 $0x1B8E;
	s24 =	sld [smem:$0x3FFE];
	[sflag:s5] =	ssyncadd.remote.s32 @!p0 $0x1  }
0xb4: {  	s26 =	simm.s32 $execute0_lowered;
	[smem:$0x3FD2] =	sst s25  }
0xb5: {  	s6 =	sshll.u32 s26, $0x1;
	_ =	strace $0x80000061;
	[dreg:$0x1] =	wrdreg $0xFFFFFFFF  }
0xb6: {  	s28 =	simm.s32 $_size_execute0_lowered;
	s4 =	sadd.s32 s4, s6;
	[dreg:$0x0] =	wrdreg $0x0  }
0xb7: {  	s6 =	sshll.u32 s28, $0x1;
	[dreg:$0x2] =	wrdreg s4  }
0xb8: {  	[dreg:$0x3] =	wrdreg s6  }
0xb9: {  	[dreg:$0x4] =	wrdreg $0xC0  }
0xba: {  	_ =	task [dreg:s22], $0x5FFFF  }
0xbb: {  	[dreg:$0x1] =	wrdreg $0xFFFFFFFF  }
0xbc: {  	[dreg:$0x0] =	wrdreg $0x60  }
0xbd: {  	[dreg:$0x2] =	wrdreg s18  }
0xbe: {  	[dreg:$0x3] =	wrdreg s24  }
0xbf: {  	[dreg:$0x4] =	wrdreg $0x9  }
0xc0: {  	_ =	task.clear_ibuf [dreg:s22], $0x5FFFF;
	_ =	strace $0x90000061  }
0xc1: {  	s29 =	simm.s32 $0x9;
	_ =	strace $0x80000063  }
0xc2: {  	_ =	swait.ge [sflag:s29], $0x1  }
0xc3: {  	[sflag:s29] =	ssyncadd.s32 $0xFFFFFFFF  }
0xc4: {  	_ =	strace $0x90000063  }
0xc5: {  	_ =	sfence  }
0xc6: {  	s30 =	sld [smem:$0x0];
	_ =	sdelay $0x2  }
0xc7: {  	s31 =	sshll.u32 s1, $0xD;
	s1 =	sshrl.u32 s1, $0x2  }
0xc8: {  	s4 =	sand.u32 $0x4000, s31;
	s1 =	sadd.s32 s1, s30  }
0xc9: {  	s0 =	sor.u32 s4, s0;
	s1 =	sshll.u32 s1, $0x11  }
0xca: {  	s0 =	sor.u32 s1, s0  }
0xcb: {  	s0 =	sadd.s32 $0x8F2B, s0  }
0xcc: {  	[sflag:s0] =	ssyncadd.remote.s32 $0x1  }
0xcd: {  	_ =	sfence.sel $0xFFFF  }
0xce: {  	[dreg:$0x0] =	wrdreg $0xFFFFFFFF;
	(pc) =	sbr.abs _section_cstart, $3  }
0xcf: {  	[dreg:$0x1] =	wrdreg $0xFFFFFFFF  }
0xd0: {  	_ =	task.clear_ibuf [dreg:s22], $0x2FFFF;
	_ =	strace $0x9FFFFFFF  }
0xd1: {  	(tm) =	ssettm $0x7FFFFFFF  }
tec
execute0_lowered:
.L_overlay_start_1:
0x0: {  	(tag) =	ssettag $0x1  }
0x1: {  	s1 =	srdreg.scid;
	s2 =	rddreg [dreg:$0x0]  }
0x2: {  	s0 =	stileid.u32;
	s4 =	rddreg [dreg:$0x1];
	s3 =	simm.s32 $0x0  }
0x3: {  	s11 =	simm.s32 $0x80;
	s12 =	simm.s32 $0x4080;
	s13 =	simm.s32 $0x4100  }
0x4: {  	s14 =	simm.s32 $0x1;
	s15 =	simm.s32 $0x2;
	s16 =	simm.s32 $0x0  }
0x5: {  	s6 =	sand.u32 $0x1, s1;
	s5 =	sshll.u32 s0, $0x8;
	s1 =	rddreg [dreg:$0x2]  }
0x6: {  	[smem:$0x7FF] =	sst s3;
	s26 =	sshll.u32 s0, $0xC;
	s9 =	sshll.u32 s0, $0x1  }
0x7: {  	s7 =	sshll.u32 s6, $0x7;
	_ =	strace $0x80000062;
	s8 =	ssub.s32 $0x2, s6  }
0x8: {  	s10 =	sadd.s32 s26, s4;
	s29 =	sor.u32 s6, s9;
	s30 =	sshll.u32 s6, $0xB  }
0x9: {  	s5 =	sor.u32 s7, s5;
	s28 =	sshrl.u32 s8, $0x1;
	p0 =	slt.u32 s29, $0x11  }
0xa: {  	s31 =	sadd.s32 s30, s10;
	s5 =	sshrl.u32 s5, $0x3;
	s8 =	ssub.s32 s8, s28  }
0xb: {  	s9 =	sadd.s32 $0x63C600, s31;
	s25 =	sadd.s32 s5, s4;
	s4 =	simm.s32 $0x14  }
0xc: {  	s5 =	smax.u32 s8, $0x1;
	s8 =	sadd.s32 $0x3BCA00, s31;
	s4 =	simm.s32 @!p0 $0x13  }
0xd: {  	s10 =	simm.s32 $0x3;
	s6 =	sadd.s32 $0x27F200, s25;
	s7 =	sadd.s32 $0x281A00, s25  }
.LBB2_1:
0xe: {  	[tilespmem:s3], [sflag:$0x3] =	stream.linear.gather [hbm4b:s7+s3], $0x80, $0x38;
	[tilespmem:$0x8100] =	vst v63  }
0xf: {  	_ =	swait.ge [sflag:s10], $0x80  }
0x10: {  	[sflag:s10] =	ssyncset.done $0x0  }
0x11: {  	[sflag:s10] =	ssyncadd.s32 $0xFFFFFF80  }
0x12: {  	[tilespmem:s11], [sflag:$0x1] =	stream.indirect.gather [hbm4b:s2+s11], $0x80, s3, s11, $0xb8;
	[tilespmem:$0x8100] =	vst v63  }
0x13: {  	_ = 	snop  }
0x14: {  	[tilespmem:s12], [sflag:$0x3] =	stream.linear.gather [hbm4b:s6+s3], $0x80, $0x38;
	[tilespmem:$0x8100] =	vst v63  }
0x15: {  	_ =	swait.ge [sflag:s10], $0x80  }
0x16: {  	[sflag:s10] =	ssyncset.done $0x0  }
0x17: {  	[sflag:s10] =	ssyncadd.s32 $0xFFFFFF80  }
0x18: {  	[tilespmem:s13], [sflag:$0x2] =	stream.indirect.gather [hbm4b:s2+s11], $0x80, s12, s11, $0xb8;
	[tilespmem:$0x8100] =	vst v63  }
0x19: {  	_ =	swait.ge [sflag:s14], $0x4000  }
0x1a: {  	[sflag:s14] =	ssyncset.done $0x0  }
0x1b: {  	[sflag:s14] =	ssyncadd.s32 $0xFFFFC000  }
0x1c: {  	[hbm4b:s8+s3] =	stream.linear.scatter [tilespmem:s11], [sflag:$0x3], $0x4000, $0x38;
	[tilespmem:$0x8100] =	vst v63  }
0x1d: {  	_ =	swait.ge [sflag:s10], $0x4000  }
0x1e: {  	[sflag:s10] =	ssyncset.done $0x0  }
0x1f: {  	[sflag:s10] =	ssyncadd.s32 $0xFFFFC000  }
0x20: {  	p0 =	sne.s32 s4, $0x1;
	_ =	swait.ge [sflag:s15], $0x4000  }
.Ltmp0:
0x21: {  	[sflag:s15] =	ssyncset.done $0x0;
	(pc) =	sbr.rel @!p0 .LBB2_3-.Ltmp0, $4  }
0x22: {  	s17 =	sadd.s32 $0xFFFFFFFF, s4;
	[sflag:s15] =	ssyncadd.s32 $0xFFFFC000  }
0x23: {  	[hbm4b:s9+s3] =	stream.linear.scatter [tilespmem:s13], [sflag:$0x3], $0x4000, $0x38;
	[tilespmem:$0x8100] =	vst v63  }
0x24: {  	s18 =	sadd.s32 $0x10000, s8;
	s19 =	sadd.s32 $0x10000, s9;
	_ =	swait.ge [sflag:s10], $0x4000  }
0x25: {  	s20 =	smov.u32 s6;
	s21 =	smov.u32 s7;
	[sflag:s10] =	ssyncset.done $0x0  }
.LBB2_2:
0x26: {  	[sflag:s10] =	ssyncadd.s32 $0xFFFFC000;
	s20 =	sadd.s32 $0x200, s20;
	s21 =	sadd.s32 $0x200, s21  }
0x27: {  	[tilespmem:s3], [sflag:$0x3] =	stream.linear.gather [hbm4b:s21+s3], $0x80, $0x38;
	[tilespmem:$0x8100] =	vst v63  }
0x28: {  	p0 =	sne.s32 s17, $0x1;
	s17 =	sadd.s32 $0xFFFFFFFF, s17;
	_ =	swait.ge [sflag:s10], $0x80  }
0x29: {  	[sflag:s10] =	ssyncset.done $0x0  }
0x2a: {  	[sflag:s10] =	ssyncadd.s32 $0xFFFFFF80  }
0x2b: {  	[tilespmem:s11], [sflag:$0x1] =	stream.indirect.gather [hbm4b:s2+s11], $0x80, s3, s11, $0xb8;
	[tilespmem:$0x8100] =	vst v63  }
0x2c: {  	_ = 	snop  }
0x2d: {  	[tilespmem:s12], [sflag:$0x3] =	stream.linear.gather [hbm4b:s20+s3], $0x80, $0x38;
	[tilespmem:$0x8100] =	vst v63  }
0x2e: {  	_ =	swait.ge [sflag:s10], $0x80  }
0x2f: {  	[sflag:s10] =	ssyncset.done $0x0  }
0x30: {  	[sflag:s10] =	ssyncadd.s32 $0xFFFFFF80  }
0x31: {  	[tilespmem:s13], [sflag:$0x2] =	stream.indirect.gather [hbm4b:s2+s11], $0x80, s12, s11, $0xb8;
	[tilespmem:$0x8100] =	vst v63  }
0x32: {  	_ =	swait.ge [sflag:s14], $0x4000  }
0x33: {  	[sflag:s14] =	ssyncset.done $0x0  }
0x34: {  	[sflag:s14] =	ssyncadd.s32 $0xFFFFC000  }
0x35: {  	[hbm4b:s18+s3] =	stream.linear.scatter [tilespmem:s11], [sflag:$0x3], $0x4000, $0x38;
	[tilespmem:$0x8100] =	vst v63  }
0x36: {  	_ =	swait.ge [sflag:s10], $0x4000  }
0x37: {  	[sflag:s10] =	ssyncset.done $0x0  }
0x38: {  	[sflag:s10] =	ssyncadd.s32 $0xFFFFC000  }
0x39: {  	_ =	swait.ge [sflag:s15], $0x4000  }
.Ltmp1:
0x3a: {  	[sflag:s15] =	ssyncset.done $0x0;
	(pc) =	sbr.rel @p0 .LBB2_2-.Ltmp1, $4  }
0x3b: {  	[sflag:s15] =	ssyncadd.s32 $0xFFFFC000  }
0x3c: {  	[hbm4b:s19+s3] =	stream.linear.scatter [tilespmem:s13], [sflag:$0x3], $0x4000, $0x38;
	[tilespmem:$0x8100] =	vst v63  }
0x3d: {  	_ =	swait.ge [sflag:s10], $0x4000  }
0x3e: {  	s18 =	sadd.s32 $0x10000, s18;
	s19 =	sadd.s32 $0x10000, s19;
	[sflag:s10] =	ssyncset.done $0x0  }
.LBB2_3:
0x3f: {  	s16 =	sadd.s32 $0x1, s16  }
0x40: {  	p0 =	sne.s32 s16, s5  }
.Ltmp2:
0x41: {  	_ = 	snop;
	(pc) =	sbr.rel @p0 .LBB2_1-.Ltmp2, $2  }
0x42: {  	_ =	sdelay $0x2  }
0x43: {  	[sflag:s10] =	ssyncadd.s32 $0xFFFFC000  }
0x44: {  	_ =	sfence.sel $0x180000  }
0x45: {  	[bflag:$0x0] =	sbarrier.arrive $0xFFFF  }
0x46: {  	p0 =	sne.s32 s0, $0x0;
	_ =	strace $0x90000062  }
0x47: {  	s0 =	sadd.s32 @!p0 $0x100000, s1;
	[bflag:$0x2] =	sbarrier.arrive $0xFFFF  }
0x48: {  	[sflag:s0] =	ssyncadd.tile.s32 @!p0 $0x1;
	_ =	shalt  }
.Lfunc_end2:
_tile_overlayer_lowered:
.L_overlay_start_2:
0x49: {  	(tag) =	ssettag $0x2  }
0x4a: {  	s0 =	rddreg [dreg:$0x0];
	s2 =	stileid.u32  }
0x4b: {  	s1 =	rddreg [dreg:$0x1];
	p0 =	sne.s32 s2, $0x0  }
0x4c: {  	s3 =	rddreg [dreg:$0x2];
	[bflag:$0x3] =	sbarrier.arrive $0xFFFF;
	s2 =	simm.s32 @!p0 $0x1C03  }
0x4d: {  	[timem:s3], [sflag:s2] =	dma.local @!p0 [hbm:s0], s1  }
0x4e: {  	s0 =	simm.s32 @!p0 $0x3  }
0x4f: {  	_ =	swait.ge @!p0 [sflag:s0], s1  }
0x50: {  	s1 =	ssub.s32 @!p0 $0x0, s1;
	[sflag:s0] =	ssyncset.done @!p0 $0x0  }
0x51: {  	[sflag:s0] =	ssyncadd.s32 @!p0 s1  }
0x52: {  	[bflag:$0x3] =	sbarrier.arrive $0xFFFF  }
0x53: {  	_ =	shalt  }

// kernel: kernel.50.cloned.1.call-start
scs
__scs_entry_jumppad:
0x0: {  	(pc) =	sbr.rel $0x88, $3  }
0x1: {  	(tag) =	ssettag $0x0;
	lr =	simm.s32 $0x1  }
0x2: {  	[smem:$0x3F95] =	sst lr;
	_ =	strace $0xD0000000  }
0x3: {  	_ = 	snop  }
0x4: {  	_ = 	snop  }
0x5: {  	_ = 	snop  }
0x6: {  	_ = 	snop  }
0x7: {  	_ = 	snop  }
__scs_overlays_trampoline_lowered:
0x8: {  	[smem:$0x3FA4] =	sst s0  }
0x9: {  	[smem:$0x3FA5] =	sst s1  }
0xa: {  	[smem:$0x3FA6] =	sst s2  }
0xb: {  	[smem:$0x3FA7] =	sst s3  }
0xc: {  	[smem:$0x3FA8] =	sst s4  }
0xd: {  	[smem:$0x3FA9] =	sst s5  }
0xe: {  	[smem:$0x3FAA] =	sst s6  }
0xf: {  	[smem:$0x3FAB] =	sst s7  }
0x10: {  	[smem:$0x3FAC] =	sst s8  }
0x11: {  	[smem:$0x3FAD] =	sst s9;
	s0 =	simm.s32 @!p0 $0x0  }
0x12: {  	s1 =	sld [smem:$0x3F93];
	s0 =	simm.s32 @p0 $0x1  }
0x13: {  	[smem:$0x3FAE] =	sst s0;
	s0 =	simm.s32 @!p1 $0x0  }
0x14: {  	s2 =	sld [smem:$0x3F92];
	s0 =	simm.s32 @p1 $0x1  }
0x15: {  	[smem:$0x3FAF] =	sst s0;
	s0 =	simm.s32 @!p2 $0x0  }
0x16: {  	s3 =	sld [smem:$0x3FDB];
	s0 =	simm.s32 @p2 $0x1  }
0x17: {  	s4 =	simm.s32 $0x1BF5;
	[smem:$0x3FB1] =	sst s0  }
0x18: {  	s0 =	sld [smem:$0x3F94];
	_ =	swait.ge [sflag:s4], $0x0  }
0x19: {  	s7 =	sld [smem:$0x3F95]  }
0x1a: {  	s8 =	sadd.s32 $0xFFFFE003, lr  }
0x1b: {  	s9 =	sadd.s32 $0xFFFFFEF7, lr;
	s5 =	simm.s32 $0xFFFFFFFF;
	p2 =	slt.u32 s8, $0xFFFFF086  }
0x1c: {  	p1 =	slt.u32 s9, $0xF7A;
	s5 =	simm.s32 @!p2 $0x0  }
0x1d: {  	s5 =	simm.s32 @p1 $0x1;
	p0 =	seq.s32 s7, s2  }
0x1e: {  	s7 =	smul.u32 @!p0 $0xF7A, s2;
	p2 =	seq.s32 @!p0 s5, $0x0  }
0x1f: {  	s9 =	smul.u32 $0xF7A, s1;
	s8 =	simm.s32 @!p0 $0x1BF5;
	p2 =	por !p2, p0  }
0x20: {  	[sflag:s8] =	ssyncset.s32 @!p0 $0xFFFFF086;
	s6 =	sadd.s32 @!p0 s3, s7;
	s7 =	simm.s32 @!p0 $0x108  }
0x21: {  	s3 =	sadd.s32 s3, s9;
	s6 =	sadd.s32 @!p0 $0x88, s6;
	s7 =	simm.s32 @p2 $0x1082  }
0x22: {  	[simem:s7], [sflag:s8] =	dma.local @!p0 [hbm:s6], $0xF7A  }
0x23: {  	s9 =	sor.u32 $0xD0000000, s2;
	s6 =	simm.s32 $0x108;
	_ =	swait.ge @!p0 [sflag:s8], $0x0  }
0x24: {  	s3 =	sadd.s32 $0x88, s3;
	s6 =	simm.s32 @!p1 $0x1082;
	[sflag:s4] =	ssyncset.s32 $0xFFFFF086  }
0x25: {  	[simem:s6], [sflag:s4] =	dma.local [hbm:s3], $0xF7A  }
0x26: {  	[smem:$0x3F95] =	sst s1;
	(tag) =	ssettag s2;
	_ =	strace s9  }
0x27: {  	s1 =	sld [smem:$0x3FA5]  }
0x28: {  	s2 =	sld [smem:$0x3FA6]  }
0x29: {  	s4 =	sld [smem:$0x3FA8]  }
0x2a: {  	p0 =	seq.s32 s5, $0x0;
	s5 =	sld [smem:$0x3FA9]  }
0x2b: {  	s6 =	sld [smem:$0x3FAA]  }
0x2c: {  	s7 =	sld [smem:$0x3FAB]  }
0x2d: {  	s3 =	simm.s32 $0x108;
	s8 =	sld [smem:$0x3FAC]  }
0x2e: {  	s3 =	simm.s32 @!p0 $0x1082;
	s9 =	sld [smem:$0x3FAD]  }
0x2f: {  	lr =	sadd.s32 s0, s3;
	s0 =	sld [smem:$0x3FA4]  }
0x30: {  	s3 =	sld [smem:$0x3FA7]  }
0x31: {  	[smem:$0x3FB0] =	sst s10  }
0x32: {  	s10 =	sld [smem:$0x3FAE];
	_ =	sdelay $0x3  }
0x33: {  	p0 =	seq.s32 s10, $0x1;
	s10 =	sld [smem:$0x3FB0];
	_ =	sdelay $0x3  }
0x34: {  	[smem:$0x3FB0] =	sst s10  }
0x35: {  	s10 =	sld [smem:$0x3FAF];
	_ =	sdelay $0x3  }
0x36: {  	p1 =	seq.s32 s10, $0x1;
	s10 =	sld [smem:$0x3FB0];
	_ =	sdelay $0x3  }
0x37: {  	[smem:$0x3FB0] =	sst s10  }
0x38: {  	s10 =	sld [smem:$0x3FB1]  }
0x39: {  	_ = 	snop;
	(pc) =	sbr.ind lr, $3  }
0x3a: {  	_ = 	snop  }
0x3b: {  	_ = 	snop  }
0x3c: {  	p2 =	seq.s32 s10, $0x1;
	s10 =	sld [smem:$0x3FB0]  }
0x3d: {  	_ =	shalt  }
0x3e: {  	_ =	shalt  }
0x3f: {  	_ =	shalt  }
0x40: {  	_ =	shalt  }
0x41: {  	_ =	shalt  }
0x42: {  	_ =	shalt  }
0x43: {  	_ =	shalt  }
0x44: {  	_ =	shalt  }
0x45: {  	_ =	shalt  }
0x46: {  	_ =	shalt  }
0x47: {  	_ =	shalt  }
0x48: {  	_ =	shalt  }
0x49: {  	_ =	shalt  }
0x4a: {  	_ =	shalt  }
0x4b: {  	_ =	shalt  }
0x4c: {  	_ =	shalt  }
0x4d: {  	_ =	shalt  }
0x4e: {  	_ =	shalt  }
0x4f: {  	_ =	shalt  }
0x50: {  	_ =	shalt  }
0x51: {  	_ =	shalt  }
0x52: {  	_ =	shalt  }
0x53: {  	_ =	shalt  }
0x54: {  	_ =	shalt  }
0x55: {  	_ =	shalt  }
0x56: {  	_ =	shalt  }
0x57: {  	_ =	shalt  }
0x58: {  	_ =	shalt  }
0x59: {  	_ =	shalt  }
0x5a: {  	_ =	shalt  }
0x5b: {  	_ =	shalt  }
0x5c: {  	_ =	shalt  }
0x5d: {  	_ =	shalt  }
0x5e: {  	_ =	shalt  }
0x5f: {  	_ =	shalt  }
0x60: {  	_ =	shalt  }
0x61: {  	_ =	shalt  }
0x62: {  	_ =	shalt  }
0x63: {  	_ =	shalt  }
0x64: {  	_ =	shalt  }
0x65: {  	_ =	shalt  }
0x66: {  	_ =	shalt  }
0x67: {  	_ =	shalt  }
0x68: {  	_ =	shalt  }
0x69: {  	_ =	shalt  }
0x6a: {  	_ =	shalt  }
0x6b: {  	_ =	shalt  }
0x6c: {  	_ =	shalt  }
0x6d: {  	_ =	shalt  }
0x6e: {  	_ =	shalt  }
0x6f: {  	_ =	shalt  }
0x70: {  	_ =	shalt  }
0x71: {  	_ =	shalt  }
0x72: {  	_ =	shalt  }
0x73: {  	_ =	shalt  }
0x74: {  	_ =	shalt  }
0x75: {  	_ =	shalt  }
0x76: {  	_ =	shalt  }
0x77: {  	_ =	shalt  }
0x78: {  	_ =	shalt  }
0x79: {  	_ =	shalt  }
0x7a: {  	_ =	shalt  }
0x7b: {  	_ =	shalt  }
0x7c: {  	_ =	shalt  }
0x7d: {  	_ =	shalt  }
0x7e: {  	_ =	shalt  }
0x7f: {  	_ =	shalt  }
0x80: {  	_ =	shalt  }
0x81: {  	_ =	shalt  }
0x82: {  	_ =	shalt  }
0x83: {  	_ =	shalt  }
0x84: {  	_ =	shalt  }
0x85: {  	_ =	shalt  }
0x86: {  	_ =	shalt  }
0x87: {  	_ =	shalt  }
.Lfunc_end0:
.L_simem_size_0:
called_computation.9_lowered:
.L_overlay_start_0:
0x88: {  	s2 =	sld [smem:$0x3FD9]  }
0x89: {  	s3 =	sld [smem:$0x3FFE];
	_ =	sdelay $0x1  }
0x8a: {  	s1 =	srdreg.scid  }
0x8b: {  	s0 =	sand.u32 $0x1, s1  }
0x8c: {  	s17 =	sshll.u32 s0, $0xA;
	s2 =	sadd.s32 s3, s2  }
0x8d: {  	s2 =	sadd.s32 s2, s17  }
0x8e: {  	[smem:$0x3FBC] =	sst s2  }
0x8f: {  	_ = 	snop  }
0x90: {  	(tm) =	ssettm $0x1  }
0x91: {  	s18 =	sld [smem:$0x3FFB];
	_ =	sdelay $0x3  }
0x92: {  	_ =	strace s18  }
0x93: {  	s2 =	sld [smem:$0x3FFC];
	_ =	sdelay $0x3  }
0x94: {  	_ =	strace s2  }
0x95: {  	s2 =	sld [smem:$0x3FFD];
	_ =	sdelay $0x3  }
0x96: {  	_ =	strace s2  }
0x97: {  	_ =	strace $0x8FFFFFFF  }
0x98: {  	s19 =	sld [smem:$0x3FDB];
	_ =	sdelay $0x1  }
0x99: {  	s20 =	simm.s32 $_scs_section_size  }
0x9a: {  	s4 =	simm.s32 $_size__tile_overlayer_lowered;
	s5 =	simm.s32 $_tile_overlayer_lowered  }
0x9b: {  	s6 =	simm.s32 $0x1BFF;
	s21 =	sshll.u32 s5, $0x1;
	s3 =	sadd.s32 s20, s19  }
0x9c: {  	s22 =	simm.s32 $0x0;
	s4 =	sshll.u32 s4, $0x1;
	s5 =	sadd.s32 s21, s3  }
0x9d: {  	[timem:s22], [sflag:s6] =	dma.local [hbm:s5], s4  }
0x9e: {  	_ =	swait.ge [sflag:s6], s4  }
0x9f: {  	s4 =	ssub.s32 $0x0, s4;
	[sflag:s6] =	ssyncset.done $0x0  }
0xa0: {  	[sflag:s6] =	ssyncadd.s32 s4;
	_ =	sdelay $0x1  }
0xa1: {  	s23 =	simm.s32 $0x1B8B  }
0xa2: {  	_ =	swait.ge [sflag:s23], $0x1  }
0xa3: {  	[sflag:s23] =	ssyncset.done $0x0  }
0xa4: {  	[sflag:s23] =	ssyncadd.s32 $0xFFFFFFFF  }
0xa5: {  	s4 =	sld [smem:$0x0]  }
0xa6: {  	s5 =	sand.u32 $0xFFFFFFFE, s1  }
0xa7: {  	p0 =	sne.s32 s1, s5  }
0xa8: {  	s5 =	sshll.u32 @p0 s5, $0xE  }
0xa9: {  	s5 =	sadd.s32 @p0 $0x11B8D, s5;
	s6 =	sshll.u32 @p0 s4, $0x11  }
0xaa: {  	s5 =	sor.u32 @p0 s6, s5  }
0xab: {  	[sflag:s5] =	ssyncadd.remote.s32 @p0 $0x1;
	_ =	sdelay $0x1  }
0xac: {  	s5 =	simm.s32 @p0 $0x1B8D  }
0xad: {  	_ =	swait.eq @p0 [sflag:s5], $0x1  }
0xae: {  	[sflag:s5] =	ssyncadd.s32 @p0 $0xFFFFFFFF  }
0xaf: {  	s6 =	sshll.u32 @!p0 s1, $0xE  }
0xb0: {  	s6 =	sor.u32 @!p0 $0x4000, s6;
	s5 =	simm.s32 @!p0 $0x1B8D  }
0xb1: {  	s4 =	sshll.u32 @!p0 s4, $0x11;
	s6 =	sadd.s32 @!p0 $0x11B8D, s6;
	_ =	swait.eq @!p0 [sflag:s5], $0x1  }
0xb2: {  	s4 =	sor.u32 @!p0 s4, s6;
	[sflag:s5] =	ssyncadd.s32 @!p0 $0xFFFFFFFF  }
0xb3: {  	s25 =	simm.s32 $0x1B8E;
	s24 =	sld [smem:$0x3FFE];
	[sflag:s4] =	ssyncadd.remote.s32 @!p0 $0x1  }
0xb4: {  	s26 =	simm.s32 $execute0_lowered;
	[smem:$0x3FD2] =	sst s25  }
0xb5: {  	s5 =	sshll.u32 s26, $0x1;
	_ =	strace $0x80000067;
	[dreg:$0x1] =	wrdreg $0xFFFFFFFF  }
0xb6: {  	s28 =	simm.s32 $_size_execute0_lowered;
	s3 =	sadd.s32 s3, s5;
	[dreg:$0x0] =	wrdreg $0x0  }
0xb7: {  	s5 =	sshll.u32 s28, $0x1;
	[dreg:$0x2] =	wrdreg s3  }
0xb8: {  	[dreg:$0x3] =	wrdreg s5  }
0xb9: {  	[dreg:$0x4] =	wrdreg $0xC0  }
0xba: {  	_ =	task [dreg:s22], $0x5FFFF  }
0xbb: {  	[dreg:$0x1] =	wrdreg $0xFFFFFFFF  }
0xbc: {  	[dreg:$0x0] =	wrdreg $0x60  }
0xbd: {  	[dreg:$0x2] =	wrdreg s24  }
0xbe: {  	[dreg:$0x3] =	wrdreg $0x40800  }
0xbf: {  	[dreg:$0x4] =	wrdreg $0x9  }
0xc0: {  	_ =	task.clear_ibuf [dreg:s22], $0x5FFFF;
	_ =	strace $0x90000067  }
0xc1: {  	s29 =	simm.s32 $0x9;
	_ =	strace $0x80000069  }
0xc2: {  	_ =	swait.ge [sflag:s29], $0x1  }
0xc3: {  	[sflag:s29] =	ssyncadd.s32 $0xFFFFFFFF  }
0xc4: {  	_ =	strace $0x90000069  }
0xc5: {  	_ =	sfence  }
0xc6: {  	s30 =	sld [smem:$0x0];
	_ =	sdelay $0x2  }
0xc7: {  	s31 =	sshll.u32 s1, $0xD;
	s1 =	sshrl.u32 s1, $0x2  }
0xc8: {  	s4 =	sand.u32 $0x4000, s31;
	s1 =	sadd.s32 s1, s30  }
0xc9: {  	s0 =	sor.u32 s4, s0;
	s1 =	sshll.u32 s1, $0x11  }
0xca: {  	s0 =	sor.u32 s1, s0  }
0xcb: {  	s0 =	sadd.s32 $0x8F2B, s0  }
0xcc: {  	[sflag:s0] =	ssyncadd.remote.s32 $0x1  }
0xcd: {  	_ =	sfence.sel $0xFFFF  }
0xce: {  	[dreg:$0x0] =	wrdreg $0xFFFFFFFF;
	(pc) =	sbr.abs _section_cstart, $3  }
0xcf: {  	[dreg:$0x1] =	wrdreg $0xFFFFFFFF  }
0xd0: {  	_ =	task.clear_ibuf [dreg:s22], $0x2FFFF;
	_ =	strace $0x9FFFFFFF  }
0xd1: {  	(tm) =	ssettm $0x7FFFFFFF  }
tec
execute0_lowered:
.L_overlay_start_1:
0x0: {  	(tag) =	ssettag $0x1  }
0x1: {  	s4 =	rddreg [dreg:$0x0]  }
0x2: {  	s1 =	rddreg [dreg:$0x1]  }
0x3: {  	s0 =	rddreg [dreg:$0x2];
	s3 =	simm.s32 $0x0;
	s5 =	srdreg.scid  }
0x4: {  	s2 =	stileid.u32;
	[smem:$0x7FF] =	sst s3;
	s7 =	sand.u32 $0x1, s5  }
0x5: {  	s22 =	sshll.u32 s2, $0x8;
	s8 =	smul.u32 $0x14000, s2;
	s9 =	sshll.u32 s2, $0xC  }
0x6: {  	s12 =	sshll.u32 s2, $0x1;
	s13 =	smul.u32 $0x50000, s2;
	s30 =	sshll.u32 s2, $0x6  }
0x7: {  	s6 =	sshll.u32 s7, $0x7;
	s23 =	smul.u32 $0x140000, s7;
	_ =	strace $0x80000068  }
0x8: {  	s9 =	sadd.s32 s9, s4;
	s25 =	ssub.s32 $0x2, s7;
	s26 =	sor.u32 s7, s12  }
0x9: {  	s31 =	sshll.u32 s7, $0xB;
	s12 =	simm.s32 $0x1;
	s5 =	sor.u32 s6, s22  }
0xa: {  	s24 =	sshrl.u32 s8, $0x3;
	s11 =	sshrl.u32 s25, $0x1;
	p0 =	slt.u32 s26, $0x11  }
0xb: {  	s28 =	sshrl.u32 s13, $0x2;
	s9 =	sadd.s32 s31, s9;
	s13 =	simm.s32 $0x80  }
0xc: {  	s5 =	sshrl.u32 s5, $0x3;
	s6 =	sadd.s32 s8, s23;
	s8 =	ssub.s32 s25, s11  }
0xd: {  	s29 =	sadd.s32 s28, s1;
	s9 =	sadd.s32 $0x284200, s9;
	s10 =	sadd.s32 s5, s4  }
0xe: {  	s5 =	sadd.s32 s24, s4;
	s6 =	sshrl.u32 s6, $0x3;
	s8 =	smax.u32 s8, $0x1  }
0xf: {  	s11 =	sshrl.u32 s29, $0x3;
	s14 =	sadd.s32 s6, s4;
	s4 =	simm.s32 $0x14  }
0x10: {  	s5 =	sadd.s32 $0xE200, s5;
	s6 =	sor.u32 $0x1C01, s30;
	s10 =	sadd.s32 $0x281A00, s10  }
0x11: {  	s4 =	simm.s32 @!p0 $0x13;
	s7 =	sadd.s32 $0x36200, s14;
	s14 =	simm.s32 $0x0  }
.LBB2_1:
0x12: {  	[spmem:s11], [sflag:s6] =	dma.local [hbm:s5], $0x2800  }
0x13: {  	_ =	swait.ge [sflag:s12], $0x2800  }
0x14: {  	[sflag:s12] =	ssyncset.done $0x0  }
0x15: {  	[sflag:s12] =	ssyncadd.s32 $0xFFFFD800  }
0x16: {  	[bflag:$0x0] =	sbarrier.arrive $0xFFFF  }
0x17: {  	[tilespmem:s13], [sflag:$0x1] =	stream.linear.gather [hbm4b:s9+s3], $0x4000, $0x38;
	[tilespmem:$0x18080] =	vst v63  }
0x18: {  	_ =	swait.ge [sflag:s12], $0x4000  }
0x19: {  	[sflag:s12] =	ssyncset.done $0x0  }
0x1a: {  	[sflag:s12] =	ssyncadd.s32 $0xFFFFC000  }
0x1b: {  	[tilespmem:s3], [sflag:$0x1] =	stream.linear.gather [hbm4b:s10+s3], $0x80, $0x38;
	[tilespmem:$0x18080] =	vst v63  }
0x1c: {  	p0 =	sne.s32 s4, $0x1;
	_ =	swait.ge [sflag:s12], $0x80  }
.Ltmp0:
0x1d: {  	[sflag:s12] =	ssyncset.done $0x0;
	(pc) =	sbr.rel @!p0 .LBB2_3-.Ltmp0, $4  }
0x1e: {  	[sflag:s12] =	ssyncadd.s32 $0xFFFFFF80  }
0x1f: {  	[spmem:s1] =	stream.indirect.scatter.add.f32 [tilespmem:s13], [sflag:$0x1], $0x80, s3, s13, $0xb8;
	[tilespmem:$0x18080] =	vst v63  }
0x20: {  	s15 =	sadd.s32 $0xFFFFFFFF, s4;
	_ =	swait.ge [sflag:s12], $0x4000  }
0x21: {  	s16 =	smov.u32 s9;
	s17 =	smov.u32 s10;
	[sflag:s12] =	ssyncset.done $0x0  }
.LBB2_2:
0x22: {  	[sflag:s12] =	ssyncadd.s32 $0xFFFFC000;
	s16 =	sadd.s32 $0x10000, s16;
	s17 =	sadd.s32 $0x200, s17  }
0x23: {  	[tilespmem:s13], [sflag:$0x1] =	stream.linear.gather [hbm4b:s16+s3], $0x4000, $0x38;
	[tilespmem:$0x18080] =	vst v63  }
0x24: {  	p0 =	sne.s32 s15, $0x1;
	s15 =	sadd.s32 $0xFFFFFFFF, s15;
	_ =	swait.ge [sflag:s12], $0x4000  }
0x25: {  	[sflag:s12] =	ssyncset.done $0x0  }
0x26: {  	[sflag:s12] =	ssyncadd.s32 $0xFFFFC000  }
0x27: {  	[tilespmem:s3], [sflag:$0x1] =	stream.linear.gather [hbm4b:s17+s3], $0x80, $0x38;
	[tilespmem:$0x18080] =	vst v63  }
0x28: {  	_ =	swait.ge [sflag:s12], $0x80  }
.Ltmp1:
0x29: {  	[sflag:s12] =	ssyncset.done $0x0;
	(pc) =	sbr.rel @p0 .LBB2_2-.Ltmp1, $4  }
0x2a: {  	[sflag:s12] =	ssyncadd.s32 $0xFFFFFF80  }
0x2b: {  	[spmem:s1] =	stream.indirect.scatter.add.f32 [tilespmem:s13], [sflag:$0x1], $0x80, s3, s13, $0xb8;
	[tilespmem:$0x18080] =	vst v63  }
0x2c: {  	_ =	swait.ge [sflag:s12], $0x4000  }
0x2d: {  	[sflag:s12] =	ssyncset.done $0x0  }
.LBB2_3:
0x2e: {  	s14 =	sadd.s32 $0x1, s14  }
0x2f: {  	[sflag:s12] =	ssyncadd.s32 $0xFFFFC000;
	p0 =	sne.s32 s14, s8  }
.Ltmp2:
0x30: {  	[bflag:$0x0] =	sbarrier.arrive $0xFFFF;
	(pc) =	sbr.rel @p0 .LBB2_1-.Ltmp2, $4  }
0x31: {  	[hbm:s7], [sflag:s6] =	dma.local [spmem:s11], $0x2800  }
0x32: {  	_ =	swait.ge [sflag:s12], $0x2800  }
0x33: {  	[sflag:s12] =	ssyncset.done $0x0  }
0x34: {  	[sflag:s12] =	ssyncadd.s32 $0xFFFFD800  }
0x35: {  	_ =	sfence.sel $0x180000  }
0x36: {  	[bflag:$0x0] =	sbarrier.arrive $0xFFFF  }
0x37: {  	p0 =	sne.s32 s2, $0x0;
	_ =	strace $0x90000068  }
0x38: {  	s0 =	sadd.s32 @!p0 $0x100000, s0;
	[bflag:$0x2] =	sbarrier.arrive $0xFFFF  }
0x39: {  	[sflag:s0] =	ssyncadd.tile.s32 @!p0 $0x1;
	_ =	shalt  }
.Lfunc_end2:
_tile_overlayer_lowered:
.L_overlay_start_2:
0x3a: {  	(tag) =	ssettag $0x2  }
0x3b: {  	s0 =	rddreg [dreg:$0x0];
	s2 =	stileid.u32  }
0x3c: {  	s1 =	rddreg [dreg:$0x1];
	p0 =	sne.s32 s2, $0x0  }
0x3d: {  	s3 =	rddreg [dreg:$0x2];
	[bflag:$0x3] =	sbarrier.arrive $0xFFFF;
	s2 =	simm.s32 @!p0 $0x1C01  }
0x3e: {  	[timem:s3], [sflag:s2] =	dma.local @!p0 [hbm:s0], s1  }
0x3f: {  	s0 =	simm.s32 @!p0 $0x1  }
0x40: {  	_ =	swait.ge @!p0 [sflag:s0], s1  }
0x41: {  	s1 =	ssub.s32 @!p0 $0x0, s1;
	[sflag:s0] =	ssyncset.done @!p0 $0x0  }
0x42: {  	[sflag:s0] =	ssyncadd.s32 @!p0 s1  }
0x43: {  	[bflag:$0x3] =	sbarrier.arrive $0xFFFF  }
0x44: {  	_ =	shalt  }

// kernel: kernel.53.cloned.1.call-start
scs
__scs_entry_jumppad:
0x0: {  	(pc) =	sbr.rel $0x88, $3  }
0x1: {  	(tag) =	ssettag $0x0;
	lr =	simm.s32 $0x1  }
0x2: {  	[smem:$0x3F95] =	sst lr;
	_ =	strace $0xD0000000  }
0x3: {  	_ = 	snop  }
0x4: {  	_ = 	snop  }
0x5: {  	_ = 	snop  }
0x6: {  	_ = 	snop  }
0x7: {  	_ = 	snop  }
__scs_overlays_trampoline_lowered:
0x8: {  	[smem:$0x3FA4] =	sst s0  }
0x9: {  	[smem:$0x3FA5] =	sst s1  }
0xa: {  	[smem:$0x3FA6] =	sst s2  }
0xb: {  	[smem:$0x3FA7] =	sst s3  }
0xc: {  	[smem:$0x3FA8] =	sst s4  }
0xd: {  	[smem:$0x3FA9] =	sst s5  }
0xe: {  	[smem:$0x3FAA] =	sst s6  }
0xf: {  	[smem:$0x3FAB] =	sst s7  }
0x10: {  	[smem:$0x3FAC] =	sst s8  }
0x11: {  	[smem:$0x3FAD] =	sst s9;
	s0 =	simm.s32 @!p0 $0x0  }
0x12: {  	s1 =	sld [smem:$0x3F93];
	s0 =	simm.s32 @p0 $0x1  }
0x13: {  	[smem:$0x3FAE] =	sst s0;
	s0 =	simm.s32 @!p1 $0x0  }
0x14: {  	s2 =	sld [smem:$0x3F92];
	s0 =	simm.s32 @p1 $0x1  }
0x15: {  	[smem:$0x3FAF] =	sst s0;
	s0 =	simm.s32 @!p2 $0x0  }
0x16: {  	s3 =	sld [smem:$0x3FDB];
	s0 =	simm.s32 @p2 $0x1  }
0x17: {  	s4 =	simm.s32 $0x1BF5;
	[smem:$0x3FB1] =	sst s0  }
0x18: {  	s0 =	sld [smem:$0x3F94];
	_ =	swait.ge [sflag:s4], $0x0  }
0x19: {  	s7 =	sld [smem:$0x3F95]  }
0x1a: {  	s8 =	sadd.s32 $0xFFFFE003, lr  }
0x1b: {  	s9 =	sadd.s32 $0xFFFFFEF7, lr;
	s5 =	simm.s32 $0xFFFFFFFF;
	p2 =	slt.u32 s8, $0xFFFFF086  }
0x1c: {  	p1 =	slt.u32 s9, $0xF7A;
	s5 =	simm.s32 @!p2 $0x0  }
0x1d: {  	s5 =	simm.s32 @p1 $0x1;
	p0 =	seq.s32 s7, s2  }
0x1e: {  	s7 =	smul.u32 @!p0 $0xF7A, s2;
	p2 =	seq.s32 @!p0 s5, $0x0  }
0x1f: {  	s9 =	smul.u32 $0xF7A, s1;
	s8 =	simm.s32 @!p0 $0x1BF5;
	p2 =	por !p2, p0  }
0x20: {  	[sflag:s8] =	ssyncset.s32 @!p0 $0xFFFFF086;
	s6 =	sadd.s32 @!p0 s3, s7;
	s7 =	simm.s32 @!p0 $0x108  }
0x21: {  	s3 =	sadd.s32 s3, s9;
	s6 =	sadd.s32 @!p0 $0x88, s6;
	s7 =	simm.s32 @p2 $0x1082  }
0x22: {  	[simem:s7], [sflag:s8] =	dma.local @!p0 [hbm:s6], $0xF7A  }
0x23: {  	s9 =	sor.u32 $0xD0000000, s2;
	s6 =	simm.s32 $0x108;
	_ =	swait.ge @!p0 [sflag:s8], $0x0  }
0x24: {  	s3 =	sadd.s32 $0x88, s3;
	s6 =	simm.s32 @!p1 $0x1082;
	[sflag:s4] =	ssyncset.s32 $0xFFFFF086  }
0x25: {  	[simem:s6], [sflag:s4] =	dma.local [hbm:s3], $0xF7A  }
0x26: {  	[smem:$0x3F95] =	sst s1;
	(tag) =	ssettag s2;
	_ =	strace s9  }
0x27: {  	s1 =	sld [smem:$0x3FA5]  }
0x28: {  	s2 =	sld [smem:$0x3FA6]  }
0x29: {  	s4 =	sld [smem:$0x3FA8]  }
0x2a: {  	p0 =	seq.s32 s5, $0x0;
	s5 =	sld [smem:$0x3FA9]  }
0x2b: {  	s6 =	sld [smem:$0x3FAA]  }
0x2c: {  	s7 =	sld [smem:$0x3FAB]  }
0x2d: {  	s3 =	simm.s32 $0x108;
	s8 =	sld [smem:$0x3FAC]  }
0x2e: {  	s3 =	simm.s32 @!p0 $0x1082;
	s9 =	sld [smem:$0x3FAD]  }
0x2f: {  	lr =	sadd.s32 s0, s3;
	s0 =	sld [smem:$0x3FA4]  }
0x30: {  	s3 =	sld [smem:$0x3FA7]  }
0x31: {  	[smem:$0x3FB0] =	sst s10  }
0x32: {  	s10 =	sld [smem:$0x3FAE];
	_ =	sdelay $0x3  }
0x33: {  	p0 =	seq.s32 s10, $0x1;
	s10 =	sld [smem:$0x3FB0];
	_ =	sdelay $0x3  }
0x34: {  	[smem:$0x3FB0] =	sst s10  }
0x35: {  	s10 =	sld [smem:$0x3FAF];
	_ =	sdelay $0x3  }
0x36: {  	p1 =	seq.s32 s10, $0x1;
	s10 =	sld [smem:$0x3FB0];
	_ =	sdelay $0x3  }
0x37: {  	[smem:$0x3FB0] =	sst s10  }
0x38: {  	s10 =	sld [smem:$0x3FB1]  }
0x39: {  	_ = 	snop;
	(pc) =	sbr.ind lr, $3  }
0x3a: {  	_ = 	snop  }
0x3b: {  	_ = 	snop  }
0x3c: {  	p2 =	seq.s32 s10, $0x1;
	s10 =	sld [smem:$0x3FB0]  }
0x3d: {  	_ =	shalt  }
0x3e: {  	_ =	shalt  }
0x3f: {  	_ =	shalt  }
0x40: {  	_ =	shalt  }
0x41: {  	_ =	shalt  }
0x42: {  	_ =	shalt  }
0x43: {  	_ =	shalt  }
0x44: {  	_ =	shalt  }
0x45: {  	_ =	shalt  }
0x46: {  	_ =	shalt  }
0x47: {  	_ =	shalt  }
0x48: {  	_ =	shalt  }
0x49: {  	_ =	shalt  }
0x4a: {  	_ =	shalt  }
0x4b: {  	_ =	shalt  }
0x4c: {  	_ =	shalt  }
0x4d: {  	_ =	shalt  }
0x4e: {  	_ =	shalt  }
0x4f: {  	_ =	shalt  }
0x50: {  	_ =	shalt  }
0x51: {  	_ =	shalt  }
0x52: {  	_ =	shalt  }
0x53: {  	_ =	shalt  }
0x54: {  	_ =	shalt  }
0x55: {  	_ =	shalt  }
0x56: {  	_ =	shalt  }
0x57: {  	_ =	shalt  }
0x58: {  	_ =	shalt  }
0x59: {  	_ =	shalt  }
0x5a: {  	_ =	shalt  }
0x5b: {  	_ =	shalt  }
0x5c: {  	_ =	shalt  }
0x5d: {  	_ =	shalt  }
0x5e: {  	_ =	shalt  }
0x5f: {  	_ =	shalt  }
0x60: {  	_ =	shalt  }
0x61: {  	_ =	shalt  }
0x62: {  	_ =	shalt  }
0x63: {  	_ =	shalt  }
0x64: {  	_ =	shalt  }
0x65: {  	_ =	shalt  }
0x66: {  	_ =	shalt  }
0x67: {  	_ =	shalt  }
0x68: {  	_ =	shalt  }
0x69: {  	_ =	shalt  }
0x6a: {  	_ =	shalt  }
0x6b: {  	_ =	shalt  }
0x6c: {  	_ =	shalt  }
0x6d: {  	_ =	shalt  }
0x6e: {  	_ =	shalt  }
0x6f: {  	_ =	shalt  }
0x70: {  	_ =	shalt  }
0x71: {  	_ =	shalt  }
0x72: {  	_ =	shalt  }
0x73: {  	_ =	shalt  }
0x74: {  	_ =	shalt  }
0x75: {  	_ =	shalt  }
0x76: {  	_ =	shalt  }
0x77: {  	_ =	shalt  }
0x78: {  	_ =	shalt  }
0x79: {  	_ =	shalt  }
0x7a: {  	_ =	shalt  }
0x7b: {  	_ =	shalt  }
0x7c: {  	_ =	shalt  }
0x7d: {  	_ =	shalt  }
0x7e: {  	_ =	shalt  }
0x7f: {  	_ =	shalt  }
0x80: {  	_ =	shalt  }
0x81: {  	_ =	shalt  }
0x82: {  	_ =	shalt  }
0x83: {  	_ =	shalt  }
0x84: {  	_ =	shalt  }
0x85: {  	_ =	shalt  }
0x86: {  	_ =	shalt  }
0x87: {  	_ =	shalt  }
.Lfunc_end0:
.L_simem_size_0:
called_computation.10_lowered:
.L_overlay_start_0:
0x88: {  	s2 =	sld [smem:$0x3FD9]  }
0x89: {  	s3 =	sld [smem:$0x3FFE];
	_ =	sdelay $0x1  }
0x8a: {  	s1 =	srdreg.scid  }
0x8b: {  	s0 =	sand.u32 $0x1, s1  }
0x8c: {  	s17 =	sshll.u32 s0, $0xA;
	s2 =	sadd.s32 s3, s2  }
0x8d: {  	s2 =	sadd.s32 s2, s17  }
0x8e: {  	[smem:$0x3FBC] =	sst s2  }
0x8f: {  	_ = 	snop  }
0x90: {  	s2 =	sld [smem:$0x3FD0];
	(tm) =	ssettm $0x1  }
0x91: {  	s18 =	sld [smem:$0x3FFB];
	_ =	sdelay $0x3  }
0x92: {  	_ =	strace s18  }
0x93: {  	s3 =	sld [smem:$0x3FFC];
	_ =	sdelay $0x3  }
0x94: {  	_ =	strace s3  }
0x95: {  	s3 =	sld [smem:$0x3FFD];
	_ =	sdelay $0x3  }
0x96: {  	_ =	strace s3  }
0x97: {  	_ =	strace $0x8FFFFFFF  }
0x98: {  	s19 =	sld [smem:$0x3FDB];
	_ =	sdelay $0x1  }
0x99: {  	s4 =	simm.s32 $_scs_section_size  }
0x9a: {  	s5 =	simm.s32 $_size__tile_overlayer_lowered;
	s6 =	simm.s32 $_tile_overlayer_lowered  }
0x9b: {  	s22 =	simm.s32 $0x1BFF;
	s21 =	sshll.u32 s6, $0x1;
	s3 =	sadd.s32 s4, s19  }
0x9c: {  	s7 =	simm.s32 $0x0;
	s20 =	sshll.u32 s5, $0x1;
	s5 =	sadd.s32 s21, s3  }
0x9d: {  	[timem:s7], [sflag:s22] =	dma.local [hbm:s5], s20  }
0x9e: {  	_ =	swait.ge [sflag:s22], s20  }
0x9f: {  	s4 =	ssub.s32 $0x0, s20;
	[sflag:s22] =	ssyncset.done $0x0  }
0xa0: {  	[sflag:s22] =	ssyncadd.s32 s4;
	_ =	sdelay $0x1  }
0xa1: {  	s23 =	simm.s32 $0x1B8B  }
0xa2: {  	_ =	swait.ge [sflag:s23], $0x1  }
0xa3: {  	[sflag:s23] =	ssyncset.done $0x0  }
0xa4: {  	s25 =	simm.s32 $0x1B8E;
	s24 =	sld [smem:$0x3FFE];
	[sflag:s23] =	ssyncadd.s32 $0xFFFFFFFF  }
0xa5: {  	s26 =	simm.s32 $execute0_lowered;
	[smem:$0x3FD2] =	sst s25  }
0xa6: {  	s5 =	sshll.u32 s26, $0x1;
	_ =	strace $0x8000005E;
	[dreg:$0x1] =	wrdreg $0xFFFFFFFF  }
0xa7: {  	s28 =	simm.s32 $_size_execute0_lowered;
	s3 =	sadd.s32 s3, s5;
	[dreg:$0x0] =	wrdreg $0x0  }
0xa8: {  	s5 =	sshll.u32 s28, $0x1;
	[dreg:$0x2] =	wrdreg s3  }
0xa9: {  	[dreg:$0x3] =	wrdreg s5  }
0xaa: {  	[dreg:$0x4] =	wrdreg $0xC0  }
0xab: {  	_ =	task [dreg:s7], $0x5FFFF  }
0xac: {  	[dreg:$0x1] =	wrdreg $0xFFFFFFFF  }
0xad: {  	[dreg:$0x0] =	wrdreg $0x60  }
0xae: {  	[dreg:$0x2] =	wrdreg s2  }
0xaf: {  	[dreg:$0x3] =	wrdreg s24  }
0xb0: {  	[dreg:$0x4] =	wrdreg $0xA  }
0xb1: {  	_ =	task.clear_ibuf [dreg:s7], $0x5FFFF;
	_ =	strace $0x9000005E  }
0xb2: {  	s29 =	simm.s32 $0xA;
	_ =	strace $0x80000060  }
0xb3: {  	_ =	swait.ge [sflag:s29], $0x1  }
0xb4: {  	[sflag:s29] =	ssyncadd.s32 $0xFFFFFFFF  }
0xb5: {  	_ =	strace $0x90000060  }
0xb6: {  	_ =	sfence  }
0xb7: {  	s30 =	sld [smem:$0x0];
	_ =	sdelay $0x2  }
0xb8: {  	s31 =	sshll.u32 s1, $0xD;
	s1 =	sshrl.u32 s1, $0x2  }
0xb9: {  	s3 =	sand.u32 $0x4000, s31;
	s1 =	sadd.s32 s1, s30  }
0xba: {  	s0 =	sor.u32 s3, s0;
	s1 =	sshll.u32 s1, $0x11  }
0xbb: {  	s0 =	sor.u32 s1, s0  }
0xbc: {  	s0 =	sadd.s32 $0x8F2B, s0  }
0xbd: {  	[sflag:s0] =	ssyncadd.remote.s32 $0x1  }
0xbe: {  	_ =	sfence.sel $0xFFFF  }
0xbf: {  	[dreg:$0x0] =	wrdreg $0xFFFFFFFF;
	(pc) =	sbr.abs _section_cstart, $3  }
0xc0: {  	[dreg:$0x1] =	wrdreg $0xFFFFFFFF  }
0xc1: {  	_ =	task.clear_ibuf [dreg:s7], $0x2FFFF;
	_ =	strace $0x9FFFFFFF  }
0xc2: {  	(tm) =	ssettm $0x7FFFFFFF  }
0xc3: {  	_ =	shalt  }
tec
execute0_lowered:
.L_overlay_start_1:
0x0: {  	(tag) =	ssettag $0x1  }
0x1: {  	s1 =	srdreg.scid;
	s2 =	rddreg [dreg:$0x0]  }
0x2: {  	s0 =	stileid.u32;
	s4 =	rddreg [dreg:$0x1];
	s3 =	simm.s32 $0x0  }
0x3: {  	s11 =	simm.s32 $0x80;
	s12 =	simm.s32 $0x4080;
	s13 =	simm.s32 $0x4100  }
0x4: {  	s14 =	simm.s32 $0x1;
	s15 =	simm.s32 $0x2;
	s16 =	simm.s32 $0x0  }
0x5: {  	s6 =	sand.u32 $0x1, s1;
	s5 =	sshll.u32 s0, $0x8;
	s1 =	rddreg [dreg:$0x2]  }
0x6: {  	[smem:$0x7FF] =	sst s3;
	s26 =	sshll.u32 s0, $0xC;
	s9 =	sshll.u32 s0, $0x1  }
0x7: {  	s7 =	sshll.u32 s6, $0x7;
	_ =	strace $0x8000005F;
	s8 =	ssub.s32 $0x2, s6  }
0x8: {  	s10 =	sadd.s32 s26, s4;
	s29 =	sor.u32 s6, s9;
	s30 =	sshll.u32 s6, $0xB  }
0x9: {  	s5 =	sor.u32 s7, s5;
	s28 =	sshrl.u32 s8, $0x1;
	p0 =	slt.u32 s29, $0x11  }
0xa: {  	s31 =	sadd.s32 s30, s10;
	s10 =	simm.s32 $0x3;
	s5 =	sshrl.u32 s5, $0x3  }
0xb: {  	s8 =	ssub.s32 s8, s28;
	s9 =	sadd.s32 $0x284200, s31;
	s25 =	sadd.s32 s5, s4  }
0xc: {  	s4 =	simm.s32 $0x14;
	s5 =	smax.u32 s8, $0x1;
	s8 =	sadd.s32 $0x36200, s31  }
0xd: {  	s4 =	simm.s32 @!p0 $0x13;
	s6 =	sadd.s32 $0x9200, s25;
	s7 =	sadd.s32 $0xBA00, s25  }
.LBB2_1:
0xe: {  	[tilespmem:s3], [sflag:$0x3] =	stream.linear.gather [hbm4b:s7+s3], $0x80, $0x38;
	[tilespmem:$0x8100] =	vst v63  }
0xf: {  	_ =	swait.ge [sflag:s10], $0x80  }
0x10: {  	[sflag:s10] =	ssyncset.done $0x0  }
0x11: {  	[sflag:s10] =	ssyncadd.s32 $0xFFFFFF80  }
0x12: {  	[tilespmem:s11], [sflag:$0x1] =	stream.indirect.gather [hbm4b:s2+s11], $0x80, s3, s11, $0xb8;
	[tilespmem:$0x8100] =	vst v63  }
0x13: {  	_ = 	snop  }
0x14: {  	[tilespmem:s12], [sflag:$0x3] =	stream.linear.gather [hbm4b:s6+s3], $0x80, $0x38;
	[tilespmem:$0x8100] =	vst v63  }
0x15: {  	_ =	swait.ge [sflag:s10], $0x80  }
0x16: {  	[sflag:s10] =	ssyncset.done $0x0  }
0x17: {  	[sflag:s10] =	ssyncadd.s32 $0xFFFFFF80  }
0x18: {  	[tilespmem:s13], [sflag:$0x2] =	stream.indirect.gather [hbm4b:s2+s11], $0x80, s12, s11, $0xb8;
	[tilespmem:$0x8100] =	vst v63  }
0x19: {  	_ =	swait.ge [sflag:s14], $0x4000  }
0x1a: {  	[sflag:s14] =	ssyncset.done $0x0  }
0x1b: {  	[sflag:s14] =	ssyncadd.s32 $0xFFFFC000  }
0x1c: {  	[hbm4b:s8+s3] =	stream.linear.scatter [tilespmem:s11], [sflag:$0x3], $0x4000, $0x38;
	[tilespmem:$0x8100] =	vst v63  }
0x1d: {  	_ =	swait.ge [sflag:s10], $0x4000  }
0x1e: {  	[sflag:s10] =	ssyncset.done $0x0  }
0x1f: {  	[sflag:s10] =	ssyncadd.s32 $0xFFFFC000  }
0x20: {  	p0 =	sne.s32 s4, $0x1;
	_ =	swait.ge [sflag:s15], $0x4000  }
.Ltmp0:
0x21: {  	[sflag:s15] =	ssyncset.done $0x0;
	(pc) =	sbr.rel @!p0 .LBB2_3-.Ltmp0, $4  }
0x22: {  	s17 =	sadd.s32 $0xFFFFFFFF, s4;
	[sflag:s15] =	ssyncadd.s32 $0xFFFFC000  }
0x23: {  	[hbm4b:s9+s3] =	stream.linear.scatter [tilespmem:s13], [sflag:$0x3], $0x4000, $0x38;
	[tilespmem:$0x8100] =	vst v63  }
0x24: {  	s18 =	sadd.s32 $0x10000, s8;
	s19 =	sadd.s32 $0x10000, s9;
	_ =	swait.ge [sflag:s10], $0x4000  }
0x25: {  	s20 =	smov.u32 s6;
	s21 =	smov.u32 s7;
	[sflag:s10] =	ssyncset.done $0x0  }
.LBB2_2:
0x26: {  	[sflag:s10] =	ssyncadd.s32 $0xFFFFC000;
	s20 =	sadd.s32 $0x200, s20;
	s21 =	sadd.s32 $0x200, s21  }
0x27: {  	[tilespmem:s3], [sflag:$0x3] =	stream.linear.gather [hbm4b:s21+s3], $0x80, $0x38;
	[tilespmem:$0x8100] =	vst v63  }
0x28: {  	p0 =	sne.s32 s17, $0x1;
	s17 =	sadd.s32 $0xFFFFFFFF, s17;
	_ =	swait.ge [sflag:s10], $0x80  }
0x29: {  	[sflag:s10] =	ssyncset.done $0x0  }
0x2a: {  	[sflag:s10] =	ssyncadd.s32 $0xFFFFFF80  }
0x2b: {  	[tilespmem:s11], [sflag:$0x1] =	stream.indirect.gather [hbm4b:s2+s11], $0x80, s3, s11, $0xb8;
	[tilespmem:$0x8100] =	vst v63  }
0x2c: {  	_ = 	snop  }
0x2d: {  	[tilespmem:s12], [sflag:$0x3] =	stream.linear.gather [hbm4b:s20+s3], $0x80, $0x38;
	[tilespmem:$0x8100] =	vst v63  }
0x2e: {  	_ =	swait.ge [sflag:s10], $0x80  }
0x2f: {  	[sflag:s10] =	ssyncset.done $0x0  }
0x30: {  	[sflag:s10] =	ssyncadd.s32 $0xFFFFFF80  }
0x31: {  	[tilespmem:s13], [sflag:$0x2] =	stream.indirect.gather [hbm4b:s2+s11], $0x80, s12, s11, $0xb8;
	[tilespmem:$0x8100] =	vst v63  }
0x32: {  	_ =	swait.ge [sflag:s14], $0x4000  }
0x33: {  	[sflag:s14] =	ssyncset.done $0x0  }
0x34: {  	[sflag:s14] =	ssyncadd.s32 $0xFFFFC000  }
0x35: {  	[hbm4b:s18+s3] =	stream.linear.scatter [tilespmem:s11], [sflag:$0x3], $0x4000, $0x38;
	[tilespmem:$0x8100] =	vst v63  }
0x36: {  	_ =	swait.ge [sflag:s10], $0x4000  }
0x37: {  	[sflag:s10] =	ssyncset.done $0x0  }
0x38: {  	[sflag:s10] =	ssyncadd.s32 $0xFFFFC000  }
0x39: {  	_ =	swait.ge [sflag:s15], $0x4000  }
.Ltmp1:
0x3a: {  	[sflag:s15] =	ssyncset.done $0x0;
	(pc) =	sbr.rel @p0 .LBB2_2-.Ltmp1, $4  }
0x3b: {  	[sflag:s15] =	ssyncadd.s32 $0xFFFFC000  }
0x3c: {  	[hbm4b:s19+s3] =	stream.linear.scatter [tilespmem:s13], [sflag:$0x3], $0x4000, $0x38;
	[tilespmem:$0x8100] =	vst v63  }
0x3d: {  	_ =	swait.ge [sflag:s10], $0x4000  }
0x3e: {  	s18 =	sadd.s32 $0x10000, s18;
	s19 =	sadd.s32 $0x10000, s19;
	[sflag:s10] =	ssyncset.done $0x0  }
.LBB2_3:
0x3f: {  	s16 =	sadd.s32 $0x1, s16  }
0x40: {  	p0 =	sne.s32 s16, s5  }
.Ltmp2:
0x41: {  	_ = 	snop;
	(pc) =	sbr.rel @p0 .LBB2_1-.Ltmp2, $2  }
0x42: {  	_ =	sdelay $0x2  }
0x43: {  	[sflag:s10] =	ssyncadd.s32 $0xFFFFC000  }
0x44: {  	_ =	sfence.sel $0x180000  }
0x45: {  	[bflag:$0x0] =	sbarrier.arrive $0xFFFF  }
0x46: {  	p0 =	sne.s32 s0, $0x0;
	_ =	strace $0x9000005F  }
0x47: {  	s0 =	sadd.s32 @!p0 $0x100000, s1;
	[bflag:$0x2] =	sbarrier.arrive $0xFFFF  }
0x48: {  	[sflag:s0] =	ssyncadd.tile.s32 @!p0 $0x1;
	_ =	shalt  }
.Lfunc_end2:
_tile_overlayer_lowered:
.L_overlay_start_2:
0x49: {  	(tag) =	ssettag $0x2  }
0x4a: {  	s0 =	rddreg [dreg:$0x0];
	s2 =	stileid.u32  }
0x4b: {  	s1 =	rddreg [dreg:$0x1];
	p0 =	sne.s32 s2, $0x0  }
0x4c: {  	s3 =	rddreg [dreg:$0x2];
	[bflag:$0x3] =	sbarrier.arrive $0xFFFF;
	s2 =	simm.s32 @!p0 $0x1C03  }
0x4d: {  	[timem:s3], [sflag:s2] =	dma.local @!p0 [hbm:s0], s1  }
0x4e: {  	s0 =	simm.s32 @!p0 $0x3  }
0x4f: {  	_ =	swait.ge @!p0 [sflag:s0], s1  }
0x50: {  	s1 =	ssub.s32 @!p0 $0x0, s1;
	[sflag:s0] =	ssyncset.done @!p0 $0x0  }
0x51: {  	[sflag:s0] =	ssyncadd.s32 @!p0 s1  }
0x52: {  	[bflag:$0x3] =	sbarrier.arrive $0xFFFF  }
0x53: {  	_ =	shalt  }

// kernel: kernel.56.cloned.1.call-start
scs
__scs_entry_jumppad:
0x0: {  	(pc) =	sbr.rel $0x88, $3  }
0x1: {  	(tag) =	ssettag $0x0;
	lr =	simm.s32 $0x1  }
0x2: {  	[smem:$0x3F95] =	sst lr;
	_ =	strace $0xD0000000  }
0x3: {  	_ = 	snop  }
0x4: {  	_ = 	snop  }
0x5: {  	_ = 	snop  }
0x6: {  	_ = 	snop  }
0x7: {  	_ = 	snop  }
__scs_overlays_trampoline_lowered:
0x8: {  	[smem:$0x3FA4] =	sst s0  }
0x9: {  	[smem:$0x3FA5] =	sst s1  }
0xa: {  	[smem:$0x3FA6] =	sst s2  }
0xb: {  	[smem:$0x3FA7] =	sst s3  }
0xc: {  	[smem:$0x3FA8] =	sst s4  }
0xd: {  	[smem:$0x3FA9] =	sst s5  }
0xe: {  	[smem:$0x3FAA] =	sst s6  }
0xf: {  	[smem:$0x3FAB] =	sst s7  }
0x10: {  	[smem:$0x3FAC] =	sst s8  }
0x11: {  	[smem:$0x3FAD] =	sst s9;
	s0 =	simm.s32 @!p0 $0x0  }
0x12: {  	s1 =	sld [smem:$0x3F93];
	s0 =	simm.s32 @p0 $0x1  }
0x13: {  	[smem:$0x3FAE] =	sst s0;
	s0 =	simm.s32 @!p1 $0x0  }
0x14: {  	s2 =	sld [smem:$0x3F92];
	s0 =	simm.s32 @p1 $0x1  }
0x15: {  	[smem:$0x3FAF] =	sst s0;
	s0 =	simm.s32 @!p2 $0x0  }
0x16: {  	s3 =	sld [smem:$0x3FDB];
	s0 =	simm.s32 @p2 $0x1  }
0x17: {  	s4 =	simm.s32 $0x1BF5;
	[smem:$0x3FB1] =	sst s0  }
0x18: {  	s0 =	sld [smem:$0x3F94];
	_ =	swait.ge [sflag:s4], $0x0  }
0x19: {  	s7 =	sld [smem:$0x3F95]  }
0x1a: {  	s8 =	sadd.s32 $0xFFFFE003, lr  }
0x1b: {  	s9 =	sadd.s32 $0xFFFFFEF7, lr;
	s5 =	simm.s32 $0xFFFFFFFF;
	p2 =	slt.u32 s8, $0xFFFFF086  }
0x1c: {  	p1 =	slt.u32 s9, $0xF7A;
	s5 =	simm.s32 @!p2 $0x0  }
0x1d: {  	s5 =	simm.s32 @p1 $0x1;
	p0 =	seq.s32 s7, s2  }
0x1e: {  	s7 =	smul.u32 @!p0 $0xF7A, s2;
	p2 =	seq.s32 @!p0 s5, $0x0  }
0x1f: {  	s9 =	smul.u32 $0xF7A, s1;
	s8 =	simm.s32 @!p0 $0x1BF5;
	p2 =	por !p2, p0  }
0x20: {  	[sflag:s8] =	ssyncset.s32 @!p0 $0xFFFFF086;
	s6 =	sadd.s32 @!p0 s3, s7;
	s7 =	simm.s32 @!p0 $0x108  }
0x21: {  	s3 =	sadd.s32 s3, s9;
	s6 =	sadd.s32 @!p0 $0x88, s6;
	s7 =	simm.s32 @p2 $0x1082  }
0x22: {  	[simem:s7], [sflag:s8] =	dma.local @!p0 [hbm:s6], $0xF7A  }
0x23: {  	s9 =	sor.u32 $0xD0000000, s2;
	s6 =	simm.s32 $0x108;
	_ =	swait.ge @!p0 [sflag:s8], $0x0  }
0x24: {  	s3 =	sadd.s32 $0x88, s3;
	s6 =	simm.s32 @!p1 $0x1082;
	[sflag:s4] =	ssyncset.s32 $0xFFFFF086  }
0x25: {  	[simem:s6], [sflag:s4] =	dma.local [hbm:s3], $0xF7A  }
0x26: {  	[smem:$0x3F95] =	sst s1;
	(tag) =	ssettag s2;
	_ =	strace s9  }
0x27: {  	s1 =	sld [smem:$0x3FA5]  }
0x28: {  	s2 =	sld [smem:$0x3FA6]  }
0x29: {  	s4 =	sld [smem:$0x3FA8]  }
0x2a: {  	p0 =	seq.s32 s5, $0x0;
	s5 =	sld [smem:$0x3FA9]  }
0x2b: {  	s6 =	sld [smem:$0x3FAA]  }
0x2c: {  	s7 =	sld [smem:$0x3FAB]  }
0x2d: {  	s3 =	simm.s32 $0x108;
	s8 =	sld [smem:$0x3FAC]  }
0x2e: {  	s3 =	simm.s32 @!p0 $0x1082;
	s9 =	sld [smem:$0x3FAD]  }
0x2f: {  	lr =	sadd.s32 s0, s3;
	s0 =	sld [smem:$0x3FA4]  }
0x30: {  	s3 =	sld [smem:$0x3FA7]  }
0x31: {  	[smem:$0x3FB0] =	sst s10  }
0x32: {  	s10 =	sld [smem:$0x3FAE];
	_ =	sdelay $0x3  }
0x33: {  	p0 =	seq.s32 s10, $0x1;
	s10 =	sld [smem:$0x3FB0];
	_ =	sdelay $0x3  }
0x34: {  	[smem:$0x3FB0] =	sst s10  }
0x35: {  	s10 =	sld [smem:$0x3FAF];
	_ =	sdelay $0x3  }
0x36: {  	p1 =	seq.s32 s10, $0x1;
	s10 =	sld [smem:$0x3FB0];
	_ =	sdelay $0x3  }
0x37: {  	[smem:$0x3FB0] =	sst s10  }
0x38: {  	s10 =	sld [smem:$0x3FB1]  }
0x39: {  	_ = 	snop;
	(pc) =	sbr.ind lr, $3  }
0x3a: {  	_ = 	snop  }
0x3b: {  	_ = 	snop  }
0x3c: {  	p2 =	seq.s32 s10, $0x1;
	s10 =	sld [smem:$0x3FB0]  }
0x3d: {  	_ =	shalt  }
0x3e: {  	_ =	shalt  }
0x3f: {  	_ =	shalt  }
0x40: {  	_ =	shalt  }
0x41: {  	_ =	shalt  }
0x42: {  	_ =	shalt  }
0x43: {  	_ =	shalt  }
0x44: {  	_ =	shalt  }
0x45: {  	_ =	shalt  }
0x46: {  	_ =	shalt  }
0x47: {  	_ =	shalt  }
0x48: {  	_ =	shalt  }
0x49: {  	_ =	shalt  }
0x4a: {  	_ =	shalt  }
0x4b: {  	_ =	shalt  }
0x4c: {  	_ =	shalt  }
0x4d: {  	_ =	shalt  }
0x4e: {  	_ =	shalt  }
0x4f: {  	_ =	shalt  }
0x50: {  	_ =	shalt  }
0x51: {  	_ =	shalt  }
0x52: {  	_ =	shalt  }
0x53: {  	_ =	shalt  }
0x54: {  	_ =	shalt  }
0x55: {  	_ =	shalt  }
0x56: {  	_ =	shalt  }
0x57: {  	_ =	shalt  }
0x58: {  	_ =	shalt  }
0x59: {  	_ =	shalt  }
0x5a: {  	_ =	shalt  }
0x5b: {  	_ =	shalt  }
0x5c: {  	_ =	shalt  }
0x5d: {  	_ =	shalt  }
0x5e: {  	_ =	shalt  }
0x5f: {  	_ =	shalt  }
0x60: {  	_ =	shalt  }
0x61: {  	_ =	shalt  }
0x62: {  	_ =	shalt  }
0x63: {  	_ =	shalt  }
0x64: {  	_ =	shalt  }
0x65: {  	_ =	shalt  }
0x66: {  	_ =	shalt  }
0x67: {  	_ =	shalt  }
0x68: {  	_ =	shalt  }
0x69: {  	_ =	shalt  }
0x6a: {  	_ =	shalt  }
0x6b: {  	_ =	shalt  }
0x6c: {  	_ =	shalt  }
0x6d: {  	_ =	shalt  }
0x6e: {  	_ =	shalt  }
0x6f: {  	_ =	shalt  }
0x70: {  	_ =	shalt  }
0x71: {  	_ =	shalt  }
0x72: {  	_ =	shalt  }
0x73: {  	_ =	shalt  }
0x74: {  	_ =	shalt  }
0x75: {  	_ =	shalt  }
0x76: {  	_ =	shalt  }
0x77: {  	_ =	shalt  }
0x78: {  	_ =	shalt  }
0x79: {  	_ =	shalt  }
0x7a: {  	_ =	shalt  }
0x7b: {  	_ =	shalt  }
0x7c: {  	_ =	shalt  }
0x7d: {  	_ =	shalt  }
0x7e: {  	_ =	shalt  }
0x7f: {  	_ =	shalt  }
0x80: {  	_ =	shalt  }
0x81: {  	_ =	shalt  }
0x82: {  	_ =	shalt  }
0x83: {  	_ =	shalt  }
0x84: {  	_ =	shalt  }
0x85: {  	_ =	shalt  }
0x86: {  	_ =	shalt  }
0x87: {  	_ =	shalt  }
.Lfunc_end0:
.L_simem_size_0:
called_computation.11_lowered:
.L_overlay_start_0:
0x88: {  	s2 =	sld [smem:$0x3FD9]  }
0x89: {  	s3 =	sld [smem:$0x3FFE];
	_ =	sdelay $0x1  }
0x8a: {  	s1 =	srdreg.scid  }
0x8b: {  	s0 =	sand.u32 $0x1, s1  }
0x8c: {  	s17 =	sshll.u32 s0, $0xA;
	s2 =	sadd.s32 s3, s2  }
0x8d: {  	s2 =	sadd.s32 s2, s17  }
0x8e: {  	[smem:$0x3FBC] =	sst s2  }
0x8f: {  	_ = 	snop  }
0x90: {  	(tm) =	ssettm $0x1  }
0x91: {  	s18 =	sld [smem:$0x3FFB];
	_ =	sdelay $0x3  }
0x92: {  	_ =	strace s18  }
0x93: {  	s2 =	sld [smem:$0x3FFC];
	_ =	sdelay $0x3  }
0x94: {  	_ =	strace s2  }
0x95: {  	s2 =	sld [smem:$0x3FFD];
	_ =	sdelay $0x3  }
0x96: {  	_ =	strace s2  }
0x97: {  	_ =	strace $0x8FFFFFFF  }
0x98: {  	s19 =	sld [smem:$0x3FDB];
	_ =	sdelay $0x1  }
0x99: {  	s20 =	simm.s32 $_scs_section_size  }
0x9a: {  	s4 =	simm.s32 $_size__tile_overlayer_lowered;
	s5 =	simm.s32 $_tile_overlayer_lowered  }
0x9b: {  	s6 =	simm.s32 $0x1BFF;
	s21 =	sshll.u32 s5, $0x1;
	s3 =	sadd.s32 s20, s19  }
0x9c: {  	s22 =	simm.s32 $0x0;
	s4 =	sshll.u32 s4, $0x1;
	s5 =	sadd.s32 s21, s3  }
0x9d: {  	[timem:s22], [sflag:s6] =	dma.local [hbm:s5], s4  }
0x9e: {  	_ =	swait.ge [sflag:s6], s4  }
0x9f: {  	s4 =	ssub.s32 $0x0, s4;
	[sflag:s6] =	ssyncset.done $0x0  }
0xa0: {  	[sflag:s6] =	ssyncadd.s32 s4;
	_ =	sdelay $0x1  }
0xa1: {  	s23 =	simm.s32 $0x1B8B  }
0xa2: {  	_ =	swait.ge [sflag:s23], $0x1  }
0xa3: {  	[sflag:s23] =	ssyncset.done $0x0  }
0xa4: {  	[sflag:s23] =	ssyncadd.s32 $0xFFFFFFFF  }
0xa5: {  	s4 =	sld [smem:$0x0]  }
0xa6: {  	s5 =	sand.u32 $0xFFFFFFFE, s1  }
0xa7: {  	p0 =	sne.s32 s1, s5  }
0xa8: {  	s5 =	sshll.u32 @p0 s5, $0xE  }
0xa9: {  	s5 =	sadd.s32 @p0 $0x11B8D, s5;
	s6 =	sshll.u32 @p0 s4, $0x11  }
0xaa: {  	s5 =	sor.u32 @p0 s6, s5  }
0xab: {  	[sflag:s5] =	ssyncadd.remote.s32 @p0 $0x1;
	_ =	sdelay $0x1  }
0xac: {  	s5 =	simm.s32 @p0 $0x1B8D  }
0xad: {  	_ =	swait.eq @p0 [sflag:s5], $0x1  }
0xae: {  	[sflag:s5] =	ssyncadd.s32 @p0 $0xFFFFFFFF  }
0xaf: {  	s6 =	sshll.u32 @!p0 s1, $0xE  }
0xb0: {  	s6 =	sor.u32 @!p0 $0x4000, s6;
	s5 =	simm.s32 @!p0 $0x1B8D  }
0xb1: {  	s4 =	sshll.u32 @!p0 s4, $0x11;
	s6 =	sadd.s32 @!p0 $0x11B8D, s6;
	_ =	swait.eq @!p0 [sflag:s5], $0x1  }
0xb2: {  	s4 =	sor.u32 @!p0 s4, s6;
	[sflag:s5] =	ssyncadd.s32 @!p0 $0xFFFFFFFF  }
0xb3: {  	s25 =	simm.s32 $0x1B8E;
	s24 =	sld [smem:$0x3FFE];
	[sflag:s4] =	ssyncadd.remote.s32 @!p0 $0x1  }
0xb4: {  	s26 =	simm.s32 $execute0_lowered;
	[smem:$0x3FD2] =	sst s25  }
0xb5: {  	s5 =	sshll.u32 s26, $0x1;
	_ =	strace $0x80000064;
	[dreg:$0x1] =	wrdreg $0xFFFFFFFF  }
0xb6: {  	s28 =	simm.s32 $_size_execute0_lowered;
	s3 =	sadd.s32 s3, s5;
	[dreg:$0x0] =	wrdreg $0x0  }
0xb7: {  	s5 =	sshll.u32 s28, $0x1;
	[dreg:$0x2] =	wrdreg s3  }
0xb8: {  	[dreg:$0x3] =	wrdreg s5  }
0xb9: {  	[dreg:$0x4] =	wrdreg $0xC0  }
0xba: {  	_ =	task [dreg:s22], $0x5FFFF  }
0xbb: {  	[dreg:$0x1] =	wrdreg $0xFFFFFFFF  }
0xbc: {  	[dreg:$0x0] =	wrdreg $0x60  }
0xbd: {  	[dreg:$0x2] =	wrdreg s24  }
0xbe: {  	[dreg:$0x3] =	wrdreg $0x40800  }
0xbf: {  	[dreg:$0x4] =	wrdreg $0xA  }
0xc0: {  	_ =	task.clear_ibuf [dreg:s22], $0x5FFFF;
	_ =	strace $0x90000064  }
0xc1: {  	s29 =	simm.s32 $0xA;
	_ =	strace $0x80000066  }
0xc2: {  	_ =	swait.ge [sflag:s29], $0x1  }
0xc3: {  	[sflag:s29] =	ssyncadd.s32 $0xFFFFFFFF  }
0xc4: {  	_ =	strace $0x90000066  }
0xc5: {  	_ =	sfence  }
0xc6: {  	s30 =	sld [smem:$0x0];
	_ =	sdelay $0x2  }
0xc7: {  	s31 =	sshll.u32 s1, $0xD;
	s1 =	sshrl.u32 s1, $0x2  }
0xc8: {  	s4 =	sand.u32 $0x4000, s31;
	s1 =	sadd.s32 s1, s30  }
0xc9: {  	s0 =	sor.u32 s4, s0;
	s1 =	sshll.u32 s1, $0x11  }
0xca: {  	s0 =	sor.u32 s1, s0  }
0xcb: {  	s0 =	sadd.s32 $0x8F2B, s0  }
0xcc: {  	[sflag:s0] =	ssyncadd.remote.s32 $0x1  }
0xcd: {  	_ =	sfence.sel $0xFFFF  }
0xce: {  	[dreg:$0x0] =	wrdreg $0xFFFFFFFF;
	(pc) =	sbr.abs _section_cstart, $3  }
0xcf: {  	[dreg:$0x1] =	wrdreg $0xFFFFFFFF  }
0xd0: {  	_ =	task.clear_ibuf [dreg:s22], $0x2FFFF;
	_ =	strace $0x9FFFFFFF  }
0xd1: {  	(tm) =	ssettm $0x7FFFFFFF  }
tec
execute0_lowered:
.L_overlay_start_1:
0x0: {  	(tag) =	ssettag $0x1  }
0x1: {  	s4 =	rddreg [dreg:$0x0]  }
0x2: {  	s1 =	rddreg [dreg:$0x1]  }
0x3: {  	s0 =	rddreg [dreg:$0x2];
	s3 =	simm.s32 $0x0;
	s5 =	srdreg.scid  }
0x4: {  	s2 =	stileid.u32;
	[smem:$0x7FF] =	sst s3;
	s7 =	sand.u32 $0x1, s5  }
0x5: {  	s22 =	sshll.u32 s2, $0x8;
	s8 =	smul.u32 $0x14000, s2;
	s9 =	sshll.u32 s2, $0xC  }
0x6: {  	s12 =	sshll.u32 s2, $0x1;
	s13 =	smul.u32 $0x50000, s2;
	s30 =	sshll.u32 s2, $0x6  }
0x7: {  	s6 =	sshll.u32 s7, $0x7;
	s23 =	smul.u32 $0x140000, s7;
	_ =	strace $0x80000065  }
0x8: {  	s9 =	sadd.s32 s9, s4;
	s25 =	ssub.s32 $0x2, s7;
	s26 =	sor.u32 s7, s12  }
0x9: {  	s31 =	sshll.u32 s7, $0xB;
	s12 =	simm.s32 $0x1;
	s5 =	sor.u32 s6, s22  }
0xa: {  	s24 =	sshrl.u32 s8, $0x3;
	s11 =	sshrl.u32 s25, $0x1;
	p0 =	slt.u32 s26, $0x11  }
0xb: {  	s28 =	sshrl.u32 s13, $0x2;
	s9 =	sadd.s32 s31, s9;
	s13 =	simm.s32 $0x80  }
0xc: {  	s5 =	sshrl.u32 s5, $0x3;
	s6 =	sadd.s32 s8, s23;
	s8 =	ssub.s32 s25, s11  }
0xd: {  	s29 =	sadd.s32 s28, s1;
	s9 =	sadd.s32 $0x774E00, s9;
	s10 =	sadd.s32 s5, s4  }
0xe: {  	s5 =	sadd.s32 s24, s4;
	s6 =	sshrl.u32 s6, $0x3;
	s8 =	smax.u32 s8, $0x1  }
0xf: {  	s11 =	sshrl.u32 s29, $0x3;
	s14 =	sadd.s32 s6, s4;
	s4 =	simm.s32 $0x14  }
0x10: {  	s5 =	sadd.s32 $0xE200, s5;
	s6 =	sor.u32 $0x1C01, s30;
	s10 =	sadd.s32 $0xBA00, s10  }
0x11: {  	s4 =	simm.s32 @!p0 $0x13;
	s7 =	sadd.s32 $0x215200, s14;
	s14 =	simm.s32 $0x0  }
.LBB2_1:
0x12: {  	[spmem:s11], [sflag:s6] =	dma.local [hbm:s5], $0x2800  }
0x13: {  	_ =	swait.ge [sflag:s12], $0x2800  }
0x14: {  	[sflag:s12] =	ssyncset.done $0x0  }
0x15: {  	[sflag:s12] =	ssyncadd.s32 $0xFFFFD800  }
0x16: {  	[bflag:$0x0] =	sbarrier.arrive $0xFFFF  }
0x17: {  	[tilespmem:s13], [sflag:$0x1] =	stream.linear.gather [hbm4b:s9+s3], $0x4000, $0x38;
	[tilespmem:$0x18080] =	vst v63  }
0x18: {  	_ =	swait.ge [sflag:s12], $0x4000  }
0x19: {  	[sflag:s12] =	ssyncset.done $0x0  }
0x1a: {  	[sflag:s12] =	ssyncadd.s32 $0xFFFFC000  }
0x1b: {  	[tilespmem:s3], [sflag:$0x1] =	stream.linear.gather [hbm4b:s10+s3], $0x80, $0x38;
	[tilespmem:$0x18080] =	vst v63  }
0x1c: {  	p0 =	sne.s32 s4, $0x1;
	_ =	swait.ge [sflag:s12], $0x80  }
.Ltmp0:
0x1d: {  	[sflag:s12] =	ssyncset.done $0x0;
	(pc) =	sbr.rel @!p0 .LBB2_3-.Ltmp0, $4  }
0x1e: {  	[sflag:s12] =	ssyncadd.s32 $0xFFFFFF80  }
0x1f: {  	[spmem:s1] =	stream.indirect.scatter.add.f32 [tilespmem:s13], [sflag:$0x1], $0x80, s3, s13, $0xb8;
	[tilespmem:$0x18080] =	vst v63  }
0x20: {  	s15 =	sadd.s32 $0xFFFFFFFF, s4;
	_ =	swait.ge [sflag:s12], $0x4000  }
0x21: {  	s16 =	smov.u32 s9;
	s17 =	smov.u32 s10;
	[sflag:s12] =	ssyncset.done $0x0  }
.LBB2_2:
0x22: {  	[sflag:s12] =	ssyncadd.s32 $0xFFFFC000;
	s16 =	sadd.s32 $0x10000, s16;
	s17 =	sadd.s32 $0x200, s17  }
0x23: {  	[tilespmem:s13], [sflag:$0x1] =	stream.linear.gather [hbm4b:s16+s3], $0x4000, $0x38;
	[tilespmem:$0x18080] =	vst v63  }
0x24: {  	p0 =	sne.s32 s15, $0x1;
	s15 =	sadd.s32 $0xFFFFFFFF, s15;
	_ =	swait.ge [sflag:s12], $0x4000  }
0x25: {  	[sflag:s12] =	ssyncset.done $0x0  }
0x26: {  	[sflag:s12] =	ssyncadd.s32 $0xFFFFC000  }
0x27: {  	[tilespmem:s3], [sflag:$0x1] =	stream.linear.gather [hbm4b:s17+s3], $0x80, $0x38;
	[tilespmem:$0x18080] =	vst v63  }
0x28: {  	_ =	swait.ge [sflag:s12], $0x80  }
.Ltmp1:
0x29: {  	[sflag:s12] =	ssyncset.done $0x0;
	(pc) =	sbr.rel @p0 .LBB2_2-.Ltmp1, $4  }
0x2a: {  	[sflag:s12] =	ssyncadd.s32 $0xFFFFFF80  }
0x2b: {  	[spmem:s1] =	stream.indirect.scatter.add.f32 [tilespmem:s13], [sflag:$0x1], $0x80, s3, s13, $0xb8;
	[tilespmem:$0x18080] =	vst v63  }
0x2c: {  	_ =	swait.ge [sflag:s12], $0x4000  }
0x2d: {  	[sflag:s12] =	ssyncset.done $0x0  }
.LBB2_3:
0x2e: {  	s14 =	sadd.s32 $0x1, s14  }
0x2f: {  	[sflag:s12] =	ssyncadd.s32 $0xFFFFC000;
	p0 =	sne.s32 s14, s8  }
.Ltmp2:
0x30: {  	[bflag:$0x0] =	sbarrier.arrive $0xFFFF;
	(pc) =	sbr.rel @p0 .LBB2_1-.Ltmp2, $4  }
0x31: {  	[hbm:s7], [sflag:s6] =	dma.local [spmem:s11], $0x2800  }
0x32: {  	_ =	swait.ge [sflag:s12], $0x2800  }
0x33: {  	[sflag:s12] =	ssyncset.done $0x0  }
0x34: {  	[sflag:s12] =	ssyncadd.s32 $0xFFFFD800  }
0x35: {  	_ =	sfence.sel $0x180000  }
0x36: {  	[bflag:$0x0] =	sbarrier.arrive $0xFFFF  }
0x37: {  	p0 =	sne.s32 s2, $0x0;
	_ =	strace $0x90000065  }
0x38: {  	s0 =	sadd.s32 @!p0 $0x100000, s0;
	[bflag:$0x2] =	sbarrier.arrive $0xFFFF  }
0x39: {  	[sflag:s0] =	ssyncadd.tile.s32 @!p0 $0x1;
	_ =	shalt  }
.Lfunc_end2:
_tile_overlayer_lowered:
.L_overlay_start_2:
0x3a: {  	(tag) =	ssettag $0x2  }
0x3b: {  	s0 =	rddreg [dreg:$0x0];
	s2 =	stileid.u32  }
0x3c: {  	s1 =	rddreg [dreg:$0x1];
	p0 =	sne.s32 s2, $0x0  }
0x3d: {  	s3 =	rddreg [dreg:$0x2];
	[bflag:$0x3] =	sbarrier.arrive $0xFFFF;
	s2 =	simm.s32 @!p0 $0x1C01  }
0x3e: {  	[timem:s3], [sflag:s2] =	dma.local @!p0 [hbm:s0], s1  }
0x3f: {  	s0 =	simm.s32 @!p0 $0x1  }
0x40: {  	_ =	swait.ge @!p0 [sflag:s0], s1  }
0x41: {  	s1 =	ssub.s32 @!p0 $0x0, s1;
	[sflag:s0] =	ssyncset.done @!p0 $0x0  }
0x42: {  	[sflag:s0] =	ssyncadd.s32 @!p0 s1  }
0x43: {  	[bflag:$0x3] =	sbarrier.arrive $0xFFFF  }
0x44: {  	_ =	shalt  }

</sc_bundles>
